<compile_context>
chip_gen: v7x
topology: tpu7x:2x2x1
jax: 0.10.2.dev20260603
libtpu: 0.0.44.dev20260713+nightly
codegen_flags: <defaults>
</compile_context>

<pallas_src>
import jax
import jax.numpy as jnp
import numpy as np
from jax import lax
from jax.experimental import pallas as pl
from jax.experimental.pallas import tpu as pltpu
from jax.experimental.pallas import tpu_sc as plsc

NC = 2
NS = 16
LANES = 16
CHUNK = 128
NW = NC * NS
PW = 128
BN_EPS = 1e-5


def _round_up(x, m):
    return (x + m - 1) // m * m


def _make_seg_sum(n_entries, n_acc, cdup):
    cpt = n_entries // (NW * CHUNK)
    chc = CHUNK // cdup
    rpt = n_acc // NS
    nz = (rpt + CHUNK - 1) // CHUNK
    mesh = plsc.VectorSubcoreMesh(core_axis_name="c", subcore_axis_name="s")

    def body(h_hbm, src_hbm, dst_hbm, cdst_hbm, sums_hbm, cnts_hbm,
             accum, cntacc, src_v, dst_all, cdst_all, dst_cur, cdst_cur,
             rows_a, rows_b, ones_v, gsem_a, gsem_b):
        cid = lax.axis_index("c")
        sid = lax.axis_index("s")
        wid = cid * NS + sid

        zs = jnp.zeros((LANES,), jnp.float32)
        os_ = jnp.ones((LANES,), jnp.float32)

        def fill_z(i, _):
            for k in range(PW // LANES):
                rows_a[i, pl.ds(k * LANES, LANES)] = zs
            return _

        def fill_o(i, _):
            for k in range(PW // LANES):
                ones_v[i, pl.ds(k * LANES, LANES)] = os_
            return _

        lax.fori_loop(0, CHUNK, fill_z, None)
        lax.fori_loop(0, chc, fill_o, None)

        pltpu.sync_copy(src_hbm.at[pl.ds(wid * cpt * CHUNK, cpt * CHUNK)], src_v)
        pltpu.sync_copy(dst_hbm.at[pl.ds(wid * cpt * CHUNK, cpt * CHUNK)], dst_all)
        if cdup != 1:
            pltpu.sync_copy(cdst_hbm.at[pl.ds(wid * cpt * chc, cpt * chc)],
                            cdst_all)

        for z in range(nz):
            r = min(CHUNK, rpt - z * CHUNK)
            r0 = sid * rpt + z * CHUNK
            pltpu.sync_copy(rows_a.at[pl.ds(0, r)], accum.at[pl.ds(r0, r)])
            pltpu.sync_copy(rows_a.at[pl.ds(0, r)], cntacc.at[pl.ds(r0, r)])
        plsc.subcore_barrier()

        def gref(j):
            return h_hbm.at[src_v.at[pl.ds(j * CHUNK, CHUNK)]]

        def start_gather(j, buf, sem):
            pltpu.async_copy(gref(j), buf, sem)

        def wait_gather(j, buf, sem):
            pltpu.make_async_copy(gref(j), buf, sem).wait()

        def scatter_chunk(j, buf):
            csrc = dst_all if cdup == 1 else cdst_all
            for k in range(CHUNK // LANES):
                dst_cur[pl.ds(k * LANES, LANES)] = (
                    dst_all[pl.ds(j * CHUNK + k * LANES, LANES)])
            for k in range(chc // LANES):
                cdst_cur[pl.ds(k * LANES, LANES)] = (
                    csrc[pl.ds(j * chc + k * LANES, LANES)])
            pltpu.sync_copy(buf, accum.at[dst_cur], add=True)
            pltpu.sync_copy(ones_v, cntacc.at[cdst_cur], add=True)

        start_gather(0, rows_a, gsem_a)

        def pair(k, _):
            j0 = 2 * k
            start_gather(j0 + 1, rows_b, gsem_b)
            wait_gather(j0, rows_a, gsem_a)
            scatter_chunk(j0, rows_a)
            start_gather(j0 + 2, rows_a, gsem_a)
            wait_gather(j0 + 1, rows_b, gsem_b)
            scatter_chunk(j0 + 1, rows_b)
            return _

        lax.fori_loop(0, cpt // 2 - 1, pair, None)
        jt = cpt - 2
        start_gather(jt + 1, rows_b, gsem_b)
        wait_gather(jt, rows_a, gsem_a)
        scatter_chunk(jt, rows_a)
        wait_gather(jt + 1, rows_b, gsem_b)
        scatter_chunk(jt + 1, rows_b)
        plsc.subcore_barrier()

        for z in range(nz):
            r = min(CHUNK, rpt - z * CHUNK)
            r0 = sid * rpt + z * CHUNK
            pltpu.sync_copy(accum.at[pl.ds(r0, r)], sums_hbm.at[cid, pl.ds(r0, r)])
            pltpu.sync_copy(cntacc.at[pl.ds(r0, r)], cnts_hbm.at[cid, pl.ds(r0, r)])

    return pl.kernel(
        body,
        out_type=(
            jax.ShapeDtypeStruct((NC, n_acc, PW), jnp.float32),
            jax.ShapeDtypeStruct((NC, n_acc, PW), jnp.float32),
        ),
        mesh=mesh,
        scratch_types=[
            pltpu.VMEM_SHARED((n_acc, PW), jnp.float32),
            pltpu.VMEM_SHARED((n_acc, PW), jnp.float32),
            pltpu.VMEM((cpt * CHUNK,), jnp.int32),
            pltpu.VMEM((cpt * CHUNK,), jnp.int32),
            pltpu.VMEM((cpt * chc if cdup != 1 else LANES,), jnp.int32),
            pltpu.VMEM((CHUNK,), jnp.int32),
            pltpu.VMEM((chc,), jnp.int32),
            pltpu.VMEM((CHUNK, PW), jnp.float32),
            pltpu.VMEM((CHUNK, PW), jnp.float32),
            pltpu.VMEM((chc, PW), jnp.float32),
            pltpu.SemaphoreType.DMA,
            pltpu.SemaphoreType.DMA,
        ],
    )


_BN_SCALE = np.float32(np.sqrt(1.0 + BN_EPS))


def _dot(a, b):
    return jax.lax.dot(a, b, preferred_element_type=jnp.float32)


def _mean_from_partials(s_ref, c_ref, n, dup, n_acc):
    s = s_ref[0] + s_ref[1]
    cnt = c_ref[0, :, 0:1] + c_ref[1, :, 0:1]
    if dup == 2:
        s = jnp.concatenate([s[0:n], s[n_acc:n_acc + n]], axis=1)
    else:
        s = s[0:n]
    return s / jnp.maximum(cnt[0:n], 1.0)


def _tc0_body(s_ref, c_ref, x_ref, wl_ref, wr_ref, b_ref, g_ref, be_ref,
              o_ref):
    mean = _mean_from_partials(s_ref, c_ref, 4000, 1, 4096)
    xd = x_ref[0:4000]
    h = _dot(mean, wl_ref[...]) + _dot(xd, wr_ref[...]) + b_ref[...]
    h = (h / _BN_SCALE) * g_ref[...] + be_ref[...]
    h = jnp.where(h > 0, h, 0.2 * h)
    o_ref[0:4000] = h[:, 0:PW]
    o_ref[4000:8000] = h[:, PW:2 * PW]


def _tc1_body(s_ref, c_ref, h_ref, wl_ref, wr_ref, b_ref, g_ref, be_ref,
              w2l_ref, z_ref, hd_ref):
    mean = _mean_from_partials(s_ref, c_ref, 1500, 2, 1536)
    xd = jnp.concatenate([h_ref[0:1500], h_ref[4000:5500]], axis=1)
    h = _dot(mean, wl_ref[...]) + _dot(xd, wr_ref[...]) + b_ref[...]
    h = (h / _BN_SCALE) * g_ref[...] + be_ref[...]
    h = jnp.where(h > 0, h, 0.2 * h)
    z_ref[...] = _dot(h, w2l_ref[...])
    hd_ref[...] = h[0:512]


def _tc2_body(s_ref, c_ref, hd_ref, wr_ref, b_ref, g_ref, be_ref,
              w1_ref, b1_ref, w2_ref, b2_ref, o_ref):
    mean_t = _mean_from_partials(s_ref, c_ref, 512, 1, 640)
    h = mean_t + _dot(hd_ref[...], wr_ref[...]) + b_ref[...]
    h = (h / _BN_SCALE) * g_ref[...] + be_ref[...]
    h = _dot(h, w1_ref[...]) + b1_ref[...]
    h = jnp.where(h > 0, h, 0.2 * h)
    o_ref[...] = _dot(h, w2_ref[...]) + b2_ref[...]


def _prep_edges(ei, n_dst, dup, src_n, dst_n, group, spread):
    e = ei.shape[1]
    e_pad = _round_up(e, group)
    src = ei[0].astype(jnp.int32)
    dst = ei[1].astype(jnp.int32)
    if e_pad != e:
        pad_iota = jnp.arange(e_pad - e, dtype=jnp.int32)
        src = jnp.concatenate([src, pad_iota % 1024])
        dst = jnp.concatenate([dst, n_dst + pad_iota % spread])
    cdst = dst
    if dup:
        src = (src[:, None] + jnp.array([0, src_n], jnp.int32)[None, :]).reshape(-1)
        dst = (dst[:, None] + jnp.array([0, dst_n], jnp.int32)[None, :]).reshape(-1)
    return src, dst, cdst


_SEG0 = _make_seg_sum(131072, 4096, 1)
_SEG1 = _make_seg_sum(98304, 3072, 2)
_SEG2 = _make_seg_sum(16384, 640, 1)


def kernel(x, edge_index_0, edge_index_1, edge_index_2, W0_l, b0, W0_r, g0,
           beta0, W1_l, b1, W1_r, g1, beta1, W2_l, b2, W2_r, g2, beta2,
           W_lin1, b_lin1, W_lin2, b_lin2):
    f32 = jnp.float32

    src0, dst0, cdst0 = _prep_edges(edge_index_0, 4000, False, 0, 0,
                                    NW * CHUNK, 64)
    sums0, cnts0 = _SEG0(x, src0, dst0, cdst0)
    h1p = pl.pallas_call(
        _tc0_body,
        out_shape=jax.ShapeDtypeStruct((8000, PW), f32),
    )(sums0, cnts0, x, W0_l, W0_r, b0, g0, beta0)

    src1, dst1, cdst1 = _prep_edges(edge_index_1, 1500, True, 4000, 1536,
                                    NW * CHUNK // 2, 32)
    sums1, cnts1 = _SEG1(h1p, src1, dst1, cdst1)
    z2, hd = pl.pallas_call(
        _tc1_body,
        out_shape=(
            jax.ShapeDtypeStruct((1500, PW), f32),
            jax.ShapeDtypeStruct((512, 2 * PW), f32),
        ),
    )(sums1, cnts1, h1p, W1_l, W1_r, b1, g1, beta1, W2_l)

    src2, dst2, cdst2 = _prep_edges(edge_index_2, 512, False, 0, 0,
                                    NW * CHUNK, 64)
    sums2, cnts2 = _SEG2(z2, src2, dst2, cdst2)
    out = pl.pallas_call(
        _tc2_body,
        out_shape=jax.ShapeDtypeStruct((512, 1), f32),
    )(sums2, cnts2, hd, W2_r, b2, g2, beta2, W_lin1, b_lin1, W_lin2, b_lin2)
    return out

# --- scband reference (transcript-rebuilt; emitter-appended) ---
"""Pipeline reference for scband-sageregressor-24386824306870 (READ-ONLY COPY).

The authoritative reference and input builder live on the scoring server;
editing this copy changes nothing except your own understanding.
"""

import jax, jax.numpy as jnp
import numpy as np

SIZES = [(10000, 4000), (4000, 1500), (1500, 512)]
EDGES = [128000, 48000, 16384]
DIMS = [(128, 256), (256, 256), (256, 128)]
HIDDEN = 256
EPS = 1e-5

def _init_w(key, shape):
    return jax.random.normal(key, shape, dtype=jnp.float32) / np.sqrt(shape[0])

def setup_inputs(seed: int = 0):
    key = jax.random.key(seed)
    ks = jax.random.split(key, 40)
    inp = {}
    inp["x"] = jax.random.normal(ks[0], (SIZES[0][0], DIMS[0][0]), dtype=jnp.float32)
    for i in range(3):
        n_src, n_dst = SIZES[i]
        k1, k2 = jax.random.split(ks[1 + i])
        src = jax.random.randint(k1, (EDGES[i],), 0, n_src)
        dst = jax.random.randint(k2, (EDGES[i],), 0, n_dst)
        inp["edge_index_%d" % i] = jnp.stack([src, dst])
    kidx = 5
    for i in range(3):
        din, dout = DIMS[i]
        inp["W%d_l" % i] = _init_w(ks[kidx], (din, dout)); kidx += 1
        inp["b%d" % i] = jnp.zeros((dout,), dtype=jnp.float32)
        inp["W%d_r" % i] = _init_w(ks[kidx], (din, dout)); kidx += 1
        inp["g%d" % i] = jnp.ones((dout,), dtype=jnp.float32)
        inp["beta%d" % i] = jnp.zeros((dout,), dtype=jnp.float32)
    inp["W_lin1"] = _init_w(ks[kidx], (DIMS[2][1], HIDDEN)); kidx += 1
    inp["b_lin1"] = jnp.zeros((HIDDEN,), dtype=jnp.float32)
    inp["W_lin2"] = _init_w(ks[kidx], (HIDDEN, 1)); kidx += 1
    inp["b_lin2"] = jnp.zeros((1,), dtype=jnp.float32)
    return inp

def _forward(x, edges, params, lin1, lin2):
    h = x
    for i in range(3):
        n_src, n_dst = SIZES[i]
        x_dst = h[:n_dst]
        src = edges[i][0]
        dst = edges[i][1]
        msg = h[src]
        s = jax.ops.segment_sum(msg, dst, num_segments=n_dst)
        cnt = jax.ops.segment_sum(jnp.ones((msg.shape[0],), dtype=msg.dtype), dst, num_segments=n_dst)
        mean = s / jnp.clip(cnt, 1.0, None)[:, None]
        Wl, b, Wr, g, be = params[i]
        h = mean @ Wl + b + x_dst @ Wr
        # eval-mode BatchNorm1d: running_mean=0, running_var=1
        h = (h / jnp.sqrt(1.0 + EPS)) * g + be
        if i != 2:
            h = jnp.where(h > 0, h, 0.2 * h)
    h = h @ lin1[0] + lin1[1]
    h = jnp.where(h > 0, h, 0.2 * h)
    return h @ lin2[0] + lin2[1]

def reference(x, edge_index_0, edge_index_1, edge_index_2, W0_l, b0, W0_r, g0, beta0, W1_l, b1, W1_r, g1, beta1, W2_l, b2, W2_r, g2, beta2, W_lin1, b_lin1, W_lin2, b_lin2):
    edges = [edge_index_0, edge_index_1, edge_index_2]
    params = [(W0_l, b0, W0_r, g0, beta0), (W1_l, b1, W1_r, g1, beta1), (W2_l, b2, W2_r, g2, beta2)]
    return _forward(x, edges, params, (W_lin1, b_lin1), (W_lin2, b_lin2))

if __name__ == "__main__":
    import jax
    _d = setup_inputs()
    print(jax.jit(kernel)(*tuple(_d.values())))

</pallas_src>

<mosaic_0001>
#map = affine_map<(d0, d1) -> (0, 0)>
#map1 = affine_map<(d0, d1) -> (0)>
#map2 = affine_map<(d0, d1) -> (0, 0, 0)>
module attributes {stable_mosaic.version = 14 : i64} {
  func.func @body(%arg0: i32, %arg1: i32, %arg2: memref<1500x128xf32, #tpu.memory_space<hbm>>, %arg3: memref<16384xi32, #tpu.memory_space<hbm>>, %arg4: memref<16384xi32, #tpu.memory_space<hbm>>, %arg5: memref<16384xi32, #tpu.memory_space<hbm>>, %arg6: memref<2x640x128xf32, #tpu.memory_space<hbm>>, %arg7: memref<2x640x128xf32, #tpu.memory_space<hbm>>, %arg8: memref<640x128xf32, #tpu.memory_space<vmem_shared>>, %arg9: memref<640x128xf32, #tpu.memory_space<vmem_shared>>, %arg10: memref<512xi32, #tpu.memory_space<vmem>>, %arg11: memref<512xi32, #tpu.memory_space<vmem>>, %arg12: memref<16xi32, #tpu.memory_space<vmem>>, %arg13: memref<128xi32, #tpu.memory_space<vmem>>, %arg14: memref<128xi32, #tpu.memory_space<vmem>>, %arg15: memref<128x128xf32, #tpu.memory_space<vmem>>, %arg16: memref<128x128xf32, #tpu.memory_space<vmem>>, %arg17: memref<128x128xf32, #tpu.memory_space<vmem>>, %arg18: memref<!tpu.dma_semaphore, #tpu.memory_space<semaphore_mem>>, %arg19: memref<!tpu.dma_semaphore, #tpu.memory_space<semaphore_mem>>) attributes {dimension_semantics = [#tpu.dimension_semantics<core_parallel>, #tpu.dimension_semantics<subcore_parallel>], iteration_bounds = array<i64: 2, 16>, scalar_prefetch = 0 : i64, scratch_operands = 12 : i64, tpu.core_type = #tpu.core_type<sc_vector_subcore>, window_params = [{transform_indices = #map}, {transform_indices = #map1}, {transform_indices = #map1}, {transform_indices = #map1}, {transform_indices = #map2}, {transform_indices = #map2}]} {
    %mul3A = arith.constant 16 : i32
    %mul3A_0 = arith.muli %arg0, %mul3A : i32
    %add3A = arith.addi %mul3A_0, %arg1 : i32
    %broadcast_in_dim3A = arith.constant 0.000000e+00 : f32
    %broadcast_in_dim3A_1 = vector.broadcast %broadcast_in_dim3A : f32 to vector<16xf32>
    %broadcast_in_dim3A_2 = arith.constant 1.000000e+00 : f32
    %broadcast_in_dim3A_3 = vector.broadcast %broadcast_in_dim3A_2 : f32 to vector<16xf32>
    %scan3A = arith.constant 0 : i32
    %scan3A_4 = arith.constant 128 : i32
    %scan3A_5 = arith.addi %scan3A, %scan3A_4 : i32
    %scan3A_6 = arith.constant 1 : i32
    scf.for %scan3A_658 = %scan3A to %scan3A_5 step %scan3A_6  : i32 {
      %swap3A_659 = arith.index_cast %scan3A_658 : i32 to index
      %swap3A_660 = arith.constant 0 : index
      %swap3A_661 = tpu.vector_load %arg15[%swap3A_659, %swap3A_660] {strides = array<i32>} : memref<128x128xf32, #tpu.memory_space<vmem>>, vector<1x16xf32>,
      %swap3A_662 = vector.shape_cast %swap3A_661 : vector<1x16xf32> to vector<16xf32>
      %swap3A_663 = vector.shape_cast %broadcast_in_dim3A_1 : vector<16xf32> to vector<1x16xf32>
      tpu.vector_store %arg15[%swap3A_659, %swap3A_660], %swap3A_663 {strides = array<i32>} : memref<128x128xf32, #tpu.memory_space<vmem>>, vector<1x16xf32>,
      %swap3A_664 = arith.index_cast %scan3A_658 : i32 to index
      %swap3A_665 = arith.constant 16 : index
      %swap3A_666 = tpu.vector_load %arg15[%swap3A_664, %swap3A_665] {strides = array<i32>} : memref<128x128xf32, #tpu.memory_space<vmem>>, vector<1x16xf32>,
      %swap3A_667 = vector.shape_cast %swap3A_666 : vector<1x16xf32> to vector<16xf32>
      %swap3A_668 = vector.shape_cast %broadcast_in_dim3A_1 : vector<16xf32> to vector<1x16xf32>
      tpu.vector_store %arg15[%swap3A_664, %swap3A_665], %swap3A_668 {strides = array<i32>} : memref<128x128xf32, #tpu.memory_space<vmem>>, vector<1x16xf32>,
      %swap3A_669 = arith.index_cast %scan3A_658 : i32 to index
      %swap3A_670 = arith.constant 32 : index
      %swap3A_671 = tpu.vector_load %arg15[%swap3A_669, %swap3A_670] {strides = array<i32>} : memref<128x128xf32, #tpu.memory_space<vmem>>, vector<1x16xf32>,
      %swap3A_672 = vector.shape_cast %swap3A_671 : vector<1x16xf32> to vector<16xf32>
      %swap3A_673 = vector.shape_cast %broadcast_in_dim3A_1 : vector<16xf32> to vector<1x16xf32>
      tpu.vector_store %arg15[%swap3A_669, %swap3A_670], %swap3A_673 {strides = array<i32>} : memref<128x128xf32, #tpu.memory_space<vmem>>, vector<1x16xf32>,
      %swap3A_674 = arith.index_cast %scan3A_658 : i32 to index
      %swap3A_675 = arith.constant 48 : index
      %swap3A_676 = tpu.vector_load %arg15[%swap3A_674, %swap3A_675] {strides = array<i32>} : memref<128x128xf32, #tpu.memory_space<vmem>>, vector<1x16xf32>,
      %swap3A_677 = vector.shape_cast %swap3A_676 : vector<1x16xf32> to vector<16xf32>
      %swap3A_678 = vector.shape_cast %broadcast_in_dim3A_1 : vector<16xf32> to vector<1x16xf32>
      tpu.vector_store %arg15[%swap3A_674, %swap3A_675], %swap3A_678 {strides = array<i32>} : memref<128x128xf32, #tpu.memory_space<vmem>>, vector<1x16xf32>,
      %swap3A_679 = arith.index_cast %scan3A_658 : i32 to index
      %swap3A_680 = arith.constant 64 : index
      %swap3A_681 = tpu.vector_load %arg15[%swap3A_679, %swap3A_680] {strides = array<i32>} : memref<128x128xf32, #tpu.memory_space<vmem>>, vector<1x16xf32>,
      %swap3A_682 = vector.shape_cast %swap3A_681 : vector<1x16xf32> to vector<16xf32>
      %swap3A_683 = vector.shape_cast %broadcast_in_dim3A_1 : vector<16xf32> to vector<1x16xf32>
      tpu.vector_store %arg15[%swap3A_679, %swap3A_680], %swap3A_683 {strides = array<i32>} : memref<128x128xf32, #tpu.memory_space<vmem>>, vector<1x16xf32>,
      %swap3A_684 = arith.index_cast %scan3A_658 : i32 to index
      %swap3A_685 = arith.constant 80 : index
      %swap3A_686 = tpu.vector_load %arg15[%swap3A_684, %swap3A_685] {strides = array<i32>} : memref<128x128xf32, #tpu.memory_space<vmem>>, vector<1x16xf32>,
      %swap3A_687 = vector.shape_cast %swap3A_686 : vector<1x16xf32> to vector<16xf32>
      %swap3A_688 = vector.shape_cast %broadcast_in_dim3A_1 : vector<16xf32> to vector<1x16xf32>
      tpu.vector_store %arg15[%swap3A_684, %swap3A_685], %swap3A_688 {strides = array<i32>} : memref<128x128xf32, #tpu.memory_space<vmem>>, vector<1x16xf32>,
      %swap3A_689 = arith.index_cast %scan3A_658 : i32 to index
      %swap3A_690 = arith.constant 96 : index
      %swap3A_691 = tpu.vector_load %arg15[%swap3A_689, %swap3A_690] {strides = array<i32>} : memref<128x128xf32, #tpu.memory_space<vmem>>, vector<1x16xf32>,
      %swap3A_692 = vector.shape_cast %swap3A_691 : vector<1x16xf32> to vector<16xf32>
      %swap3A_693 = vector.shape_cast %broadcast_in_dim3A_1 : vector<16xf32> to vector<1x16xf32>
      tpu.vector_store %arg15[%swap3A_689, %swap3A_690], %swap3A_693 {strides = array<i32>} : memref<128x128xf32, #tpu.memory_space<vmem>>, vector<1x16xf32>,
      %swap3A_694 = arith.index_cast %scan3A_658 : i32 to index
      %swap3A_695 = arith.constant 112 : index
      %swap3A_696 = tpu.vector_load %arg15[%swap3A_694, %swap3A_695] {strides = array<i32>} : memref<128x128xf32, #tpu.memory_space<vmem>>, vector<1x16xf32>,
      %swap3A_697 = vector.shape_cast %swap3A_696 : vector<1x16xf32> to vector<16xf32>
      %swap3A_698 = vector.shape_cast %broadcast_in_dim3A_1 : vector<16xf32> to vector<1x16xf32>
      tpu.vector_store %arg15[%swap3A_694, %swap3A_695], %swap3A_698 {strides = array<i32>} : memref<128x128xf32, #tpu.memory_space<vmem>>, vector<1x16xf32>,
    }
    %scan3A_7 = arith.constant 128 : i32
    %scan3A_8 = arith.constant 0 : i32
    %scan3A_9 = arith.constant 128 : i32
    %scan3A_10 = arith.addi %scan3A_8, %scan3A_9 : i32
    %scan3A_11 = arith.constant 1 : i32
    scf.for %scan3A_658 = %scan3A_8 to %scan3A_10 step %scan3A_11  : i32 {
      %swap3A_659 = arith.index_cast %scan3A_658 : i32 to index
      %swap3A_660 = arith.constant 0 : index
      %swap3A_661 = tpu.vector_load %arg17[%swap3A_659, %swap3A_660] {strides = array<i32>} : memref<128x128xf32, #tpu.memory_space<vmem>>, vector<1x16xf32>,
      %swap3A_662 = vector.shape_cast %swap3A_661 : vector<1x16xf32> to vector<16xf32>
      %swap3A_663 = vector.shape_cast %broadcast_in_dim3A_3 : vector<16xf32> to vector<1x16xf32>
      tpu.vector_store %arg17[%swap3A_659, %swap3A_660], %swap3A_663 {strides = array<i32>} : memref<128x128xf32, #tpu.memory_space<vmem>>, vector<1x16xf32>,
      %swap3A_664 = arith.index_cast %scan3A_658 : i32 to index
      %swap3A_665 = arith.constant 16 : index
      %swap3A_666 = tpu.vector_load %arg17[%swap3A_664, %swap3A_665] {strides = array<i32>} : memref<128x128xf32, #tpu.memory_space<vmem>>, vector<1x16xf32>,
      %swap3A_667 = vector.shape_cast %swap3A_666 : vector<1x16xf32> to vector<16xf32>
      %swap3A_668 = vector.shape_cast %broadcast_in_dim3A_3 : vector<16xf32> to vector<1x16xf32>
      tpu.vector_store %arg17[%swap3A_664, %swap3A_665], %swap3A_668 {strides = array<i32>} : memref<128x128xf32, #tpu.memory_space<vmem>>, vector<1x16xf32>,
      %swap3A_669 = arith.index_cast %scan3A_658 : i32 to index
      %swap3A_670 = arith.constant 32 : index
      %swap3A_671 = tpu.vector_load %arg17[%swap3A_669, %swap3A_670] {strides = array<i32>} : memref<128x128xf32, #tpu.memory_space<vmem>>, vector<1x16xf32>,
      %swap3A_672 = vector.shape_cast %swap3A_671 : vector<1x16xf32> to vector<16xf32>
      %swap3A_673 = vector.shape_cast %broadcast_in_dim3A_3 : vector<16xf32> to vector<1x16xf32>
      tpu.vector_store %arg17[%swap3A_669, %swap3A_670], %swap3A_673 {strides = array<i32>} : memref<128x128xf32, #tpu.memory_space<vmem>>, vector<1x16xf32>,
      %swap3A_674 = arith.index_cast %scan3A_658 : i32 to index
      %swap3A_675 = arith.constant 48 : index
      %swap3A_676 = tpu.vector_load %arg17[%swap3A_674, %swap3A_675] {strides = array<i32>} : memref<128x128xf32, #tpu.memory_space<vmem>>, vector<1x16xf32>,
      %swap3A_677 = vector.shape_cast %swap3A_676 : vector<1x16xf32> to vector<16xf32>
      %swap3A_678 = vector.shape_cast %broadcast_in_dim3A_3 : vector<16xf32> to vector<1x16xf32>
      tpu.vector_store %arg17[%swap3A_674, %swap3A_675], %swap3A_678 {strides = array<i32>} : memref<128x128xf32, #tpu.memory_space<vmem>>, vector<1x16xf32>,
      %swap3A_679 = arith.index_cast %scan3A_658 : i32 to index
      %swap3A_680 = arith.constant 64 : index
      %swap3A_681 = tpu.vector_load %arg17[%swap3A_679, %swap3A_680] {strides = array<i32>} : memref<128x128xf32, #tpu.memory_space<vmem>>, vector<1x16xf32>,
      %swap3A_682 = vector.shape_cast %swap3A_681 : vector<1x16xf32> to vector<16xf32>
      %swap3A_683 = vector.shape_cast %broadcast_in_dim3A_3 : vector<16xf32> to vector<1x16xf32>
      tpu.vector_store %arg17[%swap3A_679, %swap3A_680], %swap3A_683 {strides = array<i32>} : memref<128x128xf32, #tpu.memory_space<vmem>>, vector<1x16xf32>,
      %swap3A_684 = arith.index_cast %scan3A_658 : i32 to index
      %swap3A_685 = arith.constant 80 : index
      %swap3A_686 = tpu.vector_load %arg17[%swap3A_684, %swap3A_685] {strides = array<i32>} : memref<128x128xf32, #tpu.memory_space<vmem>>, vector<1x16xf32>,
      %swap3A_687 = vector.shape_cast %swap3A_686 : vector<1x16xf32> to vector<16xf32>
      %swap3A_688 = vector.shape_cast %broadcast_in_dim3A_3 : vector<16xf32> to vector<1x16xf32>
      tpu.vector_store %arg17[%swap3A_684, %swap3A_685], %swap3A_688 {strides = array<i32>} : memref<128x128xf32, #tpu.memory_space<vmem>>, vector<1x16xf32>,
      %swap3A_689 = arith.index_cast %scan3A_658 : i32 to index
      %swap3A_690 = arith.constant 96 : index
      %swap3A_691 = tpu.vector_load %arg17[%swap3A_689, %swap3A_690] {strides = array<i32>} : memref<128x128xf32, #tpu.memory_space<vmem>>, vector<1x16xf32>,
      %swap3A_692 = vector.shape_cast %swap3A_691 : vector<1x16xf32> to vector<16xf32>
      %swap3A_693 = vector.shape_cast %broadcast_in_dim3A_3 : vector<16xf32> to vector<1x16xf32>
      tpu.vector_store %arg17[%swap3A_689, %swap3A_690], %swap3A_693 {strides = array<i32>} : memref<128x128xf32, #tpu.memory_space<vmem>>, vector<1x16xf32>,
      %swap3A_694 = arith.index_cast %scan3A_658 : i32 to index
      %swap3A_695 = arith.constant 112 : index
      %swap3A_696 = tpu.vector_load %arg17[%swap3A_694, %swap3A_695] {strides = array<i32>} : memref<128x128xf32, #tpu.memory_space<vmem>>, vector<1x16xf32>,
      %swap3A_697 = vector.shape_cast %swap3A_696 : vector<1x16xf32> to vector<16xf32>
      %swap3A_698 = vector.shape_cast %broadcast_in_dim3A_3 : vector<16xf32> to vector<1x16xf32>
      tpu.vector_store %arg17[%swap3A_694, %swap3A_695], %swap3A_698 {strides = array<i32>} : memref<128x128xf32, #tpu.memory_space<vmem>>, vector<1x16xf32>,
    }
    %scan3A_12 = arith.constant 128 : i32
    %mul3A_13 = arith.constant 4 : i32
    %mul3A_14 = arith.muli %add3A, %mul3A_13 : i32
    %mul3A_15 = arith.constant 128 : i32
    %mul3A_16 = arith.muli %mul3A_14, %mul3A_15 : i32
    "tpu.region"() ({
      %run_scoped3A = tpu.sem_alloc : memref<!tpu.dma_semaphore, #tpu.memory_space<semaphore_mem>>
      %dma_start3A_658 = tpu.memref_slice %arg3[%mul3A_16] : memref<16384xi32, #tpu.memory_space<hbm>> -> memref<512xi32, #tpu.memory_space<hbm>>
      %dma_start3A_659 = tpu.memref_slice %arg3[%mul3A_16] : memref<16384xi32, #tpu.memory_space<hbm>> -> memref<512xi32, #tpu.memory_space<hbm>>
      tpu.enqueue_dma source(%dma_start3A_659 : memref<512xi32, #tpu.memory_space<hbm>>) target(%arg10 : memref<512xi32, #tpu.memory_space<vmem>>) target_semaphore(%run_scoped3A : memref<!tpu.dma_semaphore, #tpu.memory_space<semaphore_mem>>)
      %dma_wait3A_660 = tpu.memref_slice %arg3[%mul3A_16] : memref<16384xi32, #tpu.memory_space<hbm>> -> memref<512xi32, #tpu.memory_space<hbm>>
      %dma_wait3A_661 = tpu.memref_slice %arg3[%mul3A_16] : memref<16384xi32, #tpu.memory_space<hbm>> -> memref<512xi32, #tpu.memory_space<hbm>>
      tpu.wait_dma2 semaphore(%run_scoped3A : memref<!tpu.dma_semaphore, #tpu.memory_space<semaphore_mem>>) src(%dma_wait3A_661 : memref<512xi32, #tpu.memory_space<hbm>>) dst(%arg10 : memref<512xi32, #tpu.memory_space<vmem>>)
      tpu.yield
    }) : () -> ()
    %mul3A_17 = arith.constant 4 : i32
    %mul3A_18 = arith.muli %add3A, %mul3A_17 : i32
    %mul3A_19 = arith.constant 128 : i32
    %mul3A_20 = arith.muli %mul3A_18, %mul3A_19 : i32
    "tpu.region"() ({
      %run_scoped3A = tpu.sem_alloc : memref<!tpu.dma_semaphore, #tpu.memory_space<semaphore_mem>>
      %dma_start3A_658 = tpu.memref_slice %arg4[%mul3A_20] : memref<16384xi32, #tpu.memory_space<hbm>> -> memref<512xi32, #tpu.memory_space<hbm>>
      %dma_start3A_659 = tpu.memref_slice %arg4[%mul3A_20] : memref<16384xi32, #tpu.memory_space<hbm>> -> memref<512xi32, #tpu.memory_space<hbm>>
      tpu.enqueue_dma source(%dma_start3A_659 : memref<512xi32, #tpu.memory_space<hbm>>) target(%arg11 : memref<512xi32, #tpu.memory_space<vmem>>) target_semaphore(%run_scoped3A : memref<!tpu.dma_semaphore, #tpu.memory_space<semaphore_mem>>)
      %dma_wait3A_660 = tpu.memref_slice %arg4[%mul3A_20] : memref<16384xi32, #tpu.memory_space<hbm>> -> memref<512xi32, #tpu.memory_space<hbm>>
      %dma_wait3A_661 = tpu.memref_slice %arg4[%mul3A_20] : memref<16384xi32, #tpu.memory_space<hbm>> -> memref<512xi32, #tpu.memory_space<hbm>>
      tpu.wait_dma2 semaphore(%run_scoped3A : memref<!tpu.dma_semaphore, #tpu.memory_space<semaphore_mem>>) src(%dma_wait3A_661 : memref<512xi32, #tpu.memory_space<hbm>>) dst(%arg11 : memref<512xi32, #tpu.memory_space<vmem>>)
      tpu.yield
    }) : () -> ()
    %mul3A_21 = arith.constant 40 : i32
    %mul3A_22 = arith.muli %arg1, %mul3A_21 : i32
    %add3A_23 = arith.constant 0 : i32
    %add3A_24 = arith.addi %mul3A_22, %add3A_23 : i32
    "tpu.region"() ({
      %run_scoped3A = tpu.sem_alloc : memref<!tpu.dma_semaphore, #tpu.memory_space<semaphore_mem>>
      %dma_start3A_658 = arith.constant 0 : i32
      %dma_start3A_659 = arith.constant 0 : i32
      %dma_start3A_660 = tpu.memref_slice %arg15[%dma_start3A_658, %dma_start3A_659] : memref<128x128xf32, #tpu.memory_space<vmem>> -> memref<40x128xf32, #tpu.memory_space<vmem>>
      %dma_start3A_661 = arith.constant 0 : i32
      %dma_start3A_662 = tpu.memref_slice %arg8[%add3A_24, %dma_start3A_661] : memref<640x128xf32, #tpu.memory_space<vmem_shared>> -> memref<40x128xf32, #tpu.memory_space<vmem_shared>>
      %dma_start3A_663 = arith.constant 0 : i32
      %dma_start3A_664 = tpu.memref_slice %arg8[%add3A_24, %dma_start3A_663] : memref<640x128xf32, #tpu.memory_space<vmem_shared>> -> memref<40x128xf32, #tpu.memory_space<vmem_shared>>
      %dma_start3A_665 = arith.constant 0 : i32
      %dma_start3A_666 = arith.constant 0 : i32
      %dma_start3A_667 = tpu.memref_slice %arg15[%dma_start3A_665, %dma_start3A_666] : memref<128x128xf32, #tpu.memory_space<vmem>> -> memref<40x128xf32, #tpu.memory_space<vmem>>
      tpu.enqueue_dma source(%dma_start3A_667 : memref<40x128xf32, #tpu.memory_space<vmem>>) target(%dma_start3A_664 : memref<40x128xf32, #tpu.memory_space<vmem_shared>>) target_semaphore(%run_scoped3A : memref<!tpu.dma_semaphore, #tpu.memory_space<semaphore_mem>>)
      %dma_wait3A_668 = arith.constant 0 : i32
      %dma_wait3A_669 = arith.constant 0 : i32
      %dma_wait3A_670 = tpu.memref_slice %arg15[%dma_wait3A_668, %dma_wait3A_669] : memref<128x128xf32, #tpu.memory_space<vmem>> -> memref<40x128xf32, #tpu.memory_space<vmem>>
      %dma_wait3A_671 = arith.constant 0 : i32
      %dma_wait3A_672 = tpu.memref_slice %arg8[%add3A_24, %dma_wait3A_671] : memref<640x128xf32, #tpu.memory_space<vmem_shared>> -> memref<40x128xf32, #tpu.memory_space<vmem_shared>>
      %dma_wait3A_673 = arith.constant 0 : i32
      %dma_wait3A_674 = tpu.memref_slice %arg8[%add3A_24, %dma_wait3A_673] : memref<640x128xf32, #tpu.memory_space<vmem_shared>> -> memref<40x128xf32, #tpu.memory_space<vmem_shared>>
      %dma_wait3A_675 = arith.constant 0 : i32
      %dma_wait3A_676 = arith.constant 0 : i32
      %dma_wait3A_677 = tpu.memref_slice %arg15[%dma_wait3A_675, %dma_wait3A_676] : memref<128x128xf32, #tpu.memory_space<vmem>> -> memref<40x128xf32, #tpu.memory_space<vmem>>
      tpu.wait_dma2 semaphore(%run_scoped3A : memref<!tpu.dma_semaphore, #tpu.memory_space<semaphore_mem>>) src(%dma_wait3A_677 : memref<40x128xf32, #tpu.memory_space<vmem>>) dst(%dma_wait3A_674 : memref<40x128xf32, #tpu.memory_space<vmem_shared>>)
      tpu.yield
    }) : () -> ()
    "tpu.region"() ({
      %run_scoped3A = tpu.sem_alloc : memref<!tpu.dma_semaphore, #tpu.memory_space<semaphore_mem>>
      %dma_start3A_658 = arith.constant 0 : i32
      %dma_start3A_659 = arith.constant 0 : i32
      %dma_start3A_660 = tpu.memref_slice %arg15[%dma_start3A_658, %dma_start3A_659] : memref<128x128xf32, #tpu.memory_space<vmem>> -> memref<40x128xf32, #tpu.memory_space<vmem>>
      %dma_start3A_661 = arith.constant 0 : i32
      %dma_start3A_662 = tpu.memref_slice %arg9[%add3A_24, %dma_start3A_661] : memref<640x128xf32, #tpu.memory_space<vmem_shared>> -> memref<40x128xf32, #tpu.memory_space<vmem_shared>>
      %dma_start3A_663 = arith.constant 0 : i32
      %dma_start3A_664 = tpu.memref_slice %arg9[%add3A_24, %dma_start3A_663] : memref<640x128xf32, #tpu.memory_space<vmem_shared>> -> memref<40x128xf32, #tpu.memory_space<vmem_shared>>
      %dma_start3A_665 = arith.constant 0 : i32
      %dma_start3A_666 = arith.constant 0 : i32
      %dma_start3A_667 = tpu.memref_slice %arg15[%dma_start3A_665, %dma_start3A_666] : memref<128x128xf32, #tpu.memory_space<vmem>> -> memref<40x128xf32, #tpu.memory_space<vmem>>
      tpu.enqueue_dma source(%dma_start3A_667 : memref<40x128xf32, #tpu.memory_space<vmem>>) target(%dma_start3A_664 : memref<40x128xf32, #tpu.memory_space<vmem_shared>>) target_semaphore(%run_scoped3A : memref<!tpu.dma_semaphore, #tpu.memory_space<semaphore_mem>>)
      %dma_wait3A_668 = arith.constant 0 : i32
      %dma_wait3A_669 = arith.constant 0 : i32
      %dma_wait3A_670 = tpu.memref_slice %arg15[%dma_wait3A_668, %dma_wait3A_669] : memref<128x128xf32, #tpu.memory_space<vmem>> -> memref<40x128xf32, #tpu.memory_space<vmem>>
      %dma_wait3A_671 = arith.constant 0 : i32
      %dma_wait3A_672 = tpu.memref_slice %arg9[%add3A_24, %dma_wait3A_671] : memref<640x128xf32, #tpu.memory_space<vmem_shared>> -> memref<40x128xf32, #tpu.memory_space<vmem_shared>>
      %dma_wait3A_673 = arith.constant 0 : i32
      %dma_wait3A_674 = tpu.memref_slice %arg9[%add3A_24, %dma_wait3A_673] : memref<640x128xf32, #tpu.memory_space<vmem_shared>> -> memref<40x128xf32, #tpu.memory_space<vmem_shared>>
      %dma_wait3A_675 = arith.constant 0 : i32
      %dma_wait3A_676 = arith.constant 0 : i32
      %dma_wait3A_677 = tpu.memref_slice %arg15[%dma_wait3A_675, %dma_wait3A_676] : memref<128x128xf32, #tpu.memory_space<vmem>> -> memref<40x128xf32, #tpu.memory_space<vmem>>
      tpu.wait_dma2 semaphore(%run_scoped3A : memref<!tpu.dma_semaphore, #tpu.memory_space<semaphore_mem>>) src(%dma_wait3A_677 : memref<40x128xf32, #tpu.memory_space<vmem>>) dst(%dma_wait3A_674 : memref<40x128xf32, #tpu.memory_space<vmem_shared>>)
      tpu.yield
    }) : () -> ()
    %barrier3A = arith.constant 0 : index
    tpu.barrier barrier_id(%barrier3A)
    %dma_start3A = arith.constant 0 : i32
    %dma_start3A_25 = tpu.memref_slice %arg10[%dma_start3A] : memref<512xi32, #tpu.memory_space<vmem>> -> memref<128xi32, #tpu.memory_space<vmem>>
    %dma_start3A_26 = arith.constant 0 : i32
    %dma_start3A_27 = arith.constant 0 : i32
    %dma_start3A_28 = tpu.memref_slice %arg2[%dma_start3A_26, %dma_start3A_27] : memref<1500x128xf32, #tpu.memory_space<hbm>> -> memref<1500x128xf32, #tpu.memory_space<hbm>>
    tpu.enqueue_indirect_dma source(%dma_start3A_28 : memref<1500x128xf32, #tpu.memory_space<hbm>>) target(%arg15 : memref<128x128xf32, #tpu.memory_space<vmem>>) offsets(%dma_start3A_25 : memref<128xi32, #tpu.memory_space<vmem>>) semaphore(%arg18 : memref<!tpu.dma_semaphore, #tpu.memory_space<semaphore_mem>>)
    %scan3A_29 = arith.constant 0 : i32
    %mul3A_30 = arith.constant 2 : i32
    %mul3A_31 = arith.muli %mul3A_30, %scan3A_29 : i32
    %add3A_32 = arith.constant 1 : i32
    %add3A_33 = arith.addi %mul3A_31, %add3A_32 : i32
    %mul3A_34 = arith.constant 128 : i32
    %mul3A_35 = arith.muli %add3A_33, %mul3A_34 : i32
    %dma_start3A_36 = tpu.memref_slice %arg10[%mul3A_35] : memref<512xi32, #tpu.memory_space<vmem>> -> memref<128xi32, #tpu.memory_space<vmem>>
    %dma_start3A_37 = arith.constant 0 : i32
    %dma_start3A_38 = arith.constant 0 : i32
    %dma_start3A_39 = tpu.memref_slice %arg2[%dma_start3A_37, %dma_start3A_38] : memref<1500x128xf32, #tpu.memory_space<hbm>> -> memref<1500x128xf32, #tpu.memory_space<hbm>>
    tpu.enqueue_indirect_dma source(%dma_start3A_39 : memref<1500x128xf32, #tpu.memory_space<hbm>>) target(%arg16 : memref<128x128xf32, #tpu.memory_space<vmem>>) offsets(%dma_start3A_36 : memref<128xi32, #tpu.memory_space<vmem>>) semaphore(%arg19 : memref<!tpu.dma_semaphore, #tpu.memory_space<semaphore_mem>>)
    %mul3A_40 = arith.constant 128 : i32
    %mul3A_41 = arith.muli %mul3A_31, %mul3A_40 : i32
    %dma_wait3A = tpu.memref_slice %arg10[%mul3A_41] : memref<512xi32, #tpu.memory_space<vmem>> -> memref<128xi32, #tpu.memory_space<vmem>>
    %dma_wait3A_42 = arith.constant 0 : i32
    %dma_wait3A_43 = arith.constant 0 : i32
    %dma_wait3A_44 = tpu.memref_slice %arg2[%dma_wait3A_42, %dma_wait3A_43] : memref<1500x128xf32, #tpu.memory_space<hbm>> -> memref<1500x128xf32, #tpu.memory_space<hbm>>
    tpu.wait_indirect_dma semaphore(%arg18 : memref<!tpu.dma_semaphore, #tpu.memory_space<semaphore_mem>>) src(%dma_wait3A_44 : memref<1500x128xf32, #tpu.memory_space<hbm>>) dst(%arg15 : memref<128x128xf32, #tpu.memory_space<vmem>>)
    %mul3A_45 = arith.constant 128 : i32
    %mul3A_46 = arith.muli %mul3A_31, %mul3A_45 : i32
    %add3A_47 = arith.constant 0 : i32
    %add3A_48 = arith.addi %mul3A_46, %add3A_47 : i32
    %get3A = arith.index_cast %add3A_48 : i32 to index
    %get3A_49 = tpu.vector_load %arg11[%get3A] {strides = array<i32>} : memref<512xi32, #tpu.memory_space<vmem>>, vector<16xi32>,
    %get3A_50 = vector.shape_cast %get3A_49 : vector<16xi32> to vector<16xi32>
    %swap3A = arith.constant 0 : index
    %swap3A_51 = tpu.vector_load %arg13[%swap3A] {strides = array<i32>} : memref<128xi32, #tpu.memory_space<vmem>>, vector<16xi32>,
    %swap3A_52 = vector.shape_cast %swap3A_51 : vector<16xi32> to vector<16xi32>
    %swap3A_53 = vector.shape_cast %get3A_50 : vector<16xi32> to vector<16xi32>
    tpu.vector_store %arg13[%swap3A], %swap3A_53 {strides = array<i32>} : memref<128xi32, #tpu.memory_space<vmem>>, vector<16xi32>,
    %mul3A_54 = arith.constant 128 : i32
    %mul3A_55 = arith.muli %mul3A_31, %mul3A_54 : i32
    %add3A_56 = arith.constant 16 : i32
    %add3A_57 = arith.addi %mul3A_55, %add3A_56 : i32
    %get3A_58 = arith.index_cast %add3A_57 : i32 to index
    %get3A_59 = tpu.vector_load %arg11[%get3A_58] {strides = array<i32>} : memref<512xi32, #tpu.memory_space<vmem>>, vector<16xi32>,
    %get3A_60 = vector.shape_cast %get3A_59 : vector<16xi32> to vector<16xi32>
    %swap3A_61 = arith.constant 16 : index
    %swap3A_62 = tpu.vector_load %arg13[%swap3A_61] {strides = array<i32>} : memref<128xi32, #tpu.memory_space<vmem>>, vector<16xi32>,
    %swap3A_63 = vector.shape_cast %swap3A_62 : vector<16xi32> to vector<16xi32>
    %swap3A_64 = vector.shape_cast %get3A_60 : vector<16xi32> to vector<16xi32>
    tpu.vector_store %arg13[%swap3A_61], %swap3A_64 {strides = array<i32>} : memref<128xi32, #tpu.memory_space<vmem>>, vector<16xi32>,
    %mul3A_65 = arith.constant 128 : i32
    %mul3A_66 = arith.muli %mul3A_31, %mul3A_65 : i32
    %add3A_67 = arith.constant 32 : i32
    %add3A_68 = arith.addi %mul3A_66, %add3A_67 : i32
    %get3A_69 = arith.index_cast %add3A_68 : i32 to index
    %get3A_70 = tpu.vector_load %arg11[%get3A_69] {strides = array<i32>} : memref<512xi32, #tpu.memory_space<vmem>>, vector<16xi32>,
    %get3A_71 = vector.shape_cast %get3A_70 : vector<16xi32> to vector<16xi32>
    %swap3A_72 = arith.constant 32 : index
    %swap3A_73 = tpu.vector_load %arg13[%swap3A_72] {strides = array<i32>} : memref<128xi32, #tpu.memory_space<vmem>>, vector<16xi32>,
    %swap3A_74 = vector.shape_cast %swap3A_73 : vector<16xi32> to vector<16xi32>
    %swap3A_75 = vector.shape_cast %get3A_71 : vector<16xi32> to vector<16xi32>
    tpu.vector_store %arg13[%swap3A_72], %swap3A_75 {strides = array<i32>} : memref<128xi32, #tpu.memory_space<vmem>>, vector<16xi32>,
    %mul3A_76 = arith.constant 128 : i32
    %mul3A_77 = arith.muli %mul3A_31, %mul3A_76 : i32
    %add3A_78 = arith.constant 48 : i32
    %add3A_79 = arith.addi %mul3A_77, %add3A_78 : i32
    %get3A_80 = arith.index_cast %add3A_79 : i32 to index
    %get3A_81 = tpu.vector_load %arg11[%get3A_80] {strides = array<i32>} : memref<512xi32, #tpu.memory_space<vmem>>, vector<16xi32>,
    %get3A_82 = vector.shape_cast %get3A_81 : vector<16xi32> to vector<16xi32>
    %swap3A_83 = arith.constant 48 : index
    %swap3A_84 = tpu.vector_load %arg13[%swap3A_83] {strides = array<i32>} : memref<128xi32, #tpu.memory_space<vmem>>, vector<16xi32>,
    %swap3A_85 = vector.shape_cast %swap3A_84 : vector<16xi32> to vector<16xi32>
    %swap3A_86 = vector.shape_cast %get3A_82 : vector<16xi32> to vector<16xi32>
    tpu.vector_store %arg13[%swap3A_83], %swap3A_86 {strides = array<i32>} : memref<128xi32, #tpu.memory_space<vmem>>, vector<16xi32>,
    %mul3A_87 = arith.constant 128 : i32
    %mul3A_88 = arith.muli %mul3A_31, %mul3A_87 : i32
    %add3A_89 = arith.constant 64 : i32
    %add3A_90 = arith.addi %mul3A_88, %add3A_89 : i32
    %get3A_91 = arith.index_cast %add3A_90 : i32 to index
    %get3A_92 = tpu.vector_load %arg11[%get3A_91] {strides = array<i32>} : memref<512xi32, #tpu.memory_space<vmem>>, vector<16xi32>,
    %get3A_93 = vector.shape_cast %get3A_92 : vector<16xi32> to vector<16xi32>
    %swap3A_94 = arith.constant 64 : index
    %swap3A_95 = tpu.vector_load %arg13[%swap3A_94] {strides = array<i32>} : memref<128xi32, #tpu.memory_space<vmem>>, vector<16xi32>,
    %swap3A_96 = vector.shape_cast %swap3A_95 : vector<16xi32> to vector<16xi32>
    %swap3A_97 = vector.shape_cast %get3A_93 : vector<16xi32> to vector<16xi32>
    tpu.vector_store %arg13[%swap3A_94], %swap3A_97 {strides = array<i32>} : memref<128xi32, #tpu.memory_space<vmem>>, vector<16xi32>,
    %mul3A_98 = arith.constant 128 : i32
    %mul3A_99 = arith.muli %mul3A_31, %mul3A_98 : i32
    %add3A_100 = arith.constant 80 : i32
    %add3A_101 = arith.addi %mul3A_99, %add3A_100 : i32
    %get3A_102 = arith.index_cast %add3A_101 : i32 to index
    %get3A_103 = tpu.vector_load %arg11[%get3A_102] {strides = array<i32>} : memref<512xi32, #tpu.memory_space<vmem>>, vector<16xi32>,
    %get3A_104 = vector.shape_cast %get3A_103 : vector<16xi32> to vector<16xi32>
    %swap3A_105 = arith.constant 80 : index
    %swap3A_106 = tpu.vector_load %arg13[%swap3A_105] {strides = array<i32>} : memref<128xi32, #tpu.memory_space<vmem>>, vector<16xi32>,
    %swap3A_107 = vector.shape_cast %swap3A_106 : vector<16xi32> to vector<16xi32>
    %swap3A_108 = vector.shape_cast %get3A_104 : vector<16xi32> to vector<16xi32>
    tpu.vector_store %arg13[%swap3A_105], %swap3A_108 {strides = array<i32>} : memref<128xi32, #tpu.memory_space<vmem>>, vector<16xi32>,
    %mul3A_109 = arith.constant 128 : i32
    %mul3A_110 = arith.muli %mul3A_31, %mul3A_109 : i32
    %add3A_111 = arith.constant 96 : i32
    %add3A_112 = arith.addi %mul3A_110, %add3A_111 : i32
    %get3A_113 = arith.index_cast %add3A_112 : i32 to index
    %get3A_114 = tpu.vector_load %arg11[%get3A_113] {strides = array<i32>} : memref<512xi32, #tpu.memory_space<vmem>>, vector<16xi32>,
    %get3A_115 = vector.shape_cast %get3A_114 : vector<16xi32> to vector<16xi32>
    %swap3A_116 = arith.constant 96 : index
    %swap3A_117 = tpu.vector_load %arg13[%swap3A_116] {strides = array<i32>} : memref<128xi32, #tpu.memory_space<vmem>>, vector<16xi32>,
    %swap3A_118 = vector.shape_cast %swap3A_117 : vector<16xi32> to vector<16xi32>
    %swap3A_119 = vector.shape_cast %get3A_115 : vector<16xi32> to vector<16xi32>
    tpu.vector_store %arg13[%swap3A_116], %swap3A_119 {strides = array<i32>} : memref<128xi32, #tpu.memory_space<vmem>>, vector<16xi32>,
    %mul3A_120 = arith.constant 128 : i32
    %mul3A_121 = arith.muli %mul3A_31, %mul3A_120 : i32
    %add3A_122 = arith.constant 112 : i32
    %add3A_123 = arith.addi %mul3A_121, %add3A_122 : i32
    %get3A_124 = arith.index_cast %add3A_123 : i32 to index
    %get3A_125 = tpu.vector_load %arg11[%get3A_124] {strides = array<i32>} : memref<512xi32, #tpu.memory_space<vmem>>, vector<16xi32>,
    %get3A_126 = vector.shape_cast %get3A_125 : vector<16xi32> to vector<16xi32>
    %swap3A_127 = arith.constant 112 : index
    %swap3A_128 = tpu.vector_load %arg13[%swap3A_127] {strides = array<i32>} : memref<128xi32, #tpu.memory_space<vmem>>, vector<16xi32>,
    %swap3A_129 = vector.shape_cast %swap3A_128 : vector<16xi32> to vector<16xi32>
    %swap3A_130 = vector.shape_cast %get3A_126 : vector<16xi32> to vector<16xi32>
    tpu.vector_store %arg13[%swap3A_127], %swap3A_130 {strides = array<i32>} : memref<128xi32, #tpu.memory_space<vmem>>, vector<16xi32>,
    %mul3A_131 = arith.constant 128 : i32
    %mul3A_132 = arith.muli %mul3A_31, %mul3A_131 : i32
    %add3A_133 = arith.constant 0 : i32
    %add3A_134 = arith.addi %mul3A_132, %add3A_133 : i32
    %get3A_135 = arith.index_cast %add3A_134 : i32 to index
    %get3A_136 = tpu.vector_load %arg11[%get3A_135] {strides = array<i32>} : memref<512xi32, #tpu.memory_space<vmem>>, vector<16xi32>,
    %get3A_137 = vector.shape_cast %get3A_136 : vector<16xi32> to vector<16xi32>
    %swap3A_138 = arith.constant 0 : index
    %swap3A_139 = tpu.vector_load %arg14[%swap3A_138] {strides = array<i32>} : memref<128xi32, #tpu.memory_space<vmem>>, vector<16xi32>,
    %swap3A_140 = vector.shape_cast %swap3A_139 : vector<16xi32> to vector<16xi32>
    %swap3A_141 = vector.shape_cast %get3A_137 : vector<16xi32> to vector<16xi32>
    tpu.vector_store %arg14[%swap3A_138], %swap3A_141 {strides = array<i32>} : memref<128xi32, #tpu.memory_space<vmem>>, vector<16xi32>,
    %mul3A_142 = arith.constant 128 : i32
    %mul3A_143 = arith.muli %mul3A_31, %mul3A_142 : i32
    %add3A_144 = arith.constant 16 : i32
    %add3A_145 = arith.addi %mul3A_143, %add3A_144 : i32
    %get3A_146 = arith.index_cast %add3A_145 : i32 to index
    %get3A_147 = tpu.vector_load %arg11[%get3A_146] {strides = array<i32>} : memref<512xi32, #tpu.memory_space<vmem>>, vector<16xi32>,
    %get3A_148 = vector.shape_cast %get3A_147 : vector<16xi32> to vector<16xi32>
    %swap3A_149 = arith.constant 16 : index
    %swap3A_150 = tpu.vector_load %arg14[%swap3A_149] {strides = array<i32>} : memref<128xi32, #tpu.memory_space<vmem>>, vector<16xi32>,
    %swap3A_151 = vector.shape_cast %swap3A_150 : vector<16xi32> to vector<16xi32>
    %swap3A_152 = vector.shape_cast %get3A_148 : vector<16xi32> to vector<16xi32>
    tpu.vector_store %arg14[%swap3A_149], %swap3A_152 {strides = array<i32>} : memref<128xi32, #tpu.memory_space<vmem>>, vector<16xi32>,
    %mul3A_153 = arith.constant 128 : i32
    %mul3A_154 = arith.muli %mul3A_31, %mul3A_153 : i32
    %add3A_155 = arith.constant 32 : i32
    %add3A_156 = arith.addi %mul3A_154, %add3A_155 : i32
    %get3A_157 = arith.index_cast %add3A_156 : i32 to index
    %get3A_158 = tpu.vector_load %arg11[%get3A_157] {strides = array<i32>} : memref<512xi32, #tpu.memory_space<vmem>>, vector<16xi32>,
    %get3A_159 = vector.shape_cast %get3A_158 : vector<16xi32> to vector<16xi32>
    %swap3A_160 = arith.constant 32 : index
    %swap3A_161 = tpu.vector_load %arg14[%swap3A_160] {strides = array<i32>} : memref<128xi32, #tpu.memory_space<vmem>>, vector<16xi32>,
    %swap3A_162 = vector.shape_cast %swap3A_161 : vector<16xi32> to vector<16xi32>
    %swap3A_163 = vector.shape_cast %get3A_159 : vector<16xi32> to vector<16xi32>
    tpu.vector_store %arg14[%swap3A_160], %swap3A_163 {strides = array<i32>} : memref<128xi32, #tpu.memory_space<vmem>>, vector<16xi32>,
    %mul3A_164 = arith.constant 128 : i32
    %mul3A_165 = arith.muli %mul3A_31, %mul3A_164 : i32
    %add3A_166 = arith.constant 48 : i32
    %add3A_167 = arith.addi %mul3A_165, %add3A_166 : i32
    %get3A_168 = arith.index_cast %add3A_167 : i32 to index
    %get3A_169 = tpu.vector_load %arg11[%get3A_168] {strides = array<i32>} : memref<512xi32, #tpu.memory_space<vmem>>, vector<16xi32>,
    %get3A_170 = vector.shape_cast %get3A_169 : vector<16xi32> to vector<16xi32>
    %swap3A_171 = arith.constant 48 : index
    %swap3A_172 = tpu.vector_load %arg14[%swap3A_171] {strides = array<i32>} : memref<128xi32, #tpu.memory_space<vmem>>, vector<16xi32>,
    %swap3A_173 = vector.shape_cast %swap3A_172 : vector<16xi32> to vector<16xi32>
    %swap3A_174 = vector.shape_cast %get3A_170 : vector<16xi32> to vector<16xi32>
    tpu.vector_store %arg14[%swap3A_171], %swap3A_174 {strides = array<i32>} : memref<128xi32, #tpu.memory_space<vmem>>, vector<16xi32>,
    %mul3A_175 = arith.constant 128 : i32
    %mul3A_176 = arith.muli %mul3A_31, %mul3A_175 : i32
    %add3A_177 = arith.constant 64 : i32
    %add3A_178 = arith.addi %mul3A_176, %add3A_177 : i32
    %get3A_179 = arith.index_cast %add3A_178 : i32 to index
    %get3A_180 = tpu.vector_load %arg11[%get3A_179] {strides = array<i32>} : memref<512xi32, #tpu.memory_space<vmem>>, vector<16xi32>,
    %get3A_181 = vector.shape_cast %get3A_180 : vector<16xi32> to vector<16xi32>
    %swap3A_182 = arith.constant 64 : index
    %swap3A_183 = tpu.vector_load %arg14[%swap3A_182] {strides = array<i32>} : memref<128xi32, #tpu.memory_space<vmem>>, vector<16xi32>,
    %swap3A_184 = vector.shape_cast %swap3A_183 : vector<16xi32> to vector<16xi32>
    %swap3A_185 = vector.shape_cast %get3A_181 : vector<16xi32> to vector<16xi32>
    tpu.vector_store %arg14[%swap3A_182], %swap3A_185 {strides = array<i32>} : memref<128xi32, #tpu.memory_space<vmem>>, vector<16xi32>,
    %mul3A_186 = arith.constant 128 : i32
    %mul3A_187 = arith.muli %mul3A_31, %mul3A_186 : i32
    %add3A_188 = arith.constant 80 : i32
    %add3A_189 = arith.addi %mul3A_187, %add3A_188 : i32
    %get3A_190 = arith.index_cast %add3A_189 : i32 to index
    %get3A_191 = tpu.vector_load %arg11[%get3A_190] {strides = array<i32>} : memref<512xi32, #tpu.memory_space<vmem>>, vector<16xi32>,
    %get3A_192 = vector.shape_cast %get3A_191 : vector<16xi32> to vector<16xi32>
    %swap3A_193 = arith.constant 80 : index
    %swap3A_194 = tpu.vector_load %arg14[%swap3A_193] {strides = array<i32>} : memref<128xi32, #tpu.memory_space<vmem>>, vector<16xi32>,
    %swap3A_195 = vector.shape_cast %swap3A_194 : vector<16xi32> to vector<16xi32>
    %swap3A_196 = vector.shape_cast %get3A_192 : vector<16xi32> to vector<16xi32>
    tpu.vector_store %arg14[%swap3A_193], %swap3A_196 {strides = array<i32>} : memref<128xi32, #tpu.memory_space<vmem>>, vector<16xi32>,
    %mul3A_197 = arith.constant 128 : i32
    %mul3A_198 = arith.muli %mul3A_31, %mul3A_197 : i32
    %add3A_199 = arith.constant 96 : i32
    %add3A_200 = arith.addi %mul3A_198, %add3A_199 : i32
    %get3A_201 = arith.index_cast %add3A_200 : i32 to index
    %get3A_202 = tpu.vector_load %arg11[%get3A_201] {strides = array<i32>} : memref<512xi32, #tpu.memory_space<vmem>>, vector<16xi32>,
    %get3A_203 = vector.shape_cast %get3A_202 : vector<16xi32> to vector<16xi32>
    %swap3A_204 = arith.constant 96 : index
    %swap3A_205 = tpu.vector_load %arg14[%swap3A_204] {strides = array<i32>} : memref<128xi32, #tpu.memory_space<vmem>>, vector<16xi32>,
    %swap3A_206 = vector.shape_cast %swap3A_205 : vector<16xi32> to vector<16xi32>
    %swap3A_207 = vector.shape_cast %get3A_203 : vector<16xi32> to vector<16xi32>
    tpu.vector_store %arg14[%swap3A_204], %swap3A_207 {strides = array<i32>} : memref<128xi32, #tpu.memory_space<vmem>>, vector<16xi32>,
    %mul3A_208 = arith.constant 128 : i32
    %mul3A_209 = arith.muli %mul3A_31, %mul3A_208 : i32
    %add3A_210 = arith.constant 112 : i32
    %add3A_211 = arith.addi %mul3A_209, %add3A_210 : i32
    %get3A_212 = arith.index_cast %add3A_211 : i32 to index
    %get3A_213 = tpu.vector_load %arg11[%get3A_212] {strides = array<i32>} : memref<512xi32, #tpu.memory_space<vmem>>, vector<16xi32>,
    %get3A_214 = vector.shape_cast %get3A_213 : vector<16xi32> to vector<16xi32>
    %swap3A_215 = arith.constant 112 : index
    %swap3A_216 = tpu.vector_load %arg14[%swap3A_215] {strides = array<i32>} : memref<128xi32, #tpu.memory_space<vmem>>, vector<16xi32>,
    %swap3A_217 = vector.shape_cast %swap3A_216 : vector<16xi32> to vector<16xi32>
    %swap3A_218 = vector.shape_cast %get3A_214 : vector<16xi32> to vector<16xi32>
    tpu.vector_store %arg14[%swap3A_215], %swap3A_218 {strides = array<i32>} : memref<128xi32, #tpu.memory_space<vmem>>, vector<16xi32>,
    "tpu.region"() ({
      %run_scoped3A = tpu.sem_alloc : memref<!tpu.dma_semaphore, #tpu.memory_space<semaphore_mem>>
      %dma_start3A_658 = arith.constant 0 : i32
      %dma_start3A_659 = arith.constant 0 : i32
      %dma_start3A_660 = tpu.memref_slice %arg8[%dma_start3A_658, %dma_start3A_659] : memref<640x128xf32, #tpu.memory_space<vmem_shared>> -> memref<640x128xf32, #tpu.memory_space<vmem_shared>>
      tpu.enqueue_indirect_dma source(%arg15 : memref<128x128xf32, #tpu.memory_space<vmem>>) target(%dma_start3A_660 : memref<640x128xf32, #tpu.memory_space<vmem_shared>>) offsets(%arg13 : memref<128xi32, #tpu.memory_space<vmem>>) semaphore(%run_scoped3A : memref<!tpu.dma_semaphore, #tpu.memory_space<semaphore_mem>>) {add = true}
      %dma_wait3A_661 = arith.constant 0 : i32
      %dma_wait3A_662 = arith.constant 0 : i32
      %dma_wait3A_663 = tpu.memref_slice %arg8[%dma_wait3A_661, %dma_wait3A_662] : memref<640x128xf32, #tpu.memory_space<vmem_shared>> -> memref<640x128xf32, #tpu.memory_space<vmem_shared>>
      tpu.wait_indirect_dma semaphore(%run_scoped3A : memref<!tpu.dma_semaphore, #tpu.memory_space<semaphore_mem>>) src(%arg15 : memref<128x128xf32, #tpu.memory_space<vmem>>) dst(%dma_wait3A_663 : memref<640x128xf32, #tpu.memory_space<vmem_shared>>)
      tpu.yield
    }) : () -> ()
    "tpu.region"() ({
      %run_scoped3A = tpu.sem_alloc : memref<!tpu.dma_semaphore, #tpu.memory_space<semaphore_mem>>
      %dma_start3A_658 = arith.constant 0 : i32
      %dma_start3A_659 = arith.constant 0 : i32
      %dma_start3A_660 = tpu.memref_slice %arg9[%dma_start3A_658, %dma_start3A_659] : memref<640x128xf32, #tpu.memory_space<vmem_shared>> -> memref<640x128xf32, #tpu.memory_space<vmem_shared>>
      tpu.enqueue_indirect_dma source(%arg17 : memref<128x128xf32, #tpu.memory_space<vmem>>) target(%dma_start3A_660 : memref<640x128xf32, #tpu.memory_space<vmem_shared>>) offsets(%arg14 : memref<128xi32, #tpu.memory_space<vmem>>) semaphore(%run_scoped3A : memref<!tpu.dma_semaphore, #tpu.memory_space<semaphore_mem>>) {add = true}
      %dma_wait3A_661 = arith.constant 0 : i32
      %dma_wait3A_662 = arith.constant 0 : i32
      %dma_wait3A_663 = tpu.memref_slice %arg9[%dma_wait3A_661, %dma_wait3A_662] : memref<640x128xf32, #tpu.memory_space<vmem_shared>> -> memref<640x128xf32, #tpu.memory_space<vmem_shared>>
      tpu.wait_indirect_dma semaphore(%run_scoped3A : memref<!tpu.dma_semaphore, #tpu.memory_space<semaphore_mem>>) src(%arg17 : memref<128x128xf32, #tpu.memory_space<vmem>>) dst(%dma_wait3A_663 : memref<640x128xf32, #tpu.memory_space<vmem_shared>>)
      tpu.yield
    }) : () -> ()
    %add3A_219 = arith.constant 2 : i32
    %add3A_220 = arith.addi %mul3A_31, %add3A_219 : i32
    %mul3A_221 = arith.constant 128 : i32
    %mul3A_222 = arith.muli %add3A_220, %mul3A_221 : i32
    %dma_start3A_223 = tpu.memref_slice %arg10[%mul3A_222] : memref<512xi32, #tpu.memory_space<vmem>> -> memref<128xi32, #tpu.memory_space<vmem>>
    %dma_start3A_224 = arith.constant 0 : i32
    %dma_start3A_225 = arith.constant 0 : i32
    %dma_start3A_226 = tpu.memref_slice %arg2[%dma_start3A_224, %dma_start3A_225] : memref<1500x128xf32, #tpu.memory_space<hbm>> -> memref<1500x128xf32, #tpu.memory_space<hbm>>
    tpu.enqueue_indirect_dma source(%dma_start3A_226 : memref<1500x128xf32, #tpu.memory_space<hbm>>) target(%arg15 : memref<128x128xf32, #tpu.memory_space<vmem>>) offsets(%dma_start3A_223 : memref<128xi32, #tpu.memory_space<vmem>>) semaphore(%arg18 : memref<!tpu.dma_semaphore, #tpu.memory_space<semaphore_mem>>)
    %add3A_227 = arith.constant 1 : i32
    %add3A_228 = arith.addi %mul3A_31, %add3A_227 : i32
    %mul3A_229 = arith.constant 128 : i32
    %mul3A_230 = arith.muli %add3A_228, %mul3A_229 : i32
    %dma_wait3A_231 = tpu.memref_slice %arg10[%mul3A_230] : memref<512xi32, #tpu.memory_space<vmem>> -> memref<128xi32, #tpu.memory_space<vmem>>
    %dma_wait3A_232 = arith.constant 0 : i32
    %dma_wait3A_233 = arith.constant 0 : i32
    %dma_wait3A_234 = tpu.memref_slice %arg2[%dma_wait3A_232, %dma_wait3A_233] : memref<1500x128xf32, #tpu.memory_space<hbm>> -> memref<1500x128xf32, #tpu.memory_space<hbm>>
    tpu.wait_indirect_dma semaphore(%arg19 : memref<!tpu.dma_semaphore, #tpu.memory_space<semaphore_mem>>) src(%dma_wait3A_234 : memref<1500x128xf32, #tpu.memory_space<hbm>>) dst(%arg16 : memref<128x128xf32, #tpu.memory_space<vmem>>)
    %add3A_235 = arith.constant 1 : i32
    %add3A_236 = arith.addi %mul3A_31, %add3A_235 : i32
    %mul3A_237 = arith.constant 128 : i32
    %mul3A_238 = arith.muli %add3A_236, %mul3A_237 : i32
    %add3A_239 = arith.constant 0 : i32
    %add3A_240 = arith.addi %mul3A_238, %add3A_239 : i32
    %get3A_241 = arith.index_cast %add3A_240 : i32 to index
    %get3A_242 = tpu.vector_load %arg11[%get3A_241] {strides = array<i32>} : memref<512xi32, #tpu.memory_space<vmem>>, vector<16xi32>,
    %get3A_243 = vector.shape_cast %get3A_242 : vector<16xi32> to vector<16xi32>
    %swap3A_244 = arith.constant 0 : index
    %swap3A_245 = tpu.vector_load %arg13[%swap3A_244] {strides = array<i32>} : memref<128xi32, #tpu.memory_space<vmem>>, vector<16xi32>,
    %swap3A_246 = vector.shape_cast %swap3A_245 : vector<16xi32> to vector<16xi32>
    %swap3A_247 = vector.shape_cast %get3A_243 : vector<16xi32> to vector<16xi32>
    tpu.vector_store %arg13[%swap3A_244], %swap3A_247 {strides = array<i32>} : memref<128xi32, #tpu.memory_space<vmem>>, vector<16xi32>,
    %mul3A_248 = arith.constant 128 : i32
    %mul3A_249 = arith.muli %add3A_236, %mul3A_248 : i32
    %add3A_250 = arith.constant 16 : i32
    %add3A_251 = arith.addi %mul3A_249, %add3A_250 : i32
    %get3A_252 = arith.index_cast %add3A_251 : i32 to index
    %get3A_253 = tpu.vector_load %arg11[%get3A_252] {strides = array<i32>} : memref<512xi32, #tpu.memory_space<vmem>>, vector<16xi32>,
    %get3A_254 = vector.shape_cast %get3A_253 : vector<16xi32> to vector<16xi32>
    %swap3A_255 = arith.constant 16 : index
    %swap3A_256 = tpu.vector_load %arg13[%swap3A_255] {strides = array<i32>} : memref<128xi32, #tpu.memory_space<vmem>>, vector<16xi32>,
    %swap3A_257 = vector.shape_cast %swap3A_256 : vector<16xi32> to vector<16xi32>
    %swap3A_258 = vector.shape_cast %get3A_254 : vector<16xi32> to vector<16xi32>
    tpu.vector_store %arg13[%swap3A_255], %swap3A_258 {strides = array<i32>} : memref<128xi32, #tpu.memory_space<vmem>>, vector<16xi32>,
    %mul3A_259 = arith.constant 128 : i32
    %mul3A_260 = arith.muli %add3A_236, %mul3A_259 : i32
    %add3A_261 = arith.constant 32 : i32
    %add3A_262 = arith.addi %mul3A_260, %add3A_261 : i32
    %get3A_263 = arith.index_cast %add3A_262 : i32 to index
    %get3A_264 = tpu.vector_load %arg11[%get3A_263] {strides = array<i32>} : memref<512xi32, #tpu.memory_space<vmem>>, vector<16xi32>,
    %get3A_265 = vector.shape_cast %get3A_264 : vector<16xi32> to vector<16xi32>
    %swap3A_266 = arith.constant 32 : index
    %swap3A_267 = tpu.vector_load %arg13[%swap3A_266] {strides = array<i32>} : memref<128xi32, #tpu.memory_space<vmem>>, vector<16xi32>,
    %swap3A_268 = vector.shape_cast %swap3A_267 : vector<16xi32> to vector<16xi32>
    %swap3A_269 = vector.shape_cast %get3A_265 : vector<16xi32> to vector<16xi32>
    tpu.vector_store %arg13[%swap3A_266], %swap3A_269 {strides = array<i32>} : memref<128xi32, #tpu.memory_space<vmem>>, vector<16xi32>,
    %mul3A_270 = arith.constant 128 : i32
    %mul3A_271 = arith.muli %add3A_236, %mul3A_270 : i32
    %add3A_272 = arith.constant 48 : i32
    %add3A_273 = arith.addi %mul3A_271, %add3A_272 : i32
    %get3A_274 = arith.index_cast %add3A_273 : i32 to index
    %get3A_275 = tpu.vector_load %arg11[%get3A_274] {strides = array<i32>} : memref<512xi32, #tpu.memory_space<vmem>>, vector<16xi32>,
    %get3A_276 = vector.shape_cast %get3A_275 : vector<16xi32> to vector<16xi32>
    %swap3A_277 = arith.constant 48 : index
    %swap3A_278 = tpu.vector_load %arg13[%swap3A_277] {strides = array<i32>} : memref<128xi32, #tpu.memory_space<vmem>>, vector<16xi32>,
    %swap3A_279 = vector.shape_cast %swap3A_278 : vector<16xi32> to vector<16xi32>
    %swap3A_280 = vector.shape_cast %get3A_276 : vector<16xi32> to vector<16xi32>
    tpu.vector_store %arg13[%swap3A_277], %swap3A_280 {strides = array<i32>} : memref<128xi32, #tpu.memory_space<vmem>>, vector<16xi32>,
    %mul3A_281 = arith.constant 128 : i32
    %mul3A_282 = arith.muli %add3A_236, %mul3A_281 : i32
    %add3A_283 = arith.constant 64 : i32
    %add3A_284 = arith.addi %mul3A_282, %add3A_283 : i32
    %get3A_285 = arith.index_cast %add3A_284 : i32 to index
    %get3A_286 = tpu.vector_load %arg11[%get3A_285] {strides = array<i32>} : memref<512xi32, #tpu.memory_space<vmem>>, vector<16xi32>,
    %get3A_287 = vector.shape_cast %get3A_286 : vector<16xi32> to vector<16xi32>
    %swap3A_288 = arith.constant 64 : index
    %swap3A_289 = tpu.vector_load %arg13[%swap3A_288] {strides = array<i32>} : memref<128xi32, #tpu.memory_space<vmem>>, vector<16xi32>,
    %swap3A_290 = vector.shape_cast %swap3A_289 : vector<16xi32> to vector<16xi32>
    %swap3A_291 = vector.shape_cast %get3A_287 : vector<16xi32> to vector<16xi32>
    tpu.vector_store %arg13[%swap3A_288], %swap3A_291 {strides = array<i32>} : memref<128xi32, #tpu.memory_space<vmem>>, vector<16xi32>,
    %mul3A_292 = arith.constant 128 : i32
    %mul3A_293 = arith.muli %add3A_236, %mul3A_292 : i32
    %add3A_294 = arith.constant 80 : i32
    %add3A_295 = arith.addi %mul3A_293, %add3A_294 : i32
    %get3A_296 = arith.index_cast %add3A_295 : i32 to index
    %get3A_297 = tpu.vector_load %arg11[%get3A_296] {strides = array<i32>} : memref<512xi32, #tpu.memory_space<vmem>>, vector<16xi32>,
    %get3A_298 = vector.shape_cast %get3A_297 : vector<16xi32> to vector<16xi32>
    %swap3A_299 = arith.constant 80 : index
    %swap3A_300 = tpu.vector_load %arg13[%swap3A_299] {strides = array<i32>} : memref<128xi32, #tpu.memory_space<vmem>>, vector<16xi32>,
    %swap3A_301 = vector.shape_cast %swap3A_300 : vector<16xi32> to vector<16xi32>
    %swap3A_302 = vector.shape_cast %get3A_298 : vector<16xi32> to vector<16xi32>
    tpu.vector_store %arg13[%swap3A_299], %swap3A_302 {strides = array<i32>} : memref<128xi32, #tpu.memory_space<vmem>>, vector<16xi32>,
    %mul3A_303 = arith.constant 128 : i32
    %mul3A_304 = arith.muli %add3A_236, %mul3A_303 : i32
    %add3A_305 = arith.constant 96 : i32
    %add3A_306 = arith.addi %mul3A_304, %add3A_305 : i32
    %get3A_307 = arith.index_cast %add3A_306 : i32 to index
    %get3A_308 = tpu.vector_load %arg11[%get3A_307] {strides = array<i32>} : memref<512xi32, #tpu.memory_space<vmem>>, vector<16xi32>,
    %get3A_309 = vector.shape_cast %get3A_308 : vector<16xi32> to vector<16xi32>
    %swap3A_310 = arith.constant 96 : index
    %swap3A_311 = tpu.vector_load %arg13[%swap3A_310] {strides = array<i32>} : memref<128xi32, #tpu.memory_space<vmem>>, vector<16xi32>,
    %swap3A_312 = vector.shape_cast %swap3A_311 : vector<16xi32> to vector<16xi32>
    %swap3A_313 = vector.shape_cast %get3A_309 : vector<16xi32> to vector<16xi32>
    tpu.vector_store %arg13[%swap3A_310], %swap3A_313 {strides = array<i32>} : memref<128xi32, #tpu.memory_space<vmem>>, vector<16xi32>,
    %mul3A_314 = arith.constant 128 : i32
    %mul3A_315 = arith.muli %add3A_236, %mul3A_314 : i32
    %add3A_316 = arith.constant 112 : i32
    %add3A_317 = arith.addi %mul3A_315, %add3A_316 : i32
    %get3A_318 = arith.index_cast %add3A_317 : i32 to index
    %get3A_319 = tpu.vector_load %arg11[%get3A_318] {strides = array<i32>} : memref<512xi32, #tpu.memory_space<vmem>>, vector<16xi32>,
    %get3A_320 = vector.shape_cast %get3A_319 : vector<16xi32> to vector<16xi32>
    %swap3A_321 = arith.constant 112 : index
    %swap3A_322 = tpu.vector_load %arg13[%swap3A_321] {strides = array<i32>} : memref<128xi32, #tpu.memory_space<vmem>>, vector<16xi32>,
    %swap3A_323 = vector.shape_cast %swap3A_322 : vector<16xi32> to vector<16xi32>
    %swap3A_324 = vector.shape_cast %get3A_320 : vector<16xi32> to vector<16xi32>
    tpu.vector_store %arg13[%swap3A_321], %swap3A_324 {strides = array<i32>} : memref<128xi32, #tpu.memory_space<vmem>>, vector<16xi32>,
    %mul3A_325 = arith.constant 128 : i32
    %mul3A_326 = arith.muli %add3A_236, %mul3A_325 : i32
    %add3A_327 = arith.constant 0 : i32
    %add3A_328 = arith.addi %mul3A_326, %add3A_327 : i32
    %get3A_329 = arith.index_cast %add3A_328 : i32 to index
    %get3A_330 = tpu.vector_load %arg11[%get3A_329] {strides = array<i32>} : memref<512xi32, #tpu.memory_space<vmem>>, vector<16xi32>,
    %get3A_331 = vector.shape_cast %get3A_330 : vector<16xi32> to vector<16xi32>
    %swap3A_332 = arith.constant 0 : index
    %swap3A_333 = tpu.vector_load %arg14[%swap3A_332] {strides = array<i32>} : memref<128xi32, #tpu.memory_space<vmem>>, vector<16xi32>,
    %swap3A_334 = vector.shape_cast %swap3A_333 : vector<16xi32> to vector<16xi32>
    %swap3A_335 = vector.shape_cast %get3A_331 : vector<16xi32> to vector<16xi32>
    tpu.vector_store %arg14[%swap3A_332], %swap3A_335 {strides = array<i32>} : memref<128xi32, #tpu.memory_space<vmem>>, vector<16xi32>,
    %mul3A_336 = arith.constant 128 : i32
    %mul3A_337 = arith.muli %add3A_236, %mul3A_336 : i32
    %add3A_338 = arith.constant 16 : i32
    %add3A_339 = arith.addi %mul3A_337, %add3A_338 : i32
    %get3A_340 = arith.index_cast %add3A_339 : i32 to index
    %get3A_341 = tpu.vector_load %arg11[%get3A_340] {strides = array<i32>} : memref<512xi32, #tpu.memory_space<vmem>>, vector<16xi32>,
    %get3A_342 = vector.shape_cast %get3A_341 : vector<16xi32> to vector<16xi32>
    %swap3A_343 = arith.constant 16 : index
    %swap3A_344 = tpu.vector_load %arg14[%swap3A_343] {strides = array<i32>} : memref<128xi32, #tpu.memory_space<vmem>>, vector<16xi32>,
    %swap3A_345 = vector.shape_cast %swap3A_344 : vector<16xi32> to vector<16xi32>
    %swap3A_346 = vector.shape_cast %get3A_342 : vector<16xi32> to vector<16xi32>
    tpu.vector_store %arg14[%swap3A_343], %swap3A_346 {strides = array<i32>} : memref<128xi32, #tpu.memory_space<vmem>>, vector<16xi32>,
    %mul3A_347 = arith.constant 128 : i32
    %mul3A_348 = arith.muli %add3A_236, %mul3A_347 : i32
    %add3A_349 = arith.constant 32 : i32
    %add3A_350 = arith.addi %mul3A_348, %add3A_349 : i32
    %get3A_351 = arith.index_cast %add3A_350 : i32 to index
    %get3A_352 = tpu.vector_load %arg11[%get3A_351] {strides = array<i32>} : memref<512xi32, #tpu.memory_space<vmem>>, vector<16xi32>,
    %get3A_353 = vector.shape_cast %get3A_352 : vector<16xi32> to vector<16xi32>
    %swap3A_354 = arith.constant 32 : index
    %swap3A_355 = tpu.vector_load %arg14[%swap3A_354] {strides = array<i32>} : memref<128xi32, #tpu.memory_space<vmem>>, vector<16xi32>,
    %swap3A_356 = vector.shape_cast %swap3A_355 : vector<16xi32> to vector<16xi32>
    %swap3A_357 = vector.shape_cast %get3A_353 : vector<16xi32> to vector<16xi32>
    tpu.vector_store %arg14[%swap3A_354], %swap3A_357 {strides = array<i32>} : memref<128xi32, #tpu.memory_space<vmem>>, vector<16xi32>,
    %mul3A_358 = arith.constant 128 : i32
    %mul3A_359 = arith.muli %add3A_236, %mul3A_358 : i32
    %add3A_360 = arith.constant 48 : i32
    %add3A_361 = arith.addi %mul3A_359, %add3A_360 : i32
    %get3A_362 = arith.index_cast %add3A_361 : i32 to index
    %get3A_363 = tpu.vector_load %arg11[%get3A_362] {strides = array<i32>} : memref<512xi32, #tpu.memory_space<vmem>>, vector<16xi32>,
    %get3A_364 = vector.shape_cast %get3A_363 : vector<16xi32> to vector<16xi32>
    %swap3A_365 = arith.constant 48 : index
    %swap3A_366 = tpu.vector_load %arg14[%swap3A_365] {strides = array<i32>} : memref<128xi32, #tpu.memory_space<vmem>>, vector<16xi32>,
    %swap3A_367 = vector.shape_cast %swap3A_366 : vector<16xi32> to vector<16xi32>
    %swap3A_368 = vector.shape_cast %get3A_364 : vector<16xi32> to vector<16xi32>
    tpu.vector_store %arg14[%swap3A_365], %swap3A_368 {strides = array<i32>} : memref<128xi32, #tpu.memory_space<vmem>>, vector<16xi32>,
    %mul3A_369 = arith.constant 128 : i32
    %mul3A_370 = arith.muli %add3A_236, %mul3A_369 : i32
    %add3A_371 = arith.constant 64 : i32
    %add3A_372 = arith.addi %mul3A_370, %add3A_371 : i32
    %get3A_373 = arith.index_cast %add3A_372 : i32 to index
    %get3A_374 = tpu.vector_load %arg11[%get3A_373] {strides = array<i32>} : memref<512xi32, #tpu.memory_space<vmem>>, vector<16xi32>,
    %get3A_375 = vector.shape_cast %get3A_374 : vector<16xi32> to vector<16xi32>
    %swap3A_376 = arith.constant 64 : index
    %swap3A_377 = tpu.vector_load %arg14[%swap3A_376] {strides = array<i32>} : memref<128xi32, #tpu.memory_space<vmem>>, vector<16xi32>,
    %swap3A_378 = vector.shape_cast %swap3A_377 : vector<16xi32> to vector<16xi32>
    %swap3A_379 = vector.shape_cast %get3A_375 : vector<16xi32> to vector<16xi32>
    tpu.vector_store %arg14[%swap3A_376], %swap3A_379 {strides = array<i32>} : memref<128xi32, #tpu.memory_space<vmem>>, vector<16xi32>,
    %mul3A_380 = arith.constant 128 : i32
    %mul3A_381 = arith.muli %add3A_236, %mul3A_380 : i32
    %add3A_382 = arith.constant 80 : i32
    %add3A_383 = arith.addi %mul3A_381, %add3A_382 : i32
    %get3A_384 = arith.index_cast %add3A_383 : i32 to index
    %get3A_385 = tpu.vector_load %arg11[%get3A_384] {strides = array<i32>} : memref<512xi32, #tpu.memory_space<vmem>>, vector<16xi32>,
    %get3A_386 = vector.shape_cast %get3A_385 : vector<16xi32> to vector<16xi32>
    %swap3A_387 = arith.constant 80 : index
    %swap3A_388 = tpu.vector_load %arg14[%swap3A_387] {strides = array<i32>} : memref<128xi32, #tpu.memory_space<vmem>>, vector<16xi32>,
    %swap3A_389 = vector.shape_cast %swap3A_388 : vector<16xi32> to vector<16xi32>
    %swap3A_390 = vector.shape_cast %get3A_386 : vector<16xi32> to vector<16xi32>
    tpu.vector_store %arg14[%swap3A_387], %swap3A_390 {strides = array<i32>} : memref<128xi32, #tpu.memory_space<vmem>>, vector<16xi32>,
    %mul3A_391 = arith.constant 128 : i32
    %mul3A_392 = arith.muli %add3A_236, %mul3A_391 : i32
    %add3A_393 = arith.constant 96 : i32
    %add3A_394 = arith.addi %mul3A_392, %add3A_393 : i32
    %get3A_395 = arith.index_cast %add3A_394 : i32 to index
    %get3A_396 = tpu.vector_load %arg11[%get3A_395] {strides = array<i32>} : memref<512xi32, #tpu.memory_space<vmem>>, vector<16xi32>,
    %get3A_397 = vector.shape_cast %get3A_396 : vector<16xi32> to vector<16xi32>
    %swap3A_398 = arith.constant 96 : index
    %swap3A_399 = tpu.vector_load %arg14[%swap3A_398] {strides = array<i32>} : memref<128xi32, #tpu.memory_space<vmem>>, vector<16xi32>,
    %swap3A_400 = vector.shape_cast %swap3A_399 : vector<16xi32> to vector<16xi32>
    %swap3A_401 = vector.shape_cast %get3A_397 : vector<16xi32> to vector<16xi32>
    tpu.vector_store %arg14[%swap3A_398], %swap3A_401 {strides = array<i32>} : memref<128xi32, #tpu.memory_space<vmem>>, vector<16xi32>,
    %mul3A_402 = arith.constant 128 : i32
    %mul3A_403 = arith.muli %add3A_236, %mul3A_402 : i32
    %add3A_404 = arith.constant 112 : i32
    %add3A_405 = arith.addi %mul3A_403, %add3A_404 : i32
    %get3A_406 = arith.index_cast %add3A_405 : i32 to index
    %get3A_407 = tpu.vector_load %arg11[%get3A_406] {strides = array<i32>} : memref<512xi32, #tpu.memory_space<vmem>>, vector<16xi32>,
    %get3A_408 = vector.shape_cast %get3A_407 : vector<16xi32> to vector<16xi32>
    %swap3A_409 = arith.constant 112 : index
    %swap3A_410 = tpu.vector_load %arg14[%swap3A_409] {strides = array<i32>} : memref<128xi32, #tpu.memory_space<vmem>>, vector<16xi32>,
    %swap3A_411 = vector.shape_cast %swap3A_410 : vector<16xi32> to vector<16xi32>
    %swap3A_412 = vector.shape_cast %get3A_408 : vector<16xi32> to vector<16xi32>
    tpu.vector_store %arg14[%swap3A_409], %swap3A_412 {strides = array<i32>} : memref<128xi32, #tpu.memory_space<vmem>>, vector<16xi32>,
    "tpu.region"() ({
      %run_scoped3A = tpu.sem_alloc : memref<!tpu.dma_semaphore, #tpu.memory_space<semaphore_mem>>
      %dma_start3A_658 = arith.constant 0 : i32
      %dma_start3A_659 = arith.constant 0 : i32
      %dma_start3A_660 = tpu.memref_slice %arg8[%dma_start3A_658, %dma_start3A_659] : memref<640x128xf32, #tpu.memory_space<vmem_shared>> -> memref<640x128xf32, #tpu.memory_space<vmem_shared>>
      tpu.enqueue_indirect_dma source(%arg16 : memref<128x128xf32, #tpu.memory_space<vmem>>) target(%dma_start3A_660 : memref<640x128xf32, #tpu.memory_space<vmem_shared>>) offsets(%arg13 : memref<128xi32, #tpu.memory_space<vmem>>) semaphore(%run_scoped3A : memref<!tpu.dma_semaphore, #tpu.memory_space<semaphore_mem>>) {add = true}
      %dma_wait3A_661 = arith.constant 0 : i32
      %dma_wait3A_662 = arith.constant 0 : i32
      %dma_wait3A_663 = tpu.memref_slice %arg8[%dma_wait3A_661, %dma_wait3A_662] : memref<640x128xf32, #tpu.memory_space<vmem_shared>> -> memref<640x128xf32, #tpu.memory_space<vmem_shared>>
      tpu.wait_indirect_dma semaphore(%run_scoped3A : memref<!tpu.dma_semaphore, #tpu.memory_space<semaphore_mem>>) src(%arg16 : memref<128x128xf32, #tpu.memory_space<vmem>>) dst(%dma_wait3A_663 : memref<640x128xf32, #tpu.memory_space<vmem_shared>>)
      tpu.yield
    }) : () -> ()
    "tpu.region"() ({
      %run_scoped3A = tpu.sem_alloc : memref<!tpu.dma_semaphore, #tpu.memory_space<semaphore_mem>>
      %dma_start3A_658 = arith.constant 0 : i32
      %dma_start3A_659 = arith.constant 0 : i32
      %dma_start3A_660 = tpu.memref_slice %arg9[%dma_start3A_658, %dma_start3A_659] : memref<640x128xf32, #tpu.memory_space<vmem_shared>> -> memref<640x128xf32, #tpu.memory_space<vmem_shared>>
      tpu.enqueue_indirect_dma source(%arg17 : memref<128x128xf32, #tpu.memory_space<vmem>>) target(%dma_start3A_660 : memref<640x128xf32, #tpu.memory_space<vmem_shared>>) offsets(%arg14 : memref<128xi32, #tpu.memory_space<vmem>>) semaphore(%run_scoped3A : memref<!tpu.dma_semaphore, #tpu.memory_space<semaphore_mem>>) {add = true}
      %dma_wait3A_661 = arith.constant 0 : i32
      %dma_wait3A_662 = arith.constant 0 : i32
      %dma_wait3A_663 = tpu.memref_slice %arg9[%dma_wait3A_661, %dma_wait3A_662] : memref<640x128xf32, #tpu.memory_space<vmem_shared>> -> memref<640x128xf32, #tpu.memory_space<vmem_shared>>
      tpu.wait_indirect_dma semaphore(%run_scoped3A : memref<!tpu.dma_semaphore, #tpu.memory_space<semaphore_mem>>) src(%arg17 : memref<128x128xf32, #tpu.memory_space<vmem>>) dst(%dma_wait3A_663 : memref<640x128xf32, #tpu.memory_space<vmem_shared>>)
      tpu.yield
    }) : () -> ()
    %scan3A_413 = arith.constant 1 : i32
    %dma_start3A_414 = arith.constant 384 : i32
    %dma_start3A_415 = tpu.memref_slice %arg10[%dma_start3A_414] : memref<512xi32, #tpu.memory_space<vmem>> -> memref<128xi32, #tpu.memory_space<vmem>>
    %dma_start3A_416 = arith.constant 0 : i32
    %dma_start3A_417 = arith.constant 0 : i32
    %dma_start3A_418 = tpu.memref_slice %arg2[%dma_start3A_416, %dma_start3A_417] : memref<1500x128xf32, #tpu.memory_space<hbm>> -> memref<1500x128xf32, #tpu.memory_space<hbm>>
    tpu.enqueue_indirect_dma source(%dma_start3A_418 : memref<1500x128xf32, #tpu.memory_space<hbm>>) target(%arg16 : memref<128x128xf32, #tpu.memory_space<vmem>>) offsets(%dma_start3A_415 : memref<128xi32, #tpu.memory_space<vmem>>) semaphore(%arg19 : memref<!tpu.dma_semaphore, #tpu.memory_space<semaphore_mem>>)
    %dma_wait3A_419 = arith.constant 256 : i32
    %dma_wait3A_420 = tpu.memref_slice %arg10[%dma_wait3A_419] : memref<512xi32, #tpu.memory_space<vmem>> -> memref<128xi32, #tpu.memory_space<vmem>>
    %dma_wait3A_421 = arith.constant 0 : i32
    %dma_wait3A_422 = arith.constant 0 : i32
    %dma_wait3A_423 = tpu.memref_slice %arg2[%dma_wait3A_421, %dma_wait3A_422] : memref<1500x128xf32, #tpu.memory_space<hbm>> -> memref<1500x128xf32, #tpu.memory_space<hbm>>
    tpu.wait_indirect_dma semaphore(%arg18 : memref<!tpu.dma_semaphore, #tpu.memory_space<semaphore_mem>>) src(%dma_wait3A_423 : memref<1500x128xf32, #tpu.memory_space<hbm>>) dst(%arg15 : memref<128x128xf32, #tpu.memory_space<vmem>>)
    %get3A_424 = arith.constant 256 : index
    %get3A_425 = tpu.vector_load %arg11[%get3A_424] {strides = array<i32>} : memref<512xi32, #tpu.memory_space<vmem>>, vector<16xi32>,
    %get3A_426 = vector.shape_cast %get3A_425 : vector<16xi32> to vector<16xi32>
    %swap3A_427 = arith.constant 0 : index
    %swap3A_428 = tpu.vector_load %arg13[%swap3A_427] {strides = array<i32>} : memref<128xi32, #tpu.memory_space<vmem>>, vector<16xi32>,
    %swap3A_429 = vector.shape_cast %swap3A_428 : vector<16xi32> to vector<16xi32>
    %swap3A_430 = vector.shape_cast %get3A_426 : vector<16xi32> to vector<16xi32>
    tpu.vector_store %arg13[%swap3A_427], %swap3A_430 {strides = array<i32>} : memref<128xi32, #tpu.memory_space<vmem>>, vector<16xi32>,
    %get3A_431 = arith.constant 272 : index
    %get3A_432 = tpu.vector_load %arg11[%get3A_431] {strides = array<i32>} : memref<512xi32, #tpu.memory_space<vmem>>, vector<16xi32>,
    %get3A_433 = vector.shape_cast %get3A_432 : vector<16xi32> to vector<16xi32>
    %swap3A_434 = arith.constant 16 : index
    %swap3A_435 = tpu.vector_load %arg13[%swap3A_434] {strides = array<i32>} : memref<128xi32, #tpu.memory_space<vmem>>, vector<16xi32>,
    %swap3A_436 = vector.shape_cast %swap3A_435 : vector<16xi32> to vector<16xi32>
    %swap3A_437 = vector.shape_cast %get3A_433 : vector<16xi32> to vector<16xi32>
    tpu.vector_store %arg13[%swap3A_434], %swap3A_437 {strides = array<i32>} : memref<128xi32, #tpu.memory_space<vmem>>, vector<16xi32>,
    %get3A_438 = arith.constant 288 : index
    %get3A_439 = tpu.vector_load %arg11[%get3A_438] {strides = array<i32>} : memref<512xi32, #tpu.memory_space<vmem>>, vector<16xi32>,
    %get3A_440 = vector.shape_cast %get3A_439 : vector<16xi32> to vector<16xi32>
    %swap3A_441 = arith.constant 32 : index
    %swap3A_442 = tpu.vector_load %arg13[%swap3A_441] {strides = array<i32>} : memref<128xi32, #tpu.memory_space<vmem>>, vector<16xi32>,
    %swap3A_443 = vector.shape_cast %swap3A_442 : vector<16xi32> to vector<16xi32>
    %swap3A_444 = vector.shape_cast %get3A_440 : vector<16xi32> to vector<16xi32>
    tpu.vector_store %arg13[%swap3A_441], %swap3A_444 {strides = array<i32>} : memref<128xi32, #tpu.memory_space<vmem>>, vector<16xi32>,
    %get3A_445 = arith.constant 304 : index
    %get3A_446 = tpu.vector_load %arg11[%get3A_445] {strides = array<i32>} : memref<512xi32, #tpu.memory_space<vmem>>, vector<16xi32>,
    %get3A_447 = vector.shape_cast %get3A_446 : vector<16xi32> to vector<16xi32>
    %swap3A_448 = arith.constant 48 : index
    %swap3A_449 = tpu.vector_load %arg13[%swap3A_448] {strides = array<i32>} : memref<128xi32, #tpu.memory_space<vmem>>, vector<16xi32>,
    %swap3A_450 = vector.shape_cast %swap3A_449 : vector<16xi32> to vector<16xi32>
    %swap3A_451 = vector.shape_cast %get3A_447 : vector<16xi32> to vector<16xi32>
    tpu.vector_store %arg13[%swap3A_448], %swap3A_451 {strides = array<i32>} : memref<128xi32, #tpu.memory_space<vmem>>, vector<16xi32>,
    %get3A_452 = arith.constant 320 : index
    %get3A_453 = tpu.vector_load %arg11[%get3A_452] {strides = array<i32>} : memref<512xi32, #tpu.memory_space<vmem>>, vector<16xi32>,
    %get3A_454 = vector.shape_cast %get3A_453 : vector<16xi32> to vector<16xi32>
    %swap3A_455 = arith.constant 64 : index
    %swap3A_456 = tpu.vector_load %arg13[%swap3A_455] {strides = array<i32>} : memref<128xi32, #tpu.memory_space<vmem>>, vector<16xi32>,
    %swap3A_457 = vector.shape_cast %swap3A_456 : vector<16xi32> to vector<16xi32>
    %swap3A_458 = vector.shape_cast %get3A_454 : vector<16xi32> to vector<16xi32>
    tpu.vector_store %arg13[%swap3A_455], %swap3A_458 {strides = array<i32>} : memref<128xi32, #tpu.memory_space<vmem>>, vector<16xi32>,
    %get3A_459 = arith.constant 336 : index
    %get3A_460 = tpu.vector_load %arg11[%get3A_459] {strides = array<i32>} : memref<512xi32, #tpu.memory_space<vmem>>, vector<16xi32>,
    %get3A_461 = vector.shape_cast %get3A_460 : vector<16xi32> to vector<16xi32>
    %swap3A_462 = arith.constant 80 : index
    %swap3A_463 = tpu.vector_load %arg13[%swap3A_462] {strides = array<i32>} : memref<128xi32, #tpu.memory_space<vmem>>, vector<16xi32>,
    %swap3A_464 = vector.shape_cast %swap3A_463 : vector<16xi32> to vector<16xi32>
    %swap3A_465 = vector.shape_cast %get3A_461 : vector<16xi32> to vector<16xi32>
    tpu.vector_store %arg13[%swap3A_462], %swap3A_465 {strides = array<i32>} : memref<128xi32, #tpu.memory_space<vmem>>, vector<16xi32>,
    %get3A_466 = arith.constant 352 : index
    %get3A_467 = tpu.vector_load %arg11[%get3A_466] {strides = array<i32>} : memref<512xi32, #tpu.memory_space<vmem>>, vector<16xi32>,
    %get3A_468 = vector.shape_cast %get3A_467 : vector<16xi32> to vector<16xi32>
    %swap3A_469 = arith.constant 96 : index
    %swap3A_470 = tpu.vector_load %arg13[%swap3A_469] {strides = array<i32>} : memref<128xi32, #tpu.memory_space<vmem>>, vector<16xi32>,
    %swap3A_471 = vector.shape_cast %swap3A_470 : vector<16xi32> to vector<16xi32>
    %swap3A_472 = vector.shape_cast %get3A_468 : vector<16xi32> to vector<16xi32>
    tpu.vector_store %arg13[%swap3A_469], %swap3A_472 {strides = array<i32>} : memref<128xi32, #tpu.memory_space<vmem>>, vector<16xi32>,
    %get3A_473 = arith.constant 368 : index
    %get3A_474 = tpu.vector_load %arg11[%get3A_473] {strides = array<i32>} : memref<512xi32, #tpu.memory_space<vmem>>, vector<16xi32>,
    %get3A_475 = vector.shape_cast %get3A_474 : vector<16xi32> to vector<16xi32>
    %swap3A_476 = arith.constant 112 : index
    %swap3A_477 = tpu.vector_load %arg13[%swap3A_476] {strides = array<i32>} : memref<128xi32, #tpu.memory_space<vmem>>, vector<16xi32>,
    %swap3A_478 = vector.shape_cast %swap3A_477 : vector<16xi32> to vector<16xi32>
    %swap3A_479 = vector.shape_cast %get3A_475 : vector<16xi32> to vector<16xi32>
    tpu.vector_store %arg13[%swap3A_476], %swap3A_479 {strides = array<i32>} : memref<128xi32, #tpu.memory_space<vmem>>, vector<16xi32>,
    %get3A_480 = arith.constant 256 : index
    %get3A_481 = tpu.vector_load %arg11[%get3A_480] {strides = array<i32>} : memref<512xi32, #tpu.memory_space<vmem>>, vector<16xi32>,
    %get3A_482 = vector.shape_cast %get3A_481 : vector<16xi32> to vector<16xi32>
    %swap3A_483 = arith.constant 0 : index
    %swap3A_484 = tpu.vector_load %arg14[%swap3A_483] {strides = array<i32>} : memref<128xi32, #tpu.memory_space<vmem>>, vector<16xi32>,
    %swap3A_485 = vector.shape_cast %swap3A_484 : vector<16xi32> to vector<16xi32>
    %swap3A_486 = vector.shape_cast %get3A_482 : vector<16xi32> to vector<16xi32>
    tpu.vector_store %arg14[%swap3A_483], %swap3A_486 {strides = array<i32>} : memref<128xi32, #tpu.memory_space<vmem>>, vector<16xi32>,
    %get3A_487 = arith.constant 272 : index
    %get3A_488 = tpu.vector_load %arg11[%get3A_487] {strides = array<i32>} : memref<512xi32, #tpu.memory_space<vmem>>, vector<16xi32>,
    %get3A_489 = vector.shape_cast %get3A_488 : vector<16xi32> to vector<16xi32>
    %swap3A_490 = arith.constant 16 : index
    %swap3A_491 = tpu.vector_load %arg14[%swap3A_490] {strides = array<i32>} : memref<128xi32, #tpu.memory_space<vmem>>, vector<16xi32>,
    %swap3A_492 = vector.shape_cast %swap3A_491 : vector<16xi32> to vector<16xi32>
    %swap3A_493 = vector.shape_cast %get3A_489 : vector<16xi32> to vector<16xi32>
    tpu.vector_store %arg14[%swap3A_490], %swap3A_493 {strides = array<i32>} : memref<128xi32, #tpu.memory_space<vmem>>, vector<16xi32>,
    %get3A_494 = arith.constant 288 : index
    %get3A_495 = tpu.vector_load %arg11[%get3A_494] {strides = array<i32>} : memref<512xi32, #tpu.memory_space<vmem>>, vector<16xi32>,
    %get3A_496 = vector.shape_cast %get3A_495 : vector<16xi32> to vector<16xi32>
    %swap3A_497 = arith.constant 32 : index
    %swap3A_498 = tpu.vector_load %arg14[%swap3A_497] {strides = array<i32>} : memref<128xi32, #tpu.memory_space<vmem>>, vector<16xi32>,
    %swap3A_499 = vector.shape_cast %swap3A_498 : vector<16xi32> to vector<16xi32>
    %swap3A_500 = vector.shape_cast %get3A_496 : vector<16xi32> to vector<16xi32>
    tpu.vector_store %arg14[%swap3A_497], %swap3A_500 {strides = array<i32>} : memref<128xi32, #tpu.memory_space<vmem>>, vector<16xi32>,
    %get3A_501 = arith.constant 304 : index
    %get3A_502 = tpu.vector_load %arg11[%get3A_501] {strides = array<i32>} : memref<512xi32, #tpu.memory_space<vmem>>, vector<16xi32>,
    %get3A_503 = vector.shape_cast %get3A_502 : vector<16xi32> to vector<16xi32>
    %swap3A_504 = arith.constant 48 : index
    %swap3A_505 = tpu.vector_load %arg14[%swap3A_504] {strides = array<i32>} : memref<128xi32, #tpu.memory_space<vmem>>, vector<16xi32>,
    %swap3A_506 = vector.shape_cast %swap3A_505 : vector<16xi32> to vector<16xi32>
    %swap3A_507 = vector.shape_cast %get3A_503 : vector<16xi32> to vector<16xi32>
    tpu.vector_store %arg14[%swap3A_504], %swap3A_507 {strides = array<i32>} : memref<128xi32, #tpu.memory_space<vmem>>, vector<16xi32>,
    %get3A_508 = arith.constant 320 : index
    %get3A_509 = tpu.vector_load %arg11[%get3A_508] {strides = array<i32>} : memref<512xi32, #tpu.memory_space<vmem>>, vector<16xi32>,
    %get3A_510 = vector.shape_cast %get3A_509 : vector<16xi32> to vector<16xi32>
    %swap3A_511 = arith.constant 64 : index
    %swap3A_512 = tpu.vector_load %arg14[%swap3A_511] {strides = array<i32>} : memref<128xi32, #tpu.memory_space<vmem>>, vector<16xi32>,
    %swap3A_513 = vector.shape_cast %swap3A_512 : vector<16xi32> to vector<16xi32>
    %swap3A_514 = vector.shape_cast %get3A_510 : vector<16xi32> to vector<16xi32>
    tpu.vector_store %arg14[%swap3A_511], %swap3A_514 {strides = array<i32>} : memref<128xi32, #tpu.memory_space<vmem>>, vector<16xi32>,
    %get3A_515 = arith.constant 336 : index
    %get3A_516 = tpu.vector_load %arg11[%get3A_515] {strides = array<i32>} : memref<512xi32, #tpu.memory_space<vmem>>, vector<16xi32>,
    %get3A_517 = vector.shape_cast %get3A_516 : vector<16xi32> to vector<16xi32>
    %swap3A_518 = arith.constant 80 : index
    %swap3A_519 = tpu.vector_load %arg14[%swap3A_518] {strides = array<i32>} : memref<128xi32, #tpu.memory_space<vmem>>, vector<16xi32>,
    %swap3A_520 = vector.shape_cast %swap3A_519 : vector<16xi32> to vector<16xi32>
    %swap3A_521 = vector.shape_cast %get3A_517 : vector<16xi32> to vector<16xi32>
    tpu.vector_store %arg14[%swap3A_518], %swap3A_521 {strides = array<i32>} : memref<128xi32, #tpu.memory_space<vmem>>, vector<16xi32>,
    %get3A_522 = arith.constant 352 : index
    %get3A_523 = tpu.vector_load %arg11[%get3A_522] {strides = array<i32>} : memref<512xi32, #tpu.memory_space<vmem>>, vector<16xi32>,
    %get3A_524 = vector.shape_cast %get3A_523 : vector<16xi32> to vector<16xi32>
    %swap3A_525 = arith.constant 96 : index
    %swap3A_526 = tpu.vector_load %arg14[%swap3A_525] {strides = array<i32>} : memref<128xi32, #tpu.memory_space<vmem>>, vector<16xi32>,
    %swap3A_527 = vector.shape_cast %swap3A_526 : vector<16xi32> to vector<16xi32>
    %swap3A_528 = vector.shape_cast %get3A_524 : vector<16xi32> to vector<16xi32>
    tpu.vector_store %arg14[%swap3A_525], %swap3A_528 {strides = array<i32>} : memref<128xi32, #tpu.memory_space<vmem>>, vector<16xi32>,
    %get3A_529 = arith.constant 368 : index
    %get3A_530 = tpu.vector_load %arg11[%get3A_529] {strides = array<i32>} : memref<512xi32, #tpu.memory_space<vmem>>, vector<16xi32>,
    %get3A_531 = vector.shape_cast %get3A_530 : vector<16xi32> to vector<16xi32>
    %swap3A_532 = arith.constant 112 : index
    %swap3A_533 = tpu.vector_load %arg14[%swap3A_532] {strides = array<i32>} : memref<128xi32, #tpu.memory_space<vmem>>, vector<16xi32>,
    %swap3A_534 = vector.shape_cast %swap3A_533 : vector<16xi32> to vector<16xi32>
    %swap3A_535 = vector.shape_cast %get3A_531 : vector<16xi32> to vector<16xi32>
    tpu.vector_store %arg14[%swap3A_532], %swap3A_535 {strides = array<i32>} : memref<128xi32, #tpu.memory_space<vmem>>, vector<16xi32>,
    "tpu.region"() ({
      %run_scoped3A = tpu.sem_alloc : memref<!tpu.dma_semaphore, #tpu.memory_space<semaphore_mem>>
      %dma_start3A_658 = arith.constant 0 : i32
      %dma_start3A_659 = arith.constant 0 : i32
      %dma_start3A_660 = tpu.memref_slice %arg8[%dma_start3A_658, %dma_start3A_659] : memref<640x128xf32, #tpu.memory_space<vmem_shared>> -> memref<640x128xf32, #tpu.memory_space<vmem_shared>>
      tpu.enqueue_indirect_dma source(%arg15 : memref<128x128xf32, #tpu.memory_space<vmem>>) target(%dma_start3A_660 : memref<640x128xf32, #tpu.memory_space<vmem_shared>>) offsets(%arg13 : memref<128xi32, #tpu.memory_space<vmem>>) semaphore(%run_scoped3A : memref<!tpu.dma_semaphore, #tpu.memory_space<semaphore_mem>>) {add = true}
      %dma_wait3A_661 = arith.constant 0 : i32
      %dma_wait3A_662 = arith.constant 0 : i32
      %dma_wait3A_663 = tpu.memref_slice %arg8[%dma_wait3A_661, %dma_wait3A_662] : memref<640x128xf32, #tpu.memory_space<vmem_shared>> -> memref<640x128xf32, #tpu.memory_space<vmem_shared>>
      tpu.wait_indirect_dma semaphore(%run_scoped3A : memref<!tpu.dma_semaphore, #tpu.memory_space<semaphore_mem>>) src(%arg15 : memref<128x128xf32, #tpu.memory_space<vmem>>) dst(%dma_wait3A_663 : memref<640x128xf32, #tpu.memory_space<vmem_shared>>)
      tpu.yield
    }) : () -> ()
    "tpu.region"() ({
      %run_scoped3A = tpu.sem_alloc : memref<!tpu.dma_semaphore, #tpu.memory_space<semaphore_mem>>
      %dma_start3A_658 = arith.constant 0 : i32
      %dma_start3A_659 = arith.constant 0 : i32
      %dma_start3A_660 = tpu.memref_slice %arg9[%dma_start3A_658, %dma_start3A_659] : memref<640x128xf32, #tpu.memory_space<vmem_shared>> -> memref<640x128xf32, #tpu.memory_space<vmem_shared>>
      tpu.enqueue_indirect_dma source(%arg17 : memref<128x128xf32, #tpu.memory_space<vmem>>) target(%dma_start3A_660 : memref<640x128xf32, #tpu.memory_space<vmem_shared>>) offsets(%arg14 : memref<128xi32, #tpu.memory_space<vmem>>) semaphore(%run_scoped3A : memref<!tpu.dma_semaphore, #tpu.memory_space<semaphore_mem>>) {add = true}
      %dma_wait3A_661 = arith.constant 0 : i32
      %dma_wait3A_662 = arith.constant 0 : i32
      %dma_wait3A_663 = tpu.memref_slice %arg9[%dma_wait3A_661, %dma_wait3A_662] : memref<640x128xf32, #tpu.memory_space<vmem_shared>> -> memref<640x128xf32, #tpu.memory_space<vmem_shared>>
      tpu.wait_indirect_dma semaphore(%run_scoped3A : memref<!tpu.dma_semaphore, #tpu.memory_space<semaphore_mem>>) src(%arg17 : memref<128x128xf32, #tpu.memory_space<vmem>>) dst(%dma_wait3A_663 : memref<640x128xf32, #tpu.memory_space<vmem_shared>>)
      tpu.yield
    }) : () -> ()
    %dma_wait3A_536 = arith.constant 384 : i32
    %dma_wait3A_537 = tpu.memref_slice %arg10[%dma_wait3A_536] : memref<512xi32, #tpu.memory_space<vmem>> -> memref<128xi32, #tpu.memory_space<vmem>>
    %dma_wait3A_538 = arith.constant 0 : i32
    %dma_wait3A_539 = arith.constant 0 : i32
    %dma_wait3A_540 = tpu.memref_slice %arg2[%dma_wait3A_538, %dma_wait3A_539] : memref<1500x128xf32, #tpu.memory_space<hbm>> -> memref<1500x128xf32, #tpu.memory_space<hbm>>
    tpu.wait_indirect_dma semaphore(%arg19 : memref<!tpu.dma_semaphore, #tpu.memory_space<semaphore_mem>>) src(%dma_wait3A_540 : memref<1500x128xf32, #tpu.memory_space<hbm>>) dst(%arg16 : memref<128x128xf32, #tpu.memory_space<vmem>>)
    %get3A_541 = arith.constant 384 : index
    %get3A_542 = tpu.vector_load %arg11[%get3A_541] {strides = array<i32>} : memref<512xi32, #tpu.memory_space<vmem>>, vector<16xi32>,
    %get3A_543 = vector.shape_cast %get3A_542 : vector<16xi32> to vector<16xi32>
    %swap3A_544 = arith.constant 0 : index
    %swap3A_545 = tpu.vector_load %arg13[%swap3A_544] {strides = array<i32>} : memref<128xi32, #tpu.memory_space<vmem>>, vector<16xi32>,
    %swap3A_546 = vector.shape_cast %swap3A_545 : vector<16xi32> to vector<16xi32>
    %swap3A_547 = vector.shape_cast %get3A_543 : vector<16xi32> to vector<16xi32>
    tpu.vector_store %arg13[%swap3A_544], %swap3A_547 {strides = array<i32>} : memref<128xi32, #tpu.memory_space<vmem>>, vector<16xi32>,
    %get3A_548 = arith.constant 400 : index
    %get3A_549 = tpu.vector_load %arg11[%get3A_548] {strides = array<i32>} : memref<512xi32, #tpu.memory_space<vmem>>, vector<16xi32>,
    %get3A_550 = vector.shape_cast %get3A_549 : vector<16xi32> to vector<16xi32>
    %swap3A_551 = arith.constant 16 : index
    %swap3A_552 = tpu.vector_load %arg13[%swap3A_551] {strides = array<i32>} : memref<128xi32, #tpu.memory_space<vmem>>, vector<16xi32>,
    %swap3A_553 = vector.shape_cast %swap3A_552 : vector<16xi32> to vector<16xi32>
    %swap3A_554 = vector.shape_cast %get3A_550 : vector<16xi32> to vector<16xi32>
    tpu.vector_store %arg13[%swap3A_551], %swap3A_554 {strides = array<i32>} : memref<128xi32, #tpu.memory_space<vmem>>, vector<16xi32>,
    %get3A_555 = arith.constant 416 : index
    %get3A_556 = tpu.vector_load %arg11[%get3A_555] {strides = array<i32>} : memref<512xi32, #tpu.memory_space<vmem>>, vector<16xi32>,
    %get3A_557 = vector.shape_cast %get3A_556 : vector<16xi32> to vector<16xi32>
    %swap3A_558 = arith.constant 32 : index
    %swap3A_559 = tpu.vector_load %arg13[%swap3A_558] {strides = array<i32>} : memref<128xi32, #tpu.memory_space<vmem>>, vector<16xi32>,
    %swap3A_560 = vector.shape_cast %swap3A_559 : vector<16xi32> to vector<16xi32>
    %swap3A_561 = vector.shape_cast %get3A_557 : vector<16xi32> to vector<16xi32>
    tpu.vector_store %arg13[%swap3A_558], %swap3A_561 {strides = array<i32>} : memref<128xi32, #tpu.memory_space<vmem>>, vector<16xi32>,
    %get3A_562 = arith.constant 432 : index
    %get3A_563 = tpu.vector_load %arg11[%get3A_562] {strides = array<i32>} : memref<512xi32, #tpu.memory_space<vmem>>, vector<16xi32>,
    %get3A_564 = vector.shape_cast %get3A_563 : vector<16xi32> to vector<16xi32>
    %swap3A_565 = arith.constant 48 : index
    %swap3A_566 = tpu.vector_load %arg13[%swap3A_565] {strides = array<i32>} : memref<128xi32, #tpu.memory_space<vmem>>, vector<16xi32>,
    %swap3A_567 = vector.shape_cast %swap3A_566 : vector<16xi32> to vector<16xi32>
    %swap3A_568 = vector.shape_cast %get3A_564 : vector<16xi32> to vector<16xi32>
    tpu.vector_store %arg13[%swap3A_565], %swap3A_568 {strides = array<i32>} : memref<128xi32, #tpu.memory_space<vmem>>, vector<16xi32>,
    %get3A_569 = arith.constant 448 : index
    %get3A_570 = tpu.vector_load %arg11[%get3A_569] {strides = array<i32>} : memref<512xi32, #tpu.memory_space<vmem>>, vector<16xi32>,
    %get3A_571 = vector.shape_cast %get3A_570 : vector<16xi32> to vector<16xi32>
    %swap3A_572 = arith.constant 64 : index
    %swap3A_573 = tpu.vector_load %arg13[%swap3A_572] {strides = array<i32>} : memref<128xi32, #tpu.memory_space<vmem>>, vector<16xi32>,
    %swap3A_574 = vector.shape_cast %swap3A_573 : vector<16xi32> to vector<16xi32>
    %swap3A_575 = vector.shape_cast %get3A_571 : vector<16xi32> to vector<16xi32>
    tpu.vector_store %arg13[%swap3A_572], %swap3A_575 {strides = array<i32>} : memref<128xi32, #tpu.memory_space<vmem>>, vector<16xi32>,
    %get3A_576 = arith.constant 464 : index
    %get3A_577 = tpu.vector_load %arg11[%get3A_576] {strides = array<i32>} : memref<512xi32, #tpu.memory_space<vmem>>, vector<16xi32>,
    %get3A_578 = vector.shape_cast %get3A_577 : vector<16xi32> to vector<16xi32>
    %swap3A_579 = arith.constant 80 : index
    %swap3A_580 = tpu.vector_load %arg13[%swap3A_579] {strides = array<i32>} : memref<128xi32, #tpu.memory_space<vmem>>, vector<16xi32>,
    %swap3A_581 = vector.shape_cast %swap3A_580 : vector<16xi32> to vector<16xi32>
    %swap3A_582 = vector.shape_cast %get3A_578 : vector<16xi32> to vector<16xi32>
    tpu.vector_store %arg13[%swap3A_579], %swap3A_582 {strides = array<i32>} : memref<128xi32, #tpu.memory_space<vmem>>, vector<16xi32>,
    %get3A_583 = arith.constant 480 : index
    %get3A_584 = tpu.vector_load %arg11[%get3A_583] {strides = array<i32>} : memref<512xi32, #tpu.memory_space<vmem>>, vector<16xi32>,
    %get3A_585 = vector.shape_cast %get3A_584 : vector<16xi32> to vector<16xi32>
    %swap3A_586 = arith.constant 96 : index
    %swap3A_587 = tpu.vector_load %arg13[%swap3A_586] {strides = array<i32>} : memref<128xi32, #tpu.memory_space<vmem>>, vector<16xi32>,
    %swap3A_588 = vector.shape_cast %swap3A_587 : vector<16xi32> to vector<16xi32>
    %swap3A_589 = vector.shape_cast %get3A_585 : vector<16xi32> to vector<16xi32>
    tpu.vector_store %arg13[%swap3A_586], %swap3A_589 {strides = array<i32>} : memref<128xi32, #tpu.memory_space<vmem>>, vector<16xi32>,
    %get3A_590 = arith.constant 496 : index
    %get3A_591 = tpu.vector_load %arg11[%get3A_590] {strides = array<i32>} : memref<512xi32, #tpu.memory_space<vmem>>, vector<16xi32>,
    %get3A_592 = vector.shape_cast %get3A_591 : vector<16xi32> to vector<16xi32>
    %swap3A_593 = arith.constant 112 : index
    %swap3A_594 = tpu.vector_load %arg13[%swap3A_593] {strides = array<i32>} : memref<128xi32, #tpu.memory_space<vmem>>, vector<16xi32>,
    %swap3A_595 = vector.shape_cast %swap3A_594 : vector<16xi32> to vector<16xi32>
    %swap3A_596 = vector.shape_cast %get3A_592 : vector<16xi32> to vector<16xi32>
    tpu.vector_store %arg13[%swap3A_593], %swap3A_596 {strides = array<i32>} : memref<128xi32, #tpu.memory_space<vmem>>, vector<16xi32>,
    %get3A_597 = arith.constant 384 : index
    %get3A_598 = tpu.vector_load %arg11[%get3A_597] {strides = array<i32>} : memref<512xi32, #tpu.memory_space<vmem>>, vector<16xi32>,
    %get3A_599 = vector.shape_cast %get3A_598 : vector<16xi32> to vector<16xi32>
    %swap3A_600 = arith.constant 0 : index
    %swap3A_601 = tpu.vector_load %arg14[%swap3A_600] {strides = array<i32>} : memref<128xi32, #tpu.memory_space<vmem>>, vector<16xi32>,
    %swap3A_602 = vector.shape_cast %swap3A_601 : vector<16xi32> to vector<16xi32>
    %swap3A_603 = vector.shape_cast %get3A_599 : vector<16xi32> to vector<16xi32>
    tpu.vector_store %arg14[%swap3A_600], %swap3A_603 {strides = array<i32>} : memref<128xi32, #tpu.memory_space<vmem>>, vector<16xi32>,
    %get3A_604 = arith.constant 400 : index
    %get3A_605 = tpu.vector_load %arg11[%get3A_604] {strides = array<i32>} : memref<512xi32, #tpu.memory_space<vmem>>, vector<16xi32>,
    %get3A_606 = vector.shape_cast %get3A_605 : vector<16xi32> to vector<16xi32>
    %swap3A_607 = arith.constant 16 : index
    %swap3A_608 = tpu.vector_load %arg14[%swap3A_607] {strides = array<i32>} : memref<128xi32, #tpu.memory_space<vmem>>, vector<16xi32>,
    %swap3A_609 = vector.shape_cast %swap3A_608 : vector<16xi32> to vector<16xi32>
    %swap3A_610 = vector.shape_cast %get3A_606 : vector<16xi32> to vector<16xi32>
    tpu.vector_store %arg14[%swap3A_607], %swap3A_610 {strides = array<i32>} : memref<128xi32, #tpu.memory_space<vmem>>, vector<16xi32>,
    %get3A_611 = arith.constant 416 : index
    %get3A_612 = tpu.vector_load %arg11[%get3A_611] {strides = array<i32>} : memref<512xi32, #tpu.memory_space<vmem>>, vector<16xi32>,
    %get3A_613 = vector.shape_cast %get3A_612 : vector<16xi32> to vector<16xi32>
    %swap3A_614 = arith.constant 32 : index
    %swap3A_615 = tpu.vector_load %arg14[%swap3A_614] {strides = array<i32>} : memref<128xi32, #tpu.memory_space<vmem>>, vector<16xi32>,
    %swap3A_616 = vector.shape_cast %swap3A_615 : vector<16xi32> to vector<16xi32>
    %swap3A_617 = vector.shape_cast %get3A_613 : vector<16xi32> to vector<16xi32>
    tpu.vector_store %arg14[%swap3A_614], %swap3A_617 {strides = array<i32>} : memref<128xi32, #tpu.memory_space<vmem>>, vector<16xi32>,
    %get3A_618 = arith.constant 432 : index
    %get3A_619 = tpu.vector_load %arg11[%get3A_618] {strides = array<i32>} : memref<512xi32, #tpu.memory_space<vmem>>, vector<16xi32>,
    %get3A_620 = vector.shape_cast %get3A_619 : vector<16xi32> to vector<16xi32>
    %swap3A_621 = arith.constant 48 : index
    %swap3A_622 = tpu.vector_load %arg14[%swap3A_621] {strides = array<i32>} : memref<128xi32, #tpu.memory_space<vmem>>, vector<16xi32>,
    %swap3A_623 = vector.shape_cast %swap3A_622 : vector<16xi32> to vector<16xi32>
    %swap3A_624 = vector.shape_cast %get3A_620 : vector<16xi32> to vector<16xi32>
    tpu.vector_store %arg14[%swap3A_621], %swap3A_624 {strides = array<i32>} : memref<128xi32, #tpu.memory_space<vmem>>, vector<16xi32>,
    %get3A_625 = arith.constant 448 : index
    %get3A_626 = tpu.vector_load %arg11[%get3A_625] {strides = array<i32>} : memref<512xi32, #tpu.memory_space<vmem>>, vector<16xi32>,
    %get3A_627 = vector.shape_cast %get3A_626 : vector<16xi32> to vector<16xi32>
    %swap3A_628 = arith.constant 64 : index
    %swap3A_629 = tpu.vector_load %arg14[%swap3A_628] {strides = array<i32>} : memref<128xi32, #tpu.memory_space<vmem>>, vector<16xi32>,
    %swap3A_630 = vector.shape_cast %swap3A_629 : vector<16xi32> to vector<16xi32>
    %swap3A_631 = vector.shape_cast %get3A_627 : vector<16xi32> to vector<16xi32>
    tpu.vector_store %arg14[%swap3A_628], %swap3A_631 {strides = array<i32>} : memref<128xi32, #tpu.memory_space<vmem>>, vector<16xi32>,
    %get3A_632 = arith.constant 464 : index
    %get3A_633 = tpu.vector_load %arg11[%get3A_632] {strides = array<i32>} : memref<512xi32, #tpu.memory_space<vmem>>, vector<16xi32>,
    %get3A_634 = vector.shape_cast %get3A_633 : vector<16xi32> to vector<16xi32>
    %swap3A_635 = arith.constant 80 : index
    %swap3A_636 = tpu.vector_load %arg14[%swap3A_635] {strides = array<i32>} : memref<128xi32, #tpu.memory_space<vmem>>, vector<16xi32>,
    %swap3A_637 = vector.shape_cast %swap3A_636 : vector<16xi32> to vector<16xi32>
    %swap3A_638 = vector.shape_cast %get3A_634 : vector<16xi32> to vector<16xi32>
    tpu.vector_store %arg14[%swap3A_635], %swap3A_638 {strides = array<i32>} : memref<128xi32, #tpu.memory_space<vmem>>, vector<16xi32>,
    %get3A_639 = arith.constant 480 : index
    %get3A_640 = tpu.vector_load %arg11[%get3A_639] {strides = array<i32>} : memref<512xi32, #tpu.memory_space<vmem>>, vector<16xi32>,
    %get3A_641 = vector.shape_cast %get3A_640 : vector<16xi32> to vector<16xi32>
    %swap3A_642 = arith.constant 96 : index
    %swap3A_643 = tpu.vector_load %arg14[%swap3A_642] {strides = array<i32>} : memref<128xi32, #tpu.memory_space<vmem>>, vector<16xi32>,
    %swap3A_644 = vector.shape_cast %swap3A_643 : vector<16xi32> to vector<16xi32>
    %swap3A_645 = vector.shape_cast %get3A_641 : vector<16xi32> to vector<16xi32>
    tpu.vector_store %arg14[%swap3A_642], %swap3A_645 {strides = array<i32>} : memref<128xi32, #tpu.memory_space<vmem>>, vector<16xi32>,
    %get3A_646 = arith.constant 496 : index
    %get3A_647 = tpu.vector_load %arg11[%get3A_646] {strides = array<i32>} : memref<512xi32, #tpu.memory_space<vmem>>, vector<16xi32>,
    %get3A_648 = vector.shape_cast %get3A_647 : vector<16xi32> to vector<16xi32>
    %swap3A_649 = arith.constant 112 : index
    %swap3A_650 = tpu.vector_load %arg14[%swap3A_649] {strides = array<i32>} : memref<128xi32, #tpu.memory_space<vmem>>, vector<16xi32>,
    %swap3A_651 = vector.shape_cast %swap3A_650 : vector<16xi32> to vector<16xi32>
    %swap3A_652 = vector.shape_cast %get3A_648 : vector<16xi32> to vector<16xi32>
    tpu.vector_store %arg14[%swap3A_649], %swap3A_652 {strides = array<i32>} : memref<128xi32, #tpu.memory_space<vmem>>, vector<16xi32>,
    "tpu.region"() ({
      %run_scoped3A = tpu.sem_alloc : memref<!tpu.dma_semaphore, #tpu.memory_space<semaphore_mem>>
      %dma_start3A_658 = arith.constant 0 : i32
      %dma_start3A_659 = arith.constant 0 : i32
      %dma_start3A_660 = tpu.memref_slice %arg8[%dma_start3A_658, %dma_start3A_659] : memref<640x128xf32, #tpu.memory_space<vmem_shared>> -> memref<640x128xf32, #tpu.memory_space<vmem_shared>>
      tpu.enqueue_indirect_dma source(%arg16 : memref<128x128xf32, #tpu.memory_space<vmem>>) target(%dma_start3A_660 : memref<640x128xf32, #tpu.memory_space<vmem_shared>>) offsets(%arg13 : memref<128xi32, #tpu.memory_space<vmem>>) semaphore(%run_scoped3A : memref<!tpu.dma_semaphore, #tpu.memory_space<semaphore_mem>>) {add = true}
      %dma_wait3A_661 = arith.constant 0 : i32
      %dma_wait3A_662 = arith.constant 0 : i32
      %dma_wait3A_663 = tpu.memref_slice %arg8[%dma_wait3A_661, %dma_wait3A_662] : memref<640x128xf32, #tpu.memory_space<vmem_shared>> -> memref<640x128xf32, #tpu.memory_space<vmem_shared>>
      tpu.wait_indirect_dma semaphore(%run_scoped3A : memref<!tpu.dma_semaphore, #tpu.memory_space<semaphore_mem>>) src(%arg16 : memref<128x128xf32, #tpu.memory_space<vmem>>) dst(%dma_wait3A_663 : memref<640x128xf32, #tpu.memory_space<vmem_shared>>)
      tpu.yield
    }) : () -> ()
    "tpu.region"() ({
      %run_scoped3A = tpu.sem_alloc : memref<!tpu.dma_semaphore, #tpu.memory_space<semaphore_mem>>
      %dma_start3A_658 = arith.constant 0 : i32
      %dma_start3A_659 = arith.constant 0 : i32
      %dma_start3A_660 = tpu.memref_slice %arg9[%dma_start3A_658, %dma_start3A_659] : memref<640x128xf32, #tpu.memory_space<vmem_shared>> -> memref<640x128xf32, #tpu.memory_space<vmem_shared>>
      tpu.enqueue_indirect_dma source(%arg17 : memref<128x128xf32, #tpu.memory_space<vmem>>) target(%dma_start3A_660 : memref<640x128xf32, #tpu.memory_space<vmem_shared>>) offsets(%arg14 : memref<128xi32, #tpu.memory_space<vmem>>) semaphore(%run_scoped3A : memref<!tpu.dma_semaphore, #tpu.memory_space<semaphore_mem>>) {add = true}
      %dma_wait3A_661 = arith.constant 0 : i32
      %dma_wait3A_662 = arith.constant 0 : i32
      %dma_wait3A_663 = tpu.memref_slice %arg9[%dma_wait3A_661, %dma_wait3A_662] : memref<640x128xf32, #tpu.memory_space<vmem_shared>> -> memref<640x128xf32, #tpu.memory_space<vmem_shared>>
      tpu.wait_indirect_dma semaphore(%run_scoped3A : memref<!tpu.dma_semaphore, #tpu.memory_space<semaphore_mem>>) src(%arg17 : memref<128x128xf32, #tpu.memory_space<vmem>>) dst(%dma_wait3A_663 : memref<640x128xf32, #tpu.memory_space<vmem_shared>>)
      tpu.yield
    }) : () -> ()
    %barrier3A_653 = arith.constant 0 : index
    tpu.barrier barrier_id(%barrier3A_653)
    %mul3A_654 = arith.constant 40 : i32
    %mul3A_655 = arith.muli %arg1, %mul3A_654 : i32
    %add3A_656 = arith.constant 0 : i32
    %add3A_657 = arith.addi %mul3A_655, %add3A_656 : i32
    "tpu.region"() ({
      %run_scoped3A = tpu.sem_alloc : memref<!tpu.dma_semaphore, #tpu.memory_space<semaphore_mem>>
      %dma_start3A_658 = arith.constant 0 : i32
      %dma_start3A_659 = tpu.memref_slice %arg6[%arg0, %add3A_657, %dma_start3A_658] : memref<2x640x128xf32, #tpu.memory_space<hbm>> -> memref<1x40x128xf32, #tpu.memory_space<hbm>>
      %dma_start3A_660 = tpu.memref_squeeze %dma_start3A_659 : memref<1x40x128xf32, #tpu.memory_space<hbm>> -> memref<40x128xf32, #tpu.memory_space<hbm>>
      %dma_start3A_661 = arith.constant 0 : i32
      %dma_start3A_662 = tpu.memref_slice %arg8[%add3A_657, %dma_start3A_661] : memref<640x128xf32, #tpu.memory_space<vmem_shared>> -> memref<40x128xf32, #tpu.memory_space<vmem_shared>>
      tpu.enqueue_dma source(%dma_start3A_662 : memref<40x128xf32, #tpu.memory_space<vmem_shared>>) target(%dma_start3A_660 : memref<40x128xf32, #tpu.memory_space<hbm>>) target_semaphore(%run_scoped3A : memref<!tpu.dma_semaphore, #tpu.memory_space<semaphore_mem>>)
      %dma_wait3A_663 = arith.constant 0 : i32
      %dma_wait3A_664 = tpu.memref_slice %arg6[%arg0, %add3A_657, %dma_wait3A_663] : memref<2x640x128xf32, #tpu.memory_space<hbm>> -> memref<1x40x128xf32, #tpu.memory_space<hbm>>
      %dma_wait3A_665 = tpu.memref_squeeze %dma_wait3A_664 : memref<1x40x128xf32, #tpu.memory_space<hbm>> -> memref<40x128xf32, #tpu.memory_space<hbm>>
      %dma_wait3A_666 = arith.constant 0 : i32
      %dma_wait3A_667 = tpu.memref_slice %arg8[%add3A_657, %dma_wait3A_666] : memref<640x128xf32, #tpu.memory_space<vmem_shared>> -> memref<40x128xf32, #tpu.memory_space<vmem_shared>>
      tpu.wait_dma2 semaphore(%run_scoped3A : memref<!tpu.dma_semaphore, #tpu.memory_space<semaphore_mem>>) src(%dma_wait3A_667 : memref<40x128xf32, #tpu.memory_space<vmem_shared>>) dst(%dma_wait3A_665 : memref<40x128xf32, #tpu.memory_space<hbm>>)
      tpu.yield
    }) : () -> ()
    "tpu.region"() ({
      %run_scoped3A = tpu.sem_alloc : memref<!tpu.dma_semaphore, #tpu.memory_space<semaphore_mem>>
      %dma_start3A_658 = arith.constant 0 : i32
      %dma_start3A_659 = tpu.memref_slice %arg7[%arg0, %add3A_657, %dma_start3A_658] : memref<2x640x128xf32, #tpu.memory_space<hbm>> -> memref<1x40x128xf32, #tpu.memory_space<hbm>>
      %dma_start3A_660 = tpu.memref_squeeze %dma_start3A_659 : memref<1x40x128xf32, #tpu.memory_space<hbm>> -> memref<40x128xf32, #tpu.memory_space<hbm>>
      %dma_start3A_661 = arith.constant 0 : i32
      %dma_start3A_662 = tpu.memref_slice %arg9[%add3A_657, %dma_start3A_661] : memref<640x128xf32, #tpu.memory_space<vmem_shared>> -> memref<40x128xf32, #tpu.memory_space<vmem_shared>>
      tpu.enqueue_dma source(%dma_start3A_662 : memref<40x128xf32, #tpu.memory_space<vmem_shared>>) target(%dma_start3A_660 : memref<40x128xf32, #tpu.memory_space<hbm>>) target_semaphore(%run_scoped3A : memref<!tpu.dma_semaphore, #tpu.memory_space<semaphore_mem>>)
      %dma_wait3A_663 = arith.constant 0 : i32
      %dma_wait3A_664 = tpu.memref_slice %arg7[%arg0, %add3A_657, %dma_wait3A_663] : memref<2x640x128xf32, #tpu.memory_space<hbm>> -> memref<1x40x128xf32, #tpu.memory_space<hbm>>
      %dma_wait3A_665 = tpu.memref_squeeze %dma_wait3A_664 : memref<1x40x128xf32, #tpu.memory_space<hbm>> -> memref<40x128xf32, #tpu.memory_space<hbm>>
      %dma_wait3A_666 = arith.constant 0 : i32
      %dma_wait3A_667 = tpu.memref_slice %arg9[%add3A_657, %dma_wait3A_666] : memref<640x128xf32, #tpu.memory_space<vmem_shared>> -> memref<40x128xf32, #tpu.memory_space<vmem_shared>>
      tpu.wait_dma2 semaphore(%run_scoped3A : memref<!tpu.dma_semaphore, #tpu.memory_space<semaphore_mem>>) src(%dma_wait3A_667 : memref<40x128xf32, #tpu.memory_space<vmem_shared>>) dst(%dma_wait3A_665 : memref<40x128xf32, #tpu.memory_space<hbm>>)
      tpu.yield
    }) : () -> ()
    return
  }
}

#map = affine_map<(d0, d1) -> (0, 0)>
#map1 = affine_map<(d0, d1) -> (0)>
#map2 = affine_map<(d0, d1) -> (0, 0, 0)>
module attributes {stable_mosaic.version = 14 : i64} {
  func.func @body(%arg0: i32, %arg1: i32, %arg2: memref<10000x128xf32, #tpu.memory_space<hbm>>, %arg3: memref<131072xi32, #tpu.memory_space<hbm>>, %arg4: memref<131072xi32, #tpu.memory_space<hbm>>, %arg5: memref<131072xi32, #tpu.memory_space<hbm>>, %arg6: memref<2x4096x128xf32, #tpu.memory_space<hbm>>, %arg7: memref<2x4096x128xf32, #tpu.memory_space<hbm>>, %arg8: memref<4096x128xf32, #tpu.memory_space<vmem_shared>>, %arg9: memref<4096x128xf32, #tpu.memory_space<vmem_shared>>, %arg10: memref<4096xi32, #tpu.memory_space<vmem>>, %arg11: memref<4096xi32, #tpu.memory_space<vmem>>, %arg12: memref<16xi32, #tpu.memory_space<vmem>>, %arg13: memref<128xi32, #tpu.memory_space<vmem>>, %arg14: memref<128xi32, #tpu.memory_space<vmem>>, %arg15: memref<128x128xf32, #tpu.memory_space<vmem>>, %arg16: memref<128x128xf32, #tpu.memory_space<vmem>>, %arg17: memref<128x128xf32, #tpu.memory_space<vmem>>, %arg18: memref<!tpu.dma_semaphore, #tpu.memory_space<semaphore_mem>>, %arg19: memref<!tpu.dma_semaphore, #tpu.memory_space<semaphore_mem>>) attributes {dimension_semantics = [#tpu.dimension_semantics<core_parallel>, #tpu.dimension_semantics<subcore_parallel>], iteration_bounds = array<i64: 2, 16>, scalar_prefetch = 0 : i64, scratch_operands = 12 : i64, tpu.core_type = #tpu.core_type<sc_vector_subcore>, window_params = [{transform_indices = #map}, {transform_indices = #map1}, {transform_indices = #map1}, {transform_indices = #map1}, {transform_indices = #map2}, {transform_indices = #map2}]} {
    %mul3A = arith.constant 16 : i32
    %mul3A_0 = arith.muli %arg0, %mul3A : i32
    %add3A = arith.addi %mul3A_0, %arg1 : i32
    %broadcast_in_dim3A = arith.constant 0.000000e+00 : f32
    %broadcast_in_dim3A_1 = vector.broadcast %broadcast_in_dim3A : f32 to vector<16xf32>
    %broadcast_in_dim3A_2 = arith.constant 1.000000e+00 : f32
    %broadcast_in_dim3A_3 = vector.broadcast %broadcast_in_dim3A_2 : f32 to vector<16xf32>
    %scan3A = arith.constant 0 : i32
    %scan3A_4 = arith.constant 128 : i32
    %scan3A_5 = arith.addi %scan3A, %scan3A_4 : i32
    %scan3A_6 = arith.constant 1 : i32
    scf.for %scan3A_283 = %scan3A to %scan3A_5 step %scan3A_6  : i32 {
      %swap3A_284 = arith.index_cast %scan3A_283 : i32 to index
      %swap3A_285 = arith.constant 0 : index
      %swap3A_286 = tpu.vector_load %arg15[%swap3A_284, %swap3A_285] {strides = array<i32>} : memref<128x128xf32, #tpu.memory_space<vmem>>, vector<1x16xf32>,
      %swap3A_287 = vector.shape_cast %swap3A_286 : vector<1x16xf32> to vector<16xf32>
      %swap3A_288 = vector.shape_cast %broadcast_in_dim3A_1 : vector<16xf32> to vector<1x16xf32>
      tpu.vector_store %arg15[%swap3A_284, %swap3A_285], %swap3A_288 {strides = array<i32>} : memref<128x128xf32, #tpu.memory_space<vmem>>, vector<1x16xf32>,
      %swap3A_289 = arith.index_cast %scan3A_283 : i32 to index
      %swap3A_290 = arith.constant 16 : index
      %swap3A_291 = tpu.vector_load %arg15[%swap3A_289, %swap3A_290] {strides = array<i32>} : memref<128x128xf32, #tpu.memory_space<vmem>>, vector<1x16xf32>,
      %swap3A_292 = vector.shape_cast %swap3A_291 : vector<1x16xf32> to vector<16xf32>
      %swap3A_293 = vector.shape_cast %broadcast_in_dim3A_1 : vector<16xf32> to vector<1x16xf32>
      tpu.vector_store %arg15[%swap3A_289, %swap3A_290], %swap3A_293 {strides = array<i32>} : memref<128x128xf32, #tpu.memory_space<vmem>>, vector<1x16xf32>,
      %swap3A_294 = arith.index_cast %scan3A_283 : i32 to index
      %swap3A_295 = arith.constant 32 : index
      %swap3A_296 = tpu.vector_load %arg15[%swap3A_294, %swap3A_295] {strides = array<i32>} : memref<128x128xf32, #tpu.memory_space<vmem>>, vector<1x16xf32>,
      %swap3A_297 = vector.shape_cast %swap3A_296 : vector<1x16xf32> to vector<16xf32>
      %swap3A_298 = vector.shape_cast %broadcast_in_dim3A_1 : vector<16xf32> to vector<1x16xf32>
      tpu.vector_store %arg15[%swap3A_294, %swap3A_295], %swap3A_298 {strides = array<i32>} : memref<128x128xf32, #tpu.memory_space<vmem>>, vector<1x16xf32>,
      %swap3A_299 = arith.index_cast %scan3A_283 : i32 to index
      %swap3A_300 = arith.constant 48 : index
      %swap3A_301 = tpu.vector_load %arg15[%swap3A_299, %swap3A_300] {strides = array<i32>} : memref<128x128xf32, #tpu.memory_space<vmem>>, vector<1x16xf32>,
      %swap3A_302 = vector.shape_cast %swap3A_301 : vector<1x16xf32> to vector<16xf32>
      %swap3A_303 = vector.shape_cast %broadcast_in_dim3A_1 : vector<16xf32> to vector<1x16xf32>
      tpu.vector_store %arg15[%swap3A_299, %swap3A_300], %swap3A_303 {strides = array<i32>} : memref<128x128xf32, #tpu.memory_space<vmem>>, vector<1x16xf32>,
      %swap3A_304 = arith.index_cast %scan3A_283 : i32 to index
      %swap3A_305 = arith.constant 64 : index
      %swap3A_306 = tpu.vector_load %arg15[%swap3A_304, %swap3A_305] {strides = array<i32>} : memref<128x128xf32, #tpu.memory_space<vmem>>, vector<1x16xf32>,
      %swap3A_307 = vector.shape_cast %swap3A_306 : vector<1x16xf32> to vector<16xf32>
      %swap3A_308 = vector.shape_cast %broadcast_in_dim3A_1 : vector<16xf32> to vector<1x16xf32>
      tpu.vector_store %arg15[%swap3A_304, %swap3A_305], %swap3A_308 {strides = array<i32>} : memref<128x128xf32, #tpu.memory_space<vmem>>, vector<1x16xf32>,
      %swap3A_309 = arith.index_cast %scan3A_283 : i32 to index
      %swap3A_310 = arith.constant 80 : index
      %swap3A_311 = tpu.vector_load %arg15[%swap3A_309, %swap3A_310] {strides = array<i32>} : memref<128x128xf32, #tpu.memory_space<vmem>>, vector<1x16xf32>,
      %swap3A_312 = vector.shape_cast %swap3A_311 : vector<1x16xf32> to vector<16xf32>
      %swap3A_313 = vector.shape_cast %broadcast_in_dim3A_1 : vector<16xf32> to vector<1x16xf32>
      tpu.vector_store %arg15[%swap3A_309, %swap3A_310], %swap3A_313 {strides = array<i32>} : memref<128x128xf32, #tpu.memory_space<vmem>>, vector<1x16xf32>,
      %swap3A_314 = arith.index_cast %scan3A_283 : i32 to index
      %swap3A_315 = arith.constant 96 : index
      %swap3A_316 = tpu.vector_load %arg15[%swap3A_314, %swap3A_315] {strides = array<i32>} : memref<128x128xf32, #tpu.memory_space<vmem>>, vector<1x16xf32>,
      %swap3A_317 = vector.shape_cast %swap3A_316 : vector<1x16xf32> to vector<16xf32>
      %swap3A_318 = vector.shape_cast %broadcast_in_dim3A_1 : vector<16xf32> to vector<1x16xf32>
      tpu.vector_store %arg15[%swap3A_314, %swap3A_315], %swap3A_318 {strides = array<i32>} : memref<128x128xf32, #tpu.memory_space<vmem>>, vector<1x16xf32>,
      %swap3A_319 = arith.index_cast %scan3A_283 : i32 to index
      %swap3A_320 = arith.constant 112 : index
      %swap3A_321 = tpu.vector_load %arg15[%swap3A_319, %swap3A_320] {strides = array<i32>} : memref<128x128xf32, #tpu.memory_space<vmem>>, vector<1x16xf32>,
      %swap3A_322 = vector.shape_cast %swap3A_321 : vector<1x16xf32> to vector<16xf32>
      %swap3A_323 = vector.shape_cast %broadcast_in_dim3A_1 : vector<16xf32> to vector<1x16xf32>
      tpu.vector_store %arg15[%swap3A_319, %swap3A_320], %swap3A_323 {strides = array<i32>} : memref<128x128xf32, #tpu.memory_space<vmem>>, vector<1x16xf32>,
    }
    %scan3A_7 = arith.constant 128 : i32
    %scan3A_8 = arith.constant 0 : i32
    %scan3A_9 = arith.constant 128 : i32
    %scan3A_10 = arith.addi %scan3A_8, %scan3A_9 : i32
    %scan3A_11 = arith.constant 1 : i32
    scf.for %scan3A_283 = %scan3A_8 to %scan3A_10 step %scan3A_11  : i32 {
      %swap3A_284 = arith.index_cast %scan3A_283 : i32 to index
      %swap3A_285 = arith.constant 0 : index
      %swap3A_286 = tpu.vector_load %arg17[%swap3A_284, %swap3A_285] {strides = array<i32>} : memref<128x128xf32, #tpu.memory_space<vmem>>, vector<1x16xf32>,
      %swap3A_287 = vector.shape_cast %swap3A_286 : vector<1x16xf32> to vector<16xf32>
      %swap3A_288 = vector.shape_cast %broadcast_in_dim3A_3 : vector<16xf32> to vector<1x16xf32>
      tpu.vector_store %arg17[%swap3A_284, %swap3A_285], %swap3A_288 {strides = array<i32>} : memref<128x128xf32, #tpu.memory_space<vmem>>, vector<1x16xf32>,
      %swap3A_289 = arith.index_cast %scan3A_283 : i32 to index
      %swap3A_290 = arith.constant 16 : index
      %swap3A_291 = tpu.vector_load %arg17[%swap3A_289, %swap3A_290] {strides = array<i32>} : memref<128x128xf32, #tpu.memory_space<vmem>>, vector<1x16xf32>,
      %swap3A_292 = vector.shape_cast %swap3A_291 : vector<1x16xf32> to vector<16xf32>
      %swap3A_293 = vector.shape_cast %broadcast_in_dim3A_3 : vector<16xf32> to vector<1x16xf32>
      tpu.vector_store %arg17[%swap3A_289, %swap3A_290], %swap3A_293 {strides = array<i32>} : memref<128x128xf32, #tpu.memory_space<vmem>>, vector<1x16xf32>,
      %swap3A_294 = arith.index_cast %scan3A_283 : i32 to index
      %swap3A_295 = arith.constant 32 : index
      %swap3A_296 = tpu.vector_load %arg17[%swap3A_294, %swap3A_295] {strides = array<i32>} : memref<128x128xf32, #tpu.memory_space<vmem>>, vector<1x16xf32>,
      %swap3A_297 = vector.shape_cast %swap3A_296 : vector<1x16xf32> to vector<16xf32>
      %swap3A_298 = vector.shape_cast %broadcast_in_dim3A_3 : vector<16xf32> to vector<1x16xf32>
      tpu.vector_store %arg17[%swap3A_294, %swap3A_295], %swap3A_298 {strides = array<i32>} : memref<128x128xf32, #tpu.memory_space<vmem>>, vector<1x16xf32>,
      %swap3A_299 = arith.index_cast %scan3A_283 : i32 to index
      %swap3A_300 = arith.constant 48 : index
      %swap3A_301 = tpu.vector_load %arg17[%swap3A_299, %swap3A_300] {strides = array<i32>} : memref<128x128xf32, #tpu.memory_space<vmem>>, vector<1x16xf32>,
      %swap3A_302 = vector.shape_cast %swap3A_301 : vector<1x16xf32> to vector<16xf32>
      %swap3A_303 = vector.shape_cast %broadcast_in_dim3A_3 : vector<16xf32> to vector<1x16xf32>
      tpu.vector_store %arg17[%swap3A_299, %swap3A_300], %swap3A_303 {strides = array<i32>} : memref<128x128xf32, #tpu.memory_space<vmem>>, vector<1x16xf32>,
      %swap3A_304 = arith.index_cast %scan3A_283 : i32 to index
      %swap3A_305 = arith.constant 64 : index
      %swap3A_306 = tpu.vector_load %arg17[%swap3A_304, %swap3A_305] {strides = array<i32>} : memref<128x128xf32, #tpu.memory_space<vmem>>, vector<1x16xf32>,
      %swap3A_307 = vector.shape_cast %swap3A_306 : vector<1x16xf32> to vector<16xf32>
      %swap3A_308 = vector.shape_cast %broadcast_in_dim3A_3 : vector<16xf32> to vector<1x16xf32>
      tpu.vector_store %arg17[%swap3A_304, %swap3A_305], %swap3A_308 {strides = array<i32>} : memref<128x128xf32, #tpu.memory_space<vmem>>, vector<1x16xf32>,
      %swap3A_309 = arith.index_cast %scan3A_283 : i32 to index
      %swap3A_310 = arith.constant 80 : index
      %swap3A_311 = tpu.vector_load %arg17[%swap3A_309, %swap3A_310] {strides = array<i32>} : memref<128x128xf32, #tpu.memory_space<vmem>>, vector<1x16xf32>,
      %swap3A_312 = vector.shape_cast %swap3A_311 : vector<1x16xf32> to vector<16xf32>
      %swap3A_313 = vector.shape_cast %broadcast_in_dim3A_3 : vector<16xf32> to vector<1x16xf32>
      tpu.vector_store %arg17[%swap3A_309, %swap3A_310], %swap3A_313 {strides = array<i32>} : memref<128x128xf32, #tpu.memory_space<vmem>>, vector<1x16xf32>,
      %swap3A_314 = arith.index_cast %scan3A_283 : i32 to index
      %swap3A_315 = arith.constant 96 : index
      %swap3A_316 = tpu.vector_load %arg17[%swap3A_314, %swap3A_315] {strides = array<i32>} : memref<128x128xf32, #tpu.memory_space<vmem>>, vector<1x16xf32>,
      %swap3A_317 = vector.shape_cast %swap3A_316 : vector<1x16xf32> to vector<16xf32>
      %swap3A_318 = vector.shape_cast %broadcast_in_dim3A_3 : vector<16xf32> to vector<1x16xf32>
      tpu.vector_store %arg17[%swap3A_314, %swap3A_315], %swap3A_318 {strides = array<i32>} : memref<128x128xf32, #tpu.memory_space<vmem>>, vector<1x16xf32>,
      %swap3A_319 = arith.index_cast %scan3A_283 : i32 to index
      %swap3A_320 = arith.constant 112 : index
      %swap3A_321 = tpu.vector_load %arg17[%swap3A_319, %swap3A_320] {strides = array<i32>} : memref<128x128xf32, #tpu.memory_space<vmem>>, vector<1x16xf32>,
      %swap3A_322 = vector.shape_cast %swap3A_321 : vector<1x16xf32> to vector<16xf32>
      %swap3A_323 = vector.shape_cast %broadcast_in_dim3A_3 : vector<16xf32> to vector<1x16xf32>
      tpu.vector_store %arg17[%swap3A_319, %swap3A_320], %swap3A_323 {strides = array<i32>} : memref<128x128xf32, #tpu.memory_space<vmem>>, vector<1x16xf32>,
    }
    %scan3A_12 = arith.constant 128 : i32
    %mul3A_13 = arith.constant 32 : i32
    %mul3A_14 = arith.muli %add3A, %mul3A_13 : i32
    %mul3A_15 = arith.constant 128 : i32
    %mul3A_16 = arith.muli %mul3A_14, %mul3A_15 : i32
    "tpu.region"() ({
      %run_scoped3A = tpu.sem_alloc : memref<!tpu.dma_semaphore, #tpu.memory_space<semaphore_mem>>
      %dma_start3A_283 = tpu.memref_slice %arg3[%mul3A_16] : memref<131072xi32, #tpu.memory_space<hbm>> -> memref<4096xi32, #tpu.memory_space<hbm>>
      %dma_start3A_284 = tpu.memref_slice %arg3[%mul3A_16] : memref<131072xi32, #tpu.memory_space<hbm>> -> memref<4096xi32, #tpu.memory_space<hbm>>
      tpu.enqueue_dma source(%dma_start3A_284 : memref<4096xi32, #tpu.memory_space<hbm>>) target(%arg10 : memref<4096xi32, #tpu.memory_space<vmem>>) target_semaphore(%run_scoped3A : memref<!tpu.dma_semaphore, #tpu.memory_space<semaphore_mem>>)
      %dma_wait3A_285 = tpu.memref_slice %arg3[%mul3A_16] : memref<131072xi32, #tpu.memory_space<hbm>> -> memref<4096xi32, #tpu.memory_space<hbm>>
      %dma_wait3A_286 = tpu.memref_slice %arg3[%mul3A_16] : memref<131072xi32, #tpu.memory_space<hbm>> -> memref<4096xi32, #tpu.memory_space<hbm>>
      tpu.wait_dma2 semaphore(%run_scoped3A : memref<!tpu.dma_semaphore, #tpu.memory_space<semaphore_mem>>) src(%dma_wait3A_286 : memref<4096xi32, #tpu.memory_space<hbm>>) dst(%arg10 : memref<4096xi32, #tpu.memory_space<vmem>>)
      tpu.yield
    }) : () -> ()
    %mul3A_17 = arith.constant 32 : i32
    %mul3A_18 = arith.muli %add3A, %mul3A_17 : i32
    %mul3A_19 = arith.constant 128 : i32
    %mul3A_20 = arith.muli %mul3A_18, %mul3A_19 : i32
    "tpu.region"() ({
      %run_scoped3A = tpu.sem_alloc : memref<!tpu.dma_semaphore, #tpu.memory_space<semaphore_mem>>
      %dma_start3A_283 = tpu.memref_slice %arg4[%mul3A_20] : memref<131072xi32, #tpu.memory_space<hbm>> -> memref<4096xi32, #tpu.memory_space<hbm>>
      %dma_start3A_284 = tpu.memref_slice %arg4[%mul3A_20] : memref<131072xi32, #tpu.memory_space<hbm>> -> memref<4096xi32, #tpu.memory_space<hbm>>
      tpu.enqueue_dma source(%dma_start3A_284 : memref<4096xi32, #tpu.memory_space<hbm>>) target(%arg11 : memref<4096xi32, #tpu.memory_space<vmem>>) target_semaphore(%run_scoped3A : memref<!tpu.dma_semaphore, #tpu.memory_space<semaphore_mem>>)
      %dma_wait3A_285 = tpu.memref_slice %arg4[%mul3A_20] : memref<131072xi32, #tpu.memory_space<hbm>> -> memref<4096xi32, #tpu.memory_space<hbm>>
      %dma_wait3A_286 = tpu.memref_slice %arg4[%mul3A_20] : memref<131072xi32, #tpu.memory_space<hbm>> -> memref<4096xi32, #tpu.memory_space<hbm>>
      tpu.wait_dma2 semaphore(%run_scoped3A : memref<!tpu.dma_semaphore, #tpu.memory_space<semaphore_mem>>) src(%dma_wait3A_286 : memref<4096xi32, #tpu.memory_space<hbm>>) dst(%arg11 : memref<4096xi32, #tpu.memory_space<vmem>>)
      tpu.yield
    }) : () -> ()
    %mul3A_21 = arith.constant 256 : i32
    %mul3A_22 = arith.muli %arg1, %mul3A_21 : i32
    %add3A_23 = arith.constant 0 : i32
    %add3A_24 = arith.addi %mul3A_22, %add3A_23 : i32
    "tpu.region"() ({
      %run_scoped3A = tpu.sem_alloc : memref<!tpu.dma_semaphore, #tpu.memory_space<semaphore_mem>>
      %dma_start3A_283 = arith.constant 0 : i32
      %dma_start3A_284 = arith.constant 0 : i32
      %dma_start3A_285 = tpu.memref_slice %arg15[%dma_start3A_283, %dma_start3A_284] : memref<128x128xf32, #tpu.memory_space<vmem>> -> memref<128x128xf32, #tpu.memory_space<vmem>>
      %dma_start3A_286 = arith.constant 0 : i32
      %dma_start3A_287 = tpu.memref_slice %arg8[%add3A_24, %dma_start3A_286] : memref<4096x128xf32, #tpu.memory_space<vmem_shared>> -> memref<128x128xf32, #tpu.memory_space<vmem_shared>>
      %dma_start3A_288 = arith.constant 0 : i32
      %dma_start3A_289 = tpu.memref_slice %arg8[%add3A_24, %dma_start3A_288] : memref<4096x128xf32, #tpu.memory_space<vmem_shared>> -> memref<128x128xf32, #tpu.memory_space<vmem_shared>>
      %dma_start3A_290 = arith.constant 0 : i32
      %dma_start3A_291 = arith.constant 0 : i32
      %dma_start3A_292 = tpu.memref_slice %arg15[%dma_start3A_290, %dma_start3A_291] : memref<128x128xf32, #tpu.memory_space<vmem>> -> memref<128x128xf32, #tpu.memory_space<vmem>>
      tpu.enqueue_dma source(%dma_start3A_292 : memref<128x128xf32, #tpu.memory_space<vmem>>) target(%dma_start3A_289 : memref<128x128xf32, #tpu.memory_space<vmem_shared>>) target_semaphore(%run_scoped3A : memref<!tpu.dma_semaphore, #tpu.memory_space<semaphore_mem>>)
      %dma_wait3A_293 = arith.constant 0 : i32
      %dma_wait3A_294 = arith.constant 0 : i32
      %dma_wait3A_295 = tpu.memref_slice %arg15[%dma_wait3A_293, %dma_wait3A_294] : memref<128x128xf32, #tpu.memory_space<vmem>> -> memref<128x128xf32, #tpu.memory_space<vmem>>
      %dma_wait3A_296 = arith.constant 0 : i32
      %dma_wait3A_297 = tpu.memref_slice %arg8[%add3A_24, %dma_wait3A_296] : memref<4096x128xf32, #tpu.memory_space<vmem_shared>> -> memref<128x128xf32, #tpu.memory_space<vmem_shared>>
      %dma_wait3A_298 = arith.constant 0 : i32
      %dma_wait3A_299 = tpu.memref_slice %arg8[%add3A_24, %dma_wait3A_298] : memref<4096x128xf32, #tpu.memory_space<vmem_shared>> -> memref<128x128xf32, #tpu.memory_space<vmem_shared>>
      %dma_wait3A_300 = arith.constant 0 : i32
      %dma_wait3A_301 = arith.constant 0 : i32
      %dma_wait3A_302 = tpu.memref_slice %arg15[%dma_wait3A_300, %dma_wait3A_301] : memref<128x128xf32, #tpu.memory_space<vmem>> -> memref<128x128xf32, #tpu.memory_space<vmem>>
      tpu.wait_dma2 semaphore(%run_scoped3A : memref<!tpu.dma_semaphore, #tpu.memory_space<semaphore_mem>>) src(%dma_wait3A_302 : memref<128x128xf32, #tpu.memory_space<vmem>>) dst(%dma_wait3A_299 : memref<128x128xf32, #tpu.memory_space<vmem_shared>>)
      tpu.yield
    }) : () -> ()
    "tpu.region"() ({
      %run_scoped3A = tpu.sem_alloc : memref<!tpu.dma_semaphore, #tpu.memory_space<semaphore_mem>>
      %dma_start3A_283 = arith.constant 0 : i32
      %dma_start3A_284 = arith.constant 0 : i32
      %dma_start3A_285 = tpu.memref_slice %arg15[%dma_start3A_283, %dma_start3A_284] : memref<128x128xf32, #tpu.memory_space<vmem>> -> memref<128x128xf32, #tpu.memory_space<vmem>>
      %dma_start3A_286 = arith.constant 0 : i32
      %dma_start3A_287 = tpu.memref_slice %arg9[%add3A_24, %dma_start3A_286] : memref<4096x128xf32, #tpu.memory_space<vmem_shared>> -> memref<128x128xf32, #tpu.memory_space<vmem_shared>>
      %dma_start3A_288 = arith.constant 0 : i32
      %dma_start3A_289 = tpu.memref_slice %arg9[%add3A_24, %dma_start3A_288] : memref<4096x128xf32, #tpu.memory_space<vmem_shared>> -> memref<128x128xf32, #tpu.memory_space<vmem_shared>>
      %dma_start3A_290 = arith.constant 0 : i32
      %dma_start3A_291 = arith.constant 0 : i32
      %dma_start3A_292 = tpu.memref_slice %arg15[%dma_start3A_290, %dma_start3A_291] : memref<128x128xf32, #tpu.memory_space<vmem>> -> memref<128x128xf32, #tpu.memory_space<vmem>>
      tpu.enqueue_dma source(%dma_start3A_292 : memref<128x128xf32, #tpu.memory_space<vmem>>) target(%dma_start3A_289 : memref<128x128xf32, #tpu.memory_space<vmem_shared>>) target_semaphore(%run_scoped3A : memref<!tpu.dma_semaphore, #tpu.memory_space<semaphore_mem>>)
      %dma_wait3A_293 = arith.constant 0 : i32
      %dma_wait3A_294 = arith.constant 0 : i32
      %dma_wait3A_295 = tpu.memref_slice %arg15[%dma_wait3A_293, %dma_wait3A_294] : memref<128x128xf32, #tpu.memory_space<vmem>> -> memref<128x128xf32, #tpu.memory_space<vmem>>
      %dma_wait3A_296 = arith.constant 0 : i32
      %dma_wait3A_297 = tpu.memref_slice %arg9[%add3A_24, %dma_wait3A_296] : memref<4096x128xf32, #tpu.memory_space<vmem_shared>> -> memref<128x128xf32, #tpu.memory_space<vmem_shared>>
      %dma_wait3A_298 = arith.constant 0 : i32
      %dma_wait3A_299 = tpu.memref_slice %arg9[%add3A_24, %dma_wait3A_298] : memref<4096x128xf32, #tpu.memory_space<vmem_shared>> -> memref<128x128xf32, #tpu.memory_space<vmem_shared>>
      %dma_wait3A_300 = arith.constant 0 : i32
      %dma_wait3A_301 = arith.constant 0 : i32
      %dma_wait3A_302 = tpu.memref_slice %arg15[%dma_wait3A_300, %dma_wait3A_301] : memref<128x128xf32, #tpu.memory_space<vmem>> -> memref<128x128xf32, #tpu.memory_space<vmem>>
      tpu.wait_dma2 semaphore(%run_scoped3A : memref<!tpu.dma_semaphore, #tpu.memory_space<semaphore_mem>>) src(%dma_wait3A_302 : memref<128x128xf32, #tpu.memory_space<vmem>>) dst(%dma_wait3A_299 : memref<128x128xf32, #tpu.memory_space<vmem_shared>>)
      tpu.yield
    }) : () -> ()
    %mul3A_25 = arith.constant 256 : i32
    %mul3A_26 = arith.muli %arg1, %mul3A_25 : i32
    %add3A_27 = arith.constant 128 : i32
    %add3A_28 = arith.addi %mul3A_26, %add3A_27 : i32
    "tpu.region"() ({
      %run_scoped3A = tpu.sem_alloc : memref<!tpu.dma_semaphore, #tpu.memory_space<semaphore_mem>>
      %dma_start3A_283 = arith.constant 0 : i32
      %dma_start3A_284 = arith.constant 0 : i32
      %dma_start3A_285 = tpu.memref_slice %arg15[%dma_start3A_283, %dma_start3A_284] : memref<128x128xf32, #tpu.memory_space<vmem>> -> memref<128x128xf32, #tpu.memory_space<vmem>>
      %dma_start3A_286 = arith.constant 0 : i32
      %dma_start3A_287 = tpu.memref_slice %arg8[%add3A_28, %dma_start3A_286] : memref<4096x128xf32, #tpu.memory_space<vmem_shared>> -> memref<128x128xf32, #tpu.memory_space<vmem_shared>>
      %dma_start3A_288 = arith.constant 0 : i32
      %dma_start3A_289 = tpu.memref_slice %arg8[%add3A_28, %dma_start3A_288] : memref<4096x128xf32, #tpu.memory_space<vmem_shared>> -> memref<128x128xf32, #tpu.memory_space<vmem_shared>>
      %dma_start3A_290 = arith.constant 0 : i32
      %dma_start3A_291 = arith.constant 0 : i32
      %dma_start3A_292 = tpu.memref_slice %arg15[%dma_start3A_290, %dma_start3A_291] : memref<128x128xf32, #tpu.memory_space<vmem>> -> memref<128x128xf32, #tpu.memory_space<vmem>>
      tpu.enqueue_dma source(%dma_start3A_292 : memref<128x128xf32, #tpu.memory_space<vmem>>) target(%dma_start3A_289 : memref<128x128xf32, #tpu.memory_space<vmem_shared>>) target_semaphore(%run_scoped3A : memref<!tpu.dma_semaphore, #tpu.memory_space<semaphore_mem>>)
      %dma_wait3A_293 = arith.constant 0 : i32
      %dma_wait3A_294 = arith.constant 0 : i32
      %dma_wait3A_295 = tpu.memref_slice %arg15[%dma_wait3A_293, %dma_wait3A_294] : memref<128x128xf32, #tpu.memory_space<vmem>> -> memref<128x128xf32, #tpu.memory_space<vmem>>
      %dma_wait3A_296 = arith.constant 0 : i32
      %dma_wait3A_297 = tpu.memref_slice %arg8[%add3A_28, %dma_wait3A_296] : memref<4096x128xf32, #tpu.memory_space<vmem_shared>> -> memref<128x128xf32, #tpu.memory_space<vmem_shared>>
      %dma_wait3A_298 = arith.constant 0 : i32
      %dma_wait3A_299 = tpu.memref_slice %arg8[%add3A_28, %dma_wait3A_298] : memref<4096x128xf32, #tpu.memory_space<vmem_shared>> -> memref<128x128xf32, #tpu.memory_space<vmem_shared>>
      %dma_wait3A_300 = arith.constant 0 : i32
      %dma_wait3A_301 = arith.constant 0 : i32
      %dma_wait3A_302 = tpu.memref_slice %arg15[%dma_wait3A_300, %dma_wait3A_301] : memref<128x128xf32, #tpu.memory_space<vmem>> -> memref<128x128xf32, #tpu.memory_space<vmem>>
      tpu.wait_dma2 semaphore(%run_scoped3A : memref<!tpu.dma_semaphore, #tpu.memory_space<semaphore_mem>>) src(%dma_wait3A_302 : memref<128x128xf32, #tpu.memory_space<vmem>>) dst(%dma_wait3A_299 : memref<128x128xf32, #tpu.memory_space<vmem_shared>>)
      tpu.yield
    }) : () -> ()
    "tpu.region"() ({
      %run_scoped3A = tpu.sem_alloc : memref<!tpu.dma_semaphore, #tpu.memory_space<semaphore_mem>>
      %dma_start3A_283 = arith.constant 0 : i32
      %dma_start3A_284 = arith.constant 0 : i32
      %dma_start3A_285 = tpu.memref_slice %arg15[%dma_start3A_283, %dma_start3A_284] : memref<128x128xf32, #tpu.memory_space<vmem>> -> memref<128x128xf32, #tpu.memory_space<vmem>>
      %dma_start3A_286 = arith.constant 0 : i32
      %dma_start3A_287 = tpu.memref_slice %arg9[%add3A_28, %dma_start3A_286] : memref<4096x128xf32, #tpu.memory_space<vmem_shared>> -> memref<128x128xf32, #tpu.memory_space<vmem_shared>>
      %dma_start3A_288 = arith.constant 0 : i32
      %dma_start3A_289 = tpu.memref_slice %arg9[%add3A_28, %dma_start3A_288] : memref<4096x128xf32, #tpu.memory_space<vmem_shared>> -> memref<128x128xf32, #tpu.memory_space<vmem_shared>>
      %dma_start3A_290 = arith.constant 0 : i32
      %dma_start3A_291 = arith.constant 0 : i32
      %dma_start3A_292 = tpu.memref_slice %arg15[%dma_start3A_290, %dma_start3A_291] : memref<128x128xf32, #tpu.memory_space<vmem>> -> memref<128x128xf32, #tpu.memory_space<vmem>>
      tpu.enqueue_dma source(%dma_start3A_292 : memref<128x128xf32, #tpu.memory_space<vmem>>) target(%dma_start3A_289 : memref<128x128xf32, #tpu.memory_space<vmem_shared>>) target_semaphore(%run_scoped3A : memref<!tpu.dma_semaphore, #tpu.memory_space<semaphore_mem>>)
      %dma_wait3A_293 = arith.constant 0 : i32
      %dma_wait3A_294 = arith.constant 0 : i32
      %dma_wait3A_295 = tpu.memref_slice %arg15[%dma_wait3A_293, %dma_wait3A_294] : memref<128x128xf32, #tpu.memory_space<vmem>> -> memref<128x128xf32, #tpu.memory_space<vmem>>
      %dma_wait3A_296 = arith.constant 0 : i32
      %dma_wait3A_297 = tpu.memref_slice %arg9[%add3A_28, %dma_wait3A_296] : memref<4096x128xf32, #tpu.memory_space<vmem_shared>> -> memref<128x128xf32, #tpu.memory_space<vmem_shared>>
      %dma_wait3A_298 = arith.constant 0 : i32
      %dma_wait3A_299 = tpu.memref_slice %arg9[%add3A_28, %dma_wait3A_298] : memref<4096x128xf32, #tpu.memory_space<vmem_shared>> -> memref<128x128xf32, #tpu.memory_space<vmem_shared>>
      %dma_wait3A_300 = arith.constant 0 : i32
      %dma_wait3A_301 = arith.constant 0 : i32
      %dma_wait3A_302 = tpu.memref_slice %arg15[%dma_wait3A_300, %dma_wait3A_301] : memref<128x128xf32, #tpu.memory_space<vmem>> -> memref<128x128xf32, #tpu.memory_space<vmem>>
      tpu.wait_dma2 semaphore(%run_scoped3A : memref<!tpu.dma_semaphore, #tpu.memory_space<semaphore_mem>>) src(%dma_wait3A_302 : memref<128x128xf32, #tpu.memory_space<vmem>>) dst(%dma_wait3A_299 : memref<128x128xf32, #tpu.memory_space<vmem_shared>>)
      tpu.yield
    }) : () -> ()
    %barrier3A = arith.constant 0 : index
    tpu.barrier barrier_id(%barrier3A)
    %dma_start3A = arith.constant 0 : i32
    %dma_start3A_29 = tpu.memref_slice %arg10[%dma_start3A] : memref<4096xi32, #tpu.memory_space<vmem>> -> memref<128xi32, #tpu.memory_space<vmem>>
    %dma_start3A_30 = arith.constant 0 : i32
    %dma_start3A_31 = arith.constant 0 : i32
    %dma_start3A_32 = tpu.memref_slice %arg2[%dma_start3A_30, %dma_start3A_31] : memref<10000x128xf32, #tpu.memory_space<hbm>> -> memref<10000x128xf32, #tpu.memory_space<hbm>>
    tpu.enqueue_indirect_dma source(%dma_start3A_32 : memref<10000x128xf32, #tpu.memory_space<hbm>>) target(%arg15 : memref<128x128xf32, #tpu.memory_space<vmem>>) offsets(%dma_start3A_29 : memref<128xi32, #tpu.memory_space<vmem>>) semaphore(%arg18 : memref<!tpu.dma_semaphore, #tpu.memory_space<semaphore_mem>>)
    %scan3A_33 = arith.constant 0 : i32
    %scan3A_34 = arith.constant 15 : i32
    %scan3A_35 = arith.addi %scan3A_33, %scan3A_34 : i32
    %scan3A_36 = arith.constant 1 : i32
    scf.for %scan3A_283 = %scan3A_33 to %scan3A_35 step %scan3A_36  : i32 {
      %mul3A_284 = arith.constant 2 : i32
      %mul3A_285 = arith.muli %mul3A_284, %scan3A_283 : i32
      %add3A_286 = arith.constant 1 : i32
      %add3A_287 = arith.addi %mul3A_285, %add3A_286 : i32
      %mul3A_288 = arith.constant 128 : i32
      %mul3A_289 = arith.muli %add3A_287, %mul3A_288 : i32
      %dma_start3A_290 = tpu.memref_slice %arg10[%mul3A_289] : memref<4096xi32, #tpu.memory_space<vmem>> -> memref<128xi32, #tpu.memory_space<vmem>>
      %dma_start3A_291 = arith.constant 0 : i32
      %dma_start3A_292 = arith.constant 0 : i32
      %dma_start3A_293 = tpu.memref_slice %arg2[%dma_start3A_291, %dma_start3A_292] : memref<10000x128xf32, #tpu.memory_space<hbm>> -> memref<10000x128xf32, #tpu.memory_space<hbm>>
      tpu.enqueue_indirect_dma source(%dma_start3A_293 : memref<10000x128xf32, #tpu.memory_space<hbm>>) target(%arg16 : memref<128x128xf32, #tpu.memory_space<vmem>>) offsets(%dma_start3A_290 : memref<128xi32, #tpu.memory_space<vmem>>) semaphore(%arg19 : memref<!tpu.dma_semaphore, #tpu.memory_space<semaphore_mem>>)
      %mul3A_294 = arith.constant 128 : i32
      %mul3A_295 = arith.muli %mul3A_285, %mul3A_294 : i32
      %dma_wait3A_296 = tpu.memref_slice %arg10[%mul3A_295] : memref<4096xi32, #tpu.memory_space<vmem>> -> memref<128xi32, #tpu.memory_space<vmem>>
      %dma_wait3A_297 = arith.constant 0 : i32
      %dma_wait3A_298 = arith.constant 0 : i32
      %dma_wait3A_299 = tpu.memref_slice %arg2[%dma_wait3A_297, %dma_wait3A_298] : memref<10000x128xf32, #tpu.memory_space<hbm>> -> memref<10000x128xf32, #tpu.memory_space<hbm>>
      tpu.wait_indirect_dma semaphore(%arg18 : memref<!tpu.dma_semaphore, #tpu.memory_space<semaphore_mem>>) src(%dma_wait3A_299 : memref<10000x128xf32, #tpu.memory_space<hbm>>) dst(%arg15 : memref<128x128xf32, #tpu.memory_space<vmem>>)
      %mul3A_300 = arith.constant 128 : i32
      %mul3A_301 = arith.muli %mul3A_285, %mul3A_300 : i32
      %add3A_302 = arith.constant 0 : i32
      %add3A_303 = arith.addi %mul3A_301, %add3A_302 : i32
      %get3A_304 = arith.index_cast %add3A_303 : i32 to index
      %get3A_305 = tpu.vector_load %arg11[%get3A_304] {strides = array<i32>} : memref<4096xi32, #tpu.memory_space<vmem>>, vector<16xi32>,
      %get3A_306 = vector.shape_cast %get3A_305 : vector<16xi32> to vector<16xi32>
      %swap3A_307 = arith.constant 0 : index
      %swap3A_308 = tpu.vector_load %arg13[%swap3A_307] {strides = array<i32>} : memref<128xi32, #tpu.memory_space<vmem>>, vector<16xi32>,
      %swap3A_309 = vector.shape_cast %swap3A_308 : vector<16xi32> to vector<16xi32>
      %swap3A_310 = vector.shape_cast %get3A_306 : vector<16xi32> to vector<16xi32>
      tpu.vector_store %arg13[%swap3A_307], %swap3A_310 {strides = array<i32>} : memref<128xi32, #tpu.memory_space<vmem>>, vector<16xi32>,
      %mul3A_311 = arith.constant 128 : i32
      %mul3A_312 = arith.muli %mul3A_285, %mul3A_311 : i32
      %add3A_313 = arith.constant 16 : i32
      %add3A_314 = arith.addi %mul3A_312, %add3A_313 : i32
      %get3A_315 = arith.index_cast %add3A_314 : i32 to index
      %get3A_316 = tpu.vector_load %arg11[%get3A_315] {strides = array<i32>} : memref<4096xi32, #tpu.memory_space<vmem>>, vector<16xi32>,
      %get3A_317 = vector.shape_cast %get3A_316 : vector<16xi32> to vector<16xi32>
      %swap3A_318 = arith.constant 16 : index
      %swap3A_319 = tpu.vector_load %arg13[%swap3A_318] {strides = array<i32>} : memref<128xi32, #tpu.memory_space<vmem>>, vector<16xi32>,
      %swap3A_320 = vector.shape_cast %swap3A_319 : vector<16xi32> to vector<16xi32>
      %swap3A_321 = vector.shape_cast %get3A_317 : vector<16xi32> to vector<16xi32>
      tpu.vector_store %arg13[%swap3A_318], %swap3A_321 {strides = array<i32>} : memref<128xi32, #tpu.memory_space<vmem>>, vector<16xi32>,
      %mul3A_322 = arith.constant 128 : i32
      %mul3A_323 = arith.muli %mul3A_285, %mul3A_322 : i32
      %add3A_324 = arith.constant 32 : i32
      %add3A_325 = arith.addi %mul3A_323, %add3A_324 : i32
      %get3A_326 = arith.index_cast %add3A_325 : i32 to index
      %get3A_327 = tpu.vector_load %arg11[%get3A_326] {strides = array<i32>} : memref<4096xi32, #tpu.memory_space<vmem>>, vector<16xi32>,
      %get3A_328 = vector.shape_cast %get3A_327 : vector<16xi32> to vector<16xi32>
      %swap3A_329 = arith.constant 32 : index
      %swap3A_330 = tpu.vector_load %arg13[%swap3A_329] {strides = array<i32>} : memref<128xi32, #tpu.memory_space<vmem>>, vector<16xi32>,
      %swap3A_331 = vector.shape_cast %swap3A_330 : vector<16xi32> to vector<16xi32>
      %swap3A_332 = vector.shape_cast %get3A_328 : vector<16xi32> to vector<16xi32>
      tpu.vector_store %arg13[%swap3A_329], %swap3A_332 {strides = array<i32>} : memref<128xi32, #tpu.memory_space<vmem>>, vector<16xi32>,
      %mul3A_333 = arith.constant 128 : i32
      %mul3A_334 = arith.muli %mul3A_285, %mul3A_333 : i32
      %add3A_335 = arith.constant 48 : i32
      %add3A_336 = arith.addi %mul3A_334, %add3A_335 : i32
      %get3A_337 = arith.index_cast %add3A_336 : i32 to index
      %get3A_338 = tpu.vector_load %arg11[%get3A_337] {strides = array<i32>} : memref<4096xi32, #tpu.memory_space<vmem>>, vector<16xi32>,
      %get3A_339 = vector.shape_cast %get3A_338 : vector<16xi32> to vector<16xi32>
      %swap3A_340 = arith.constant 48 : index
      %swap3A_341 = tpu.vector_load %arg13[%swap3A_340] {strides = array<i32>} : memref<128xi32, #tpu.memory_space<vmem>>, vector<16xi32>,
      %swap3A_342 = vector.shape_cast %swap3A_341 : vector<16xi32> to vector<16xi32>
      %swap3A_343 = vector.shape_cast %get3A_339 : vector<16xi32> to vector<16xi32>
      tpu.vector_store %arg13[%swap3A_340], %swap3A_343 {strides = array<i32>} : memref<128xi32, #tpu.memory_space<vmem>>, vector<16xi32>,
      %mul3A_344 = arith.constant 128 : i32
      %mul3A_345 = arith.muli %mul3A_285, %mul3A_344 : i32
      %add3A_346 = arith.constant 64 : i32
      %add3A_347 = arith.addi %mul3A_345, %add3A_346 : i32
      %get3A_348 = arith.index_cast %add3A_347 : i32 to index
      %get3A_349 = tpu.vector_load %arg11[%get3A_348] {strides = array<i32>} : memref<4096xi32, #tpu.memory_space<vmem>>, vector<16xi32>,
      %get3A_350 = vector.shape_cast %get3A_349 : vector<16xi32> to vector<16xi32>
      %swap3A_351 = arith.constant 64 : index
      %swap3A_352 = tpu.vector_load %arg13[%swap3A_351] {strides = array<i32>} : memref<128xi32, #tpu.memory_space<vmem>>, vector<16xi32>,
      %swap3A_353 = vector.shape_cast %swap3A_352 : vector<16xi32> to vector<16xi32>
      %swap3A_354 = vector.shape_cast %get3A_350 : vector<16xi32> to vector<16xi32>
      tpu.vector_store %arg13[%swap3A_351], %swap3A_354 {strides = array<i32>} : memref<128xi32, #tpu.memory_space<vmem>>, vector<16xi32>,
      %mul3A_355 = arith.constant 128 : i32
      %mul3A_356 = arith.muli %mul3A_285, %mul3A_355 : i32
      %add3A_357 = arith.constant 80 : i32
      %add3A_358 = arith.addi %mul3A_356, %add3A_357 : i32
      %get3A_359 = arith.index_cast %add3A_358 : i32 to index
      %get3A_360 = tpu.vector_load %arg11[%get3A_359] {strides = array<i32>} : memref<4096xi32, #tpu.memory_space<vmem>>, vector<16xi32>,
      %get3A_361 = vector.shape_cast %get3A_360 : vector<16xi32> to vector<16xi32>
      %swap3A_362 = arith.constant 80 : index
      %swap3A_363 = tpu.vector_load %arg13[%swap3A_362] {strides = array<i32>} : memref<128xi32, #tpu.memory_space<vmem>>, vector<16xi32>,
      %swap3A_364 = vector.shape_cast %swap3A_363 : vector<16xi32> to vector<16xi32>
      %swap3A_365 = vector.shape_cast %get3A_361 : vector<16xi32> to vector<16xi32>
      tpu.vector_store %arg13[%swap3A_362], %swap3A_365 {strides = array<i32>} : memref<128xi32, #tpu.memory_space<vmem>>, vector<16xi32>,
      %mul3A_366 = arith.constant 128 : i32
      %mul3A_367 = arith.muli %mul3A_285, %mul3A_366 : i32
      %add3A_368 = arith.constant 96 : i32
      %add3A_369 = arith.addi %mul3A_367, %add3A_368 : i32
      %get3A_370 = arith.index_cast %add3A_369 : i32 to index
      %get3A_371 = tpu.vector_load %arg11[%get3A_370] {strides = array<i32>} : memref<4096xi32, #tpu.memory_space<vmem>>, vector<16xi32>,
      %get3A_372 = vector.shape_cast %get3A_371 : vector<16xi32> to vector<16xi32>
      %swap3A_373 = arith.constant 96 : index
      %swap3A_374 = tpu.vector_load %arg13[%swap3A_373] {strides = array<i32>} : memref<128xi32, #tpu.memory_space<vmem>>, vector<16xi32>,
      %swap3A_375 = vector.shape_cast %swap3A_374 : vector<16xi32> to vector<16xi32>
      %swap3A_376 = vector.shape_cast %get3A_372 : vector<16xi32> to vector<16xi32>
      tpu.vector_store %arg13[%swap3A_373], %swap3A_376 {strides = array<i32>} : memref<128xi32, #tpu.memory_space<vmem>>, vector<16xi32>,
      %mul3A_377 = arith.constant 128 : i32
      %mul3A_378 = arith.muli %mul3A_285, %mul3A_377 : i32
      %add3A_379 = arith.constant 112 : i32
      %add3A_380 = arith.addi %mul3A_378, %add3A_379 : i32
      %get3A_381 = arith.index_cast %add3A_380 : i32 to index
      %get3A_382 = tpu.vector_load %arg11[%get3A_381] {strides = array<i32>} : memref<4096xi32, #tpu.memory_space<vmem>>, vector<16xi32>,
      %get3A_383 = vector.shape_cast %get3A_382 : vector<16xi32> to vector<16xi32>
      %swap3A_384 = arith.constant 112 : index
      %swap3A_385 = tpu.vector_load %arg13[%swap3A_384] {strides = array<i32>} : memref<128xi32, #tpu.memory_space<vmem>>, vector<16xi32>,
      %swap3A_386 = vector.shape_cast %swap3A_385 : vector<16xi32> to vector<16xi32>
      %swap3A_387 = vector.shape_cast %get3A_383 : vector<16xi32> to vector<16xi32>
      tpu.vector_store %arg13[%swap3A_384], %swap3A_387 {strides = array<i32>} : memref<128xi32, #tpu.memory_space<vmem>>, vector<16xi32>,
      %mul3A_388 = arith.constant 128 : i32
      %mul3A_389 = arith.muli %mul3A_285, %mul3A_388 : i32
      %add3A_390 = arith.constant 0 : i32
      %add3A_391 = arith.addi %mul3A_389, %add3A_390 : i32
      %get3A_392 = arith.index_cast %add3A_391 : i32 to index
      %get3A_393 = tpu.vector_load %arg11[%get3A_392] {strides = array<i32>} : memref<4096xi32, #tpu.memory_space<vmem>>, vector<16xi32>,
      %get3A_394 = vector.shape_cast %get3A_393 : vector<16xi32> to vector<16xi32>
      %swap3A_395 = arith.constant 0 : index
      %swap3A_396 = tpu.vector_load %arg14[%swap3A_395] {strides = array<i32>} : memref<128xi32, #tpu.memory_space<vmem>>, vector<16xi32>,
      %swap3A_397 = vector.shape_cast %swap3A_396 : vector<16xi32> to vector<16xi32>
      %swap3A_398 = vector.shape_cast %get3A_394 : vector<16xi32> to vector<16xi32>
      tpu.vector_store %arg14[%swap3A_395], %swap3A_398 {strides = array<i32>} : memref<128xi32, #tpu.memory_space<vmem>>, vector<16xi32>,
      %mul3A_399 = arith.constant 128 : i32
      %mul3A_400 = arith.muli %mul3A_285, %mul3A_399 : i32
      %add3A_401 = arith.constant 16 : i32
      %add3A_402 = arith.addi %mul3A_400, %add3A_401 : i32
      %get3A_403 = arith.index_cast %add3A_402 : i32 to index
      %get3A_404 = tpu.vector_load %arg11[%get3A_403] {strides = array<i32>} : memref<4096xi32, #tpu.memory_space<vmem>>, vector<16xi32>,
      %get3A_405 = vector.shape_cast %get3A_404 : vector<16xi32> to vector<16xi32>
      %swap3A_406 = arith.constant 16 : index
      %swap3A_407 = tpu.vector_load %arg14[%swap3A_406] {strides = array<i32>} : memref<128xi32, #tpu.memory_space<vmem>>, vector<16xi32>,
      %swap3A_408 = vector.shape_cast %swap3A_407 : vector<16xi32> to vector<16xi32>
      %swap3A_409 = vector.shape_cast %get3A_405 : vector<16xi32> to vector<16xi32>
      tpu.vector_store %arg14[%swap3A_406], %swap3A_409 {strides = array<i32>} : memref<128xi32, #tpu.memory_space<vmem>>, vector<16xi32>,
      %mul3A_410 = arith.constant 128 : i32
      %mul3A_411 = arith.muli %mul3A_285, %mul3A_410 : i32
      %add3A_412 = arith.constant 32 : i32
      %add3A_413 = arith.addi %mul3A_411, %add3A_412 : i32
      %get3A_414 = arith.index_cast %add3A_413 : i32 to index
      %get3A_415 = tpu.vector_load %arg11[%get3A_414] {strides = array<i32>} : memref<4096xi32, #tpu.memory_space<vmem>>, vector<16xi32>,
      %get3A_416 = vector.shape_cast %get3A_415 : vector<16xi32> to vector<16xi32>
      %swap3A_417 = arith.constant 32 : index
      %swap3A_418 = tpu.vector_load %arg14[%swap3A_417] {strides = array<i32>} : memref<128xi32, #tpu.memory_space<vmem>>, vector<16xi32>,
      %swap3A_419 = vector.shape_cast %swap3A_418 : vector<16xi32> to vector<16xi32>
      %swap3A_420 = vector.shape_cast %get3A_416 : vector<16xi32> to vector<16xi32>
      tpu.vector_store %arg14[%swap3A_417], %swap3A_420 {strides = array<i32>} : memref<128xi32, #tpu.memory_space<vmem>>, vector<16xi32>,
      %mul3A_421 = arith.constant 128 : i32
      %mul3A_422 = arith.muli %mul3A_285, %mul3A_421 : i32
      %add3A_423 = arith.constant 48 : i32
      %add3A_424 = arith.addi %mul3A_422, %add3A_423 : i32
      %get3A_425 = arith.index_cast %add3A_424 : i32 to index
      %get3A_426 = tpu.vector_load %arg11[%get3A_425] {strides = array<i32>} : memref<4096xi32, #tpu.memory_space<vmem>>, vector<16xi32>,
      %get3A_427 = vector.shape_cast %get3A_426 : vector<16xi32> to vector<16xi32>
      %swap3A_428 = arith.constant 48 : index
      %swap3A_429 = tpu.vector_load %arg14[%swap3A_428] {strides = array<i32>} : memref<128xi32, #tpu.memory_space<vmem>>, vector<16xi32>,
      %swap3A_430 = vector.shape_cast %swap3A_429 : vector<16xi32> to vector<16xi32>
      %swap3A_431 = vector.shape_cast %get3A_427 : vector<16xi32> to vector<16xi32>
      tpu.vector_store %arg14[%swap3A_428], %swap3A_431 {strides = array<i32>} : memref<128xi32, #tpu.memory_space<vmem>>, vector<16xi32>,
      %mul3A_432 = arith.constant 128 : i32
      %mul3A_433 = arith.muli %mul3A_285, %mul3A_432 : i32
      %add3A_434 = arith.constant 64 : i32
      %add3A_435 = arith.addi %mul3A_433, %add3A_434 : i32
      %get3A_436 = arith.index_cast %add3A_435 : i32 to index
      %get3A_437 = tpu.vector_load %arg11[%get3A_436] {strides = array<i32>} : memref<4096xi32, #tpu.memory_space<vmem>>, vector<16xi32>,
      %get3A_438 = vector.shape_cast %get3A_437 : vector<16xi32> to vector<16xi32>
      %swap3A_439 = arith.constant 64 : index
      %swap3A_440 = tpu.vector_load %arg14[%swap3A_439] {strides = array<i32>} : memref<128xi32, #tpu.memory_space<vmem>>, vector<16xi32>,
      %swap3A_441 = vector.shape_cast %swap3A_440 : vector<16xi32> to vector<16xi32>
      %swap3A_442 = vector.shape_cast %get3A_438 : vector<16xi32> to vector<16xi32>
      tpu.vector_store %arg14[%swap3A_439], %swap3A_442 {strides = array<i32>} : memref<128xi32, #tpu.memory_space<vmem>>, vector<16xi32>,
      %mul3A_443 = arith.constant 128 : i32
      %mul3A_444 = arith.muli %mul3A_285, %mul3A_443 : i32
      %add3A_445 = arith.constant 80 : i32
      %add3A_446 = arith.addi %mul3A_444, %add3A_445 : i32
      %get3A_447 = arith.index_cast %add3A_446 : i32 to index
      %get3A_448 = tpu.vector_load %arg11[%get3A_447] {strides = array<i32>} : memref<4096xi32, #tpu.memory_space<vmem>>, vector<16xi32>,
      %get3A_449 = vector.shape_cast %get3A_448 : vector<16xi32> to vector<16xi32>
      %swap3A_450 = arith.constant 80 : index
      %swap3A_451 = tpu.vector_load %arg14[%swap3A_450] {strides = array<i32>} : memref<128xi32, #tpu.memory_space<vmem>>, vector<16xi32>,
      %swap3A_452 = vector.shape_cast %swap3A_451 : vector<16xi32> to vector<16xi32>
      %swap3A_453 = vector.shape_cast %get3A_449 : vector<16xi32> to vector<16xi32>
      tpu.vector_store %arg14[%swap3A_450], %swap3A_453 {strides = array<i32>} : memref<128xi32, #tpu.memory_space<vmem>>, vector<16xi32>,
      %mul3A_454 = arith.constant 128 : i32
      %mul3A_455 = arith.muli %mul3A_285, %mul3A_454 : i32
      %add3A_456 = arith.constant 96 : i32
      %add3A_457 = arith.addi %mul3A_455, %add3A_456 : i32
      %get3A_458 = arith.index_cast %add3A_457 : i32 to index
      %get3A_459 = tpu.vector_load %arg11[%get3A_458] {strides = array<i32>} : memref<4096xi32, #tpu.memory_space<vmem>>, vector<16xi32>,
      %get3A_460 = vector.shape_cast %get3A_459 : vector<16xi32> to vector<16xi32>
      %swap3A_461 = arith.constant 96 : index
      %swap3A_462 = tpu.vector_load %arg14[%swap3A_461] {strides = array<i32>} : memref<128xi32, #tpu.memory_space<vmem>>, vector<16xi32>,
      %swap3A_463 = vector.shape_cast %swap3A_462 : vector<16xi32> to vector<16xi32>
      %swap3A_464 = vector.shape_cast %get3A_460 : vector<16xi32> to vector<16xi32>
      tpu.vector_store %arg14[%swap3A_461], %swap3A_464 {strides = array<i32>} : memref<128xi32, #tpu.memory_space<vmem>>, vector<16xi32>,
      %mul3A_465 = arith.constant 128 : i32
      %mul3A_466 = arith.muli %mul3A_285, %mul3A_465 : i32
      %add3A_467 = arith.constant 112 : i32
      %add3A_468 = arith.addi %mul3A_466, %add3A_467 : i32
      %get3A_469 = arith.index_cast %add3A_468 : i32 to index
      %get3A_470 = tpu.vector_load %arg11[%get3A_469] {strides = array<i32>} : memref<4096xi32, #tpu.memory_space<vmem>>, vector<16xi32>,
      %get3A_471 = vector.shape_cast %get3A_470 : vector<16xi32> to vector<16xi32>
      %swap3A_472 = arith.constant 112 : index
      %swap3A_473 = tpu.vector_load %arg14[%swap3A_472] {strides = array<i32>} : memref<128xi32, #tpu.memory_space<vmem>>, vector<16xi32>,
      %swap3A_474 = vector.shape_cast %swap3A_473 : vector<16xi32> to vector<16xi32>
      %swap3A_475 = vector.shape_cast %get3A_471 : vector<16xi32> to vector<16xi32>
      tpu.vector_store %arg14[%swap3A_472], %swap3A_475 {strides = array<i32>} : memref<128xi32, #tpu.memory_space<vmem>>, vector<16xi32>,
      "tpu.region"() ({
        %run_scoped3A = tpu.sem_alloc : memref<!tpu.dma_semaphore, #tpu.memory_space<semaphore_mem>>
        %dma_start3A_670 = arith.constant 0 : i32
        %dma_start3A_671 = arith.constant 0 : i32
        %dma_start3A_672 = tpu.memref_slice %arg8[%dma_start3A_670, %dma_start3A_671] : memref<4096x128xf32, #tpu.memory_space<vmem_shared>> -> memref<4096x128xf32, #tpu.memory_space<vmem_shared>>
        tpu.enqueue_indirect_dma source(%arg15 : memref<128x128xf32, #tpu.memory_space<vmem>>) target(%dma_start3A_672 : memref<4096x128xf32, #tpu.memory_space<vmem_shared>>) offsets(%arg13 : memref<128xi32, #tpu.memory_space<vmem>>) semaphore(%run_scoped3A : memref<!tpu.dma_semaphore, #tpu.memory_space<semaphore_mem>>) {add = true}
        %dma_wait3A_673 = arith.constant 0 : i32
        %dma_wait3A_674 = arith.constant 0 : i32
        %dma_wait3A_675 = tpu.memref_slice %arg8[%dma_wait3A_673, %dma_wait3A_674] : memref<4096x128xf32, #tpu.memory_space<vmem_shared>> -> memref<4096x128xf32, #tpu.memory_space<vmem_shared>>
        tpu.wait_indirect_dma semaphore(%run_scoped3A : memref<!tpu.dma_semaphore, #tpu.memory_space<semaphore_mem>>) src(%arg15 : memref<128x128xf32, #tpu.memory_space<vmem>>) dst(%dma_wait3A_675 : memref<4096x128xf32, #tpu.memory_space<vmem_shared>>)
        tpu.yield
      }) : () -> ()
      "tpu.region"() ({
        %run_scoped3A = tpu.sem_alloc : memref<!tpu.dma_semaphore, #tpu.memory_space<semaphore_mem>>
        %dma_start3A_670 = arith.constant 0 : i32
        %dma_start3A_671 = arith.constant 0 : i32
        %dma_start3A_672 = tpu.memref_slice %arg9[%dma_start3A_670, %dma_start3A_671] : memref<4096x128xf32, #tpu.memory_space<vmem_shared>> -> memref<4096x128xf32, #tpu.memory_space<vmem_shared>>
        tpu.enqueue_indirect_dma source(%arg17 : memref<128x128xf32, #tpu.memory_space<vmem>>) target(%dma_start3A_672 : memref<4096x128xf32, #tpu.memory_space<vmem_shared>>) offsets(%arg14 : memref<128xi32, #tpu.memory_space<vmem>>) semaphore(%run_scoped3A : memref<!tpu.dma_semaphore, #tpu.memory_space<semaphore_mem>>) {add = true}
        %dma_wait3A_673 = arith.constant 0 : i32
        %dma_wait3A_674 = arith.constant 0 : i32
        %dma_wait3A_675 = tpu.memref_slice %arg9[%dma_wait3A_673, %dma_wait3A_674] : memref<4096x128xf32, #tpu.memory_space<vmem_shared>> -> memref<4096x128xf32, #tpu.memory_space<vmem_shared>>
        tpu.wait_indirect_dma semaphore(%run_scoped3A : memref<!tpu.dma_semaphore, #tpu.memory_space<semaphore_mem>>) src(%arg17 : memref<128x128xf32, #tpu.memory_space<vmem>>) dst(%dma_wait3A_675 : memref<4096x128xf32, #tpu.memory_space<vmem_shared>>)
        tpu.yield
      }) : () -> ()
      %add3A_476 = arith.constant 2 : i32
      %add3A_477 = arith.addi %mul3A_285, %add3A_476 : i32
      %mul3A_478 = arith.constant 128 : i32
      %mul3A_479 = arith.muli %add3A_477, %mul3A_478 : i32
      %dma_start3A_480 = tpu.memref_slice %arg10[%mul3A_479] : memref<4096xi32, #tpu.memory_space<vmem>> -> memref<128xi32, #tpu.memory_space<vmem>>
      %dma_start3A_481 = arith.constant 0 : i32
      %dma_start3A_482 = arith.constant 0 : i32
      %dma_start3A_483 = tpu.memref_slice %arg2[%dma_start3A_481, %dma_start3A_482] : memref<10000x128xf32, #tpu.memory_space<hbm>> -> memref<10000x128xf32, #tpu.memory_space<hbm>>
      tpu.enqueue_indirect_dma source(%dma_start3A_483 : memref<10000x128xf32, #tpu.memory_space<hbm>>) target(%arg15 : memref<128x128xf32, #tpu.memory_space<vmem>>) offsets(%dma_start3A_480 : memref<128xi32, #tpu.memory_space<vmem>>) semaphore(%arg18 : memref<!tpu.dma_semaphore, #tpu.memory_space<semaphore_mem>>)
      %add3A_484 = arith.constant 1 : i32
      %add3A_485 = arith.addi %mul3A_285, %add3A_484 : i32
      %mul3A_486 = arith.constant 128 : i32
      %mul3A_487 = arith.muli %add3A_485, %mul3A_486 : i32
      %dma_wait3A_488 = tpu.memref_slice %arg10[%mul3A_487] : memref<4096xi32, #tpu.memory_space<vmem>> -> memref<128xi32, #tpu.memory_space<vmem>>
      %dma_wait3A_489 = arith.constant 0 : i32
      %dma_wait3A_490 = arith.constant 0 : i32
      %dma_wait3A_491 = tpu.memref_slice %arg2[%dma_wait3A_489, %dma_wait3A_490] : memref<10000x128xf32, #tpu.memory_space<hbm>> -> memref<10000x128xf32, #tpu.memory_space<hbm>>
      tpu.wait_indirect_dma semaphore(%arg19 : memref<!tpu.dma_semaphore, #tpu.memory_space<semaphore_mem>>) src(%dma_wait3A_491 : memref<10000x128xf32, #tpu.memory_space<hbm>>) dst(%arg16 : memref<128x128xf32, #tpu.memory_space<vmem>>)
      %add3A_492 = arith.constant 1 : i32
      %add3A_493 = arith.addi %mul3A_285, %add3A_492 : i32
      %mul3A_494 = arith.constant 128 : i32
      %mul3A_495 = arith.muli %add3A_493, %mul3A_494 : i32
      %add3A_496 = arith.constant 0 : i32
      %add3A_497 = arith.addi %mul3A_495, %add3A_496 : i32
      %get3A_498 = arith.index_cast %add3A_497 : i32 to index
      %get3A_499 = tpu.vector_load %arg11[%get3A_498] {strides = array<i32>} : memref<4096xi32, #tpu.memory_space<vmem>>, vector<16xi32>,
      %get3A_500 = vector.shape_cast %get3A_499 : vector<16xi32> to vector<16xi32>
      %swap3A_501 = arith.constant 0 : index
      %swap3A_502 = tpu.vector_load %arg13[%swap3A_501] {strides = array<i32>} : memref<128xi32, #tpu.memory_space<vmem>>, vector<16xi32>,
      %swap3A_503 = vector.shape_cast %swap3A_502 : vector<16xi32> to vector<16xi32>
      %swap3A_504 = vector.shape_cast %get3A_500 : vector<16xi32> to vector<16xi32>
      tpu.vector_store %arg13[%swap3A_501], %swap3A_504 {strides = array<i32>} : memref<128xi32, #tpu.memory_space<vmem>>, vector<16xi32>,
      %mul3A_505 = arith.constant 128 : i32
      %mul3A_506 = arith.muli %add3A_493, %mul3A_505 : i32
      %add3A_507 = arith.constant 16 : i32
      %add3A_508 = arith.addi %mul3A_506, %add3A_507 : i32
      %get3A_509 = arith.index_cast %add3A_508 : i32 to index
      %get3A_510 = tpu.vector_load %arg11[%get3A_509] {strides = array<i32>} : memref<4096xi32, #tpu.memory_space<vmem>>, vector<16xi32>,
      %get3A_511 = vector.shape_cast %get3A_510 : vector<16xi32> to vector<16xi32>
      %swap3A_512 = arith.constant 16 : index
      %swap3A_513 = tpu.vector_load %arg13[%swap3A_512] {strides = array<i32>} : memref<128xi32, #tpu.memory_space<vmem>>, vector<16xi32>,
      %swap3A_514 = vector.shape_cast %swap3A_513 : vector<16xi32> to vector<16xi32>
      %swap3A_515 = vector.shape_cast %get3A_511 : vector<16xi32> to vector<16xi32>
      tpu.vector_store %arg13[%swap3A_512], %swap3A_515 {strides = array<i32>} : memref<128xi32, #tpu.memory_space<vmem>>, vector<16xi32>,
      %mul3A_516 = arith.constant 128 : i32
      %mul3A_517 = arith.muli %add3A_493, %mul3A_516 : i32
      %add3A_518 = arith.constant 32 : i32
      %add3A_519 = arith.addi %mul3A_517, %add3A_518 : i32
      %get3A_520 = arith.index_cast %add3A_519 : i32 to index
      %get3A_521 = tpu.vector_load %arg11[%get3A_520] {strides = array<i32>} : memref<4096xi32, #tpu.memory_space<vmem>>, vector<16xi32>,
      %get3A_522 = vector.shape_cast %get3A_521 : vector<16xi32> to vector<16xi32>
      %swap3A_523 = arith.constant 32 : index
      %swap3A_524 = tpu.vector_load %arg13[%swap3A_523] {strides = array<i32>} : memref<128xi32, #tpu.memory_space<vmem>>, vector<16xi32>,
      %swap3A_525 = vector.shape_cast %swap3A_524 : vector<16xi32> to vector<16xi32>
      %swap3A_526 = vector.shape_cast %get3A_522 : vector<16xi32> to vector<16xi32>
      tpu.vector_store %arg13[%swap3A_523], %swap3A_526 {strides = array<i32>} : memref<128xi32, #tpu.memory_space<vmem>>, vector<16xi32>,
      %mul3A_527 = arith.constant 128 : i32
      %mul3A_528 = arith.muli %add3A_493, %mul3A_527 : i32
      %add3A_529 = arith.constant 48 : i32
      %add3A_530 = arith.addi %mul3A_528, %add3A_529 : i32
      %get3A_531 = arith.index_cast %add3A_530 : i32 to index
      %get3A_532 = tpu.vector_load %arg11[%get3A_531] {strides = array<i32>} : memref<4096xi32, #tpu.memory_space<vmem>>, vector<16xi32>,
      %get3A_533 = vector.shape_cast %get3A_532 : vector<16xi32> to vector<16xi32>
      %swap3A_534 = arith.constant 48 : index
      %swap3A_535 = tpu.vector_load %arg13[%swap3A_534] {strides = array<i32>} : memref<128xi32, #tpu.memory_space<vmem>>, vector<16xi32>,
      %swap3A_536 = vector.shape_cast %swap3A_535 : vector<16xi32> to vector<16xi32>
      %swap3A_537 = vector.shape_cast %get3A_533 : vector<16xi32> to vector<16xi32>
      tpu.vector_store %arg13[%swap3A_534], %swap3A_537 {strides = array<i32>} : memref<128xi32, #tpu.memory_space<vmem>>, vector<16xi32>,
      %mul3A_538 = arith.constant 128 : i32
      %mul3A_539 = arith.muli %add3A_493, %mul3A_538 : i32
      %add3A_540 = arith.constant 64 : i32
      %add3A_541 = arith.addi %mul3A_539, %add3A_540 : i32
      %get3A_542 = arith.index_cast %add3A_541 : i32 to index
      %get3A_543 = tpu.vector_load %arg11[%get3A_542] {strides = array<i32>} : memref<4096xi32, #tpu.memory_space<vmem>>, vector<16xi32>,
      %get3A_544 = vector.shape_cast %get3A_543 : vector<16xi32> to vector<16xi32>
      %swap3A_545 = arith.constant 64 : index
      %swap3A_546 = tpu.vector_load %arg13[%swap3A_545] {strides = array<i32>} : memref<128xi32, #tpu.memory_space<vmem>>, vector<16xi32>,
      %swap3A_547 = vector.shape_cast %swap3A_546 : vector<16xi32> to vector<16xi32>
      %swap3A_548 = vector.shape_cast %get3A_544 : vector<16xi32> to vector<16xi32>
      tpu.vector_store %arg13[%swap3A_545], %swap3A_548 {strides = array<i32>} : memref<128xi32, #tpu.memory_space<vmem>>, vector<16xi32>,
      %mul3A_549 = arith.constant 128 : i32
      %mul3A_550 = arith.muli %add3A_493, %mul3A_549 : i32
      %add3A_551 = arith.constant 80 : i32
      %add3A_552 = arith.addi %mul3A_550, %add3A_551 : i32
      %get3A_553 = arith.index_cast %add3A_552 : i32 to index
      %get3A_554 = tpu.vector_load %arg11[%get3A_553] {strides = array<i32>} : memref<4096xi32, #tpu.memory_space<vmem>>, vector<16xi32>,
      %get3A_555 = vector.shape_cast %get3A_554 : vector<16xi32> to vector<16xi32>
      %swap3A_556 = arith.constant 80 : index
      %swap3A_557 = tpu.vector_load %arg13[%swap3A_556] {strides = array<i32>} : memref<128xi32, #tpu.memory_space<vmem>>, vector<16xi32>,
      %swap3A_558 = vector.shape_cast %swap3A_557 : vector<16xi32> to vector<16xi32>
      %swap3A_559 = vector.shape_cast %get3A_555 : vector<16xi32> to vector<16xi32>
      tpu.vector_store %arg13[%swap3A_556], %swap3A_559 {strides = array<i32>} : memref<128xi32, #tpu.memory_space<vmem>>, vector<16xi32>,
      %mul3A_560 = arith.constant 128 : i32
      %mul3A_561 = arith.muli %add3A_493, %mul3A_560 : i32
      %add3A_562 = arith.constant 96 : i32
      %add3A_563 = arith.addi %mul3A_561, %add3A_562 : i32
      %get3A_564 = arith.index_cast %add3A_563 : i32 to index
      %get3A_565 = tpu.vector_load %arg11[%get3A_564] {strides = array<i32>} : memref<4096xi32, #tpu.memory_space<vmem>>, vector<16xi32>,
      %get3A_566 = vector.shape_cast %get3A_565 : vector<16xi32> to vector<16xi32>
      %swap3A_567 = arith.constant 96 : index
      %swap3A_568 = tpu.vector_load %arg13[%swap3A_567] {strides = array<i32>} : memref<128xi32, #tpu.memory_space<vmem>>, vector<16xi32>,
      %swap3A_569 = vector.shape_cast %swap3A_568 : vector<16xi32> to vector<16xi32>
      %swap3A_570 = vector.shape_cast %get3A_566 : vector<16xi32> to vector<16xi32>
      tpu.vector_store %arg13[%swap3A_567], %swap3A_570 {strides = array<i32>} : memref<128xi32, #tpu.memory_space<vmem>>, vector<16xi32>,
      %mul3A_571 = arith.constant 128 : i32
      %mul3A_572 = arith.muli %add3A_493, %mul3A_571 : i32
      %add3A_573 = arith.constant 112 : i32
      %add3A_574 = arith.addi %mul3A_572, %add3A_573 : i32
      %get3A_575 = arith.index_cast %add3A_574 : i32 to index
      %get3A_576 = tpu.vector_load %arg11[%get3A_575] {strides = array<i32>} : memref<4096xi32, #tpu.memory_space<vmem>>, vector<16xi32>,
      %get3A_577 = vector.shape_cast %get3A_576 : vector<16xi32> to vector<16xi32>
      %swap3A_578 = arith.constant 112 : index
      %swap3A_579 = tpu.vector_load %arg13[%swap3A_578] {strides = array<i32>} : memref<128xi32, #tpu.memory_space<vmem>>, vector<16xi32>,
      %swap3A_580 = vector.shape_cast %swap3A_579 : vector<16xi32> to vector<16xi32>
      %swap3A_581 = vector.shape_cast %get3A_577 : vector<16xi32> to vector<16xi32>
      tpu.vector_store %arg13[%swap3A_578], %swap3A_581 {strides = array<i32>} : memref<128xi32, #tpu.memory_space<vmem>>, vector<16xi32>,
      %mul3A_582 = arith.constant 128 : i32
      %mul3A_583 = arith.muli %add3A_493, %mul3A_582 : i32
      %add3A_584 = arith.constant 0 : i32
      %add3A_585 = arith.addi %mul3A_583, %add3A_584 : i32
      %get3A_586 = arith.index_cast %add3A_585 : i32 to index
      %get3A_587 = tpu.vector_load %arg11[%get3A_586] {strides = array<i32>} : memref<4096xi32, #tpu.memory_space<vmem>>, vector<16xi32>,
      %get3A_588 = vector.shape_cast %get3A_587 : vector<16xi32> to vector<16xi32>
      %swap3A_589 = arith.constant 0 : index
      %swap3A_590 = tpu.vector_load %arg14[%swap3A_589] {strides = array<i32>} : memref<128xi32, #tpu.memory_space<vmem>>, vector<16xi32>,
      %swap3A_591 = vector.shape_cast %swap3A_590 : vector<16xi32> to vector<16xi32>
      %swap3A_592 = vector.shape_cast %get3A_588 : vector<16xi32> to vector<16xi32>
      tpu.vector_store %arg14[%swap3A_589], %swap3A_592 {strides = array<i32>} : memref<128xi32, #tpu.memory_space<vmem>>, vector<16xi32>,
      %mul3A_593 = arith.constant 128 : i32
      %mul3A_594 = arith.muli %add3A_493, %mul3A_593 : i32
      %add3A_595 = arith.constant 16 : i32
      %add3A_596 = arith.addi %mul3A_594, %add3A_595 : i32
      %get3A_597 = arith.index_cast %add3A_596 : i32 to index
      %get3A_598 = tpu.vector_load %arg11[%get3A_597] {strides = array<i32>} : memref<4096xi32, #tpu.memory_space<vmem>>, vector<16xi32>,
      %get3A_599 = vector.shape_cast %get3A_598 : vector<16xi32> to vector<16xi32>
      %swap3A_600 = arith.constant 16 : index
      %swap3A_601 = tpu.vector_load %arg14[%swap3A_600] {strides = array<i32>} : memref<128xi32, #tpu.memory_space<vmem>>, vector<16xi32>,
      %swap3A_602 = vector.shape_cast %swap3A_601 : vector<16xi32> to vector<16xi32>
      %swap3A_603 = vector.shape_cast %get3A_599 : vector<16xi32> to vector<16xi32>
      tpu.vector_store %arg14[%swap3A_600], %swap3A_603 {strides = array<i32>} : memref<128xi32, #tpu.memory_space<vmem>>, vector<16xi32>,
      %mul3A_604 = arith.constant 128 : i32
      %mul3A_605 = arith.muli %add3A_493, %mul3A_604 : i32
      %add3A_606 = arith.constant 32 : i32
      %add3A_607 = arith.addi %mul3A_605, %add3A_606 : i32
      %get3A_608 = arith.index_cast %add3A_607 : i32 to index
      %get3A_609 = tpu.vector_load %arg11[%get3A_608] {strides = array<i32>} : memref<4096xi32, #tpu.memory_space<vmem>>, vector<16xi32>,
      %get3A_610 = vector.shape_cast %get3A_609 : vector<16xi32> to vector<16xi32>
      %swap3A_611 = arith.constant 32 : index
      %swap3A_612 = tpu.vector_load %arg14[%swap3A_611] {strides = array<i32>} : memref<128xi32, #tpu.memory_space<vmem>>, vector<16xi32>,
      %swap3A_613 = vector.shape_cast %swap3A_612 : vector<16xi32> to vector<16xi32>
      %swap3A_614 = vector.shape_cast %get3A_610 : vector<16xi32> to vector<16xi32>
      tpu.vector_store %arg14[%swap3A_611], %swap3A_614 {strides = array<i32>} : memref<128xi32, #tpu.memory_space<vmem>>, vector<16xi32>,
      %mul3A_615 = arith.constant 128 : i32
      %mul3A_616 = arith.muli %add3A_493, %mul3A_615 : i32
      %add3A_617 = arith.constant 48 : i32
      %add3A_618 = arith.addi %mul3A_616, %add3A_617 : i32
      %get3A_619 = arith.index_cast %add3A_618 : i32 to index
      %get3A_620 = tpu.vector_load %arg11[%get3A_619] {strides = array<i32>} : memref<4096xi32, #tpu.memory_space<vmem>>, vector<16xi32>,
      %get3A_621 = vector.shape_cast %get3A_620 : vector<16xi32> to vector<16xi32>
      %swap3A_622 = arith.constant 48 : index
      %swap3A_623 = tpu.vector_load %arg14[%swap3A_622] {strides = array<i32>} : memref<128xi32, #tpu.memory_space<vmem>>, vector<16xi32>,
      %swap3A_624 = vector.shape_cast %swap3A_623 : vector<16xi32> to vector<16xi32>
      %swap3A_625 = vector.shape_cast %get3A_621 : vector<16xi32> to vector<16xi32>
      tpu.vector_store %arg14[%swap3A_622], %swap3A_625 {strides = array<i32>} : memref<128xi32, #tpu.memory_space<vmem>>, vector<16xi32>,
      %mul3A_626 = arith.constant 128 : i32
      %mul3A_627 = arith.muli %add3A_493, %mul3A_626 : i32
      %add3A_628 = arith.constant 64 : i32
      %add3A_629 = arith.addi %mul3A_627, %add3A_628 : i32
      %get3A_630 = arith.index_cast %add3A_629 : i32 to index
      %get3A_631 = tpu.vector_load %arg11[%get3A_630] {strides = array<i32>} : memref<4096xi32, #tpu.memory_space<vmem>>, vector<16xi32>,
      %get3A_632 = vector.shape_cast %get3A_631 : vector<16xi32> to vector<16xi32>
      %swap3A_633 = arith.constant 64 : index
      %swap3A_634 = tpu.vector_load %arg14[%swap3A_633] {strides = array<i32>} : memref<128xi32, #tpu.memory_space<vmem>>, vector<16xi32>,
      %swap3A_635 = vector.shape_cast %swap3A_634 : vector<16xi32> to vector<16xi32>
      %swap3A_636 = vector.shape_cast %get3A_632 : vector<16xi32> to vector<16xi32>
      tpu.vector_store %arg14[%swap3A_633], %swap3A_636 {strides = array<i32>} : memref<128xi32, #tpu.memory_space<vmem>>, vector<16xi32>,
      %mul3A_637 = arith.constant 128 : i32
      %mul3A_638 = arith.muli %add3A_493, %mul3A_637 : i32
      %add3A_639 = arith.constant 80 : i32
      %add3A_640 = arith.addi %mul3A_638, %add3A_639 : i32
      %get3A_641 = arith.index_cast %add3A_640 : i32 to index
      %get3A_642 = tpu.vector_load %arg11[%get3A_641] {strides = array<i32>} : memref<4096xi32, #tpu.memory_space<vmem>>, vector<16xi32>,
      %get3A_643 = vector.shape_cast %get3A_642 : vector<16xi32> to vector<16xi32>
      %swap3A_644 = arith.constant 80 : index
      %swap3A_645 = tpu.vector_load %arg14[%swap3A_644] {strides = array<i32>} : memref<128xi32, #tpu.memory_space<vmem>>, vector<16xi32>,
      %swap3A_646 = vector.shape_cast %swap3A_645 : vector<16xi32> to vector<16xi32>
      %swap3A_647 = vector.shape_cast %get3A_643 : vector<16xi32> to vector<16xi32>
      tpu.vector_store %arg14[%swap3A_644], %swap3A_647 {strides = array<i32>} : memref<128xi32, #tpu.memory_space<vmem>>, vector<16xi32>,
      %mul3A_648 = arith.constant 128 : i32
      %mul3A_649 = arith.muli %add3A_493, %mul3A_648 : i32
      %add3A_650 = arith.constant 96 : i32
      %add3A_651 = arith.addi %mul3A_649, %add3A_650 : i32
      %get3A_652 = arith.index_cast %add3A_651 : i32 to index
      %get3A_653 = tpu.vector_load %arg11[%get3A_652] {strides = array<i32>} : memref<4096xi32, #tpu.memory_space<vmem>>, vector<16xi32>,
      %get3A_654 = vector.shape_cast %get3A_653 : vector<16xi32> to vector<16xi32>
      %swap3A_655 = arith.constant 96 : index
      %swap3A_656 = tpu.vector_load %arg14[%swap3A_655] {strides = array<i32>} : memref<128xi32, #tpu.memory_space<vmem>>, vector<16xi32>,
      %swap3A_657 = vector.shape_cast %swap3A_656 : vector<16xi32> to vector<16xi32>
      %swap3A_658 = vector.shape_cast %get3A_654 : vector<16xi32> to vector<16xi32>
      tpu.vector_store %arg14[%swap3A_655], %swap3A_658 {strides = array<i32>} : memref<128xi32, #tpu.memory_space<vmem>>, vector<16xi32>,
      %mul3A_659 = arith.constant 128 : i32
      %mul3A_660 = arith.muli %add3A_493, %mul3A_659 : i32
      %add3A_661 = arith.constant 112 : i32
      %add3A_662 = arith.addi %mul3A_660, %add3A_661 : i32
      %get3A_663 = arith.index_cast %add3A_662 : i32 to index
      %get3A_664 = tpu.vector_load %arg11[%get3A_663] {strides = array<i32>} : memref<4096xi32, #tpu.memory_space<vmem>>, vector<16xi32>,
      %get3A_665 = vector.shape_cast %get3A_664 : vector<16xi32> to vector<16xi32>
      %swap3A_666 = arith.constant 112 : index
      %swap3A_667 = tpu.vector_load %arg14[%swap3A_666] {strides = array<i32>} : memref<128xi32, #tpu.memory_space<vmem>>, vector<16xi32>,
      %swap3A_668 = vector.shape_cast %swap3A_667 : vector<16xi32> to vector<16xi32>
      %swap3A_669 = vector.shape_cast %get3A_665 : vector<16xi32> to vector<16xi32>
      tpu.vector_store %arg14[%swap3A_666], %swap3A_669 {strides = array<i32>} : memref<128xi32, #tpu.memory_space<vmem>>, vector<16xi32>,
      "tpu.region"() ({
        %run_scoped3A = tpu.sem_alloc : memref<!tpu.dma_semaphore, #tpu.memory_space<semaphore_mem>>
        %dma_start3A_670 = arith.constant 0 : i32
        %dma_start3A_671 = arith.constant 0 : i32
        %dma_start3A_672 = tpu.memref_slice %arg8[%dma_start3A_670, %dma_start3A_671] : memref<4096x128xf32, #tpu.memory_space<vmem_shared>> -> memref<4096x128xf32, #tpu.memory_space<vmem_shared>>
        tpu.enqueue_indirect_dma source(%arg16 : memref<128x128xf32, #tpu.memory_space<vmem>>) target(%dma_start3A_672 : memref<4096x128xf32, #tpu.memory_space<vmem_shared>>) offsets(%arg13 : memref<128xi32, #tpu.memory_space<vmem>>) semaphore(%run_scoped3A : memref<!tpu.dma_semaphore, #tpu.memory_space<semaphore_mem>>) {add = true}
        %dma_wait3A_673 = arith.constant 0 : i32
        %dma_wait3A_674 = arith.constant 0 : i32
        %dma_wait3A_675 = tpu.memref_slice %arg8[%dma_wait3A_673, %dma_wait3A_674] : memref<4096x128xf32, #tpu.memory_space<vmem_shared>> -> memref<4096x128xf32, #tpu.memory_space<vmem_shared>>
        tpu.wait_indirect_dma semaphore(%run_scoped3A : memref<!tpu.dma_semaphore, #tpu.memory_space<semaphore_mem>>) src(%arg16 : memref<128x128xf32, #tpu.memory_space<vmem>>) dst(%dma_wait3A_675 : memref<4096x128xf32, #tpu.memory_space<vmem_shared>>)
        tpu.yield
      }) : () -> ()
      "tpu.region"() ({
        %run_scoped3A = tpu.sem_alloc : memref<!tpu.dma_semaphore, #tpu.memory_space<semaphore_mem>>
        %dma_start3A_670 = arith.constant 0 : i32
        %dma_start3A_671 = arith.constant 0 : i32
        %dma_start3A_672 = tpu.memref_slice %arg9[%dma_start3A_670, %dma_start3A_671] : memref<4096x128xf32, #tpu.memory_space<vmem_shared>> -> memref<4096x128xf32, #tpu.memory_space<vmem_shared>>
        tpu.enqueue_indirect_dma source(%arg17 : memref<128x128xf32, #tpu.memory_space<vmem>>) target(%dma_start3A_672 : memref<4096x128xf32, #tpu.memory_space<vmem_shared>>) offsets(%arg14 : memref<128xi32, #tpu.memory_space<vmem>>) semaphore(%run_scoped3A : memref<!tpu.dma_semaphore, #tpu.memory_space<semaphore_mem>>) {add = true}
        %dma_wait3A_673 = arith.constant 0 : i32
        %dma_wait3A_674 = arith.constant 0 : i32
        %dma_wait3A_675 = tpu.memref_slice %arg9[%dma_wait3A_673, %dma_wait3A_674] : memref<4096x128xf32, #tpu.memory_space<vmem_shared>> -> memref<4096x128xf32, #tpu.memory_space<vmem_shared>>
        tpu.wait_indirect_dma semaphore(%run_scoped3A : memref<!tpu.dma_semaphore, #tpu.memory_space<semaphore_mem>>) src(%arg17 : memref<128x128xf32, #tpu.memory_space<vmem>>) dst(%dma_wait3A_675 : memref<4096x128xf32, #tpu.memory_space<vmem_shared>>)
        tpu.yield
      }) : () -> ()
    }
    %scan3A_37 = arith.constant 15 : i32
    %dma_start3A_38 = arith.constant 3968 : i32
    %dma_start3A_39 = tpu.memref_slice %arg10[%dma_start3A_38] : memref<4096xi32, #tpu.memory_space<vmem>> -> memref<128xi32, #tpu.memory_space<vmem>>
    %dma_start3A_40 = arith.constant 0 : i32
    %dma_start3A_41 = arith.constant 0 : i32
    %dma_start3A_42 = tpu.memref_slice %arg2[%dma_start3A_40, %dma_start3A_41] : memref<10000x128xf32, #tpu.memory_space<hbm>> -> memref<10000x128xf32, #tpu.memory_space<hbm>>
    tpu.enqueue_indirect_dma source(%dma_start3A_42 : memref<10000x128xf32, #tpu.memory_space<hbm>>) target(%arg16 : memref<128x128xf32, #tpu.memory_space<vmem>>) offsets(%dma_start3A_39 : memref<128xi32, #tpu.memory_space<vmem>>) semaphore(%arg19 : memref<!tpu.dma_semaphore, #tpu.memory_space<semaphore_mem>>)
    %dma_wait3A = arith.constant 3840 : i32
    %dma_wait3A_43 = tpu.memref_slice %arg10[%dma_wait3A] : memref<4096xi32, #tpu.memory_space<vmem>> -> memref<128xi32, #tpu.memory_space<vmem>>
    %dma_wait3A_44 = arith.constant 0 : i32
    %dma_wait3A_45 = arith.constant 0 : i32
    %dma_wait3A_46 = tpu.memref_slice %arg2[%dma_wait3A_44, %dma_wait3A_45] : memref<10000x128xf32, #tpu.memory_space<hbm>> -> memref<10000x128xf32, #tpu.memory_space<hbm>>
    tpu.wait_indirect_dma semaphore(%arg18 : memref<!tpu.dma_semaphore, #tpu.memory_space<semaphore_mem>>) src(%dma_wait3A_46 : memref<10000x128xf32, #tpu.memory_space<hbm>>) dst(%arg15 : memref<128x128xf32, #tpu.memory_space<vmem>>)
    %get3A = arith.constant 3840 : index
    %get3A_47 = tpu.vector_load %arg11[%get3A] {strides = array<i32>} : memref<4096xi32, #tpu.memory_space<vmem>>, vector<16xi32>,
    %get3A_48 = vector.shape_cast %get3A_47 : vector<16xi32> to vector<16xi32>
    %swap3A = arith.constant 0 : index
    %swap3A_49 = tpu.vector_load %arg13[%swap3A] {strides = array<i32>} : memref<128xi32, #tpu.memory_space<vmem>>, vector<16xi32>,
    %swap3A_50 = vector.shape_cast %swap3A_49 : vector<16xi32> to vector<16xi32>
    %swap3A_51 = vector.shape_cast %get3A_48 : vector<16xi32> to vector<16xi32>
    tpu.vector_store %arg13[%swap3A], %swap3A_51 {strides = array<i32>} : memref<128xi32, #tpu.memory_space<vmem>>, vector<16xi32>,
    %get3A_52 = arith.constant 3856 : index
    %get3A_53 = tpu.vector_load %arg11[%get3A_52] {strides = array<i32>} : memref<4096xi32, #tpu.memory_space<vmem>>, vector<16xi32>,
    %get3A_54 = vector.shape_cast %get3A_53 : vector<16xi32> to vector<16xi32>
    %swap3A_55 = arith.constant 16 : index
    %swap3A_56 = tpu.vector_load %arg13[%swap3A_55] {strides = array<i32>} : memref<128xi32, #tpu.memory_space<vmem>>, vector<16xi32>,
    %swap3A_57 = vector.shape_cast %swap3A_56 : vector<16xi32> to vector<16xi32>
    %swap3A_58 = vector.shape_cast %get3A_54 : vector<16xi32> to vector<16xi32>
    tpu.vector_store %arg13[%swap3A_55], %swap3A_58 {strides = array<i32>} : memref<128xi32, #tpu.memory_space<vmem>>, vector<16xi32>,
    %get3A_59 = arith.constant 3872 : index
    %get3A_60 = tpu.vector_load %arg11[%get3A_59] {strides = array<i32>} : memref<4096xi32, #tpu.memory_space<vmem>>, vector<16xi32>,
    %get3A_61 = vector.shape_cast %get3A_60 : vector<16xi32> to vector<16xi32>
    %swap3A_62 = arith.constant 32 : index
    %swap3A_63 = tpu.vector_load %arg13[%swap3A_62] {strides = array<i32>} : memref<128xi32, #tpu.memory_space<vmem>>, vector<16xi32>,
    %swap3A_64 = vector.shape_cast %swap3A_63 : vector<16xi32> to vector<16xi32>
    %swap3A_65 = vector.shape_cast %get3A_61 : vector<16xi32> to vector<16xi32>
    tpu.vector_store %arg13[%swap3A_62], %swap3A_65 {strides = array<i32>} : memref<128xi32, #tpu.memory_space<vmem>>, vector<16xi32>,
    %get3A_66 = arith.constant 3888 : index
    %get3A_67 = tpu.vector_load %arg11[%get3A_66] {strides = array<i32>} : memref<4096xi32, #tpu.memory_space<vmem>>, vector<16xi32>,
    %get3A_68 = vector.shape_cast %get3A_67 : vector<16xi32> to vector<16xi32>
    %swap3A_69 = arith.constant 48 : index
    %swap3A_70 = tpu.vector_load %arg13[%swap3A_69] {strides = array<i32>} : memref<128xi32, #tpu.memory_space<vmem>>, vector<16xi32>,
    %swap3A_71 = vector.shape_cast %swap3A_70 : vector<16xi32> to vector<16xi32>
    %swap3A_72 = vector.shape_cast %get3A_68 : vector<16xi32> to vector<16xi32>
    tpu.vector_store %arg13[%swap3A_69], %swap3A_72 {strides = array<i32>} : memref<128xi32, #tpu.memory_space<vmem>>, vector<16xi32>,
    %get3A_73 = arith.constant 3904 : index
    %get3A_74 = tpu.vector_load %arg11[%get3A_73] {strides = array<i32>} : memref<4096xi32, #tpu.memory_space<vmem>>, vector<16xi32>,
    %get3A_75 = vector.shape_cast %get3A_74 : vector<16xi32> to vector<16xi32>
    %swap3A_76 = arith.constant 64 : index
    %swap3A_77 = tpu.vector_load %arg13[%swap3A_76] {strides = array<i32>} : memref<128xi32, #tpu.memory_space<vmem>>, vector<16xi32>,
    %swap3A_78 = vector.shape_cast %swap3A_77 : vector<16xi32> to vector<16xi32>
    %swap3A_79 = vector.shape_cast %get3A_75 : vector<16xi32> to vector<16xi32>
    tpu.vector_store %arg13[%swap3A_76], %swap3A_79 {strides = array<i32>} : memref<128xi32, #tpu.memory_space<vmem>>, vector<16xi32>,
    %get3A_80 = arith.constant 3920 : index
    %get3A_81 = tpu.vector_load %arg11[%get3A_80] {strides = array<i32>} : memref<4096xi32, #tpu.memory_space<vmem>>, vector<16xi32>,
    %get3A_82 = vector.shape_cast %get3A_81 : vector<16xi32> to vector<16xi32>
    %swap3A_83 = arith.constant 80 : index
    %swap3A_84 = tpu.vector_load %arg13[%swap3A_83] {strides = array<i32>} : memref<128xi32, #tpu.memory_space<vmem>>, vector<16xi32>,
    %swap3A_85 = vector.shape_cast %swap3A_84 : vector<16xi32> to vector<16xi32>
    %swap3A_86 = vector.shape_cast %get3A_82 : vector<16xi32> to vector<16xi32>
    tpu.vector_store %arg13[%swap3A_83], %swap3A_86 {strides = array<i32>} : memref<128xi32, #tpu.memory_space<vmem>>, vector<16xi32>,
    %get3A_87 = arith.constant 3936 : index
    %get3A_88 = tpu.vector_load %arg11[%get3A_87] {strides = array<i32>} : memref<4096xi32, #tpu.memory_space<vmem>>, vector<16xi32>,
    %get3A_89 = vector.shape_cast %get3A_88 : vector<16xi32> to vector<16xi32>
    %swap3A_90 = arith.constant 96 : index
    %swap3A_91 = tpu.vector_load %arg13[%swap3A_90] {strides = array<i32>} : memref<128xi32, #tpu.memory_space<vmem>>, vector<16xi32>,
    %swap3A_92 = vector.shape_cast %swap3A_91 : vector<16xi32> to vector<16xi32>
    %swap3A_93 = vector.shape_cast %get3A_89 : vector<16xi32> to vector<16xi32>
    tpu.vector_store %arg13[%swap3A_90], %swap3A_93 {strides = array<i32>} : memref<128xi32, #tpu.memory_space<vmem>>, vector<16xi32>,
    %get3A_94 = arith.constant 3952 : index
    %get3A_95 = tpu.vector_load %arg11[%get3A_94] {strides = array<i32>} : memref<4096xi32, #tpu.memory_space<vmem>>, vector<16xi32>,
    %get3A_96 = vector.shape_cast %get3A_95 : vector<16xi32> to vector<16xi32>
    %swap3A_97 = arith.constant 112 : index
    %swap3A_98 = tpu.vector_load %arg13[%swap3A_97] {strides = array<i32>} : memref<128xi32, #tpu.memory_space<vmem>>, vector<16xi32>,
    %swap3A_99 = vector.shape_cast %swap3A_98 : vector<16xi32> to vector<16xi32>
    %swap3A_100 = vector.shape_cast %get3A_96 : vector<16xi32> to vector<16xi32>
    tpu.vector_store %arg13[%swap3A_97], %swap3A_100 {strides = array<i32>} : memref<128xi32, #tpu.memory_space<vmem>>, vector<16xi32>,
    %get3A_101 = arith.constant 3840 : index
    %get3A_102 = tpu.vector_load %arg11[%get3A_101] {strides = array<i32>} : memref<4096xi32, #tpu.memory_space<vmem>>, vector<16xi32>,
    %get3A_103 = vector.shape_cast %get3A_102 : vector<16xi32> to vector<16xi32>
    %swap3A_104 = arith.constant 0 : index
    %swap3A_105 = tpu.vector_load %arg14[%swap3A_104] {strides = array<i32>} : memref<128xi32, #tpu.memory_space<vmem>>, vector<16xi32>,
    %swap3A_106 = vector.shape_cast %swap3A_105 : vector<16xi32> to vector<16xi32>
    %swap3A_107 = vector.shape_cast %get3A_103 : vector<16xi32> to vector<16xi32>
    tpu.vector_store %arg14[%swap3A_104], %swap3A_107 {strides = array<i32>} : memref<128xi32, #tpu.memory_space<vmem>>, vector<16xi32>,
    %get3A_108 = arith.constant 3856 : index
    %get3A_109 = tpu.vector_load %arg11[%get3A_108] {strides = array<i32>} : memref<4096xi32, #tpu.memory_space<vmem>>, vector<16xi32>,
    %get3A_110 = vector.shape_cast %get3A_109 : vector<16xi32> to vector<16xi32>
    %swap3A_111 = arith.constant 16 : index
    %swap3A_112 = tpu.vector_load %arg14[%swap3A_111] {strides = array<i32>} : memref<128xi32, #tpu.memory_space<vmem>>, vector<16xi32>,
    %swap3A_113 = vector.shape_cast %swap3A_112 : vector<16xi32> to vector<16xi32>
    %swap3A_114 = vector.shape_cast %get3A_110 : vector<16xi32> to vector<16xi32>
    tpu.vector_store %arg14[%swap3A_111], %swap3A_114 {strides = array<i32>} : memref<128xi32, #tpu.memory_space<vmem>>, vector<16xi32>,
    %get3A_115 = arith.constant 3872 : index
    %get3A_116 = tpu.vector_load %arg11[%get3A_115] {strides = array<i32>} : memref<4096xi32, #tpu.memory_space<vmem>>, vector<16xi32>,
    %get3A_117 = vector.shape_cast %get3A_116 : vector<16xi32> to vector<16xi32>
    %swap3A_118 = arith.constant 32 : index
    %swap3A_119 = tpu.vector_load %arg14[%swap3A_118] {strides = array<i32>} : memref<128xi32, #tpu.memory_space<vmem>>, vector<16xi32>,
    %swap3A_120 = vector.shape_cast %swap3A_119 : vector<16xi32> to vector<16xi32>
    %swap3A_121 = vector.shape_cast %get3A_117 : vector<16xi32> to vector<16xi32>
    tpu.vector_store %arg14[%swap3A_118], %swap3A_121 {strides = array<i32>} : memref<128xi32, #tpu.memory_space<vmem>>, vector<16xi32>,
    %get3A_122 = arith.constant 3888 : index
    %get3A_123 = tpu.vector_load %arg11[%get3A_122] {strides = array<i32>} : memref<4096xi32, #tpu.memory_space<vmem>>, vector<16xi32>,
    %get3A_124 = vector.shape_cast %get3A_123 : vector<16xi32> to vector<16xi32>
    %swap3A_125 = arith.constant 48 : index
    %swap3A_126 = tpu.vector_load %arg14[%swap3A_125] {strides = array<i32>} : memref<128xi32, #tpu.memory_space<vmem>>, vector<16xi32>,
    %swap3A_127 = vector.shape_cast %swap3A_126 : vector<16xi32> to vector<16xi32>
    %swap3A_128 = vector.shape_cast %get3A_124 : vector<16xi32> to vector<16xi32>
    tpu.vector_store %arg14[%swap3A_125], %swap3A_128 {strides = array<i32>} : memref<128xi32, #tpu.memory_space<vmem>>, vector<16xi32>,
    %get3A_129 = arith.constant 3904 : index
    %get3A_130 = tpu.vector_load %arg11[%get3A_129] {strides = array<i32>} : memref<4096xi32, #tpu.memory_space<vmem>>, vector<16xi32>,
    %get3A_131 = vector.shape_cast %get3A_130 : vector<16xi32> to vector<16xi32>
    %swap3A_132 = arith.constant 64 : index
    %swap3A_133 = tpu.vector_load %arg14[%swap3A_132] {strides = array<i32>} : memref<128xi32, #tpu.memory_space<vmem>>, vector<16xi32>,
    %swap3A_134 = vector.shape_cast %swap3A_133 : vector<16xi32> to vector<16xi32>
    %swap3A_135 = vector.shape_cast %get3A_131 : vector<16xi32> to vector<16xi32>
    tpu.vector_store %arg14[%swap3A_132], %swap3A_135 {strides = array<i32>} : memref<128xi32, #tpu.memory_space<vmem>>, vector<16xi32>,
    %get3A_136 = arith.constant 3920 : index
    %get3A_137 = tpu.vector_load %arg11[%get3A_136] {strides = array<i32>} : memref<4096xi32, #tpu.memory_space<vmem>>, vector<16xi32>,
    %get3A_138 = vector.shape_cast %get3A_137 : vector<16xi32> to vector<16xi32>
    %swap3A_139 = arith.constant 80 : index
    %swap3A_140 = tpu.vector_load %arg14[%swap3A_139] {strides = array<i32>} : memref<128xi32, #tpu.memory_space<vmem>>, vector<16xi32>,
    %swap3A_141 = vector.shape_cast %swap3A_140 : vector<16xi32> to vector<16xi32>
    %swap3A_142 = vector.shape_cast %get3A_138 : vector<16xi32> to vector<16xi32>
    tpu.vector_store %arg14[%swap3A_139], %swap3A_142 {strides = array<i32>} : memref<128xi32, #tpu.memory_space<vmem>>, vector<16xi32>,
    %get3A_143 = arith.constant 3936 : index
    %get3A_144 = tpu.vector_load %arg11[%get3A_143] {strides = array<i32>} : memref<4096xi32, #tpu.memory_space<vmem>>, vector<16xi32>,
    %get3A_145 = vector.shape_cast %get3A_144 : vector<16xi32> to vector<16xi32>
    %swap3A_146 = arith.constant 96 : index
    %swap3A_147 = tpu.vector_load %arg14[%swap3A_146] {strides = array<i32>} : memref<128xi32, #tpu.memory_space<vmem>>, vector<16xi32>,
    %swap3A_148 = vector.shape_cast %swap3A_147 : vector<16xi32> to vector<16xi32>
    %swap3A_149 = vector.shape_cast %get3A_145 : vector<16xi32> to vector<16xi32>
    tpu.vector_store %arg14[%swap3A_146], %swap3A_149 {strides = array<i32>} : memref<128xi32, #tpu.memory_space<vmem>>, vector<16xi32>,
    %get3A_150 = arith.constant 3952 : index
    %get3A_151 = tpu.vector_load %arg11[%get3A_150] {strides = array<i32>} : memref<4096xi32, #tpu.memory_space<vmem>>, vector<16xi32>,
    %get3A_152 = vector.shape_cast %get3A_151 : vector<16xi32> to vector<16xi32>
    %swap3A_153 = arith.constant 112 : index
    %swap3A_154 = tpu.vector_load %arg14[%swap3A_153] {strides = array<i32>} : memref<128xi32, #tpu.memory_space<vmem>>, vector<16xi32>,
    %swap3A_155 = vector.shape_cast %swap3A_154 : vector<16xi32> to vector<16xi32>
    %swap3A_156 = vector.shape_cast %get3A_152 : vector<16xi32> to vector<16xi32>
    tpu.vector_store %arg14[%swap3A_153], %swap3A_156 {strides = array<i32>} : memref<128xi32, #tpu.memory_space<vmem>>, vector<16xi32>,
    "tpu.region"() ({
      %run_scoped3A = tpu.sem_alloc : memref<!tpu.dma_semaphore, #tpu.memory_space<semaphore_mem>>
      %dma_start3A_283 = arith.constant 0 : i32
      %dma_start3A_284 = arith.constant 0 : i32
      %dma_start3A_285 = tpu.memref_slice %arg8[%dma_start3A_283, %dma_start3A_284] : memref<4096x128xf32, #tpu.memory_space<vmem_shared>> -> memref<4096x128xf32, #tpu.memory_space<vmem_shared>>
      tpu.enqueue_indirect_dma source(%arg15 : memref<128x128xf32, #tpu.memory_space<vmem>>) target(%dma_start3A_285 : memref<4096x128xf32, #tpu.memory_space<vmem_shared>>) offsets(%arg13 : memref<128xi32, #tpu.memory_space<vmem>>) semaphore(%run_scoped3A : memref<!tpu.dma_semaphore, #tpu.memory_space<semaphore_mem>>) {add = true}
      %dma_wait3A_286 = arith.constant 0 : i32
      %dma_wait3A_287 = arith.constant 0 : i32
      %dma_wait3A_288 = tpu.memref_slice %arg8[%dma_wait3A_286, %dma_wait3A_287] : memref<4096x128xf32, #tpu.memory_space<vmem_shared>> -> memref<4096x128xf32, #tpu.memory_space<vmem_shared>>
      tpu.wait_indirect_dma semaphore(%run_scoped3A : memref<!tpu.dma_semaphore, #tpu.memory_space<semaphore_mem>>) src(%arg15 : memref<128x128xf32, #tpu.memory_space<vmem>>) dst(%dma_wait3A_288 : memref<4096x128xf32, #tpu.memory_space<vmem_shared>>)
      tpu.yield
    }) : () -> ()
    "tpu.region"() ({
      %run_scoped3A = tpu.sem_alloc : memref<!tpu.dma_semaphore, #tpu.memory_space<semaphore_mem>>
      %dma_start3A_283 = arith.constant 0 : i32
      %dma_start3A_284 = arith.constant 0 : i32
      %dma_start3A_285 = tpu.memref_slice %arg9[%dma_start3A_283, %dma_start3A_284] : memref<4096x128xf32, #tpu.memory_space<vmem_shared>> -> memref<4096x128xf32, #tpu.memory_space<vmem_shared>>
      tpu.enqueue_indirect_dma source(%arg17 : memref<128x128xf32, #tpu.memory_space<vmem>>) target(%dma_start3A_285 : memref<4096x128xf32, #tpu.memory_space<vmem_shared>>) offsets(%arg14 : memref<128xi32, #tpu.memory_space<vmem>>) semaphore(%run_scoped3A : memref<!tpu.dma_semaphore, #tpu.memory_space<semaphore_mem>>) {add = true}
      %dma_wait3A_286 = arith.constant 0 : i32
      %dma_wait3A_287 = arith.constant 0 : i32
      %dma_wait3A_288 = tpu.memref_slice %arg9[%dma_wait3A_286, %dma_wait3A_287] : memref<4096x128xf32, #tpu.memory_space<vmem_shared>> -> memref<4096x128xf32, #tpu.memory_space<vmem_shared>>
      tpu.wait_indirect_dma semaphore(%run_scoped3A : memref<!tpu.dma_semaphore, #tpu.memory_space<semaphore_mem>>) src(%arg17 : memref<128x128xf32, #tpu.memory_space<vmem>>) dst(%dma_wait3A_288 : memref<4096x128xf32, #tpu.memory_space<vmem_shared>>)
      tpu.yield
    }) : () -> ()
    %dma_wait3A_157 = arith.constant 3968 : i32
    %dma_wait3A_158 = tpu.memref_slice %arg10[%dma_wait3A_157] : memref<4096xi32, #tpu.memory_space<vmem>> -> memref<128xi32, #tpu.memory_space<vmem>>
    %dma_wait3A_159 = arith.constant 0 : i32
    %dma_wait3A_160 = arith.constant 0 : i32
    %dma_wait3A_161 = tpu.memref_slice %arg2[%dma_wait3A_159, %dma_wait3A_160] : memref<10000x128xf32, #tpu.memory_space<hbm>> -> memref<10000x128xf32, #tpu.memory_space<hbm>>
    tpu.wait_indirect_dma semaphore(%arg19 : memref<!tpu.dma_semaphore, #tpu.memory_space<semaphore_mem>>) src(%dma_wait3A_161 : memref<10000x128xf32, #tpu.memory_space<hbm>>) dst(%arg16 : memref<128x128xf32, #tpu.memory_space<vmem>>)
    %get3A_162 = arith.constant 3968 : index
    %get3A_163 = tpu.vector_load %arg11[%get3A_162] {strides = array<i32>} : memref<4096xi32, #tpu.memory_space<vmem>>, vector<16xi32>,
    %get3A_164 = vector.shape_cast %get3A_163 : vector<16xi32> to vector<16xi32>
    %swap3A_165 = arith.constant 0 : index
    %swap3A_166 = tpu.vector_load %arg13[%swap3A_165] {strides = array<i32>} : memref<128xi32, #tpu.memory_space<vmem>>, vector<16xi32>,
    %swap3A_167 = vector.shape_cast %swap3A_166 : vector<16xi32> to vector<16xi32>
    %swap3A_168 = vector.shape_cast %get3A_164 : vector<16xi32> to vector<16xi32>
    tpu.vector_store %arg13[%swap3A_165], %swap3A_168 {strides = array<i32>} : memref<128xi32, #tpu.memory_space<vmem>>, vector<16xi32>,
    %get3A_169 = arith.constant 3984 : index
    %get3A_170 = tpu.vector_load %arg11[%get3A_169] {strides = array<i32>} : memref<4096xi32, #tpu.memory_space<vmem>>, vector<16xi32>,
    %get3A_171 = vector.shape_cast %get3A_170 : vector<16xi32> to vector<16xi32>
    %swap3A_172 = arith.constant 16 : index
    %swap3A_173 = tpu.vector_load %arg13[%swap3A_172] {strides = array<i32>} : memref<128xi32, #tpu.memory_space<vmem>>, vector<16xi32>,
    %swap3A_174 = vector.shape_cast %swap3A_173 : vector<16xi32> to vector<16xi32>
    %swap3A_175 = vector.shape_cast %get3A_171 : vector<16xi32> to vector<16xi32>
    tpu.vector_store %arg13[%swap3A_172], %swap3A_175 {strides = array<i32>} : memref<128xi32, #tpu.memory_space<vmem>>, vector<16xi32>,
    %get3A_176 = arith.constant 4000 : index
    %get3A_177 = tpu.vector_load %arg11[%get3A_176] {strides = array<i32>} : memref<4096xi32, #tpu.memory_space<vmem>>, vector<16xi32>,
    %get3A_178 = vector.shape_cast %get3A_177 : vector<16xi32> to vector<16xi32>
    %swap3A_179 = arith.constant 32 : index
    %swap3A_180 = tpu.vector_load %arg13[%swap3A_179] {strides = array<i32>} : memref<128xi32, #tpu.memory_space<vmem>>, vector<16xi32>,
    %swap3A_181 = vector.shape_cast %swap3A_180 : vector<16xi32> to vector<16xi32>
    %swap3A_182 = vector.shape_cast %get3A_178 : vector<16xi32> to vector<16xi32>
    tpu.vector_store %arg13[%swap3A_179], %swap3A_182 {strides = array<i32>} : memref<128xi32, #tpu.memory_space<vmem>>, vector<16xi32>,
    %get3A_183 = arith.constant 4016 : index
    %get3A_184 = tpu.vector_load %arg11[%get3A_183] {strides = array<i32>} : memref<4096xi32, #tpu.memory_space<vmem>>, vector<16xi32>,
    %get3A_185 = vector.shape_cast %get3A_184 : vector<16xi32> to vector<16xi32>
    %swap3A_186 = arith.constant 48 : index
    %swap3A_187 = tpu.vector_load %arg13[%swap3A_186] {strides = array<i32>} : memref<128xi32, #tpu.memory_space<vmem>>, vector<16xi32>,
    %swap3A_188 = vector.shape_cast %swap3A_187 : vector<16xi32> to vector<16xi32>
    %swap3A_189 = vector.shape_cast %get3A_185 : vector<16xi32> to vector<16xi32>
    tpu.vector_store %arg13[%swap3A_186], %swap3A_189 {strides = array<i32>} : memref<128xi32, #tpu.memory_space<vmem>>, vector<16xi32>,
    %get3A_190 = arith.constant 4032 : index
    %get3A_191 = tpu.vector_load %arg11[%get3A_190] {strides = array<i32>} : memref<4096xi32, #tpu.memory_space<vmem>>, vector<16xi32>,
    %get3A_192 = vector.shape_cast %get3A_191 : vector<16xi32> to vector<16xi32>
    %swap3A_193 = arith.constant 64 : index
    %swap3A_194 = tpu.vector_load %arg13[%swap3A_193] {strides = array<i32>} : memref<128xi32, #tpu.memory_space<vmem>>, vector<16xi32>,
    %swap3A_195 = vector.shape_cast %swap3A_194 : vector<16xi32> to vector<16xi32>
    %swap3A_196 = vector.shape_cast %get3A_192 : vector<16xi32> to vector<16xi32>
    tpu.vector_store %arg13[%swap3A_193], %swap3A_196 {strides = array<i32>} : memref<128xi32, #tpu.memory_space<vmem>>, vector<16xi32>,
    %get3A_197 = arith.constant 4048 : index
    %get3A_198 = tpu.vector_load %arg11[%get3A_197] {strides = array<i32>} : memref<4096xi32, #tpu.memory_space<vmem>>, vector<16xi32>,
    %get3A_199 = vector.shape_cast %get3A_198 : vector<16xi32> to vector<16xi32>
    %swap3A_200 = arith.constant 80 : index
    %swap3A_201 = tpu.vector_load %arg13[%swap3A_200] {strides = array<i32>} : memref<128xi32, #tpu.memory_space<vmem>>, vector<16xi32>,
    %swap3A_202 = vector.shape_cast %swap3A_201 : vector<16xi32> to vector<16xi32>
    %swap3A_203 = vector.shape_cast %get3A_199 : vector<16xi32> to vector<16xi32>
    tpu.vector_store %arg13[%swap3A_200], %swap3A_203 {strides = array<i32>} : memref<128xi32, #tpu.memory_space<vmem>>, vector<16xi32>,
    %get3A_204 = arith.constant 4064 : index
    %get3A_205 = tpu.vector_load %arg11[%get3A_204] {strides = array<i32>} : memref<4096xi32, #tpu.memory_space<vmem>>, vector<16xi32>,
    %get3A_206 = vector.shape_cast %get3A_205 : vector<16xi32> to vector<16xi32>
    %swap3A_207 = arith.constant 96 : index
    %swap3A_208 = tpu.vector_load %arg13[%swap3A_207] {strides = array<i32>} : memref<128xi32, #tpu.memory_space<vmem>>, vector<16xi32>,
    %swap3A_209 = vector.shape_cast %swap3A_208 : vector<16xi32> to vector<16xi32>
    %swap3A_210 = vector.shape_cast %get3A_206 : vector<16xi32> to vector<16xi32>
    tpu.vector_store %arg13[%swap3A_207], %swap3A_210 {strides = array<i32>} : memref<128xi32, #tpu.memory_space<vmem>>, vector<16xi32>,
    %get3A_211 = arith.constant 4080 : index
    %get3A_212 = tpu.vector_load %arg11[%get3A_211] {strides = array<i32>} : memref<4096xi32, #tpu.memory_space<vmem>>, vector<16xi32>,
    %get3A_213 = vector.shape_cast %get3A_212 : vector<16xi32> to vector<16xi32>
    %swap3A_214 = arith.constant 112 : index
    %swap3A_215 = tpu.vector_load %arg13[%swap3A_214] {strides = array<i32>} : memref<128xi32, #tpu.memory_space<vmem>>, vector<16xi32>,
    %swap3A_216 = vector.shape_cast %swap3A_215 : vector<16xi32> to vector<16xi32>
    %swap3A_217 = vector.shape_cast %get3A_213 : vector<16xi32> to vector<16xi32>
    tpu.vector_store %arg13[%swap3A_214], %swap3A_217 {strides = array<i32>} : memref<128xi32, #tpu.memory_space<vmem>>, vector<16xi32>,
    %get3A_218 = arith.constant 3968 : index
    %get3A_219 = tpu.vector_load %arg11[%get3A_218] {strides = array<i32>} : memref<4096xi32, #tpu.memory_space<vmem>>, vector<16xi32>,
    %get3A_220 = vector.shape_cast %get3A_219 : vector<16xi32> to vector<16xi32>
    %swap3A_221 = arith.constant 0 : index
    %swap3A_222 = tpu.vector_load %arg14[%swap3A_221] {strides = array<i32>} : memref<128xi32, #tpu.memory_space<vmem>>, vector<16xi32>,
    %swap3A_223 = vector.shape_cast %swap3A_222 : vector<16xi32> to vector<16xi32>
    %swap3A_224 = vector.shape_cast %get3A_220 : vector<16xi32> to vector<16xi32>
    tpu.vector_store %arg14[%swap3A_221], %swap3A_224 {strides = array<i32>} : memref<128xi32, #tpu.memory_space<vmem>>, vector<16xi32>,
    %get3A_225 = arith.constant 3984 : index
    %get3A_226 = tpu.vector_load %arg11[%get3A_225] {strides = array<i32>} : memref<4096xi32, #tpu.memory_space<vmem>>, vector<16xi32>,
    %get3A_227 = vector.shape_cast %get3A_226 : vector<16xi32> to vector<16xi32>
    %swap3A_228 = arith.constant 16 : index
    %swap3A_229 = tpu.vector_load %arg14[%swap3A_228] {strides = array<i32>} : memref<128xi32, #tpu.memory_space<vmem>>, vector<16xi32>,
    %swap3A_230 = vector.shape_cast %swap3A_229 : vector<16xi32> to vector<16xi32>
    %swap3A_231 = vector.shape_cast %get3A_227 : vector<16xi32> to vector<16xi32>
    tpu.vector_store %arg14[%swap3A_228], %swap3A_231 {strides = array<i32>} : memref<128xi32, #tpu.memory_space<vmem>>, vector<16xi32>,
    %get3A_232 = arith.constant 4000 : index
    %get3A_233 = tpu.vector_load %arg11[%get3A_232] {strides = array<i32>} : memref<4096xi32, #tpu.memory_space<vmem>>, vector<16xi32>,
    %get3A_234 = vector.shape_cast %get3A_233 : vector<16xi32> to vector<16xi32>
    %swap3A_235 = arith.constant 32 : index
    %swap3A_236 = tpu.vector_load %arg14[%swap3A_235] {strides = array<i32>} : memref<128xi32, #tpu.memory_space<vmem>>, vector<16xi32>,
    %swap3A_237 = vector.shape_cast %swap3A_236 : vector<16xi32> to vector<16xi32>
    %swap3A_238 = vector.shape_cast %get3A_234 : vector<16xi32> to vector<16xi32>
    tpu.vector_store %arg14[%swap3A_235], %swap3A_238 {strides = array<i32>} : memref<128xi32, #tpu.memory_space<vmem>>, vector<16xi32>,
    %get3A_239 = arith.constant 4016 : index
    %get3A_240 = tpu.vector_load %arg11[%get3A_239] {strides = array<i32>} : memref<4096xi32, #tpu.memory_space<vmem>>, vector<16xi32>,
    %get3A_241 = vector.shape_cast %get3A_240 : vector<16xi32> to vector<16xi32>
    %swap3A_242 = arith.constant 48 : index
    %swap3A_243 = tpu.vector_load %arg14[%swap3A_242] {strides = array<i32>} : memref<128xi32, #tpu.memory_space<vmem>>, vector<16xi32>,
    %swap3A_244 = vector.shape_cast %swap3A_243 : vector<16xi32> to vector<16xi32>
    %swap3A_245 = vector.shape_cast %get3A_241 : vector<16xi32> to vector<16xi32>
    tpu.vector_store %arg14[%swap3A_242], %swap3A_245 {strides = array<i32>} : memref<128xi32, #tpu.memory_space<vmem>>, vector<16xi32>,
    %get3A_246 = arith.constant 4032 : index
    %get3A_247 = tpu.vector_load %arg11[%get3A_246] {strides = array<i32>} : memref<4096xi32, #tpu.memory_space<vmem>>, vector<16xi32>,
    %get3A_248 = vector.shape_cast %get3A_247 : vector<16xi32> to vector<16xi32>
    %swap3A_249 = arith.constant 64 : index
    %swap3A_250 = tpu.vector_load %arg14[%swap3A_249] {strides = array<i32>} : memref<128xi32, #tpu.memory_space<vmem>>, vector<16xi32>,
    %swap3A_251 = vector.shape_cast %swap3A_250 : vector<16xi32> to vector<16xi32>
    %swap3A_252 = vector.shape_cast %get3A_248 : vector<16xi32> to vector<16xi32>
    tpu.vector_store %arg14[%swap3A_249], %swap3A_252 {strides = array<i32>} : memref<128xi32, #tpu.memory_space<vmem>>, vector<16xi32>,
    %get3A_253 = arith.constant 4048 : index
    %get3A_254 = tpu.vector_load %arg11[%get3A_253] {strides = array<i32>} : memref<4096xi32, #tpu.memory_space<vmem>>, vector<16xi32>,
    %get3A_255 = vector.shape_cast %get3A_254 : vector<16xi32> to vector<16xi32>
    %swap3A_256 = arith.constant 80 : index
    %swap3A_257 = tpu.vector_load %arg14[%swap3A_256] {strides = array<i32>} : memref<128xi32, #tpu.memory_space<vmem>>, vector<16xi32>,
    %swap3A_258 = vector.shape_cast %swap3A_257 : vector<16xi32> to vector<16xi32>
    %swap3A_259 = vector.shape_cast %get3A_255 : vector<16xi32> to vector<16xi32>
    tpu.vector_store %arg14[%swap3A_256], %swap3A_259 {strides = array<i32>} : memref<128xi32, #tpu.memory_space<vmem>>, vector<16xi32>,
    %get3A_260 = arith.constant 4064 : index
    %get3A_261 = tpu.vector_load %arg11[%get3A_260] {strides = array<i32>} : memref<4096xi32, #tpu.memory_space<vmem>>, vector<16xi32>,
    %get3A_262 = vector.shape_cast %get3A_261 : vector<16xi32> to vector<16xi32>
    %swap3A_263 = arith.constant 96 : index
    %swap3A_264 = tpu.vector_load %arg14[%swap3A_263] {strides = array<i32>} : memref<128xi32, #tpu.memory_space<vmem>>, vector<16xi32>,
    %swap3A_265 = vector.shape_cast %swap3A_264 : vector<16xi32> to vector<16xi32>
    %swap3A_266 = vector.shape_cast %get3A_262 : vector<16xi32> to vector<16xi32>
    tpu.vector_store %arg14[%swap3A_263], %swap3A_266 {strides = array<i32>} : memref<128xi32, #tpu.memory_space<vmem>>, vector<16xi32>,
    %get3A_267 = arith.constant 4080 : index
    %get3A_268 = tpu.vector_load %arg11[%get3A_267] {strides = array<i32>} : memref<4096xi32, #tpu.memory_space<vmem>>, vector<16xi32>,
    %get3A_269 = vector.shape_cast %get3A_268 : vector<16xi32> to vector<16xi32>
    %swap3A_270 = arith.constant 112 : index
    %swap3A_271 = tpu.vector_load %arg14[%swap3A_270] {strides = array<i32>} : memref<128xi32, #tpu.memory_space<vmem>>, vector<16xi32>,
    %swap3A_272 = vector.shape_cast %swap3A_271 : vector<16xi32> to vector<16xi32>
    %swap3A_273 = vector.shape_cast %get3A_269 : vector<16xi32> to vector<16xi32>
    tpu.vector_store %arg14[%swap3A_270], %swap3A_273 {strides = array<i32>} : memref<128xi32, #tpu.memory_space<vmem>>, vector<16xi32>,
    "tpu.region"() ({
      %run_scoped3A = tpu.sem_alloc : memref<!tpu.dma_semaphore, #tpu.memory_space<semaphore_mem>>
      %dma_start3A_283 = arith.constant 0 : i32
      %dma_start3A_284 = arith.constant 0 : i32
      %dma_start3A_285 = tpu.memref_slice %arg8[%dma_start3A_283, %dma_start3A_284] : memref<4096x128xf32, #tpu.memory_space<vmem_shared>> -> memref<4096x128xf32, #tpu.memory_space<vmem_shared>>
      tpu.enqueue_indirect_dma source(%arg16 : memref<128x128xf32, #tpu.memory_space<vmem>>) target(%dma_start3A_285 : memref<4096x128xf32, #tpu.memory_space<vmem_shared>>) offsets(%arg13 : memref<128xi32, #tpu.memory_space<vmem>>) semaphore(%run_scoped3A : memref<!tpu.dma_semaphore, #tpu.memory_space<semaphore_mem>>) {add = true}
      %dma_wait3A_286 = arith.constant 0 : i32
      %dma_wait3A_287 = arith.constant 0 : i32
      %dma_wait3A_288 = tpu.memref_slice %arg8[%dma_wait3A_286, %dma_wait3A_287] : memref<4096x128xf32, #tpu.memory_space<vmem_shared>> -> memref<4096x128xf32, #tpu.memory_space<vmem_shared>>
      tpu.wait_indirect_dma semaphore(%run_scoped3A : memref<!tpu.dma_semaphore, #tpu.memory_space<semaphore_mem>>) src(%arg16 : memref<128x128xf32, #tpu.memory_space<vmem>>) dst(%dma_wait3A_288 : memref<4096x128xf32, #tpu.memory_space<vmem_shared>>)
      tpu.yield
    }) : () -> ()
    "tpu.region"() ({
      %run_scoped3A = tpu.sem_alloc : memref<!tpu.dma_semaphore, #tpu.memory_space<semaphore_mem>>
      %dma_start3A_283 = arith.constant 0 : i32
      %dma_start3A_284 = arith.constant 0 : i32
      %dma_start3A_285 = tpu.memref_slice %arg9[%dma_start3A_283, %dma_start3A_284] : memref<4096x128xf32, #tpu.memory_space<vmem_shared>> -> memref<4096x128xf32, #tpu.memory_space<vmem_shared>>
      tpu.enqueue_indirect_dma source(%arg17 : memref<128x128xf32, #tpu.memory_space<vmem>>) target(%dma_start3A_285 : memref<4096x128xf32, #tpu.memory_space<vmem_shared>>) offsets(%arg14 : memref<128xi32, #tpu.memory_space<vmem>>) semaphore(%run_scoped3A : memref<!tpu.dma_semaphore, #tpu.memory_space<semaphore_mem>>) {add = true}
      %dma_wait3A_286 = arith.constant 0 : i32
      %dma_wait3A_287 = arith.constant 0 : i32
      %dma_wait3A_288 = tpu.memref_slice %arg9[%dma_wait3A_286, %dma_wait3A_287] : memref<4096x128xf32, #tpu.memory_space<vmem_shared>> -> memref<4096x128xf32, #tpu.memory_space<vmem_shared>>
      tpu.wait_indirect_dma semaphore(%run_scoped3A : memref<!tpu.dma_semaphore, #tpu.memory_space<semaphore_mem>>) src(%arg17 : memref<128x128xf32, #tpu.memory_space<vmem>>) dst(%dma_wait3A_288 : memref<4096x128xf32, #tpu.memory_space<vmem_shared>>)
      tpu.yield
    }) : () -> ()
    %barrier3A_274 = arith.constant 0 : index
    tpu.barrier barrier_id(%barrier3A_274)
    %mul3A_275 = arith.constant 256 : i32
    %mul3A_276 = arith.muli %arg1, %mul3A_275 : i32
    %add3A_277 = arith.constant 0 : i32
    %add3A_278 = arith.addi %mul3A_276, %add3A_277 : i32
    "tpu.region"() ({
      %run_scoped3A = tpu.sem_alloc : memref<!tpu.dma_semaphore, #tpu.memory_space<semaphore_mem>>
      %dma_start3A_283 = arith.constant 0 : i32
      %dma_start3A_284 = tpu.memref_slice %arg6[%arg0, %add3A_278, %dma_start3A_283] : memref<2x4096x128xf32, #tpu.memory_space<hbm>> -> memref<1x128x128xf32, #tpu.memory_space<hbm>>
      %dma_start3A_285 = tpu.memref_squeeze %dma_start3A_284 : memref<1x128x128xf32, #tpu.memory_space<hbm>> -> memref<128x128xf32, #tpu.memory_space<hbm>>
      %dma_start3A_286 = arith.constant 0 : i32
      %dma_start3A_287 = tpu.memref_slice %arg8[%add3A_278, %dma_start3A_286] : memref<4096x128xf32, #tpu.memory_space<vmem_shared>> -> memref<128x128xf32, #tpu.memory_space<vmem_shared>>
      tpu.enqueue_dma source(%dma_start3A_287 : memref<128x128xf32, #tpu.memory_space<vmem_shared>>) target(%dma_start3A_285 : memref<128x128xf32, #tpu.memory_space<hbm>>) target_semaphore(%run_scoped3A : memref<!tpu.dma_semaphore, #tpu.memory_space<semaphore_mem>>)
      %dma_wait3A_288 = arith.constant 0 : i32
      %dma_wait3A_289 = tpu.memref_slice %arg6[%arg0, %add3A_278, %dma_wait3A_288] : memref<2x4096x128xf32, #tpu.memory_space<hbm>> -> memref<1x128x128xf32, #tpu.memory_space<hbm>>
      %dma_wait3A_290 = tpu.memref_squeeze %dma_wait3A_289 : memref<1x128x128xf32, #tpu.memory_space<hbm>> -> memref<128x128xf32, #tpu.memory_space<hbm>>
      %dma_wait3A_291 = arith.constant 0 : i32
      %dma_wait3A_292 = tpu.memref_slice %arg8[%add3A_278, %dma_wait3A_291] : memref<4096x128xf32, #tpu.memory_space<vmem_shared>> -> memref<128x128xf32, #tpu.memory_space<vmem_shared>>
      tpu.wait_dma2 semaphore(%run_scoped3A : memref<!tpu.dma_semaphore, #tpu.memory_space<semaphore_mem>>) src(%dma_wait3A_292 : memref<128x128xf32, #tpu.memory_space<vmem_shared>>) dst(%dma_wait3A_290 : memref<128x128xf32, #tpu.memory_space<hbm>>)
      tpu.yield
    }) : () -> ()
    "tpu.region"() ({
      %run_scoped3A = tpu.sem_alloc : memref<!tpu.dma_semaphore, #tpu.memory_space<semaphore_mem>>
      %dma_start3A_283 = arith.constant 0 : i32
      %dma_start3A_284 = tpu.memref_slice %arg7[%arg0, %add3A_278, %dma_start3A_283] : memref<2x4096x128xf32, #tpu.memory_space<hbm>> -> memref<1x128x128xf32, #tpu.memory_space<hbm>>
      %dma_start3A_285 = tpu.memref_squeeze %dma_start3A_284 : memref<1x128x128xf32, #tpu.memory_space<hbm>> -> memref<128x128xf32, #tpu.memory_space<hbm>>
      %dma_start3A_286 = arith.constant 0 : i32
      %dma_start3A_287 = tpu.memref_slice %arg9[%add3A_278, %dma_start3A_286] : memref<4096x128xf32, #tpu.memory_space<vmem_shared>> -> memref<128x128xf32, #tpu.memory_space<vmem_shared>>
      tpu.enqueue_dma source(%dma_start3A_287 : memref<128x128xf32, #tpu.memory_space<vmem_shared>>) target(%dma_start3A_285 : memref<128x128xf32, #tpu.memory_space<hbm>>) target_semaphore(%run_scoped3A : memref<!tpu.dma_semaphore, #tpu.memory_space<semaphore_mem>>)
      %dma_wait3A_288 = arith.constant 0 : i32
      %dma_wait3A_289 = tpu.memref_slice %arg7[%arg0, %add3A_278, %dma_wait3A_288] : memref<2x4096x128xf32, #tpu.memory_space<hbm>> -> memref<1x128x128xf32, #tpu.memory_space<hbm>>
      %dma_wait3A_290 = tpu.memref_squeeze %dma_wait3A_289 : memref<1x128x128xf32, #tpu.memory_space<hbm>> -> memref<128x128xf32, #tpu.memory_space<hbm>>
      %dma_wait3A_291 = arith.constant 0 : i32
      %dma_wait3A_292 = tpu.memref_slice %arg9[%add3A_278, %dma_wait3A_291] : memref<4096x128xf32, #tpu.memory_space<vmem_shared>> -> memref<128x128xf32, #tpu.memory_space<vmem_shared>>
      tpu.wait_dma2 semaphore(%run_scoped3A : memref<!tpu.dma_semaphore, #tpu.memory_space<semaphore_mem>>) src(%dma_wait3A_292 : memref<128x128xf32, #tpu.memory_space<vmem_shared>>) dst(%dma_wait3A_290 : memref<128x128xf32, #tpu.memory_space<hbm>>)
      tpu.yield
    }) : () -> ()
    %mul3A_279 = arith.constant 256 : i32
    %mul3A_280 = arith.muli %arg1, %mul3A_279 : i32
    %add3A_281 = arith.constant 128 : i32
    %add3A_282 = arith.addi %mul3A_280, %add3A_281 : i32
    "tpu.region"() ({
      %run_scoped3A = tpu.sem_alloc : memref<!tpu.dma_semaphore, #tpu.memory_space<semaphore_mem>>
      %dma_start3A_283 = arith.constant 0 : i32
      %dma_start3A_284 = tpu.memref_slice %arg6[%arg0, %add3A_282, %dma_start3A_283] : memref<2x4096x128xf32, #tpu.memory_space<hbm>> -> memref<1x128x128xf32, #tpu.memory_space<hbm>>
      %dma_start3A_285 = tpu.memref_squeeze %dma_start3A_284 : memref<1x128x128xf32, #tpu.memory_space<hbm>> -> memref<128x128xf32, #tpu.memory_space<hbm>>
      %dma_start3A_286 = arith.constant 0 : i32
      %dma_start3A_287 = tpu.memref_slice %arg8[%add3A_282, %dma_start3A_286] : memref<4096x128xf32, #tpu.memory_space<vmem_shared>> -> memref<128x128xf32, #tpu.memory_space<vmem_shared>>
      tpu.enqueue_dma source(%dma_start3A_287 : memref<128x128xf32, #tpu.memory_space<vmem_shared>>) target(%dma_start3A_285 : memref<128x128xf32, #tpu.memory_space<hbm>>) target_semaphore(%run_scoped3A : memref<!tpu.dma_semaphore, #tpu.memory_space<semaphore_mem>>)
      %dma_wait3A_288 = arith.constant 0 : i32
      %dma_wait3A_289 = tpu.memref_slice %arg6[%arg0, %add3A_282, %dma_wait3A_288] : memref<2x4096x128xf32, #tpu.memory_space<hbm>> -> memref<1x128x128xf32, #tpu.memory_space<hbm>>
      %dma_wait3A_290 = tpu.memref_squeeze %dma_wait3A_289 : memref<1x128x128xf32, #tpu.memory_space<hbm>> -> memref<128x128xf32, #tpu.memory_space<hbm>>
      %dma_wait3A_291 = arith.constant 0 : i32
      %dma_wait3A_292 = tpu.memref_slice %arg8[%add3A_282, %dma_wait3A_291] : memref<4096x128xf32, #tpu.memory_space<vmem_shared>> -> memref<128x128xf32, #tpu.memory_space<vmem_shared>>
      tpu.wait_dma2 semaphore(%run_scoped3A : memref<!tpu.dma_semaphore, #tpu.memory_space<semaphore_mem>>) src(%dma_wait3A_292 : memref<128x128xf32, #tpu.memory_space<vmem_shared>>) dst(%dma_wait3A_290 : memref<128x128xf32, #tpu.memory_space<hbm>>)
      tpu.yield
    }) : () -> ()
    "tpu.region"() ({
      %run_scoped3A = tpu.sem_alloc : memref<!tpu.dma_semaphore, #tpu.memory_space<semaphore_mem>>
      %dma_start3A_283 = arith.constant 0 : i32
      %dma_start3A_284 = tpu.memref_slice %arg7[%arg0, %add3A_282, %dma_start3A_283] : memref<2x4096x128xf32, #tpu.memory_space<hbm>> -> memref<1x128x128xf32, #tpu.memory_space<hbm>>
      %dma_start3A_285 = tpu.memref_squeeze %dma_start3A_284 : memref<1x128x128xf32, #tpu.memory_space<hbm>> -> memref<128x128xf32, #tpu.memory_space<hbm>>
      %dma_start3A_286 = arith.constant 0 : i32
      %dma_start3A_287 = tpu.memref_slice %arg9[%add3A_282, %dma_start3A_286] : memref<4096x128xf32, #tpu.memory_space<vmem_shared>> -> memref<128x128xf32, #tpu.memory_space<vmem_shared>>
      tpu.enqueue_dma source(%dma_start3A_287 : memref<128x128xf32, #tpu.memory_space<vmem_shared>>) target(%dma_start3A_285 : memref<128x128xf32, #tpu.memory_space<hbm>>) target_semaphore(%run_scoped3A : memref<!tpu.dma_semaphore, #tpu.memory_space<semaphore_mem>>)
      %dma_wait3A_288 = arith.constant 0 : i32
      %dma_wait3A_289 = tpu.memref_slice %arg7[%arg0, %add3A_282, %dma_wait3A_288] : memref<2x4096x128xf32, #tpu.memory_space<hbm>> -> memref<1x128x128xf32, #tpu.memory_space<hbm>>
      %dma_wait3A_290 = tpu.memref_squeeze %dma_wait3A_289 : memref<1x128x128xf32, #tpu.memory_space<hbm>> -> memref<128x128xf32, #tpu.memory_space<hbm>>
      %dma_wait3A_291 = arith.constant 0 : i32
      %dma_wait3A_292 = tpu.memref_slice %arg9[%add3A_282, %dma_wait3A_291] : memref<4096x128xf32, #tpu.memory_space<vmem_shared>> -> memref<128x128xf32, #tpu.memory_space<vmem_shared>>
      tpu.wait_dma2 semaphore(%run_scoped3A : memref<!tpu.dma_semaphore, #tpu.memory_space<semaphore_mem>>) src(%dma_wait3A_292 : memref<128x128xf32, #tpu.memory_space<vmem_shared>>) dst(%dma_wait3A_290 : memref<128x128xf32, #tpu.memory_space<hbm>>)
      tpu.yield
    }) : () -> ()
    return
  }
}

#map = affine_map<(d0, d1) -> (0, 0)>
#map1 = affine_map<(d0, d1) -> (0)>
#map2 = affine_map<(d0, d1) -> (0, 0, 0)>
module attributes {stable_mosaic.version = 14 : i64} {
  func.func @body(%arg0: i32, %arg1: i32, %arg2: memref<8000x128xf32, #tpu.memory_space<hbm>>, %arg3: memref<98304xi32, #tpu.memory_space<hbm>>, %arg4: memref<98304xi32, #tpu.memory_space<hbm>>, %arg5: memref<49152xi32, #tpu.memory_space<hbm>>, %arg6: memref<2x3072x128xf32, #tpu.memory_space<hbm>>, %arg7: memref<2x3072x128xf32, #tpu.memory_space<hbm>>, %arg8: memref<3072x128xf32, #tpu.memory_space<vmem_shared>>, %arg9: memref<3072x128xf32, #tpu.memory_space<vmem_shared>>, %arg10: memref<3072xi32, #tpu.memory_space<vmem>>, %arg11: memref<3072xi32, #tpu.memory_space<vmem>>, %arg12: memref<1536xi32, #tpu.memory_space<vmem>>, %arg13: memref<128xi32, #tpu.memory_space<vmem>>, %arg14: memref<64xi32, #tpu.memory_space<vmem>>, %arg15: memref<128x128xf32, #tpu.memory_space<vmem>>, %arg16: memref<128x128xf32, #tpu.memory_space<vmem>>, %arg17: memref<64x128xf32, #tpu.memory_space<vmem>>, %arg18: memref<!tpu.dma_semaphore, #tpu.memory_space<semaphore_mem>>, %arg19: memref<!tpu.dma_semaphore, #tpu.memory_space<semaphore_mem>>) attributes {dimension_semantics = [#tpu.dimension_semantics<core_parallel>, #tpu.dimension_semantics<subcore_parallel>], iteration_bounds = array<i64: 2, 16>, scalar_prefetch = 0 : i64, scratch_operands = 12 : i64, tpu.core_type = #tpu.core_type<sc_vector_subcore>, window_params = [{transform_indices = #map}, {transform_indices = #map1}, {transform_indices = #map1}, {transform_indices = #map1}, {transform_indices = #map2}, {transform_indices = #map2}]} {
    %mul3A = arith.constant 16 : i32
    %mul3A_0 = arith.muli %arg0, %mul3A : i32
    %add3A = arith.addi %mul3A_0, %arg1 : i32
    %broadcast_in_dim3A = arith.constant 0.000000e+00 : f32
    %broadcast_in_dim3A_1 = vector.broadcast %broadcast_in_dim3A : f32 to vector<16xf32>
    %broadcast_in_dim3A_2 = arith.constant 1.000000e+00 : f32
    %broadcast_in_dim3A_3 = vector.broadcast %broadcast_in_dim3A_2 : f32 to vector<16xf32>
    %scan3A = arith.constant 0 : i32
    %scan3A_4 = arith.constant 128 : i32
    %scan3A_5 = arith.addi %scan3A, %scan3A_4 : i32
    %scan3A_6 = arith.constant 1 : i32
    scf.for %scan3A_231 = %scan3A to %scan3A_5 step %scan3A_6  : i32 {
      %swap3A_232 = arith.index_cast %scan3A_231 : i32 to index
      %swap3A_233 = arith.constant 0 : index
      %swap3A_234 = tpu.vector_load %arg15[%swap3A_232, %swap3A_233] {strides = array<i32>} : memref<128x128xf32, #tpu.memory_space<vmem>>, vector<1x16xf32>,
      %swap3A_235 = vector.shape_cast %swap3A_234 : vector<1x16xf32> to vector<16xf32>
      %swap3A_236 = vector.shape_cast %broadcast_in_dim3A_1 : vector<16xf32> to vector<1x16xf32>
      tpu.vector_store %arg15[%swap3A_232, %swap3A_233], %swap3A_236 {strides = array<i32>} : memref<128x128xf32, #tpu.memory_space<vmem>>, vector<1x16xf32>,
      %swap3A_237 = arith.index_cast %scan3A_231 : i32 to index
      %swap3A_238 = arith.constant 16 : index
      %swap3A_239 = tpu.vector_load %arg15[%swap3A_237, %swap3A_238] {strides = array<i32>} : memref<128x128xf32, #tpu.memory_space<vmem>>, vector<1x16xf32>,
      %swap3A_240 = vector.shape_cast %swap3A_239 : vector<1x16xf32> to vector<16xf32>
      %swap3A_241 = vector.shape_cast %broadcast_in_dim3A_1 : vector<16xf32> to vector<1x16xf32>
      tpu.vector_store %arg15[%swap3A_237, %swap3A_238], %swap3A_241 {strides = array<i32>} : memref<128x128xf32, #tpu.memory_space<vmem>>, vector<1x16xf32>,
      %swap3A_242 = arith.index_cast %scan3A_231 : i32 to index
      %swap3A_243 = arith.constant 32 : index
      %swap3A_244 = tpu.vector_load %arg15[%swap3A_242, %swap3A_243] {strides = array<i32>} : memref<128x128xf32, #tpu.memory_space<vmem>>, vector<1x16xf32>,
      %swap3A_245 = vector.shape_cast %swap3A_244 : vector<1x16xf32> to vector<16xf32>
      %swap3A_246 = vector.shape_cast %broadcast_in_dim3A_1 : vector<16xf32> to vector<1x16xf32>
      tpu.vector_store %arg15[%swap3A_242, %swap3A_243], %swap3A_246 {strides = array<i32>} : memref<128x128xf32, #tpu.memory_space<vmem>>, vector<1x16xf32>,
      %swap3A_247 = arith.index_cast %scan3A_231 : i32 to index
      %swap3A_248 = arith.constant 48 : index
      %swap3A_249 = tpu.vector_load %arg15[%swap3A_247, %swap3A_248] {strides = array<i32>} : memref<128x128xf32, #tpu.memory_space<vmem>>, vector<1x16xf32>,
      %swap3A_250 = vector.shape_cast %swap3A_249 : vector<1x16xf32> to vector<16xf32>
      %swap3A_251 = vector.shape_cast %broadcast_in_dim3A_1 : vector<16xf32> to vector<1x16xf32>
      tpu.vector_store %arg15[%swap3A_247, %swap3A_248], %swap3A_251 {strides = array<i32>} : memref<128x128xf32, #tpu.memory_space<vmem>>, vector<1x16xf32>,
      %swap3A_252 = arith.index_cast %scan3A_231 : i32 to index
      %swap3A_253 = arith.constant 64 : index
      %swap3A_254 = tpu.vector_load %arg15[%swap3A_252, %swap3A_253] {strides = array<i32>} : memref<128x128xf32, #tpu.memory_space<vmem>>, vector<1x16xf32>,
      %swap3A_255 = vector.shape_cast %swap3A_254 : vector<1x16xf32> to vector<16xf32>
      %swap3A_256 = vector.shape_cast %broadcast_in_dim3A_1 : vector<16xf32> to vector<1x16xf32>
      tpu.vector_store %arg15[%swap3A_252, %swap3A_253], %swap3A_256 {strides = array<i32>} : memref<128x128xf32, #tpu.memory_space<vmem>>, vector<1x16xf32>,
      %swap3A_257 = arith.index_cast %scan3A_231 : i32 to index
      %swap3A_258 = arith.constant 80 : index
      %swap3A_259 = tpu.vector_load %arg15[%swap3A_257, %swap3A_258] {strides = array<i32>} : memref<128x128xf32, #tpu.memory_space<vmem>>, vector<1x16xf32>,
      %swap3A_260 = vector.shape_cast %swap3A_259 : vector<1x16xf32> to vector<16xf32>
      %swap3A_261 = vector.shape_cast %broadcast_in_dim3A_1 : vector<16xf32> to vector<1x16xf32>
      tpu.vector_store %arg15[%swap3A_257, %swap3A_258], %swap3A_261 {strides = array<i32>} : memref<128x128xf32, #tpu.memory_space<vmem>>, vector<1x16xf32>,
      %swap3A_262 = arith.index_cast %scan3A_231 : i32 to index
      %swap3A_263 = arith.constant 96 : index
      %swap3A_264 = tpu.vector_load %arg15[%swap3A_262, %swap3A_263] {strides = array<i32>} : memref<128x128xf32, #tpu.memory_space<vmem>>, vector<1x16xf32>,
      %swap3A_265 = vector.shape_cast %swap3A_264 : vector<1x16xf32> to vector<16xf32>
      %swap3A_266 = vector.shape_cast %broadcast_in_dim3A_1 : vector<16xf32> to vector<1x16xf32>
      tpu.vector_store %arg15[%swap3A_262, %swap3A_263], %swap3A_266 {strides = array<i32>} : memref<128x128xf32, #tpu.memory_space<vmem>>, vector<1x16xf32>,
      %swap3A_267 = arith.index_cast %scan3A_231 : i32 to index
      %swap3A_268 = arith.constant 112 : index
      %swap3A_269 = tpu.vector_load %arg15[%swap3A_267, %swap3A_268] {strides = array<i32>} : memref<128x128xf32, #tpu.memory_space<vmem>>, vector<1x16xf32>,
      %swap3A_270 = vector.shape_cast %swap3A_269 : vector<1x16xf32> to vector<16xf32>
      %swap3A_271 = vector.shape_cast %broadcast_in_dim3A_1 : vector<16xf32> to vector<1x16xf32>
      tpu.vector_store %arg15[%swap3A_267, %swap3A_268], %swap3A_271 {strides = array<i32>} : memref<128x128xf32, #tpu.memory_space<vmem>>, vector<1x16xf32>,
    }
    %scan3A_7 = arith.constant 128 : i32
    %scan3A_8 = arith.constant 0 : i32
    %scan3A_9 = arith.constant 64 : i32
    %scan3A_10 = arith.addi %scan3A_8, %scan3A_9 : i32
    %scan3A_11 = arith.constant 1 : i32
    scf.for %scan3A_231 = %scan3A_8 to %scan3A_10 step %scan3A_11  : i32 {
      %swap3A_232 = arith.index_cast %scan3A_231 : i32 to index
      %swap3A_233 = arith.constant 0 : index
      %swap3A_234 = tpu.vector_load %arg17[%swap3A_232, %swap3A_233] {strides = array<i32>} : memref<64x128xf32, #tpu.memory_space<vmem>>, vector<1x16xf32>,
      %swap3A_235 = vector.shape_cast %swap3A_234 : vector<1x16xf32> to vector<16xf32>
      %swap3A_236 = vector.shape_cast %broadcast_in_dim3A_3 : vector<16xf32> to vector<1x16xf32>
      tpu.vector_store %arg17[%swap3A_232, %swap3A_233], %swap3A_236 {strides = array<i32>} : memref<64x128xf32, #tpu.memory_space<vmem>>, vector<1x16xf32>,
      %swap3A_237 = arith.index_cast %scan3A_231 : i32 to index
      %swap3A_238 = arith.constant 16 : index
      %swap3A_239 = tpu.vector_load %arg17[%swap3A_237, %swap3A_238] {strides = array<i32>} : memref<64x128xf32, #tpu.memory_space<vmem>>, vector<1x16xf32>,
      %swap3A_240 = vector.shape_cast %swap3A_239 : vector<1x16xf32> to vector<16xf32>
      %swap3A_241 = vector.shape_cast %broadcast_in_dim3A_3 : vector<16xf32> to vector<1x16xf32>
      tpu.vector_store %arg17[%swap3A_237, %swap3A_238], %swap3A_241 {strides = array<i32>} : memref<64x128xf32, #tpu.memory_space<vmem>>, vector<1x16xf32>,
      %swap3A_242 = arith.index_cast %scan3A_231 : i32 to index
      %swap3A_243 = arith.constant 32 : index
      %swap3A_244 = tpu.vector_load %arg17[%swap3A_242, %swap3A_243] {strides = array<i32>} : memref<64x128xf32, #tpu.memory_space<vmem>>, vector<1x16xf32>,
      %swap3A_245 = vector.shape_cast %swap3A_244 : vector<1x16xf32> to vector<16xf32>
      %swap3A_246 = vector.shape_cast %broadcast_in_dim3A_3 : vector<16xf32> to vector<1x16xf32>
      tpu.vector_store %arg17[%swap3A_242, %swap3A_243], %swap3A_246 {strides = array<i32>} : memref<64x128xf32, #tpu.memory_space<vmem>>, vector<1x16xf32>,
      %swap3A_247 = arith.index_cast %scan3A_231 : i32 to index
      %swap3A_248 = arith.constant 48 : index
      %swap3A_249 = tpu.vector_load %arg17[%swap3A_247, %swap3A_248] {strides = array<i32>} : memref<64x128xf32, #tpu.memory_space<vmem>>, vector<1x16xf32>,
      %swap3A_250 = vector.shape_cast %swap3A_249 : vector<1x16xf32> to vector<16xf32>
      %swap3A_251 = vector.shape_cast %broadcast_in_dim3A_3 : vector<16xf32> to vector<1x16xf32>
      tpu.vector_store %arg17[%swap3A_247, %swap3A_248], %swap3A_251 {strides = array<i32>} : memref<64x128xf32, #tpu.memory_space<vmem>>, vector<1x16xf32>,
      %swap3A_252 = arith.index_cast %scan3A_231 : i32 to index
      %swap3A_253 = arith.constant 64 : index
      %swap3A_254 = tpu.vector_load %arg17[%swap3A_252, %swap3A_253] {strides = array<i32>} : memref<64x128xf32, #tpu.memory_space<vmem>>, vector<1x16xf32>,
      %swap3A_255 = vector.shape_cast %swap3A_254 : vector<1x16xf32> to vector<16xf32>
      %swap3A_256 = vector.shape_cast %broadcast_in_dim3A_3 : vector<16xf32> to vector<1x16xf32>
      tpu.vector_store %arg17[%swap3A_252, %swap3A_253], %swap3A_256 {strides = array<i32>} : memref<64x128xf32, #tpu.memory_space<vmem>>, vector<1x16xf32>,
      %swap3A_257 = arith.index_cast %scan3A_231 : i32 to index
      %swap3A_258 = arith.constant 80 : index
      %swap3A_259 = tpu.vector_load %arg17[%swap3A_257, %swap3A_258] {strides = array<i32>} : memref<64x128xf32, #tpu.memory_space<vmem>>, vector<1x16xf32>,
      %swap3A_260 = vector.shape_cast %swap3A_259 : vector<1x16xf32> to vector<16xf32>
      %swap3A_261 = vector.shape_cast %broadcast_in_dim3A_3 : vector<16xf32> to vector<1x16xf32>
      tpu.vector_store %arg17[%swap3A_257, %swap3A_258], %swap3A_261 {strides = array<i32>} : memref<64x128xf32, #tpu.memory_space<vmem>>, vector<1x16xf32>,
      %swap3A_262 = arith.index_cast %scan3A_231 : i32 to index
      %swap3A_263 = arith.constant 96 : index
      %swap3A_264 = tpu.vector_load %arg17[%swap3A_262, %swap3A_263] {strides = array<i32>} : memref<64x128xf32, #tpu.memory_space<vmem>>, vector<1x16xf32>,
      %swap3A_265 = vector.shape_cast %swap3A_264 : vector<1x16xf32> to vector<16xf32>
      %swap3A_266 = vector.shape_cast %broadcast_in_dim3A_3 : vector<16xf32> to vector<1x16xf32>
      tpu.vector_store %arg17[%swap3A_262, %swap3A_263], %swap3A_266 {strides = array<i32>} : memref<64x128xf32, #tpu.memory_space<vmem>>, vector<1x16xf32>,
      %swap3A_267 = arith.index_cast %scan3A_231 : i32 to index
      %swap3A_268 = arith.constant 112 : index
      %swap3A_269 = tpu.vector_load %arg17[%swap3A_267, %swap3A_268] {strides = array<i32>} : memref<64x128xf32, #tpu.memory_space<vmem>>, vector<1x16xf32>,
      %swap3A_270 = vector.shape_cast %swap3A_269 : vector<1x16xf32> to vector<16xf32>
      %swap3A_271 = vector.shape_cast %broadcast_in_dim3A_3 : vector<16xf32> to vector<1x16xf32>
      tpu.vector_store %arg17[%swap3A_267, %swap3A_268], %swap3A_271 {strides = array<i32>} : memref<64x128xf32, #tpu.memory_space<vmem>>, vector<1x16xf32>,
    }
    %scan3A_12 = arith.constant 64 : i32
    %mul3A_13 = arith.constant 24 : i32
    %mul3A_14 = arith.muli %add3A, %mul3A_13 : i32
    %mul3A_15 = arith.constant 128 : i32
    %mul3A_16 = arith.muli %mul3A_14, %mul3A_15 : i32
    "tpu.region"() ({
      %run_scoped3A = tpu.sem_alloc : memref<!tpu.dma_semaphore, #tpu.memory_space<semaphore_mem>>
      %dma_start3A_231 = tpu.memref_slice %arg3[%mul3A_16] : memref<98304xi32, #tpu.memory_space<hbm>> -> memref<3072xi32, #tpu.memory_space<hbm>>
      %dma_start3A_232 = tpu.memref_slice %arg3[%mul3A_16] : memref<98304xi32, #tpu.memory_space<hbm>> -> memref<3072xi32, #tpu.memory_space<hbm>>
      tpu.enqueue_dma source(%dma_start3A_232 : memref<3072xi32, #tpu.memory_space<hbm>>) target(%arg10 : memref<3072xi32, #tpu.memory_space<vmem>>) target_semaphore(%run_scoped3A : memref<!tpu.dma_semaphore, #tpu.memory_space<semaphore_mem>>)
      %dma_wait3A_233 = tpu.memref_slice %arg3[%mul3A_16] : memref<98304xi32, #tpu.memory_space<hbm>> -> memref<3072xi32, #tpu.memory_space<hbm>>
      %dma_wait3A_234 = tpu.memref_slice %arg3[%mul3A_16] : memref<98304xi32, #tpu.memory_space<hbm>> -> memref<3072xi32, #tpu.memory_space<hbm>>
      tpu.wait_dma2 semaphore(%run_scoped3A : memref<!tpu.dma_semaphore, #tpu.memory_space<semaphore_mem>>) src(%dma_wait3A_234 : memref<3072xi32, #tpu.memory_space<hbm>>) dst(%arg10 : memref<3072xi32, #tpu.memory_space<vmem>>)
      tpu.yield
    }) : () -> ()
    %mul3A_17 = arith.constant 24 : i32
    %mul3A_18 = arith.muli %add3A, %mul3A_17 : i32
    %mul3A_19 = arith.constant 128 : i32
    %mul3A_20 = arith.muli %mul3A_18, %mul3A_19 : i32
    "tpu.region"() ({
      %run_scoped3A = tpu.sem_alloc : memref<!tpu.dma_semaphore, #tpu.memory_space<semaphore_mem>>
      %dma_start3A_231 = tpu.memref_slice %arg4[%mul3A_20] : memref<98304xi32, #tpu.memory_space<hbm>> -> memref<3072xi32, #tpu.memory_space<hbm>>
      %dma_start3A_232 = tpu.memref_slice %arg4[%mul3A_20] : memref<98304xi32, #tpu.memory_space<hbm>> -> memref<3072xi32, #tpu.memory_space<hbm>>
      tpu.enqueue_dma source(%dma_start3A_232 : memref<3072xi32, #tpu.memory_space<hbm>>) target(%arg11 : memref<3072xi32, #tpu.memory_space<vmem>>) target_semaphore(%run_scoped3A : memref<!tpu.dma_semaphore, #tpu.memory_space<semaphore_mem>>)
      %dma_wait3A_233 = tpu.memref_slice %arg4[%mul3A_20] : memref<98304xi32, #tpu.memory_space<hbm>> -> memref<3072xi32, #tpu.memory_space<hbm>>
      %dma_wait3A_234 = tpu.memref_slice %arg4[%mul3A_20] : memref<98304xi32, #tpu.memory_space<hbm>> -> memref<3072xi32, #tpu.memory_space<hbm>>
      tpu.wait_dma2 semaphore(%run_scoped3A : memref<!tpu.dma_semaphore, #tpu.memory_space<semaphore_mem>>) src(%dma_wait3A_234 : memref<3072xi32, #tpu.memory_space<hbm>>) dst(%arg11 : memref<3072xi32, #tpu.memory_space<vmem>>)
      tpu.yield
    }) : () -> ()
    %mul3A_21 = arith.constant 24 : i32
    %mul3A_22 = arith.muli %add3A, %mul3A_21 : i32
    %mul3A_23 = arith.constant 64 : i32
    %mul3A_24 = arith.muli %mul3A_22, %mul3A_23 : i32
    "tpu.region"() ({
      %run_scoped3A = tpu.sem_alloc : memref<!tpu.dma_semaphore, #tpu.memory_space<semaphore_mem>>
      %dma_start3A_231 = tpu.memref_slice %arg5[%mul3A_24] : memref<49152xi32, #tpu.memory_space<hbm>> -> memref<1536xi32, #tpu.memory_space<hbm>>
      %dma_start3A_232 = tpu.memref_slice %arg5[%mul3A_24] : memref<49152xi32, #tpu.memory_space<hbm>> -> memref<1536xi32, #tpu.memory_space<hbm>>
      tpu.enqueue_dma source(%dma_start3A_232 : memref<1536xi32, #tpu.memory_space<hbm>>) target(%arg12 : memref<1536xi32, #tpu.memory_space<vmem>>) target_semaphore(%run_scoped3A : memref<!tpu.dma_semaphore, #tpu.memory_space<semaphore_mem>>)
      %dma_wait3A_233 = tpu.memref_slice %arg5[%mul3A_24] : memref<49152xi32, #tpu.memory_space<hbm>> -> memref<1536xi32, #tpu.memory_space<hbm>>
      %dma_wait3A_234 = tpu.memref_slice %arg5[%mul3A_24] : memref<49152xi32, #tpu.memory_space<hbm>> -> memref<1536xi32, #tpu.memory_space<hbm>>
      tpu.wait_dma2 semaphore(%run_scoped3A : memref<!tpu.dma_semaphore, #tpu.memory_space<semaphore_mem>>) src(%dma_wait3A_234 : memref<1536xi32, #tpu.memory_space<hbm>>) dst(%arg12 : memref<1536xi32, #tpu.memory_space<vmem>>)
      tpu.yield
    }) : () -> ()
    %mul3A_25 = arith.constant 192 : i32
    %mul3A_26 = arith.muli %arg1, %mul3A_25 : i32
    %add3A_27 = arith.constant 0 : i32
    %add3A_28 = arith.addi %mul3A_26, %add3A_27 : i32
    "tpu.region"() ({
      %run_scoped3A = tpu.sem_alloc : memref<!tpu.dma_semaphore, #tpu.memory_space<semaphore_mem>>
      %dma_start3A_231 = arith.constant 0 : i32
      %dma_start3A_232 = arith.constant 0 : i32
      %dma_start3A_233 = tpu.memref_slice %arg15[%dma_start3A_231, %dma_start3A_232] : memref<128x128xf32, #tpu.memory_space<vmem>> -> memref<128x128xf32, #tpu.memory_space<vmem>>
      %dma_start3A_234 = arith.constant 0 : i32
      %dma_start3A_235 = tpu.memref_slice %arg8[%add3A_28, %dma_start3A_234] : memref<3072x128xf32, #tpu.memory_space<vmem_shared>> -> memref<128x128xf32, #tpu.memory_space<vmem_shared>>
      %dma_start3A_236 = arith.constant 0 : i32
      %dma_start3A_237 = tpu.memref_slice %arg8[%add3A_28, %dma_start3A_236] : memref<3072x128xf32, #tpu.memory_space<vmem_shared>> -> memref<128x128xf32, #tpu.memory_space<vmem_shared>>
      %dma_start3A_238 = arith.constant 0 : i32
      %dma_start3A_239 = arith.constant 0 : i32
      %dma_start3A_240 = tpu.memref_slice %arg15[%dma_start3A_238, %dma_start3A_239] : memref<128x128xf32, #tpu.memory_space<vmem>> -> memref<128x128xf32, #tpu.memory_space<vmem>>
      tpu.enqueue_dma source(%dma_start3A_240 : memref<128x128xf32, #tpu.memory_space<vmem>>) target(%dma_start3A_237 : memref<128x128xf32, #tpu.memory_space<vmem_shared>>) target_semaphore(%run_scoped3A : memref<!tpu.dma_semaphore, #tpu.memory_space<semaphore_mem>>)
      %dma_wait3A_241 = arith.constant 0 : i32
      %dma_wait3A_242 = arith.constant 0 : i32
      %dma_wait3A_243 = tpu.memref_slice %arg15[%dma_wait3A_241, %dma_wait3A_242] : memref<128x128xf32, #tpu.memory_space<vmem>> -> memref<128x128xf32, #tpu.memory_space<vmem>>
      %dma_wait3A_244 = arith.constant 0 : i32
      %dma_wait3A_245 = tpu.memref_slice %arg8[%add3A_28, %dma_wait3A_244] : memref<3072x128xf32, #tpu.memory_space<vmem_shared>> -> memref<128x128xf32, #tpu.memory_space<vmem_shared>>
      %dma_wait3A_246 = arith.constant 0 : i32
      %dma_wait3A_247 = tpu.memref_slice %arg8[%add3A_28, %dma_wait3A_246] : memref<3072x128xf32, #tpu.memory_space<vmem_shared>> -> memref<128x128xf32, #tpu.memory_space<vmem_shared>>
      %dma_wait3A_248 = arith.constant 0 : i32
      %dma_wait3A_249 = arith.constant 0 : i32
      %dma_wait3A_250 = tpu.memref_slice %arg15[%dma_wait3A_248, %dma_wait3A_249] : memref<128x128xf32, #tpu.memory_space<vmem>> -> memref<128x128xf32, #tpu.memory_space<vmem>>
      tpu.wait_dma2 semaphore(%run_scoped3A : memref<!tpu.dma_semaphore, #tpu.memory_space<semaphore_mem>>) src(%dma_wait3A_250 : memref<128x128xf32, #tpu.memory_space<vmem>>) dst(%dma_wait3A_247 : memref<128x128xf32, #tpu.memory_space<vmem_shared>>)
      tpu.yield
    }) : () -> ()
    "tpu.region"() ({
      %run_scoped3A = tpu.sem_alloc : memref<!tpu.dma_semaphore, #tpu.memory_space<semaphore_mem>>
      %dma_start3A_231 = arith.constant 0 : i32
      %dma_start3A_232 = arith.constant 0 : i32
      %dma_start3A_233 = tpu.memref_slice %arg15[%dma_start3A_231, %dma_start3A_232] : memref<128x128xf32, #tpu.memory_space<vmem>> -> memref<128x128xf32, #tpu.memory_space<vmem>>
      %dma_start3A_234 = arith.constant 0 : i32
      %dma_start3A_235 = tpu.memref_slice %arg9[%add3A_28, %dma_start3A_234] : memref<3072x128xf32, #tpu.memory_space<vmem_shared>> -> memref<128x128xf32, #tpu.memory_space<vmem_shared>>
      %dma_start3A_236 = arith.constant 0 : i32
      %dma_start3A_237 = tpu.memref_slice %arg9[%add3A_28, %dma_start3A_236] : memref<3072x128xf32, #tpu.memory_space<vmem_shared>> -> memref<128x128xf32, #tpu.memory_space<vmem_shared>>
      %dma_start3A_238 = arith.constant 0 : i32
      %dma_start3A_239 = arith.constant 0 : i32
      %dma_start3A_240 = tpu.memref_slice %arg15[%dma_start3A_238, %dma_start3A_239] : memref<128x128xf32, #tpu.memory_space<vmem>> -> memref<128x128xf32, #tpu.memory_space<vmem>>
      tpu.enqueue_dma source(%dma_start3A_240 : memref<128x128xf32, #tpu.memory_space<vmem>>) target(%dma_start3A_237 : memref<128x128xf32, #tpu.memory_space<vmem_shared>>) target_semaphore(%run_scoped3A : memref<!tpu.dma_semaphore, #tpu.memory_space<semaphore_mem>>)
      %dma_wait3A_241 = arith.constant 0 : i32
      %dma_wait3A_242 = arith.constant 0 : i32
      %dma_wait3A_243 = tpu.memref_slice %arg15[%dma_wait3A_241, %dma_wait3A_242] : memref<128x128xf32, #tpu.memory_space<vmem>> -> memref<128x128xf32, #tpu.memory_space<vmem>>
      %dma_wait3A_244 = arith.constant 0 : i32
      %dma_wait3A_245 = tpu.memref_slice %arg9[%add3A_28, %dma_wait3A_244] : memref<3072x128xf32, #tpu.memory_space<vmem_shared>> -> memref<128x128xf32, #tpu.memory_space<vmem_shared>>
      %dma_wait3A_246 = arith.constant 0 : i32
      %dma_wait3A_247 = tpu.memref_slice %arg9[%add3A_28, %dma_wait3A_246] : memref<3072x128xf32, #tpu.memory_space<vmem_shared>> -> memref<128x128xf32, #tpu.memory_space<vmem_shared>>
      %dma_wait3A_248 = arith.constant 0 : i32
      %dma_wait3A_249 = arith.constant 0 : i32
      %dma_wait3A_250 = tpu.memref_slice %arg15[%dma_wait3A_248, %dma_wait3A_249] : memref<128x128xf32, #tpu.memory_space<vmem>> -> memref<128x128xf32, #tpu.memory_space<vmem>>
      tpu.wait_dma2 semaphore(%run_scoped3A : memref<!tpu.dma_semaphore, #tpu.memory_space<semaphore_mem>>) src(%dma_wait3A_250 : memref<128x128xf32, #tpu.memory_space<vmem>>) dst(%dma_wait3A_247 : memref<128x128xf32, #tpu.memory_space<vmem_shared>>)
      tpu.yield
    }) : () -> ()
    %mul3A_29 = arith.constant 192 : i32
    %mul3A_30 = arith.muli %arg1, %mul3A_29 : i32
    %add3A_31 = arith.constant 128 : i32
    %add3A_32 = arith.addi %mul3A_30, %add3A_31 : i32
    "tpu.region"() ({
      %run_scoped3A = tpu.sem_alloc : memref<!tpu.dma_semaphore, #tpu.memory_space<semaphore_mem>>
      %dma_start3A_231 = arith.constant 0 : i32
      %dma_start3A_232 = arith.constant 0 : i32
      %dma_start3A_233 = tpu.memref_slice %arg15[%dma_start3A_231, %dma_start3A_232] : memref<128x128xf32, #tpu.memory_space<vmem>> -> memref<64x128xf32, #tpu.memory_space<vmem>>
      %dma_start3A_234 = arith.constant 0 : i32
      %dma_start3A_235 = tpu.memref_slice %arg8[%add3A_32, %dma_start3A_234] : memref<3072x128xf32, #tpu.memory_space<vmem_shared>> -> memref<64x128xf32, #tpu.memory_space<vmem_shared>>
      %dma_start3A_236 = arith.constant 0 : i32
      %dma_start3A_237 = tpu.memref_slice %arg8[%add3A_32, %dma_start3A_236] : memref<3072x128xf32, #tpu.memory_space<vmem_shared>> -> memref<64x128xf32, #tpu.memory_space<vmem_shared>>
      %dma_start3A_238 = arith.constant 0 : i32
      %dma_start3A_239 = arith.constant 0 : i32
      %dma_start3A_240 = tpu.memref_slice %arg15[%dma_start3A_238, %dma_start3A_239] : memref<128x128xf32, #tpu.memory_space<vmem>> -> memref<64x128xf32, #tpu.memory_space<vmem>>
      tpu.enqueue_dma source(%dma_start3A_240 : memref<64x128xf32, #tpu.memory_space<vmem>>) target(%dma_start3A_237 : memref<64x128xf32, #tpu.memory_space<vmem_shared>>) target_semaphore(%run_scoped3A : memref<!tpu.dma_semaphore, #tpu.memory_space<semaphore_mem>>)
      %dma_wait3A_241 = arith.constant 0 : i32
      %dma_wait3A_242 = arith.constant 0 : i32
      %dma_wait3A_243 = tpu.memref_slice %arg15[%dma_wait3A_241, %dma_wait3A_242] : memref<128x128xf32, #tpu.memory_space<vmem>> -> memref<64x128xf32, #tpu.memory_space<vmem>>
      %dma_wait3A_244 = arith.constant 0 : i32
      %dma_wait3A_245 = tpu.memref_slice %arg8[%add3A_32, %dma_wait3A_244] : memref<3072x128xf32, #tpu.memory_space<vmem_shared>> -> memref<64x128xf32, #tpu.memory_space<vmem_shared>>
      %dma_wait3A_246 = arith.constant 0 : i32
      %dma_wait3A_247 = tpu.memref_slice %arg8[%add3A_32, %dma_wait3A_246] : memref<3072x128xf32, #tpu.memory_space<vmem_shared>> -> memref<64x128xf32, #tpu.memory_space<vmem_shared>>
      %dma_wait3A_248 = arith.constant 0 : i32
      %dma_wait3A_249 = arith.constant 0 : i32
      %dma_wait3A_250 = tpu.memref_slice %arg15[%dma_wait3A_248, %dma_wait3A_249] : memref<128x128xf32, #tpu.memory_space<vmem>> -> memref<64x128xf32, #tpu.memory_space<vmem>>
      tpu.wait_dma2 semaphore(%run_scoped3A : memref<!tpu.dma_semaphore, #tpu.memory_space<semaphore_mem>>) src(%dma_wait3A_250 : memref<64x128xf32, #tpu.memory_space<vmem>>) dst(%dma_wait3A_247 : memref<64x128xf32, #tpu.memory_space<vmem_shared>>)
      tpu.yield
    }) : () -> ()
    "tpu.region"() ({
      %run_scoped3A = tpu.sem_alloc : memref<!tpu.dma_semaphore, #tpu.memory_space<semaphore_mem>>
      %dma_start3A_231 = arith.constant 0 : i32
      %dma_start3A_232 = arith.constant 0 : i32
      %dma_start3A_233 = tpu.memref_slice %arg15[%dma_start3A_231, %dma_start3A_232] : memref<128x128xf32, #tpu.memory_space<vmem>> -> memref<64x128xf32, #tpu.memory_space<vmem>>
      %dma_start3A_234 = arith.constant 0 : i32
      %dma_start3A_235 = tpu.memref_slice %arg9[%add3A_32, %dma_start3A_234] : memref<3072x128xf32, #tpu.memory_space<vmem_shared>> -> memref<64x128xf32, #tpu.memory_space<vmem_shared>>
      %dma_start3A_236 = arith.constant 0 : i32
      %dma_start3A_237 = tpu.memref_slice %arg9[%add3A_32, %dma_start3A_236] : memref<3072x128xf32, #tpu.memory_space<vmem_shared>> -> memref<64x128xf32, #tpu.memory_space<vmem_shared>>
      %dma_start3A_238 = arith.constant 0 : i32
      %dma_start3A_239 = arith.constant 0 : i32
      %dma_start3A_240 = tpu.memref_slice %arg15[%dma_start3A_238, %dma_start3A_239] : memref<128x128xf32, #tpu.memory_space<vmem>> -> memref<64x128xf32, #tpu.memory_space<vmem>>
      tpu.enqueue_dma source(%dma_start3A_240 : memref<64x128xf32, #tpu.memory_space<vmem>>) target(%dma_start3A_237 : memref<64x128xf32, #tpu.memory_space<vmem_shared>>) target_semaphore(%run_scoped3A : memref<!tpu.dma_semaphore, #tpu.memory_space<semaphore_mem>>)
      %dma_wait3A_241 = arith.constant 0 : i32
      %dma_wait3A_242 = arith.constant 0 : i32
      %dma_wait3A_243 = tpu.memref_slice %arg15[%dma_wait3A_241, %dma_wait3A_242] : memref<128x128xf32, #tpu.memory_space<vmem>> -> memref<64x128xf32, #tpu.memory_space<vmem>>
      %dma_wait3A_244 = arith.constant 0 : i32
      %dma_wait3A_245 = tpu.memref_slice %arg9[%add3A_32, %dma_wait3A_244] : memref<3072x128xf32, #tpu.memory_space<vmem_shared>> -> memref<64x128xf32, #tpu.memory_space<vmem_shared>>
      %dma_wait3A_246 = arith.constant 0 : i32
      %dma_wait3A_247 = tpu.memref_slice %arg9[%add3A_32, %dma_wait3A_246] : memref<3072x128xf32, #tpu.memory_space<vmem_shared>> -> memref<64x128xf32, #tpu.memory_space<vmem_shared>>
      %dma_wait3A_248 = arith.constant 0 : i32
      %dma_wait3A_249 = arith.constant 0 : i32
      %dma_wait3A_250 = tpu.memref_slice %arg15[%dma_wait3A_248, %dma_wait3A_249] : memref<128x128xf32, #tpu.memory_space<vmem>> -> memref<64x128xf32, #tpu.memory_space<vmem>>
      tpu.wait_dma2 semaphore(%run_scoped3A : memref<!tpu.dma_semaphore, #tpu.memory_space<semaphore_mem>>) src(%dma_wait3A_250 : memref<64x128xf32, #tpu.memory_space<vmem>>) dst(%dma_wait3A_247 : memref<64x128xf32, #tpu.memory_space<vmem_shared>>)
      tpu.yield
    }) : () -> ()
    %barrier3A = arith.constant 0 : index
    tpu.barrier barrier_id(%barrier3A)
    %dma_start3A = arith.constant 0 : i32
    %dma_start3A_33 = tpu.memref_slice %arg10[%dma_start3A] : memref<3072xi32, #tpu.memory_space<vmem>> -> memref<128xi32, #tpu.memory_space<vmem>>
    %dma_start3A_34 = arith.constant 0 : i32
    %dma_start3A_35 = arith.constant 0 : i32
    %dma_start3A_36 = tpu.memref_slice %arg2[%dma_start3A_34, %dma_start3A_35] : memref<8000x128xf32, #tpu.memory_space<hbm>> -> memref<8000x128xf32, #tpu.memory_space<hbm>>
    tpu.enqueue_indirect_dma source(%dma_start3A_36 : memref<8000x128xf32, #tpu.memory_space<hbm>>) target(%arg15 : memref<128x128xf32, #tpu.memory_space<vmem>>) offsets(%dma_start3A_33 : memref<128xi32, #tpu.memory_space<vmem>>) semaphore(%arg18 : memref<!tpu.dma_semaphore, #tpu.memory_space<semaphore_mem>>)
    %scan3A_37 = arith.constant 0 : i32
    %scan3A_38 = arith.constant 11 : i32
    %scan3A_39 = arith.addi %scan3A_37, %scan3A_38 : i32
    %scan3A_40 = arith.constant 1 : i32
    scf.for %scan3A_231 = %scan3A_37 to %scan3A_39 step %scan3A_40  : i32 {
      %mul3A_232 = arith.constant 2 : i32
      %mul3A_233 = arith.muli %mul3A_232, %scan3A_231 : i32
      %add3A_234 = arith.constant 1 : i32
      %add3A_235 = arith.addi %mul3A_233, %add3A_234 : i32
      %mul3A_236 = arith.constant 128 : i32
      %mul3A_237 = arith.muli %add3A_235, %mul3A_236 : i32
      %dma_start3A_238 = tpu.memref_slice %arg10[%mul3A_237] : memref<3072xi32, #tpu.memory_space<vmem>> -> memref<128xi32, #tpu.memory_space<vmem>>
      %dma_start3A_239 = arith.constant 0 : i32
      %dma_start3A_240 = arith.constant 0 : i32
      %dma_start3A_241 = tpu.memref_slice %arg2[%dma_start3A_239, %dma_start3A_240] : memref<8000x128xf32, #tpu.memory_space<hbm>> -> memref<8000x128xf32, #tpu.memory_space<hbm>>
      tpu.enqueue_indirect_dma source(%dma_start3A_241 : memref<8000x128xf32, #tpu.memory_space<hbm>>) target(%arg16 : memref<128x128xf32, #tpu.memory_space<vmem>>) offsets(%dma_start3A_238 : memref<128xi32, #tpu.memory_space<vmem>>) semaphore(%arg19 : memref<!tpu.dma_semaphore, #tpu.memory_space<semaphore_mem>>)
      %mul3A_242 = arith.constant 128 : i32
      %mul3A_243 = arith.muli %mul3A_233, %mul3A_242 : i32
      %dma_wait3A_244 = tpu.memref_slice %arg10[%mul3A_243] : memref<3072xi32, #tpu.memory_space<vmem>> -> memref<128xi32, #tpu.memory_space<vmem>>
      %dma_wait3A_245 = arith.constant 0 : i32
      %dma_wait3A_246 = arith.constant 0 : i32
      %dma_wait3A_247 = tpu.memref_slice %arg2[%dma_wait3A_245, %dma_wait3A_246] : memref<8000x128xf32, #tpu.memory_space<hbm>> -> memref<8000x128xf32, #tpu.memory_space<hbm>>
      tpu.wait_indirect_dma semaphore(%arg18 : memref<!tpu.dma_semaphore, #tpu.memory_space<semaphore_mem>>) src(%dma_wait3A_247 : memref<8000x128xf32, #tpu.memory_space<hbm>>) dst(%arg15 : memref<128x128xf32, #tpu.memory_space<vmem>>)
      %mul3A_248 = arith.constant 128 : i32
      %mul3A_249 = arith.muli %mul3A_233, %mul3A_248 : i32
      %add3A_250 = arith.constant 0 : i32
      %add3A_251 = arith.addi %mul3A_249, %add3A_250 : i32
      %get3A_252 = arith.index_cast %add3A_251 : i32 to index
      %get3A_253 = tpu.vector_load %arg11[%get3A_252] {strides = array<i32>} : memref<3072xi32, #tpu.memory_space<vmem>>, vector<16xi32>,
      %get3A_254 = vector.shape_cast %get3A_253 : vector<16xi32> to vector<16xi32>
      %swap3A_255 = arith.constant 0 : index
      %swap3A_256 = tpu.vector_load %arg13[%swap3A_255] {strides = array<i32>} : memref<128xi32, #tpu.memory_space<vmem>>, vector<16xi32>,
      %swap3A_257 = vector.shape_cast %swap3A_256 : vector<16xi32> to vector<16xi32>
      %swap3A_258 = vector.shape_cast %get3A_254 : vector<16xi32> to vector<16xi32>
      tpu.vector_store %arg13[%swap3A_255], %swap3A_258 {strides = array<i32>} : memref<128xi32, #tpu.memory_space<vmem>>, vector<16xi32>,
      %mul3A_259 = arith.constant 128 : i32
      %mul3A_260 = arith.muli %mul3A_233, %mul3A_259 : i32
      %add3A_261 = arith.constant 16 : i32
      %add3A_262 = arith.addi %mul3A_260, %add3A_261 : i32
      %get3A_263 = arith.index_cast %add3A_262 : i32 to index
      %get3A_264 = tpu.vector_load %arg11[%get3A_263] {strides = array<i32>} : memref<3072xi32, #tpu.memory_space<vmem>>, vector<16xi32>,
      %get3A_265 = vector.shape_cast %get3A_264 : vector<16xi32> to vector<16xi32>
      %swap3A_266 = arith.constant 16 : index
      %swap3A_267 = tpu.vector_load %arg13[%swap3A_266] {strides = array<i32>} : memref<128xi32, #tpu.memory_space<vmem>>, vector<16xi32>,
      %swap3A_268 = vector.shape_cast %swap3A_267 : vector<16xi32> to vector<16xi32>
      %swap3A_269 = vector.shape_cast %get3A_265 : vector<16xi32> to vector<16xi32>
      tpu.vector_store %arg13[%swap3A_266], %swap3A_269 {strides = array<i32>} : memref<128xi32, #tpu.memory_space<vmem>>, vector<16xi32>,
      %mul3A_270 = arith.constant 128 : i32
      %mul3A_271 = arith.muli %mul3A_233, %mul3A_270 : i32
      %add3A_272 = arith.constant 32 : i32
      %add3A_273 = arith.addi %mul3A_271, %add3A_272 : i32
      %get3A_274 = arith.index_cast %add3A_273 : i32 to index
      %get3A_275 = tpu.vector_load %arg11[%get3A_274] {strides = array<i32>} : memref<3072xi32, #tpu.memory_space<vmem>>, vector<16xi32>,
      %get3A_276 = vector.shape_cast %get3A_275 : vector<16xi32> to vector<16xi32>
      %swap3A_277 = arith.constant 32 : index
      %swap3A_278 = tpu.vector_load %arg13[%swap3A_277] {strides = array<i32>} : memref<128xi32, #tpu.memory_space<vmem>>, vector<16xi32>,
      %swap3A_279 = vector.shape_cast %swap3A_278 : vector<16xi32> to vector<16xi32>
      %swap3A_280 = vector.shape_cast %get3A_276 : vector<16xi32> to vector<16xi32>
      tpu.vector_store %arg13[%swap3A_277], %swap3A_280 {strides = array<i32>} : memref<128xi32, #tpu.memory_space<vmem>>, vector<16xi32>,
      %mul3A_281 = arith.constant 128 : i32
      %mul3A_282 = arith.muli %mul3A_233, %mul3A_281 : i32
      %add3A_283 = arith.constant 48 : i32
      %add3A_284 = arith.addi %mul3A_282, %add3A_283 : i32
      %get3A_285 = arith.index_cast %add3A_284 : i32 to index
      %get3A_286 = tpu.vector_load %arg11[%get3A_285] {strides = array<i32>} : memref<3072xi32, #tpu.memory_space<vmem>>, vector<16xi32>,
      %get3A_287 = vector.shape_cast %get3A_286 : vector<16xi32> to vector<16xi32>
      %swap3A_288 = arith.constant 48 : index
      %swap3A_289 = tpu.vector_load %arg13[%swap3A_288] {strides = array<i32>} : memref<128xi32, #tpu.memory_space<vmem>>, vector<16xi32>,
      %swap3A_290 = vector.shape_cast %swap3A_289 : vector<16xi32> to vector<16xi32>
      %swap3A_291 = vector.shape_cast %get3A_287 : vector<16xi32> to vector<16xi32>
      tpu.vector_store %arg13[%swap3A_288], %swap3A_291 {strides = array<i32>} : memref<128xi32, #tpu.memory_space<vmem>>, vector<16xi32>,
      %mul3A_292 = arith.constant 128 : i32
      %mul3A_293 = arith.muli %mul3A_233, %mul3A_292 : i32
      %add3A_294 = arith.constant 64 : i32
      %add3A_295 = arith.addi %mul3A_293, %add3A_294 : i32
      %get3A_296 = arith.index_cast %add3A_295 : i32 to index
      %get3A_297 = tpu.vector_load %arg11[%get3A_296] {strides = array<i32>} : memref<3072xi32, #tpu.memory_space<vmem>>, vector<16xi32>,
      %get3A_298 = vector.shape_cast %get3A_297 : vector<16xi32> to vector<16xi32>
      %swap3A_299 = arith.constant 64 : index
      %swap3A_300 = tpu.vector_load %arg13[%swap3A_299] {strides = array<i32>} : memref<128xi32, #tpu.memory_space<vmem>>, vector<16xi32>,
      %swap3A_301 = vector.shape_cast %swap3A_300 : vector<16xi32> to vector<16xi32>
      %swap3A_302 = vector.shape_cast %get3A_298 : vector<16xi32> to vector<16xi32>
      tpu.vector_store %arg13[%swap3A_299], %swap3A_302 {strides = array<i32>} : memref<128xi32, #tpu.memory_space<vmem>>, vector<16xi32>,
      %mul3A_303 = arith.constant 128 : i32
      %mul3A_304 = arith.muli %mul3A_233, %mul3A_303 : i32
      %add3A_305 = arith.constant 80 : i32
      %add3A_306 = arith.addi %mul3A_304, %add3A_305 : i32
      %get3A_307 = arith.index_cast %add3A_306 : i32 to index
      %get3A_308 = tpu.vector_load %arg11[%get3A_307] {strides = array<i32>} : memref<3072xi32, #tpu.memory_space<vmem>>, vector<16xi32>,
      %get3A_309 = vector.shape_cast %get3A_308 : vector<16xi32> to vector<16xi32>
      %swap3A_310 = arith.constant 80 : index
      %swap3A_311 = tpu.vector_load %arg13[%swap3A_310] {strides = array<i32>} : memref<128xi32, #tpu.memory_space<vmem>>, vector<16xi32>,
      %swap3A_312 = vector.shape_cast %swap3A_311 : vector<16xi32> to vector<16xi32>
      %swap3A_313 = vector.shape_cast %get3A_309 : vector<16xi32> to vector<16xi32>
      tpu.vector_store %arg13[%swap3A_310], %swap3A_313 {strides = array<i32>} : memref<128xi32, #tpu.memory_space<vmem>>, vector<16xi32>,
      %mul3A_314 = arith.constant 128 : i32
      %mul3A_315 = arith.muli %mul3A_233, %mul3A_314 : i32
      %add3A_316 = arith.constant 96 : i32
      %add3A_317 = arith.addi %mul3A_315, %add3A_316 : i32
      %get3A_318 = arith.index_cast %add3A_317 : i32 to index
      %get3A_319 = tpu.vector_load %arg11[%get3A_318] {strides = array<i32>} : memref<3072xi32, #tpu.memory_space<vmem>>, vector<16xi32>,
      %get3A_320 = vector.shape_cast %get3A_319 : vector<16xi32> to vector<16xi32>
      %swap3A_321 = arith.constant 96 : index
      %swap3A_322 = tpu.vector_load %arg13[%swap3A_321] {strides = array<i32>} : memref<128xi32, #tpu.memory_space<vmem>>, vector<16xi32>,
      %swap3A_323 = vector.shape_cast %swap3A_322 : vector<16xi32> to vector<16xi32>
      %swap3A_324 = vector.shape_cast %get3A_320 : vector<16xi32> to vector<16xi32>
      tpu.vector_store %arg13[%swap3A_321], %swap3A_324 {strides = array<i32>} : memref<128xi32, #tpu.memory_space<vmem>>, vector<16xi32>,
      %mul3A_325 = arith.constant 128 : i32
      %mul3A_326 = arith.muli %mul3A_233, %mul3A_325 : i32
      %add3A_327 = arith.constant 112 : i32
      %add3A_328 = arith.addi %mul3A_326, %add3A_327 : i32
      %get3A_329 = arith.index_cast %add3A_328 : i32 to index
      %get3A_330 = tpu.vector_load %arg11[%get3A_329] {strides = array<i32>} : memref<3072xi32, #tpu.memory_space<vmem>>, vector<16xi32>,
      %get3A_331 = vector.shape_cast %get3A_330 : vector<16xi32> to vector<16xi32>
      %swap3A_332 = arith.constant 112 : index
      %swap3A_333 = tpu.vector_load %arg13[%swap3A_332] {strides = array<i32>} : memref<128xi32, #tpu.memory_space<vmem>>, vector<16xi32>,
      %swap3A_334 = vector.shape_cast %swap3A_333 : vector<16xi32> to vector<16xi32>
      %swap3A_335 = vector.shape_cast %get3A_331 : vector<16xi32> to vector<16xi32>
      tpu.vector_store %arg13[%swap3A_332], %swap3A_335 {strides = array<i32>} : memref<128xi32, #tpu.memory_space<vmem>>, vector<16xi32>,
      %mul3A_336 = arith.constant 64 : i32
      %mul3A_337 = arith.muli %mul3A_233, %mul3A_336 : i32
      %add3A_338 = arith.constant 0 : i32
      %add3A_339 = arith.addi %mul3A_337, %add3A_338 : i32
      %get3A_340 = arith.index_cast %add3A_339 : i32 to index
      %get3A_341 = tpu.vector_load %arg12[%get3A_340] {strides = array<i32>} : memref<1536xi32, #tpu.memory_space<vmem>>, vector<16xi32>,
      %get3A_342 = vector.shape_cast %get3A_341 : vector<16xi32> to vector<16xi32>
      %swap3A_343 = arith.constant 0 : index
      %swap3A_344 = tpu.vector_load %arg14[%swap3A_343] {strides = array<i32>} : memref<64xi32, #tpu.memory_space<vmem>>, vector<16xi32>,
      %swap3A_345 = vector.shape_cast %swap3A_344 : vector<16xi32> to vector<16xi32>
      %swap3A_346 = vector.shape_cast %get3A_342 : vector<16xi32> to vector<16xi32>
      tpu.vector_store %arg14[%swap3A_343], %swap3A_346 {strides = array<i32>} : memref<64xi32, #tpu.memory_space<vmem>>, vector<16xi32>,
      %mul3A_347 = arith.constant 64 : i32
      %mul3A_348 = arith.muli %mul3A_233, %mul3A_347 : i32
      %add3A_349 = arith.constant 16 : i32
      %add3A_350 = arith.addi %mul3A_348, %add3A_349 : i32
      %get3A_351 = arith.index_cast %add3A_350 : i32 to index
      %get3A_352 = tpu.vector_load %arg12[%get3A_351] {strides = array<i32>} : memref<1536xi32, #tpu.memory_space<vmem>>, vector<16xi32>,
      %get3A_353 = vector.shape_cast %get3A_352 : vector<16xi32> to vector<16xi32>
      %swap3A_354 = arith.constant 16 : index
      %swap3A_355 = tpu.vector_load %arg14[%swap3A_354] {strides = array<i32>} : memref<64xi32, #tpu.memory_space<vmem>>, vector<16xi32>,
      %swap3A_356 = vector.shape_cast %swap3A_355 : vector<16xi32> to vector<16xi32>
      %swap3A_357 = vector.shape_cast %get3A_353 : vector<16xi32> to vector<16xi32>
      tpu.vector_store %arg14[%swap3A_354], %swap3A_357 {strides = array<i32>} : memref<64xi32, #tpu.memory_space<vmem>>, vector<16xi32>,
      %mul3A_358 = arith.constant 64 : i32
      %mul3A_359 = arith.muli %mul3A_233, %mul3A_358 : i32
      %add3A_360 = arith.constant 32 : i32
      %add3A_361 = arith.addi %mul3A_359, %add3A_360 : i32
      %get3A_362 = arith.index_cast %add3A_361 : i32 to index
      %get3A_363 = tpu.vector_load %arg12[%get3A_362] {strides = array<i32>} : memref<1536xi32, #tpu.memory_space<vmem>>, vector<16xi32>,
      %get3A_364 = vector.shape_cast %get3A_363 : vector<16xi32> to vector<16xi32>
      %swap3A_365 = arith.constant 32 : index
      %swap3A_366 = tpu.vector_load %arg14[%swap3A_365] {strides = array<i32>} : memref<64xi32, #tpu.memory_space<vmem>>, vector<16xi32>,
      %swap3A_367 = vector.shape_cast %swap3A_366 : vector<16xi32> to vector<16xi32>
      %swap3A_368 = vector.shape_cast %get3A_364 : vector<16xi32> to vector<16xi32>
      tpu.vector_store %arg14[%swap3A_365], %swap3A_368 {strides = array<i32>} : memref<64xi32, #tpu.memory_space<vmem>>, vector<16xi32>,
      %mul3A_369 = arith.constant 64 : i32
      %mul3A_370 = arith.muli %mul3A_233, %mul3A_369 : i32
      %add3A_371 = arith.constant 48 : i32
      %add3A_372 = arith.addi %mul3A_370, %add3A_371 : i32
      %get3A_373 = arith.index_cast %add3A_372 : i32 to index
      %get3A_374 = tpu.vector_load %arg12[%get3A_373] {strides = array<i32>} : memref<1536xi32, #tpu.memory_space<vmem>>, vector<16xi32>,
      %get3A_375 = vector.shape_cast %get3A_374 : vector<16xi32> to vector<16xi32>
      %swap3A_376 = arith.constant 48 : index
      %swap3A_377 = tpu.vector_load %arg14[%swap3A_376] {strides = array<i32>} : memref<64xi32, #tpu.memory_space<vmem>>, vector<16xi32>,
      %swap3A_378 = vector.shape_cast %swap3A_377 : vector<16xi32> to vector<16xi32>
      %swap3A_379 = vector.shape_cast %get3A_375 : vector<16xi32> to vector<16xi32>
      tpu.vector_store %arg14[%swap3A_376], %swap3A_379 {strides = array<i32>} : memref<64xi32, #tpu.memory_space<vmem>>, vector<16xi32>,
      "tpu.region"() ({
        %run_scoped3A = tpu.sem_alloc : memref<!tpu.dma_semaphore, #tpu.memory_space<semaphore_mem>>
        %dma_start3A_530 = arith.constant 0 : i32
        %dma_start3A_531 = arith.constant 0 : i32
        %dma_start3A_532 = tpu.memref_slice %arg8[%dma_start3A_530, %dma_start3A_531] : memref<3072x128xf32, #tpu.memory_space<vmem_shared>> -> memref<3072x128xf32, #tpu.memory_space<vmem_shared>>
        tpu.enqueue_indirect_dma source(%arg15 : memref<128x128xf32, #tpu.memory_space<vmem>>) target(%dma_start3A_532 : memref<3072x128xf32, #tpu.memory_space<vmem_shared>>) offsets(%arg13 : memref<128xi32, #tpu.memory_space<vmem>>) semaphore(%run_scoped3A : memref<!tpu.dma_semaphore, #tpu.memory_space<semaphore_mem>>) {add = true}
        %dma_wait3A_533 = arith.constant 0 : i32
        %dma_wait3A_534 = arith.constant 0 : i32
        %dma_wait3A_535 = tpu.memref_slice %arg8[%dma_wait3A_533, %dma_wait3A_534] : memref<3072x128xf32, #tpu.memory_space<vmem_shared>> -> memref<3072x128xf32, #tpu.memory_space<vmem_shared>>
        tpu.wait_indirect_dma semaphore(%run_scoped3A : memref<!tpu.dma_semaphore, #tpu.memory_space<semaphore_mem>>) src(%arg15 : memref<128x128xf32, #tpu.memory_space<vmem>>) dst(%dma_wait3A_535 : memref<3072x128xf32, #tpu.memory_space<vmem_shared>>)
        tpu.yield
      }) : () -> ()
      "tpu.region"() ({
        %run_scoped3A = tpu.sem_alloc : memref<!tpu.dma_semaphore, #tpu.memory_space<semaphore_mem>>
        %dma_start3A_530 = arith.constant 0 : i32
        %dma_start3A_531 = arith.constant 0 : i32
        %dma_start3A_532 = tpu.memref_slice %arg9[%dma_start3A_530, %dma_start3A_531] : memref<3072x128xf32, #tpu.memory_space<vmem_shared>> -> memref<3072x128xf32, #tpu.memory_space<vmem_shared>>
        tpu.enqueue_indirect_dma source(%arg17 : memref<64x128xf32, #tpu.memory_space<vmem>>) target(%dma_start3A_532 : memref<3072x128xf32, #tpu.memory_space<vmem_shared>>) offsets(%arg14 : memref<64xi32, #tpu.memory_space<vmem>>) semaphore(%run_scoped3A : memref<!tpu.dma_semaphore, #tpu.memory_space<semaphore_mem>>) {add = true}
        %dma_wait3A_533 = arith.constant 0 : i32
        %dma_wait3A_534 = arith.constant 0 : i32
        %dma_wait3A_535 = tpu.memref_slice %arg9[%dma_wait3A_533, %dma_wait3A_534] : memref<3072x128xf32, #tpu.memory_space<vmem_shared>> -> memref<3072x128xf32, #tpu.memory_space<vmem_shared>>
        tpu.wait_indirect_dma semaphore(%run_scoped3A : memref<!tpu.dma_semaphore, #tpu.memory_space<semaphore_mem>>) src(%arg17 : memref<64x128xf32, #tpu.memory_space<vmem>>) dst(%dma_wait3A_535 : memref<3072x128xf32, #tpu.memory_space<vmem_shared>>)
        tpu.yield
      }) : () -> ()
      %add3A_380 = arith.constant 2 : i32
      %add3A_381 = arith.addi %mul3A_233, %add3A_380 : i32
      %mul3A_382 = arith.constant 128 : i32
      %mul3A_383 = arith.muli %add3A_381, %mul3A_382 : i32
      %dma_start3A_384 = tpu.memref_slice %arg10[%mul3A_383] : memref<3072xi32, #tpu.memory_space<vmem>> -> memref<128xi32, #tpu.memory_space<vmem>>
      %dma_start3A_385 = arith.constant 0 : i32
      %dma_start3A_386 = arith.constant 0 : i32
      %dma_start3A_387 = tpu.memref_slice %arg2[%dma_start3A_385, %dma_start3A_386] : memref<8000x128xf32, #tpu.memory_space<hbm>> -> memref<8000x128xf32, #tpu.memory_space<hbm>>
      tpu.enqueue_indirect_dma source(%dma_start3A_387 : memref<8000x128xf32, #tpu.memory_space<hbm>>) target(%arg15 : memref<128x128xf32, #tpu.memory_space<vmem>>) offsets(%dma_start3A_384 : memref<128xi32, #tpu.memory_space<vmem>>) semaphore(%arg18 : memref<!tpu.dma_semaphore, #tpu.memory_space<semaphore_mem>>)
      %add3A_388 = arith.constant 1 : i32
      %add3A_389 = arith.addi %mul3A_233, %add3A_388 : i32
      %mul3A_390 = arith.constant 128 : i32
      %mul3A_391 = arith.muli %add3A_389, %mul3A_390 : i32
      %dma_wait3A_392 = tpu.memref_slice %arg10[%mul3A_391] : memref<3072xi32, #tpu.memory_space<vmem>> -> memref<128xi32, #tpu.memory_space<vmem>>
      %dma_wait3A_393 = arith.constant 0 : i32
      %dma_wait3A_394 = arith.constant 0 : i32
      %dma_wait3A_395 = tpu.memref_slice %arg2[%dma_wait3A_393, %dma_wait3A_394] : memref<8000x128xf32, #tpu.memory_space<hbm>> -> memref<8000x128xf32, #tpu.memory_space<hbm>>
      tpu.wait_indirect_dma semaphore(%arg19 : memref<!tpu.dma_semaphore, #tpu.memory_space<semaphore_mem>>) src(%dma_wait3A_395 : memref<8000x128xf32, #tpu.memory_space<hbm>>) dst(%arg16 : memref<128x128xf32, #tpu.memory_space<vmem>>)
      %add3A_396 = arith.constant 1 : i32
      %add3A_397 = arith.addi %mul3A_233, %add3A_396 : i32
      %mul3A_398 = arith.constant 128 : i32
      %mul3A_399 = arith.muli %add3A_397, %mul3A_398 : i32
      %add3A_400 = arith.constant 0 : i32
      %add3A_401 = arith.addi %mul3A_399, %add3A_400 : i32
      %get3A_402 = arith.index_cast %add3A_401 : i32 to index
      %get3A_403 = tpu.vector_load %arg11[%get3A_402] {strides = array<i32>} : memref<3072xi32, #tpu.memory_space<vmem>>, vector<16xi32>,
      %get3A_404 = vector.shape_cast %get3A_403 : vector<16xi32> to vector<16xi32>
      %swap3A_405 = arith.constant 0 : index
      %swap3A_406 = tpu.vector_load %arg13[%swap3A_405] {strides = array<i32>} : memref<128xi32, #tpu.memory_space<vmem>>, vector<16xi32>,
      %swap3A_407 = vector.shape_cast %swap3A_406 : vector<16xi32> to vector<16xi32>
      %swap3A_408 = vector.shape_cast %get3A_404 : vector<16xi32> to vector<16xi32>
      tpu.vector_store %arg13[%swap3A_405], %swap3A_408 {strides = array<i32>} : memref<128xi32, #tpu.memory_space<vmem>>, vector<16xi32>,
      %mul3A_409 = arith.constant 128 : i32
      %mul3A_410 = arith.muli %add3A_397, %mul3A_409 : i32
      %add3A_411 = arith.constant 16 : i32
      %add3A_412 = arith.addi %mul3A_410, %add3A_411 : i32
      %get3A_413 = arith.index_cast %add3A_412 : i32 to index
      %get3A_414 = tpu.vector_load %arg11[%get3A_413] {strides = array<i32>} : memref<3072xi32, #tpu.memory_space<vmem>>, vector<16xi32>,
      %get3A_415 = vector.shape_cast %get3A_414 : vector<16xi32> to vector<16xi32>
      %swap3A_416 = arith.constant 16 : index
      %swap3A_417 = tpu.vector_load %arg13[%swap3A_416] {strides = array<i32>} : memref<128xi32, #tpu.memory_space<vmem>>, vector<16xi32>,
      %swap3A_418 = vector.shape_cast %swap3A_417 : vector<16xi32> to vector<16xi32>
      %swap3A_419 = vector.shape_cast %get3A_415 : vector<16xi32> to vector<16xi32>
      tpu.vector_store %arg13[%swap3A_416], %swap3A_419 {strides = array<i32>} : memref<128xi32, #tpu.memory_space<vmem>>, vector<16xi32>,
      %mul3A_420 = arith.constant 128 : i32
      %mul3A_421 = arith.muli %add3A_397, %mul3A_420 : i32
      %add3A_422 = arith.constant 32 : i32
      %add3A_423 = arith.addi %mul3A_421, %add3A_422 : i32
      %get3A_424 = arith.index_cast %add3A_423 : i32 to index
      %get3A_425 = tpu.vector_load %arg11[%get3A_424] {strides = array<i32>} : memref<3072xi32, #tpu.memory_space<vmem>>, vector<16xi32>,
      %get3A_426 = vector.shape_cast %get3A_425 : vector<16xi32> to vector<16xi32>
      %swap3A_427 = arith.constant 32 : index
      %swap3A_428 = tpu.vector_load %arg13[%swap3A_427] {strides = array<i32>} : memref<128xi32, #tpu.memory_space<vmem>>, vector<16xi32>,
      %swap3A_429 = vector.shape_cast %swap3A_428 : vector<16xi32> to vector<16xi32>
      %swap3A_430 = vector.shape_cast %get3A_426 : vector<16xi32> to vector<16xi32>
      tpu.vector_store %arg13[%swap3A_427], %swap3A_430 {strides = array<i32>} : memref<128xi32, #tpu.memory_space<vmem>>, vector<16xi32>,
      %mul3A_431 = arith.constant 128 : i32
      %mul3A_432 = arith.muli %add3A_397, %mul3A_431 : i32
      %add3A_433 = arith.constant 48 : i32
      %add3A_434 = arith.addi %mul3A_432, %add3A_433 : i32
      %get3A_435 = arith.index_cast %add3A_434 : i32 to index
      %get3A_436 = tpu.vector_load %arg11[%get3A_435] {strides = array<i32>} : memref<3072xi32, #tpu.memory_space<vmem>>, vector<16xi32>,
      %get3A_437 = vector.shape_cast %get3A_436 : vector<16xi32> to vector<16xi32>
      %swap3A_438 = arith.constant 48 : index
      %swap3A_439 = tpu.vector_load %arg13[%swap3A_438] {strides = array<i32>} : memref<128xi32, #tpu.memory_space<vmem>>, vector<16xi32>,
      %swap3A_440 = vector.shape_cast %swap3A_439 : vector<16xi32> to vector<16xi32>
      %swap3A_441 = vector.shape_cast %get3A_437 : vector<16xi32> to vector<16xi32>
      tpu.vector_store %arg13[%swap3A_438], %swap3A_441 {strides = array<i32>} : memref<128xi32, #tpu.memory_space<vmem>>, vector<16xi32>,
      %mul3A_442 = arith.constant 128 : i32
      %mul3A_443 = arith.muli %add3A_397, %mul3A_442 : i32
      %add3A_444 = arith.constant 64 : i32
      %add3A_445 = arith.addi %mul3A_443, %add3A_444 : i32
      %get3A_446 = arith.index_cast %add3A_445 : i32 to index
      %get3A_447 = tpu.vector_load %arg11[%get3A_446] {strides = array<i32>} : memref<3072xi32, #tpu.memory_space<vmem>>, vector<16xi32>,
      %get3A_448 = vector.shape_cast %get3A_447 : vector<16xi32> to vector<16xi32>
      %swap3A_449 = arith.constant 64 : index
      %swap3A_450 = tpu.vector_load %arg13[%swap3A_449] {strides = array<i32>} : memref<128xi32, #tpu.memory_space<vmem>>, vector<16xi32>,
      %swap3A_451 = vector.shape_cast %swap3A_450 : vector<16xi32> to vector<16xi32>
      %swap3A_452 = vector.shape_cast %get3A_448 : vector<16xi32> to vector<16xi32>
      tpu.vector_store %arg13[%swap3A_449], %swap3A_452 {strides = array<i32>} : memref<128xi32, #tpu.memory_space<vmem>>, vector<16xi32>,
      %mul3A_453 = arith.constant 128 : i32
      %mul3A_454 = arith.muli %add3A_397, %mul3A_453 : i32
      %add3A_455 = arith.constant 80 : i32
      %add3A_456 = arith.addi %mul3A_454, %add3A_455 : i32
      %get3A_457 = arith.index_cast %add3A_456 : i32 to index
      %get3A_458 = tpu.vector_load %arg11[%get3A_457] {strides = array<i32>} : memref<3072xi32, #tpu.memory_space<vmem>>, vector<16xi32>,
      %get3A_459 = vector.shape_cast %get3A_458 : vector<16xi32> to vector<16xi32>
      %swap3A_460 = arith.constant 80 : index
      %swap3A_461 = tpu.vector_load %arg13[%swap3A_460] {strides = array<i32>} : memref<128xi32, #tpu.memory_space<vmem>>, vector<16xi32>,
      %swap3A_462 = vector.shape_cast %swap3A_461 : vector<16xi32> to vector<16xi32>
      %swap3A_463 = vector.shape_cast %get3A_459 : vector<16xi32> to vector<16xi32>
      tpu.vector_store %arg13[%swap3A_460], %swap3A_463 {strides = array<i32>} : memref<128xi32, #tpu.memory_space<vmem>>, vector<16xi32>,
      %mul3A_464 = arith.constant 128 : i32
      %mul3A_465 = arith.muli %add3A_397, %mul3A_464 : i32
      %add3A_466 = arith.constant 96 : i32
      %add3A_467 = arith.addi %mul3A_465, %add3A_466 : i32
      %get3A_468 = arith.index_cast %add3A_467 : i32 to index
      %get3A_469 = tpu.vector_load %arg11[%get3A_468] {strides = array<i32>} : memref<3072xi32, #tpu.memory_space<vmem>>, vector<16xi32>,
      %get3A_470 = vector.shape_cast %get3A_469 : vector<16xi32> to vector<16xi32>
      %swap3A_471 = arith.constant 96 : index
      %swap3A_472 = tpu.vector_load %arg13[%swap3A_471] {strides = array<i32>} : memref<128xi32, #tpu.memory_space<vmem>>, vector<16xi32>,
      %swap3A_473 = vector.shape_cast %swap3A_472 : vector<16xi32> to vector<16xi32>
      %swap3A_474 = vector.shape_cast %get3A_470 : vector<16xi32> to vector<16xi32>
      tpu.vector_store %arg13[%swap3A_471], %swap3A_474 {strides = array<i32>} : memref<128xi32, #tpu.memory_space<vmem>>, vector<16xi32>,
      %mul3A_475 = arith.constant 128 : i32
      %mul3A_476 = arith.muli %add3A_397, %mul3A_475 : i32
      %add3A_477 = arith.constant 112 : i32
      %add3A_478 = arith.addi %mul3A_476, %add3A_477 : i32
      %get3A_479 = arith.index_cast %add3A_478 : i32 to index
      %get3A_480 = tpu.vector_load %arg11[%get3A_479] {strides = array<i32>} : memref<3072xi32, #tpu.memory_space<vmem>>, vector<16xi32>,
      %get3A_481 = vector.shape_cast %get3A_480 : vector<16xi32> to vector<16xi32>
      %swap3A_482 = arith.constant 112 : index
      %swap3A_483 = tpu.vector_load %arg13[%swap3A_482] {strides = array<i32>} : memref<128xi32, #tpu.memory_space<vmem>>, vector<16xi32>,
      %swap3A_484 = vector.shape_cast %swap3A_483 : vector<16xi32> to vector<16xi32>
      %swap3A_485 = vector.shape_cast %get3A_481 : vector<16xi32> to vector<16xi32>
      tpu.vector_store %arg13[%swap3A_482], %swap3A_485 {strides = array<i32>} : memref<128xi32, #tpu.memory_space<vmem>>, vector<16xi32>,
      %mul3A_486 = arith.constant 64 : i32
      %mul3A_487 = arith.muli %add3A_397, %mul3A_486 : i32
      %add3A_488 = arith.constant 0 : i32
      %add3A_489 = arith.addi %mul3A_487, %add3A_488 : i32
      %get3A_490 = arith.index_cast %add3A_489 : i32 to index
      %get3A_491 = tpu.vector_load %arg12[%get3A_490] {strides = array<i32>} : memref<1536xi32, #tpu.memory_space<vmem>>, vector<16xi32>,
      %get3A_492 = vector.shape_cast %get3A_491 : vector<16xi32> to vector<16xi32>
      %swap3A_493 = arith.constant 0 : index
      %swap3A_494 = tpu.vector_load %arg14[%swap3A_493] {strides = array<i32>} : memref<64xi32, #tpu.memory_space<vmem>>, vector<16xi32>,
      %swap3A_495 = vector.shape_cast %swap3A_494 : vector<16xi32> to vector<16xi32>
      %swap3A_496 = vector.shape_cast %get3A_492 : vector<16xi32> to vector<16xi32>
      tpu.vector_store %arg14[%swap3A_493], %swap3A_496 {strides = array<i32>} : memref<64xi32, #tpu.memory_space<vmem>>, vector<16xi32>,
      %mul3A_497 = arith.constant 64 : i32
      %mul3A_498 = arith.muli %add3A_397, %mul3A_497 : i32
      %add3A_499 = arith.constant 16 : i32
      %add3A_500 = arith.addi %mul3A_498, %add3A_499 : i32
      %get3A_501 = arith.index_cast %add3A_500 : i32 to index
      %get3A_502 = tpu.vector_load %arg12[%get3A_501] {strides = array<i32>} : memref<1536xi32, #tpu.memory_space<vmem>>, vector<16xi32>,
      %get3A_503 = vector.shape_cast %get3A_502 : vector<16xi32> to vector<16xi32>
      %swap3A_504 = arith.constant 16 : index
      %swap3A_505 = tpu.vector_load %arg14[%swap3A_504] {strides = array<i32>} : memref<64xi32, #tpu.memory_space<vmem>>, vector<16xi32>,
      %swap3A_506 = vector.shape_cast %swap3A_505 : vector<16xi32> to vector<16xi32>
      %swap3A_507 = vector.shape_cast %get3A_503 : vector<16xi32> to vector<16xi32>
      tpu.vector_store %arg14[%swap3A_504], %swap3A_507 {strides = array<i32>} : memref<64xi32, #tpu.memory_space<vmem>>, vector<16xi32>,
      %mul3A_508 = arith.constant 64 : i32
      %mul3A_509 = arith.muli %add3A_397, %mul3A_508 : i32
      %add3A_510 = arith.constant 32 : i32
      %add3A_511 = arith.addi %mul3A_509, %add3A_510 : i32
      %get3A_512 = arith.index_cast %add3A_511 : i32 to index
      %get3A_513 = tpu.vector_load %arg12[%get3A_512] {strides = array<i32>} : memref<1536xi32, #tpu.memory_space<vmem>>, vector<16xi32>,
      %get3A_514 = vector.shape_cast %get3A_513 : vector<16xi32> to vector<16xi32>
      %swap3A_515 = arith.constant 32 : index
      %swap3A_516 = tpu.vector_load %arg14[%swap3A_515] {strides = array<i32>} : memref<64xi32, #tpu.memory_space<vmem>>, vector<16xi32>,
      %swap3A_517 = vector.shape_cast %swap3A_516 : vector<16xi32> to vector<16xi32>
      %swap3A_518 = vector.shape_cast %get3A_514 : vector<16xi32> to vector<16xi32>
      tpu.vector_store %arg14[%swap3A_515], %swap3A_518 {strides = array<i32>} : memref<64xi32, #tpu.memory_space<vmem>>, vector<16xi32>,
      %mul3A_519 = arith.constant 64 : i32
      %mul3A_520 = arith.muli %add3A_397, %mul3A_519 : i32
      %add3A_521 = arith.constant 48 : i32
      %add3A_522 = arith.addi %mul3A_520, %add3A_521 : i32
      %get3A_523 = arith.index_cast %add3A_522 : i32 to index
      %get3A_524 = tpu.vector_load %arg12[%get3A_523] {strides = array<i32>} : memref<1536xi32, #tpu.memory_space<vmem>>, vector<16xi32>,
      %get3A_525 = vector.shape_cast %get3A_524 : vector<16xi32> to vector<16xi32>
      %swap3A_526 = arith.constant 48 : index
      %swap3A_527 = tpu.vector_load %arg14[%swap3A_526] {strides = array<i32>} : memref<64xi32, #tpu.memory_space<vmem>>, vector<16xi32>,
      %swap3A_528 = vector.shape_cast %swap3A_527 : vector<16xi32> to vector<16xi32>
      %swap3A_529 = vector.shape_cast %get3A_525 : vector<16xi32> to vector<16xi32>
      tpu.vector_store %arg14[%swap3A_526], %swap3A_529 {strides = array<i32>} : memref<64xi32, #tpu.memory_space<vmem>>, vector<16xi32>,
      "tpu.region"() ({
        %run_scoped3A = tpu.sem_alloc : memref<!tpu.dma_semaphore, #tpu.memory_space<semaphore_mem>>
        %dma_start3A_530 = arith.constant 0 : i32
        %dma_start3A_531 = arith.constant 0 : i32
        %dma_start3A_532 = tpu.memref_slice %arg8[%dma_start3A_530, %dma_start3A_531] : memref<3072x128xf32, #tpu.memory_space<vmem_shared>> -> memref<3072x128xf32, #tpu.memory_space<vmem_shared>>
        tpu.enqueue_indirect_dma source(%arg16 : memref<128x128xf32, #tpu.memory_space<vmem>>) target(%dma_start3A_532 : memref<3072x128xf32, #tpu.memory_space<vmem_shared>>) offsets(%arg13 : memref<128xi32, #tpu.memory_space<vmem>>) semaphore(%run_scoped3A : memref<!tpu.dma_semaphore, #tpu.memory_space<semaphore_mem>>) {add = true}
        %dma_wait3A_533 = arith.constant 0 : i32
        %dma_wait3A_534 = arith.constant 0 : i32
        %dma_wait3A_535 = tpu.memref_slice %arg8[%dma_wait3A_533, %dma_wait3A_534] : memref<3072x128xf32, #tpu.memory_space<vmem_shared>> -> memref<3072x128xf32, #tpu.memory_space<vmem_shared>>
        tpu.wait_indirect_dma semaphore(%run_scoped3A : memref<!tpu.dma_semaphore, #tpu.memory_space<semaphore_mem>>) src(%arg16 : memref<128x128xf32, #tpu.memory_space<vmem>>) dst(%dma_wait3A_535 : memref<3072x128xf32, #tpu.memory_space<vmem_shared>>)
        tpu.yield
      }) : () -> ()
      "tpu.region"() ({
        %run_scoped3A = tpu.sem_alloc : memref<!tpu.dma_semaphore, #tpu.memory_space<semaphore_mem>>
        %dma_start3A_530 = arith.constant 0 : i32
        %dma_start3A_531 = arith.constant 0 : i32
        %dma_start3A_532 = tpu.memref_slice %arg9[%dma_start3A_530, %dma_start3A_531] : memref<3072x128xf32, #tpu.memory_space<vmem_shared>> -> memref<3072x128xf32, #tpu.memory_space<vmem_shared>>
        tpu.enqueue_indirect_dma source(%arg17 : memref<64x128xf32, #tpu.memory_space<vmem>>) target(%dma_start3A_532 : memref<3072x128xf32, #tpu.memory_space<vmem_shared>>) offsets(%arg14 : memref<64xi32, #tpu.memory_space<vmem>>) semaphore(%run_scoped3A : memref<!tpu.dma_semaphore, #tpu.memory_space<semaphore_mem>>) {add = true}
        %dma_wait3A_533 = arith.constant 0 : i32
        %dma_wait3A_534 = arith.constant 0 : i32
        %dma_wait3A_535 = tpu.memref_slice %arg9[%dma_wait3A_533, %dma_wait3A_534] : memref<3072x128xf32, #tpu.memory_space<vmem_shared>> -> memref<3072x128xf32, #tpu.memory_space<vmem_shared>>
        tpu.wait_indirect_dma semaphore(%run_scoped3A : memref<!tpu.dma_semaphore, #tpu.memory_space<semaphore_mem>>) src(%arg17 : memref<64x128xf32, #tpu.memory_space<vmem>>) dst(%dma_wait3A_535 : memref<3072x128xf32, #tpu.memory_space<vmem_shared>>)
        tpu.yield
      }) : () -> ()
    }
    %scan3A_41 = arith.constant 11 : i32
    %dma_start3A_42 = arith.constant 2944 : i32
    %dma_start3A_43 = tpu.memref_slice %arg10[%dma_start3A_42] : memref<3072xi32, #tpu.memory_space<vmem>> -> memref<128xi32, #tpu.memory_space<vmem>>
    %dma_start3A_44 = arith.constant 0 : i32
    %dma_start3A_45 = arith.constant 0 : i32
    %dma_start3A_46 = tpu.memref_slice %arg2[%dma_start3A_44, %dma_start3A_45] : memref<8000x128xf32, #tpu.memory_space<hbm>> -> memref<8000x128xf32, #tpu.memory_space<hbm>>
    tpu.enqueue_indirect_dma source(%dma_start3A_46 : memref<8000x128xf32, #tpu.memory_space<hbm>>) target(%arg16 : memref<128x128xf32, #tpu.memory_space<vmem>>) offsets(%dma_start3A_43 : memref<128xi32, #tpu.memory_space<vmem>>) semaphore(%arg19 : memref<!tpu.dma_semaphore, #tpu.memory_space<semaphore_mem>>)
    %dma_wait3A = arith.constant 2816 : i32
    %dma_wait3A_47 = tpu.memref_slice %arg10[%dma_wait3A] : memref<3072xi32, #tpu.memory_space<vmem>> -> memref<128xi32, #tpu.memory_space<vmem>>
    %dma_wait3A_48 = arith.constant 0 : i32
    %dma_wait3A_49 = arith.constant 0 : i32
    %dma_wait3A_50 = tpu.memref_slice %arg2[%dma_wait3A_48, %dma_wait3A_49] : memref<8000x128xf32, #tpu.memory_space<hbm>> -> memref<8000x128xf32, #tpu.memory_space<hbm>>
    tpu.wait_indirect_dma semaphore(%arg18 : memref<!tpu.dma_semaphore, #tpu.memory_space<semaphore_mem>>) src(%dma_wait3A_50 : memref<8000x128xf32, #tpu.memory_space<hbm>>) dst(%arg15 : memref<128x128xf32, #tpu.memory_space<vmem>>)
    %get3A = arith.constant 2816 : index
    %get3A_51 = tpu.vector_load %arg11[%get3A] {strides = array<i32>} : memref<3072xi32, #tpu.memory_space<vmem>>, vector<16xi32>,
    %get3A_52 = vector.shape_cast %get3A_51 : vector<16xi32> to vector<16xi32>
    %swap3A = arith.constant 0 : index
    %swap3A_53 = tpu.vector_load %arg13[%swap3A] {strides = array<i32>} : memref<128xi32, #tpu.memory_space<vmem>>, vector<16xi32>,
    %swap3A_54 = vector.shape_cast %swap3A_53 : vector<16xi32> to vector<16xi32>
    %swap3A_55 = vector.shape_cast %get3A_52 : vector<16xi32> to vector<16xi32>
    tpu.vector_store %arg13[%swap3A], %swap3A_55 {strides = array<i32>} : memref<128xi32, #tpu.memory_space<vmem>>, vector<16xi32>,
    %get3A_56 = arith.constant 2832 : index
    %get3A_57 = tpu.vector_load %arg11[%get3A_56] {strides = array<i32>} : memref<3072xi32, #tpu.memory_space<vmem>>, vector<16xi32>,
    %get3A_58 = vector.shape_cast %get3A_57 : vector<16xi32> to vector<16xi32>
    %swap3A_59 = arith.constant 16 : index
    %swap3A_60 = tpu.vector_load %arg13[%swap3A_59] {strides = array<i32>} : memref<128xi32, #tpu.memory_space<vmem>>, vector<16xi32>,
    %swap3A_61 = vector.shape_cast %swap3A_60 : vector<16xi32> to vector<16xi32>
    %swap3A_62 = vector.shape_cast %get3A_58 : vector<16xi32> to vector<16xi32>
    tpu.vector_store %arg13[%swap3A_59], %swap3A_62 {strides = array<i32>} : memref<128xi32, #tpu.memory_space<vmem>>, vector<16xi32>,
    %get3A_63 = arith.constant 2848 : index
    %get3A_64 = tpu.vector_load %arg11[%get3A_63] {strides = array<i32>} : memref<3072xi32, #tpu.memory_space<vmem>>, vector<16xi32>,
    %get3A_65 = vector.shape_cast %get3A_64 : vector<16xi32> to vector<16xi32>
    %swap3A_66 = arith.constant 32 : index
    %swap3A_67 = tpu.vector_load %arg13[%swap3A_66] {strides = array<i32>} : memref<128xi32, #tpu.memory_space<vmem>>, vector<16xi32>,
    %swap3A_68 = vector.shape_cast %swap3A_67 : vector<16xi32> to vector<16xi32>
    %swap3A_69 = vector.shape_cast %get3A_65 : vector<16xi32> to vector<16xi32>
    tpu.vector_store %arg13[%swap3A_66], %swap3A_69 {strides = array<i32>} : memref<128xi32, #tpu.memory_space<vmem>>, vector<16xi32>,
    %get3A_70 = arith.constant 2864 : index
    %get3A_71 = tpu.vector_load %arg11[%get3A_70] {strides = array<i32>} : memref<3072xi32, #tpu.memory_space<vmem>>, vector<16xi32>,
    %get3A_72 = vector.shape_cast %get3A_71 : vector<16xi32> to vector<16xi32>
    %swap3A_73 = arith.constant 48 : index
    %swap3A_74 = tpu.vector_load %arg13[%swap3A_73] {strides = array<i32>} : memref<128xi32, #tpu.memory_space<vmem>>, vector<16xi32>,
    %swap3A_75 = vector.shape_cast %swap3A_74 : vector<16xi32> to vector<16xi32>
    %swap3A_76 = vector.shape_cast %get3A_72 : vector<16xi32> to vector<16xi32>
    tpu.vector_store %arg13[%swap3A_73], %swap3A_76 {strides = array<i32>} : memref<128xi32, #tpu.memory_space<vmem>>, vector<16xi32>,
    %get3A_77 = arith.constant 2880 : index
    %get3A_78 = tpu.vector_load %arg11[%get3A_77] {strides = array<i32>} : memref<3072xi32, #tpu.memory_space<vmem>>, vector<16xi32>,
    %get3A_79 = vector.shape_cast %get3A_78 : vector<16xi32> to vector<16xi32>
    %swap3A_80 = arith.constant 64 : index
    %swap3A_81 = tpu.vector_load %arg13[%swap3A_80] {strides = array<i32>} : memref<128xi32, #tpu.memory_space<vmem>>, vector<16xi32>,
    %swap3A_82 = vector.shape_cast %swap3A_81 : vector<16xi32> to vector<16xi32>
    %swap3A_83 = vector.shape_cast %get3A_79 : vector<16xi32> to vector<16xi32>
    tpu.vector_store %arg13[%swap3A_80], %swap3A_83 {strides = array<i32>} : memref<128xi32, #tpu.memory_space<vmem>>, vector<16xi32>,
    %get3A_84 = arith.constant 2896 : index
    %get3A_85 = tpu.vector_load %arg11[%get3A_84] {strides = array<i32>} : memref<3072xi32, #tpu.memory_space<vmem>>, vector<16xi32>,
    %get3A_86 = vector.shape_cast %get3A_85 : vector<16xi32> to vector<16xi32>
    %swap3A_87 = arith.constant 80 : index
    %swap3A_88 = tpu.vector_load %arg13[%swap3A_87] {strides = array<i32>} : memref<128xi32, #tpu.memory_space<vmem>>, vector<16xi32>,
    %swap3A_89 = vector.shape_cast %swap3A_88 : vector<16xi32> to vector<16xi32>
    %swap3A_90 = vector.shape_cast %get3A_86 : vector<16xi32> to vector<16xi32>
    tpu.vector_store %arg13[%swap3A_87], %swap3A_90 {strides = array<i32>} : memref<128xi32, #tpu.memory_space<vmem>>, vector<16xi32>,
    %get3A_91 = arith.constant 2912 : index
    %get3A_92 = tpu.vector_load %arg11[%get3A_91] {strides = array<i32>} : memref<3072xi32, #tpu.memory_space<vmem>>, vector<16xi32>,
    %get3A_93 = vector.shape_cast %get3A_92 : vector<16xi32> to vector<16xi32>
    %swap3A_94 = arith.constant 96 : index
    %swap3A_95 = tpu.vector_load %arg13[%swap3A_94] {strides = array<i32>} : memref<128xi32, #tpu.memory_space<vmem>>, vector<16xi32>,
    %swap3A_96 = vector.shape_cast %swap3A_95 : vector<16xi32> to vector<16xi32>
    %swap3A_97 = vector.shape_cast %get3A_93 : vector<16xi32> to vector<16xi32>
    tpu.vector_store %arg13[%swap3A_94], %swap3A_97 {strides = array<i32>} : memref<128xi32, #tpu.memory_space<vmem>>, vector<16xi32>,
    %get3A_98 = arith.constant 2928 : index
    %get3A_99 = tpu.vector_load %arg11[%get3A_98] {strides = array<i32>} : memref<3072xi32, #tpu.memory_space<vmem>>, vector<16xi32>,
    %get3A_100 = vector.shape_cast %get3A_99 : vector<16xi32> to vector<16xi32>
    %swap3A_101 = arith.constant 112 : index
    %swap3A_102 = tpu.vector_load %arg13[%swap3A_101] {strides = array<i32>} : memref<128xi32, #tpu.memory_space<vmem>>, vector<16xi32>,
    %swap3A_103 = vector.shape_cast %swap3A_102 : vector<16xi32> to vector<16xi32>
    %swap3A_104 = vector.shape_cast %get3A_100 : vector<16xi32> to vector<16xi32>
    tpu.vector_store %arg13[%swap3A_101], %swap3A_104 {strides = array<i32>} : memref<128xi32, #tpu.memory_space<vmem>>, vector<16xi32>,
    %get3A_105 = arith.constant 1408 : index
    %get3A_106 = tpu.vector_load %arg12[%get3A_105] {strides = array<i32>} : memref<1536xi32, #tpu.memory_space<vmem>>, vector<16xi32>,
    %get3A_107 = vector.shape_cast %get3A_106 : vector<16xi32> to vector<16xi32>
    %swap3A_108 = arith.constant 0 : index
    %swap3A_109 = tpu.vector_load %arg14[%swap3A_108] {strides = array<i32>} : memref<64xi32, #tpu.memory_space<vmem>>, vector<16xi32>,
    %swap3A_110 = vector.shape_cast %swap3A_109 : vector<16xi32> to vector<16xi32>
    %swap3A_111 = vector.shape_cast %get3A_107 : vector<16xi32> to vector<16xi32>
    tpu.vector_store %arg14[%swap3A_108], %swap3A_111 {strides = array<i32>} : memref<64xi32, #tpu.memory_space<vmem>>, vector<16xi32>,
    %get3A_112 = arith.constant 1424 : index
    %get3A_113 = tpu.vector_load %arg12[%get3A_112] {strides = array<i32>} : memref<1536xi32, #tpu.memory_space<vmem>>, vector<16xi32>,
    %get3A_114 = vector.shape_cast %get3A_113 : vector<16xi32> to vector<16xi32>
    %swap3A_115 = arith.constant 16 : index
    %swap3A_116 = tpu.vector_load %arg14[%swap3A_115] {strides = array<i32>} : memref<64xi32, #tpu.memory_space<vmem>>, vector<16xi32>,
    %swap3A_117 = vector.shape_cast %swap3A_116 : vector<16xi32> to vector<16xi32>
    %swap3A_118 = vector.shape_cast %get3A_114 : vector<16xi32> to vector<16xi32>
    tpu.vector_store %arg14[%swap3A_115], %swap3A_118 {strides = array<i32>} : memref<64xi32, #tpu.memory_space<vmem>>, vector<16xi32>,
    %get3A_119 = arith.constant 1440 : index
    %get3A_120 = tpu.vector_load %arg12[%get3A_119] {strides = array<i32>} : memref<1536xi32, #tpu.memory_space<vmem>>, vector<16xi32>,
    %get3A_121 = vector.shape_cast %get3A_120 : vector<16xi32> to vector<16xi32>
    %swap3A_122 = arith.constant 32 : index
    %swap3A_123 = tpu.vector_load %arg14[%swap3A_122] {strides = array<i32>} : memref<64xi32, #tpu.memory_space<vmem>>, vector<16xi32>,
    %swap3A_124 = vector.shape_cast %swap3A_123 : vector<16xi32> to vector<16xi32>
    %swap3A_125 = vector.shape_cast %get3A_121 : vector<16xi32> to vector<16xi32>
    tpu.vector_store %arg14[%swap3A_122], %swap3A_125 {strides = array<i32>} : memref<64xi32, #tpu.memory_space<vmem>>, vector<16xi32>,
    %get3A_126 = arith.constant 1456 : index
    %get3A_127 = tpu.vector_load %arg12[%get3A_126] {strides = array<i32>} : memref<1536xi32, #tpu.memory_space<vmem>>, vector<16xi32>,
    %get3A_128 = vector.shape_cast %get3A_127 : vector<16xi32> to vector<16xi32>
    %swap3A_129 = arith.constant 48 : index
    %swap3A_130 = tpu.vector_load %arg14[%swap3A_129] {strides = array<i32>} : memref<64xi32, #tpu.memory_space<vmem>>, vector<16xi32>,
    %swap3A_131 = vector.shape_cast %swap3A_130 : vector<16xi32> to vector<16xi32>
    %swap3A_132 = vector.shape_cast %get3A_128 : vector<16xi32> to vector<16xi32>
    tpu.vector_store %arg14[%swap3A_129], %swap3A_132 {strides = array<i32>} : memref<64xi32, #tpu.memory_space<vmem>>, vector<16xi32>,
    "tpu.region"() ({
      %run_scoped3A = tpu.sem_alloc : memref<!tpu.dma_semaphore, #tpu.memory_space<semaphore_mem>>
      %dma_start3A_231 = arith.constant 0 : i32
      %dma_start3A_232 = arith.constant 0 : i32
      %dma_start3A_233 = tpu.memref_slice %arg8[%dma_start3A_231, %dma_start3A_232] : memref<3072x128xf32, #tpu.memory_space<vmem_shared>> -> memref<3072x128xf32, #tpu.memory_space<vmem_shared>>
      tpu.enqueue_indirect_dma source(%arg15 : memref<128x128xf32, #tpu.memory_space<vmem>>) target(%dma_start3A_233 : memref<3072x128xf32, #tpu.memory_space<vmem_shared>>) offsets(%arg13 : memref<128xi32, #tpu.memory_space<vmem>>) semaphore(%run_scoped3A : memref<!tpu.dma_semaphore, #tpu.memory_space<semaphore_mem>>) {add = true}
      %dma_wait3A_234 = arith.constant 0 : i32
      %dma_wait3A_235 = arith.constant 0 : i32
      %dma_wait3A_236 = tpu.memref_slice %arg8[%dma_wait3A_234, %dma_wait3A_235] : memref<3072x128xf32, #tpu.memory_space<vmem_shared>> -> memref<3072x128xf32, #tpu.memory_space<vmem_shared>>
      tpu.wait_indirect_dma semaphore(%run_scoped3A : memref<!tpu.dma_semaphore, #tpu.memory_space<semaphore_mem>>) src(%arg15 : memref<128x128xf32, #tpu.memory_space<vmem>>) dst(%dma_wait3A_236 : memref<3072x128xf32, #tpu.memory_space<vmem_shared>>)
      tpu.yield
    }) : () -> ()
    "tpu.region"() ({
      %run_scoped3A = tpu.sem_alloc : memref<!tpu.dma_semaphore, #tpu.memory_space<semaphore_mem>>
      %dma_start3A_231 = arith.constant 0 : i32
      %dma_start3A_232 = arith.constant 0 : i32
      %dma_start3A_233 = tpu.memref_slice %arg9[%dma_start3A_231, %dma_start3A_232] : memref<3072x128xf32, #tpu.memory_space<vmem_shared>> -> memref<3072x128xf32, #tpu.memory_space<vmem_shared>>
      tpu.enqueue_indirect_dma source(%arg17 : memref<64x128xf32, #tpu.memory_space<vmem>>) target(%dma_start3A_233 : memref<3072x128xf32, #tpu.memory_space<vmem_shared>>) offsets(%arg14 : memref<64xi32, #tpu.memory_space<vmem>>) semaphore(%run_scoped3A : memref<!tpu.dma_semaphore, #tpu.memory_space<semaphore_mem>>) {add = true}
      %dma_wait3A_234 = arith.constant 0 : i32
      %dma_wait3A_235 = arith.constant 0 : i32
      %dma_wait3A_236 = tpu.memref_slice %arg9[%dma_wait3A_234, %dma_wait3A_235] : memref<3072x128xf32, #tpu.memory_space<vmem_shared>> -> memref<3072x128xf32, #tpu.memory_space<vmem_shared>>
      tpu.wait_indirect_dma semaphore(%run_scoped3A : memref<!tpu.dma_semaphore, #tpu.memory_space<semaphore_mem>>) src(%arg17 : memref<64x128xf32, #tpu.memory_space<vmem>>) dst(%dma_wait3A_236 : memref<3072x128xf32, #tpu.memory_space<vmem_shared>>)
      tpu.yield
    }) : () -> ()
    %dma_wait3A_133 = arith.constant 2944 : i32
    %dma_wait3A_134 = tpu.memref_slice %arg10[%dma_wait3A_133] : memref<3072xi32, #tpu.memory_space<vmem>> -> memref<128xi32, #tpu.memory_space<vmem>>
    %dma_wait3A_135 = arith.constant 0 : i32
    %dma_wait3A_136 = arith.constant 0 : i32
    %dma_wait3A_137 = tpu.memref_slice %arg2[%dma_wait3A_135, %dma_wait3A_136] : memref<8000x128xf32, #tpu.memory_space<hbm>> -> memref<8000x128xf32, #tpu.memory_space<hbm>>
    tpu.wait_indirect_dma semaphore(%arg19 : memref<!tpu.dma_semaphore, #tpu.memory_space<semaphore_mem>>) src(%dma_wait3A_137 : memref<8000x128xf32, #tpu.memory_space<hbm>>) dst(%arg16 : memref<128x128xf32, #tpu.memory_space<vmem>>)
    %get3A_138 = arith.constant 2944 : index
    %get3A_139 = tpu.vector_load %arg11[%get3A_138] {strides = array<i32>} : memref<3072xi32, #tpu.memory_space<vmem>>, vector<16xi32>,
    %get3A_140 = vector.shape_cast %get3A_139 : vector<16xi32> to vector<16xi32>
    %swap3A_141 = arith.constant 0 : index
    %swap3A_142 = tpu.vector_load %arg13[%swap3A_141] {strides = array<i32>} : memref<128xi32, #tpu.memory_space<vmem>>, vector<16xi32>,
    %swap3A_143 = vector.shape_cast %swap3A_142 : vector<16xi32> to vector<16xi32>
    %swap3A_144 = vector.shape_cast %get3A_140 : vector<16xi32> to vector<16xi32>
    tpu.vector_store %arg13[%swap3A_141], %swap3A_144 {strides = array<i32>} : memref<128xi32, #tpu.memory_space<vmem>>, vector<16xi32>,
    %get3A_145 = arith.constant 2960 : index
    %get3A_146 = tpu.vector_load %arg11[%get3A_145] {strides = array<i32>} : memref<3072xi32, #tpu.memory_space<vmem>>, vector<16xi32>,
    %get3A_147 = vector.shape_cast %get3A_146 : vector<16xi32> to vector<16xi32>
    %swap3A_148 = arith.constant 16 : index
    %swap3A_149 = tpu.vector_load %arg13[%swap3A_148] {strides = array<i32>} : memref<128xi32, #tpu.memory_space<vmem>>, vector<16xi32>,
    %swap3A_150 = vector.shape_cast %swap3A_149 : vector<16xi32> to vector<16xi32>
    %swap3A_151 = vector.shape_cast %get3A_147 : vector<16xi32> to vector<16xi32>
    tpu.vector_store %arg13[%swap3A_148], %swap3A_151 {strides = array<i32>} : memref<128xi32, #tpu.memory_space<vmem>>, vector<16xi32>,
    %get3A_152 = arith.constant 2976 : index
    %get3A_153 = tpu.vector_load %arg11[%get3A_152] {strides = array<i32>} : memref<3072xi32, #tpu.memory_space<vmem>>, vector<16xi32>,
    %get3A_154 = vector.shape_cast %get3A_153 : vector<16xi32> to vector<16xi32>
    %swap3A_155 = arith.constant 32 : index
    %swap3A_156 = tpu.vector_load %arg13[%swap3A_155] {strides = array<i32>} : memref<128xi32, #tpu.memory_space<vmem>>, vector<16xi32>,
    %swap3A_157 = vector.shape_cast %swap3A_156 : vector<16xi32> to vector<16xi32>
    %swap3A_158 = vector.shape_cast %get3A_154 : vector<16xi32> to vector<16xi32>
    tpu.vector_store %arg13[%swap3A_155], %swap3A_158 {strides = array<i32>} : memref<128xi32, #tpu.memory_space<vmem>>, vector<16xi32>,
    %get3A_159 = arith.constant 2992 : index
    %get3A_160 = tpu.vector_load %arg11[%get3A_159] {strides = array<i32>} : memref<3072xi32, #tpu.memory_space<vmem>>, vector<16xi32>,
    %get3A_161 = vector.shape_cast %get3A_160 : vector<16xi32> to vector<16xi32>
    %swap3A_162 = arith.constant 48 : index
    %swap3A_163 = tpu.vector_load %arg13[%swap3A_162] {strides = array<i32>} : memref<128xi32, #tpu.memory_space<vmem>>, vector<16xi32>,
    %swap3A_164 = vector.shape_cast %swap3A_163 : vector<16xi32> to vector<16xi32>
    %swap3A_165 = vector.shape_cast %get3A_161 : vector<16xi32> to vector<16xi32>
    tpu.vector_store %arg13[%swap3A_162], %swap3A_165 {strides = array<i32>} : memref<128xi32, #tpu.memory_space<vmem>>, vector<16xi32>,
    %get3A_166 = arith.constant 3008 : index
    %get3A_167 = tpu.vector_load %arg11[%get3A_166] {strides = array<i32>} : memref<3072xi32, #tpu.memory_space<vmem>>, vector<16xi32>,
    %get3A_168 = vector.shape_cast %get3A_167 : vector<16xi32> to vector<16xi32>
    %swap3A_169 = arith.constant 64 : index
    %swap3A_170 = tpu.vector_load %arg13[%swap3A_169] {strides = array<i32>} : memref<128xi32, #tpu.memory_space<vmem>>, vector<16xi32>,
    %swap3A_171 = vector.shape_cast %swap3A_170 : vector<16xi32> to vector<16xi32>
    %swap3A_172 = vector.shape_cast %get3A_168 : vector<16xi32> to vector<16xi32>
    tpu.vector_store %arg13[%swap3A_169], %swap3A_172 {strides = array<i32>} : memref<128xi32, #tpu.memory_space<vmem>>, vector<16xi32>,
    %get3A_173 = arith.constant 3024 : index
    %get3A_174 = tpu.vector_load %arg11[%get3A_173] {strides = array<i32>} : memref<3072xi32, #tpu.memory_space<vmem>>, vector<16xi32>,
    %get3A_175 = vector.shape_cast %get3A_174 : vector<16xi32> to vector<16xi32>
    %swap3A_176 = arith.constant 80 : index
    %swap3A_177 = tpu.vector_load %arg13[%swap3A_176] {strides = array<i32>} : memref<128xi32, #tpu.memory_space<vmem>>, vector<16xi32>,
    %swap3A_178 = vector.shape_cast %swap3A_177 : vector<16xi32> to vector<16xi32>
    %swap3A_179 = vector.shape_cast %get3A_175 : vector<16xi32> to vector<16xi32>
    tpu.vector_store %arg13[%swap3A_176], %swap3A_179 {strides = array<i32>} : memref<128xi32, #tpu.memory_space<vmem>>, vector<16xi32>,
    %get3A_180 = arith.constant 3040 : index
    %get3A_181 = tpu.vector_load %arg11[%get3A_180] {strides = array<i32>} : memref<3072xi32, #tpu.memory_space<vmem>>, vector<16xi32>,
    %get3A_182 = vector.shape_cast %get3A_181 : vector<16xi32> to vector<16xi32>
    %swap3A_183 = arith.constant 96 : index
    %swap3A_184 = tpu.vector_load %arg13[%swap3A_183] {strides = array<i32>} : memref<128xi32, #tpu.memory_space<vmem>>, vector<16xi32>,
    %swap3A_185 = vector.shape_cast %swap3A_184 : vector<16xi32> to vector<16xi32>
    %swap3A_186 = vector.shape_cast %get3A_182 : vector<16xi32> to vector<16xi32>
    tpu.vector_store %arg13[%swap3A_183], %swap3A_186 {strides = array<i32>} : memref<128xi32, #tpu.memory_space<vmem>>, vector<16xi32>,
    %get3A_187 = arith.constant 3056 : index
    %get3A_188 = tpu.vector_load %arg11[%get3A_187] {strides = array<i32>} : memref<3072xi32, #tpu.memory_space<vmem>>, vector<16xi32>,
    %get3A_189 = vector.shape_cast %get3A_188 : vector<16xi32> to vector<16xi32>
    %swap3A_190 = arith.constant 112 : index
    %swap3A_191 = tpu.vector_load %arg13[%swap3A_190] {strides = array<i32>} : memref<128xi32, #tpu.memory_space<vmem>>, vector<16xi32>,
    %swap3A_192 = vector.shape_cast %swap3A_191 : vector<16xi32> to vector<16xi32>
    %swap3A_193 = vector.shape_cast %get3A_189 : vector<16xi32> to vector<16xi32>
    tpu.vector_store %arg13[%swap3A_190], %swap3A_193 {strides = array<i32>} : memref<128xi32, #tpu.memory_space<vmem>>, vector<16xi32>,
    %get3A_194 = arith.constant 1472 : index
    %get3A_195 = tpu.vector_load %arg12[%get3A_194] {strides = array<i32>} : memref<1536xi32, #tpu.memory_space<vmem>>, vector<16xi32>,
    %get3A_196 = vector.shape_cast %get3A_195 : vector<16xi32> to vector<16xi32>
    %swap3A_197 = arith.constant 0 : index
    %swap3A_198 = tpu.vector_load %arg14[%swap3A_197] {strides = array<i32>} : memref<64xi32, #tpu.memory_space<vmem>>, vector<16xi32>,
    %swap3A_199 = vector.shape_cast %swap3A_198 : vector<16xi32> to vector<16xi32>
    %swap3A_200 = vector.shape_cast %get3A_196 : vector<16xi32> to vector<16xi32>
    tpu.vector_store %arg14[%swap3A_197], %swap3A_200 {strides = array<i32>} : memref<64xi32, #tpu.memory_space<vmem>>, vector<16xi32>,
    %get3A_201 = arith.constant 1488 : index
    %get3A_202 = tpu.vector_load %arg12[%get3A_201] {strides = array<i32>} : memref<1536xi32, #tpu.memory_space<vmem>>, vector<16xi32>,
    %get3A_203 = vector.shape_cast %get3A_202 : vector<16xi32> to vector<16xi32>
    %swap3A_204 = arith.constant 16 : index
    %swap3A_205 = tpu.vector_load %arg14[%swap3A_204] {strides = array<i32>} : memref<64xi32, #tpu.memory_space<vmem>>, vector<16xi32>,
    %swap3A_206 = vector.shape_cast %swap3A_205 : vector<16xi32> to vector<16xi32>
    %swap3A_207 = vector.shape_cast %get3A_203 : vector<16xi32> to vector<16xi32>
    tpu.vector_store %arg14[%swap3A_204], %swap3A_207 {strides = array<i32>} : memref<64xi32, #tpu.memory_space<vmem>>, vector<16xi32>,
    %get3A_208 = arith.constant 1504 : index
    %get3A_209 = tpu.vector_load %arg12[%get3A_208] {strides = array<i32>} : memref<1536xi32, #tpu.memory_space<vmem>>, vector<16xi32>,
    %get3A_210 = vector.shape_cast %get3A_209 : vector<16xi32> to vector<16xi32>
    %swap3A_211 = arith.constant 32 : index
    %swap3A_212 = tpu.vector_load %arg14[%swap3A_211] {strides = array<i32>} : memref<64xi32, #tpu.memory_space<vmem>>, vector<16xi32>,
    %swap3A_213 = vector.shape_cast %swap3A_212 : vector<16xi32> to vector<16xi32>
    %swap3A_214 = vector.shape_cast %get3A_210 : vector<16xi32> to vector<16xi32>
    tpu.vector_store %arg14[%swap3A_211], %swap3A_214 {strides = array<i32>} : memref<64xi32, #tpu.memory_space<vmem>>, vector<16xi32>,
    %get3A_215 = arith.constant 1520 : index
    %get3A_216 = tpu.vector_load %arg12[%get3A_215] {strides = array<i32>} : memref<1536xi32, #tpu.memory_space<vmem>>, vector<16xi32>,
    %get3A_217 = vector.shape_cast %get3A_216 : vector<16xi32> to vector<16xi32>
    %swap3A_218 = arith.constant 48 : index
    %swap3A_219 = tpu.vector_load %arg14[%swap3A_218] {strides = array<i32>} : memref<64xi32, #tpu.memory_space<vmem>>, vector<16xi32>,
    %swap3A_220 = vector.shape_cast %swap3A_219 : vector<16xi32> to vector<16xi32>
    %swap3A_221 = vector.shape_cast %get3A_217 : vector<16xi32> to vector<16xi32>
    tpu.vector_store %arg14[%swap3A_218], %swap3A_221 {strides = array<i32>} : memref<64xi32, #tpu.memory_space<vmem>>, vector<16xi32>,
    "tpu.region"() ({
      %run_scoped3A = tpu.sem_alloc : memref<!tpu.dma_semaphore, #tpu.memory_space<semaphore_mem>>
      %dma_start3A_231 = arith.constant 0 : i32
      %dma_start3A_232 = arith.constant 0 : i32
      %dma_start3A_233 = tpu.memref_slice %arg8[%dma_start3A_231, %dma_start3A_232] : memref<3072x128xf32, #tpu.memory_space<vmem_shared>> -> memref<3072x128xf32, #tpu.memory_space<vmem_shared>>
      tpu.enqueue_indirect_dma source(%arg16 : memref<128x128xf32, #tpu.memory_space<vmem>>) target(%dma_start3A_233 : memref<3072x128xf32, #tpu.memory_space<vmem_shared>>) offsets(%arg13 : memref<128xi32, #tpu.memory_space<vmem>>) semaphore(%run_scoped3A : memref<!tpu.dma_semaphore, #tpu.memory_space<semaphore_mem>>) {add = true}
      %dma_wait3A_234 = arith.constant 0 : i32
      %dma_wait3A_235 = arith.constant 0 : i32
      %dma_wait3A_236 = tpu.memref_slice %arg8[%dma_wait3A_234, %dma_wait3A_235] : memref<3072x128xf32, #tpu.memory_space<vmem_shared>> -> memref<3072x128xf32, #tpu.memory_space<vmem_shared>>
      tpu.wait_indirect_dma semaphore(%run_scoped3A : memref<!tpu.dma_semaphore, #tpu.memory_space<semaphore_mem>>) src(%arg16 : memref<128x128xf32, #tpu.memory_space<vmem>>) dst(%dma_wait3A_236 : memref<3072x128xf32, #tpu.memory_space<vmem_shared>>)
      tpu.yield
    }) : () -> ()
    "tpu.region"() ({
      %run_scoped3A = tpu.sem_alloc : memref<!tpu.dma_semaphore, #tpu.memory_space<semaphore_mem>>
      %dma_start3A_231 = arith.constant 0 : i32
      %dma_start3A_232 = arith.constant 0 : i32
      %dma_start3A_233 = tpu.memref_slice %arg9[%dma_start3A_231, %dma_start3A_232] : memref<3072x128xf32, #tpu.memory_space<vmem_shared>> -> memref<3072x128xf32, #tpu.memory_space<vmem_shared>>
      tpu.enqueue_indirect_dma source(%arg17 : memref<64x128xf32, #tpu.memory_space<vmem>>) target(%dma_start3A_233 : memref<3072x128xf32, #tpu.memory_space<vmem_shared>>) offsets(%arg14 : memref<64xi32, #tpu.memory_space<vmem>>) semaphore(%run_scoped3A : memref<!tpu.dma_semaphore, #tpu.memory_space<semaphore_mem>>) {add = true}
      %dma_wait3A_234 = arith.constant 0 : i32
      %dma_wait3A_235 = arith.constant 0 : i32
      %dma_wait3A_236 = tpu.memref_slice %arg9[%dma_wait3A_234, %dma_wait3A_235] : memref<3072x128xf32, #tpu.memory_space<vmem_shared>> -> memref<3072x128xf32, #tpu.memory_space<vmem_shared>>
      tpu.wait_indirect_dma semaphore(%run_scoped3A : memref<!tpu.dma_semaphore, #tpu.memory_space<semaphore_mem>>) src(%arg17 : memref<64x128xf32, #tpu.memory_space<vmem>>) dst(%dma_wait3A_236 : memref<3072x128xf32, #tpu.memory_space<vmem_shared>>)
      tpu.yield
    }) : () -> ()
    %barrier3A_222 = arith.constant 0 : index
    tpu.barrier barrier_id(%barrier3A_222)
    %mul3A_223 = arith.constant 192 : i32
    %mul3A_224 = arith.muli %arg1, %mul3A_223 : i32
    %add3A_225 = arith.constant 0 : i32
    %add3A_226 = arith.addi %mul3A_224, %add3A_225 : i32
    "tpu.region"() ({
      %run_scoped3A = tpu.sem_alloc : memref<!tpu.dma_semaphore, #tpu.memory_space<semaphore_mem>>
      %dma_start3A_231 = arith.constant 0 : i32
      %dma_start3A_232 = tpu.memref_slice %arg6[%arg0, %add3A_226, %dma_start3A_231] : memref<2x3072x128xf32, #tpu.memory_space<hbm>> -> memref<1x128x128xf32, #tpu.memory_space<hbm>>
      %dma_start3A_233 = tpu.memref_squeeze %dma_start3A_232 : memref<1x128x128xf32, #tpu.memory_space<hbm>> -> memref<128x128xf32, #tpu.memory_space<hbm>>
      %dma_start3A_234 = arith.constant 0 : i32
      %dma_start3A_235 = tpu.memref_slice %arg8[%add3A_226, %dma_start3A_234] : memref<3072x128xf32, #tpu.memory_space<vmem_shared>> -> memref<128x128xf32, #tpu.memory_space<vmem_shared>>
      tpu.enqueue_dma source(%dma_start3A_235 : memref<128x128xf32, #tpu.memory_space<vmem_shared>>) target(%dma_start3A_233 : memref<128x128xf32, #tpu.memory_space<hbm>>) target_semaphore(%run_scoped3A : memref<!tpu.dma_semaphore, #tpu.memory_space<semaphore_mem>>)
      %dma_wait3A_236 = arith.constant 0 : i32
      %dma_wait3A_237 = tpu.memref_slice %arg6[%arg0, %add3A_226, %dma_wait3A_236] : memref<2x3072x128xf32, #tpu.memory_space<hbm>> -> memref<1x128x128xf32, #tpu.memory_space<hbm>>
      %dma_wait3A_238 = tpu.memref_squeeze %dma_wait3A_237 : memref<1x128x128xf32, #tpu.memory_space<hbm>> -> memref<128x128xf32, #tpu.memory_space<hbm>>
      %dma_wait3A_239 = arith.constant 0 : i32
      %dma_wait3A_240 = tpu.memref_slice %arg8[%add3A_226, %dma_wait3A_239] : memref<3072x128xf32, #tpu.memory_space<vmem_shared>> -> memref<128x128xf32, #tpu.memory_space<vmem_shared>>
      tpu.wait_dma2 semaphore(%run_scoped3A : memref<!tpu.dma_semaphore, #tpu.memory_space<semaphore_mem>>) src(%dma_wait3A_240 : memref<128x128xf32, #tpu.memory_space<vmem_shared>>) dst(%dma_wait3A_238 : memref<128x128xf32, #tpu.memory_space<hbm>>)
      tpu.yield
    }) : () -> ()
    "tpu.region"() ({
      %run_scoped3A = tpu.sem_alloc : memref<!tpu.dma_semaphore, #tpu.memory_space<semaphore_mem>>
      %dma_start3A_231 = arith.constant 0 : i32
      %dma_start3A_232 = tpu.memref_slice %arg7[%arg0, %add3A_226, %dma_start3A_231] : memref<2x3072x128xf32, #tpu.memory_space<hbm>> -> memref<1x128x128xf32, #tpu.memory_space<hbm>>
      %dma_start3A_233 = tpu.memref_squeeze %dma_start3A_232 : memref<1x128x128xf32, #tpu.memory_space<hbm>> -> memref<128x128xf32, #tpu.memory_space<hbm>>
      %dma_start3A_234 = arith.constant 0 : i32
      %dma_start3A_235 = tpu.memref_slice %arg9[%add3A_226, %dma_start3A_234] : memref<3072x128xf32, #tpu.memory_space<vmem_shared>> -> memref<128x128xf32, #tpu.memory_space<vmem_shared>>
      tpu.enqueue_dma source(%dma_start3A_235 : memref<128x128xf32, #tpu.memory_space<vmem_shared>>) target(%dma_start3A_233 : memref<128x128xf32, #tpu.memory_space<hbm>>) target_semaphore(%run_scoped3A : memref<!tpu.dma_semaphore, #tpu.memory_space<semaphore_mem>>)
      %dma_wait3A_236 = arith.constant 0 : i32
      %dma_wait3A_237 = tpu.memref_slice %arg7[%arg0, %add3A_226, %dma_wait3A_236] : memref<2x3072x128xf32, #tpu.memory_space<hbm>> -> memref<1x128x128xf32, #tpu.memory_space<hbm>>
      %dma_wait3A_238 = tpu.memref_squeeze %dma_wait3A_237 : memref<1x128x128xf32, #tpu.memory_space<hbm>> -> memref<128x128xf32, #tpu.memory_space<hbm>>
      %dma_wait3A_239 = arith.constant 0 : i32
      %dma_wait3A_240 = tpu.memref_slice %arg9[%add3A_226, %dma_wait3A_239] : memref<3072x128xf32, #tpu.memory_space<vmem_shared>> -> memref<128x128xf32, #tpu.memory_space<vmem_shared>>
      tpu.wait_dma2 semaphore(%run_scoped3A : memref<!tpu.dma_semaphore, #tpu.memory_space<semaphore_mem>>) src(%dma_wait3A_240 : memref<128x128xf32, #tpu.memory_space<vmem_shared>>) dst(%dma_wait3A_238 : memref<128x128xf32, #tpu.memory_space<hbm>>)
      tpu.yield
    }) : () -> ()
    %mul3A_227 = arith.constant 192 : i32
    %mul3A_228 = arith.muli %arg1, %mul3A_227 : i32
    %add3A_229 = arith.constant 128 : i32
    %add3A_230 = arith.addi %mul3A_228, %add3A_229 : i32
    "tpu.region"() ({
      %run_scoped3A = tpu.sem_alloc : memref<!tpu.dma_semaphore, #tpu.memory_space<semaphore_mem>>
      %dma_start3A_231 = arith.constant 0 : i32
      %dma_start3A_232 = tpu.memref_slice %arg6[%arg0, %add3A_230, %dma_start3A_231] : memref<2x3072x128xf32, #tpu.memory_space<hbm>> -> memref<1x64x128xf32, #tpu.memory_space<hbm>>
      %dma_start3A_233 = tpu.memref_squeeze %dma_start3A_232 : memref<1x64x128xf32, #tpu.memory_space<hbm>> -> memref<64x128xf32, #tpu.memory_space<hbm>>
      %dma_start3A_234 = arith.constant 0 : i32
      %dma_start3A_235 = tpu.memref_slice %arg8[%add3A_230, %dma_start3A_234] : memref<3072x128xf32, #tpu.memory_space<vmem_shared>> -> memref<64x128xf32, #tpu.memory_space<vmem_shared>>
      tpu.enqueue_dma source(%dma_start3A_235 : memref<64x128xf32, #tpu.memory_space<vmem_shared>>) target(%dma_start3A_233 : memref<64x128xf32, #tpu.memory_space<hbm>>) target_semaphore(%run_scoped3A : memref<!tpu.dma_semaphore, #tpu.memory_space<semaphore_mem>>)
      %dma_wait3A_236 = arith.constant 0 : i32
      %dma_wait3A_237 = tpu.memref_slice %arg6[%arg0, %add3A_230, %dma_wait3A_236] : memref<2x3072x128xf32, #tpu.memory_space<hbm>> -> memref<1x64x128xf32, #tpu.memory_space<hbm>>
      %dma_wait3A_238 = tpu.memref_squeeze %dma_wait3A_237 : memref<1x64x128xf32, #tpu.memory_space<hbm>> -> memref<64x128xf32, #tpu.memory_space<hbm>>
      %dma_wait3A_239 = arith.constant 0 : i32
      %dma_wait3A_240 = tpu.memref_slice %arg8[%add3A_230, %dma_wait3A_239] : memref<3072x128xf32, #tpu.memory_space<vmem_shared>> -> memref<64x128xf32, #tpu.memory_space<vmem_shared>>
      tpu.wait_dma2 semaphore(%run_scoped3A : memref<!tpu.dma_semaphore, #tpu.memory_space<semaphore_mem>>) src(%dma_wait3A_240 : memref<64x128xf32, #tpu.memory_space<vmem_shared>>) dst(%dma_wait3A_238 : memref<64x128xf32, #tpu.memory_space<hbm>>)
      tpu.yield
    }) : () -> ()
    "tpu.region"() ({
      %run_scoped3A = tpu.sem_alloc : memref<!tpu.dma_semaphore, #tpu.memory_space<semaphore_mem>>
      %dma_start3A_231 = arith.constant 0 : i32
      %dma_start3A_232 = tpu.memref_slice %arg7[%arg0, %add3A_230, %dma_start3A_231] : memref<2x3072x128xf32, #tpu.memory_space<hbm>> -> memref<1x64x128xf32, #tpu.memory_space<hbm>>
      %dma_start3A_233 = tpu.memref_squeeze %dma_start3A_232 : memref<1x64x128xf32, #tpu.memory_space<hbm>> -> memref<64x128xf32, #tpu.memory_space<hbm>>
      %dma_start3A_234 = arith.constant 0 : i32
      %dma_start3A_235 = tpu.memref_slice %arg9[%add3A_230, %dma_start3A_234] : memref<3072x128xf32, #tpu.memory_space<vmem_shared>> -> memref<64x128xf32, #tpu.memory_space<vmem_shared>>
      tpu.enqueue_dma source(%dma_start3A_235 : memref<64x128xf32, #tpu.memory_space<vmem_shared>>) target(%dma_start3A_233 : memref<64x128xf32, #tpu.memory_space<hbm>>) target_semaphore(%run_scoped3A : memref<!tpu.dma_semaphore, #tpu.memory_space<semaphore_mem>>)
      %dma_wait3A_236 = arith.constant 0 : i32
      %dma_wait3A_237 = tpu.memref_slice %arg7[%arg0, %add3A_230, %dma_wait3A_236] : memref<2x3072x128xf32, #tpu.memory_space<hbm>> -> memref<1x64x128xf32, #tpu.memory_space<hbm>>
      %dma_wait3A_238 = tpu.memref_squeeze %dma_wait3A_237 : memref<1x64x128xf32, #tpu.memory_space<hbm>> -> memref<64x128xf32, #tpu.memory_space<hbm>>
      %dma_wait3A_239 = arith.constant 0 : i32
      %dma_wait3A_240 = tpu.memref_slice %arg9[%add3A_230, %dma_wait3A_239] : memref<3072x128xf32, #tpu.memory_space<vmem_shared>> -> memref<64x128xf32, #tpu.memory_space<vmem_shared>>
      tpu.wait_dma2 semaphore(%run_scoped3A : memref<!tpu.dma_semaphore, #tpu.memory_space<semaphore_mem>>) src(%dma_wait3A_240 : memref<64x128xf32, #tpu.memory_space<vmem_shared>>) dst(%dma_wait3A_238 : memref<64x128xf32, #tpu.memory_space<hbm>>)
      tpu.yield
    }) : () -> ()
    return
  }
}

module attributes {stable_mosaic.version = 14 : i64} {
  func.func @_tc0_body(%arg0: memref<2x4096x128xf32, #tpu.memory_space<vmem>>, %arg1: memref<2x4096x128xf32, #tpu.memory_space<vmem>>, %arg2: memref<10000x128xf32, #tpu.memory_space<vmem>>, %arg3: memref<128x256xf32, #tpu.memory_space<vmem>>, %arg4: memref<128x256xf32, #tpu.memory_space<vmem>>, %arg5: memref<256xf32, #tpu.memory_space<vmem>>, %arg6: memref<256xf32, #tpu.memory_space<vmem>>, %arg7: memref<256xf32, #tpu.memory_space<vmem>>, %arg8: memref<8000x128xf32, #tpu.memory_space<vmem>>) attributes {dimension_semantics = [], scalar_prefetch = 0 : i64, scratch_operands = 0 : i64, tpu.core_type = #tpu.core_type<tc>} {
    %get3A = arith.constant 0 : index
    %get3A_0 = arith.constant 0 : index
    %get3A_1 = arith.constant 0 : index
    %get3A_2 = vector.load %arg0[%get3A, %get3A_0, %get3A_1] : memref<2x4096x128xf32, #tpu.memory_space<vmem>>, vector<1x4096x128xf32>
    %get3A_3 = vector.shape_cast %get3A_2 : vector<1x4096x128xf32> to vector<4096x128xf32>
    %get3A_4 = arith.constant 1 : index
    %get3A_5 = arith.constant 0 : index
    %get3A_6 = arith.constant 0 : index
    %get3A_7 = vector.load %arg0[%get3A_4, %get3A_5, %get3A_6] : memref<2x4096x128xf32, #tpu.memory_space<vmem>>, vector<1x4096x128xf32>
    %get3A_8 = vector.shape_cast %get3A_7 : vector<1x4096x128xf32> to vector<4096x128xf32>
    %add3A = arith.addf %get3A_3, %get3A_8 : vector<4096x128xf32>
    %get3A_9 = arith.constant 0 : index
    %get3A_10 = arith.constant 0 : index
    %get3A_11 = arith.constant 0 : index
    %get3A_12 = vector.load %arg1[%get3A_9, %get3A_10, %get3A_11] : memref<2x4096x128xf32, #tpu.memory_space<vmem>>, vector<1x4096x1xf32>
    %get3A_13 = vector.shape_cast %get3A_12 : vector<1x4096x1xf32> to vector<4096x1xf32>
    %get3A_14 = arith.constant 1 : index
    %get3A_15 = arith.constant 0 : index
    %get3A_16 = arith.constant 0 : index
    %get3A_17 = vector.load %arg1[%get3A_14, %get3A_15, %get3A_16] : memref<2x4096x128xf32, #tpu.memory_space<vmem>>, vector<1x4096x1xf32>
    %get3A_18 = vector.shape_cast %get3A_17 : vector<1x4096x1xf32> to vector<4096x1xf32>
    %add3A_19 = arith.addf %get3A_13, %get3A_18 : vector<4096x1xf32>
    %slice3A = vector.extract_strided_slice %add3A {offsets = [0, 0], sizes = [4000, 128], strides = [1, 1]} : vector<4096x128xf32> to vector<4000x128xf32>
    %slice3A_20 = vector.extract_strided_slice %add3A_19 {offsets = [0, 0], sizes = [4000, 1], strides = [1, 1]} : vector<4096x1xf32> to vector<4000x1xf32>
    %max3A = arith.constant 1.000000e+00 : f32
    %max3A_21 = vector.broadcast %max3A : f32 to vector<4000x1xf32>
    %max3A_22 = arith.maximumf %slice3A_20, %max3A_21 : vector<4000x1xf32>
    %div3A = vector.broadcast %max3A_22 : vector<4000x1xf32> to vector<4000x128xf32>
    %div3A_23 = arith.divf %slice3A, %div3A : vector<4000x128xf32>
    %get3A_24 = arith.constant 0 : index
    %get3A_25 = arith.constant 0 : index
    %get3A_26 = vector.load %arg2[%get3A_24, %get3A_25] : memref<10000x128xf32, #tpu.memory_space<vmem>>, vector<4000x128xf32>
    %get3A_27 = arith.constant 0 : index
    %get3A_28 = arith.constant 0 : index
    %get3A_29 = vector.load %arg3[%get3A_27, %get3A_28] : memref<128x256xf32, #tpu.memory_space<vmem>>, vector<128x256xf32>
    %dot_general3A = arith.constant dense<0.000000e+00> : vector<4000x256xf32>
    %dot_general3A_30 = tpu.matmul %div3A_23, %get3A_29, %dot_general3A {dimension_numbers = #tpu.dot_dimension_numbers<[1], [0], [0], [1], [0, 0, 1, 1], [], []>, transpose_lhs_hint = false} : vector<4000x128xf32>, vector<128x256xf32>, vector<4000x256xf32> -> vector<4000x256xf32>
    %get3A_31 = arith.constant 0 : index
    %get3A_32 = arith.constant 0 : index
    %get3A_33 = vector.load %arg4[%get3A_31, %get3A_32] : memref<128x256xf32, #tpu.memory_space<vmem>>, vector<128x256xf32>
    %dot_general3A_34 = arith.constant dense<0.000000e+00> : vector<4000x256xf32>
    %dot_general3A_35 = tpu.matmul %get3A_26, %get3A_33, %dot_general3A_34 {dimension_numbers = #tpu.dot_dimension_numbers<[1], [0], [0], [1], [0, 0, 1, 1], [], []>, transpose_lhs_hint = false} : vector<4000x128xf32>, vector<128x256xf32>, vector<4000x256xf32> -> vector<4000x256xf32>
    %add3A_36 = arith.addf %dot_general3A_30, %dot_general3A_35 : vector<4000x256xf32>
    %get3A_37 = arith.constant 0 : index
    %get3A_38 = vector.load %arg5[%get3A_37] : memref<256xf32, #tpu.memory_space<vmem>>, vector<256xf32>
    %broadcast_in_dim3A = vector.shape_cast %get3A_38 : vector<256xf32> to vector<1x256xf32>
    %add3A_39 = vector.broadcast %broadcast_in_dim3A : vector<1x256xf32> to vector<4000x256xf32>
    %add3A_40 = arith.addf %add3A_36, %add3A_39 : vector<4000x256xf32>
    %div3A_41 = arith.constant 1.00000501 : f32
    %div3A_42 = vector.broadcast %div3A_41 : f32 to vector<4000x256xf32>
    %div3A_43 = arith.divf %add3A_40, %div3A_42 : vector<4000x256xf32>
    %get3A_44 = arith.constant 0 : index
    %get3A_45 = vector.load %arg6[%get3A_44] : memref<256xf32, #tpu.memory_space<vmem>>, vector<256xf32>
    %broadcast_in_dim3A_46 = vector.shape_cast %get3A_45 : vector<256xf32> to vector<1x256xf32>
    %mul3A = vector.broadcast %broadcast_in_dim3A_46 : vector<1x256xf32> to vector<4000x256xf32>
    %mul3A_47 = arith.mulf %div3A_43, %mul3A : vector<4000x256xf32>
    %get3A_48 = arith.constant 0 : index
    %get3A_49 = vector.load %arg7[%get3A_48] : memref<256xf32, #tpu.memory_space<vmem>>, vector<256xf32>
    %broadcast_in_dim3A_50 = vector.shape_cast %get3A_49 : vector<256xf32> to vector<1x256xf32>
    %add3A_51 = vector.broadcast %broadcast_in_dim3A_50 : vector<1x256xf32> to vector<4000x256xf32>
    %add3A_52 = arith.addf %mul3A_47, %add3A_51 : vector<4000x256xf32>
    %gt3A = arith.constant 0.000000e+00 : f32
    %gt3A_53 = vector.broadcast %gt3A : f32 to vector<4000x256xf32>
    %gt3A_54 = arith.cmpf ogt, %add3A_52, %gt3A_53 : vector<4000x256xf32>
    %mul3A_55 = arith.constant 2.000000e-01 : f32
    %mul3A_56 = vector.broadcast %mul3A_55 : f32 to vector<4000x256xf32>
    %mul3A_57 = arith.mulf %mul3A_56, %add3A_52 : vector<4000x256xf32>
    %select_n3A = arith.select %gt3A_54, %add3A_52, %mul3A_57 : vector<4000x256xi1>, vector<4000x256xf32>
    %slice3A_58 = vector.extract_strided_slice %select_n3A {offsets = [0, 0], sizes = [4000, 128], strides = [1, 1]} : vector<4000x256xf32> to vector<4000x128xf32>
    %swap3A = arith.constant 0 : index
    %swap3A_59 = arith.constant 0 : index
    %swap3A_60 = vector.load %arg8[%swap3A, %swap3A_59] : memref<8000x128xf32, #tpu.memory_space<vmem>>, vector<4000x128xf32>
    tpu.vector_store %arg8[%swap3A, %swap3A_59], %slice3A_58 {strides = array<i32>} : memref<8000x128xf32, #tpu.memory_space<vmem>>, vector<4000x128xf32>,
    %slice3A_61 = vector.extract_strided_slice %select_n3A {offsets = [0, 128], sizes = [4000, 128], strides = [1, 1]} : vector<4000x256xf32> to vector<4000x128xf32>
    %swap3A_62 = arith.constant 4000 : index
    %swap3A_63 = arith.constant 0 : index
    %swap3A_64 = vector.load %arg8[%swap3A_62, %swap3A_63] : memref<8000x128xf32, #tpu.memory_space<vmem>>, vector<4000x128xf32>
    tpu.vector_store %arg8[%swap3A_62, %swap3A_63], %slice3A_61 {strides = array<i32>} : memref<8000x128xf32, #tpu.memory_space<vmem>>, vector<4000x128xf32>,
    return
  }
}

module attributes {stable_mosaic.version = 14 : i64} {
  func.func @_tc1_body(%arg0: memref<2x3072x128xf32, #tpu.memory_space<vmem>>, %arg1: memref<2x3072x128xf32, #tpu.memory_space<vmem>>, %arg2: memref<8000x128xf32, #tpu.memory_space<vmem>>, %arg3: memref<256x256xf32, #tpu.memory_space<vmem>>, %arg4: memref<256x256xf32, #tpu.memory_space<vmem>>, %arg5: memref<256xf32, #tpu.memory_space<vmem>>, %arg6: memref<256xf32, #tpu.memory_space<vmem>>, %arg7: memref<256xf32, #tpu.memory_space<vmem>>, %arg8: memref<256x128xf32, #tpu.memory_space<vmem>>, %arg9: memref<1500x128xf32, #tpu.memory_space<vmem>>, %arg10: memref<512x256xf32, #tpu.memory_space<vmem>>) attributes {dimension_semantics = [], scalar_prefetch = 0 : i64, scratch_operands = 0 : i64, tpu.core_type = #tpu.core_type<tc>} {
    %get3A = arith.constant 0 : index
    %get3A_0 = arith.constant 0 : index
    %get3A_1 = arith.constant 0 : index
    %get3A_2 = vector.load %arg0[%get3A, %get3A_0, %get3A_1] : memref<2x3072x128xf32, #tpu.memory_space<vmem>>, vector<1x3072x128xf32>
    %get3A_3 = vector.shape_cast %get3A_2 : vector<1x3072x128xf32> to vector<3072x128xf32>
    %get3A_4 = arith.constant 1 : index
    %get3A_5 = arith.constant 0 : index
    %get3A_6 = arith.constant 0 : index
    %get3A_7 = vector.load %arg0[%get3A_4, %get3A_5, %get3A_6] : memref<2x3072x128xf32, #tpu.memory_space<vmem>>, vector<1x3072x128xf32>
    %get3A_8 = vector.shape_cast %get3A_7 : vector<1x3072x128xf32> to vector<3072x128xf32>
    %add3A = arith.addf %get3A_3, %get3A_8 : vector<3072x128xf32>
    %get3A_9 = arith.constant 0 : index
    %get3A_10 = arith.constant 0 : index
    %get3A_11 = arith.constant 0 : index
    %get3A_12 = vector.load %arg1[%get3A_9, %get3A_10, %get3A_11] : memref<2x3072x128xf32, #tpu.memory_space<vmem>>, vector<1x3072x1xf32>
    %get3A_13 = vector.shape_cast %get3A_12 : vector<1x3072x1xf32> to vector<3072x1xf32>
    %get3A_14 = arith.constant 1 : index
    %get3A_15 = arith.constant 0 : index
    %get3A_16 = arith.constant 0 : index
    %get3A_17 = vector.load %arg1[%get3A_14, %get3A_15, %get3A_16] : memref<2x3072x128xf32, #tpu.memory_space<vmem>>, vector<1x3072x1xf32>
    %get3A_18 = vector.shape_cast %get3A_17 : vector<1x3072x1xf32> to vector<3072x1xf32>
    %add3A_19 = arith.addf %get3A_13, %get3A_18 : vector<3072x1xf32>
    %slice3A = vector.extract_strided_slice %add3A {offsets = [0, 0], sizes = [1500, 128], strides = [1, 1]} : vector<3072x128xf32> to vector<1500x128xf32>
    %slice3A_20 = vector.extract_strided_slice %add3A {offsets = [1536, 0], sizes = [1500, 128], strides = [1, 1]} : vector<3072x128xf32> to vector<1500x128xf32>
    %concatenate3A = tpu.concatenate %slice3A, %slice3A_20 in 1 : vector<1500x128xf32>, vector<1500x128xf32> -> vector<1500x256xf32>
    %slice3A_21 = vector.extract_strided_slice %add3A_19 {offsets = [0, 0], sizes = [1500, 1], strides = [1, 1]} : vector<3072x1xf32> to vector<1500x1xf32>
    %max3A = arith.constant 1.000000e+00 : f32
    %max3A_22 = vector.broadcast %max3A : f32 to vector<1500x1xf32>
    %max3A_23 = arith.maximumf %slice3A_21, %max3A_22 : vector<1500x1xf32>
    %div3A = vector.broadcast %max3A_23 : vector<1500x1xf32> to vector<1500x256xf32>
    %div3A_24 = arith.divf %concatenate3A, %div3A : vector<1500x256xf32>
    %get3A_25 = arith.constant 0 : index
    %get3A_26 = arith.constant 0 : index
    %get3A_27 = vector.load %arg2[%get3A_25, %get3A_26] : memref<8000x128xf32, #tpu.memory_space<vmem>>, vector<1500x128xf32>
    %get3A_28 = arith.constant 4000 : index
    %get3A_29 = arith.constant 0 : index
    %get3A_30 = vector.load %arg2[%get3A_28, %get3A_29] : memref<8000x128xf32, #tpu.memory_space<vmem>>, vector<1500x128xf32>
    %concatenate3A_31 = tpu.concatenate %get3A_27, %get3A_30 in 1 : vector<1500x128xf32>, vector<1500x128xf32> -> vector<1500x256xf32>
    %get3A_32 = arith.constant 0 : index
    %get3A_33 = arith.constant 0 : index
    %get3A_34 = vector.load %arg3[%get3A_32, %get3A_33] : memref<256x256xf32, #tpu.memory_space<vmem>>, vector<256x256xf32>
    %dot_general3A = arith.constant dense<0.000000e+00> : vector<1500x256xf32>
    %dot_general3A_35 = tpu.matmul %div3A_24, %get3A_34, %dot_general3A {dimension_numbers = #tpu.dot_dimension_numbers<[1], [0], [0], [1], [0, 0, 1, 1], [], []>, transpose_lhs_hint = false} : vector<1500x256xf32>, vector<256x256xf32>, vector<1500x256xf32> -> vector<1500x256xf32>
    %get3A_36 = arith.constant 0 : index
    %get3A_37 = arith.constant 0 : index
    %get3A_38 = vector.load %arg4[%get3A_36, %get3A_37] : memref<256x256xf32, #tpu.memory_space<vmem>>, vector<256x256xf32>
    %dot_general3A_39 = arith.constant dense<0.000000e+00> : vector<1500x256xf32>
    %dot_general3A_40 = tpu.matmul %concatenate3A_31, %get3A_38, %dot_general3A_39 {dimension_numbers = #tpu.dot_dimension_numbers<[1], [0], [0], [1], [0, 0, 1, 1], [], []>, transpose_lhs_hint = false} : vector<1500x256xf32>, vector<256x256xf32>, vector<1500x256xf32> -> vector<1500x256xf32>
    %add3A_41 = arith.addf %dot_general3A_35, %dot_general3A_40 : vector<1500x256xf32>
    %get3A_42 = arith.constant 0 : index
    %get3A_43 = vector.load %arg5[%get3A_42] : memref<256xf32, #tpu.memory_space<vmem>>, vector<256xf32>
    %broadcast_in_dim3A = vector.shape_cast %get3A_43 : vector<256xf32> to vector<1x256xf32>
    %add3A_44 = vector.broadcast %broadcast_in_dim3A : vector<1x256xf32> to vector<1500x256xf32>
    %add3A_45 = arith.addf %add3A_41, %add3A_44 : vector<1500x256xf32>
    %div3A_46 = arith.constant 1.00000501 : f32
    %div3A_47 = vector.broadcast %div3A_46 : f32 to vector<1500x256xf32>
    %div3A_48 = arith.divf %add3A_45, %div3A_47 : vector<1500x256xf32>
    %get3A_49 = arith.constant 0 : index
    %get3A_50 = vector.load %arg6[%get3A_49] : memref<256xf32, #tpu.memory_space<vmem>>, vector<256xf32>
    %broadcast_in_dim3A_51 = vector.shape_cast %get3A_50 : vector<256xf32> to vector<1x256xf32>
    %mul3A = vector.broadcast %broadcast_in_dim3A_51 : vector<1x256xf32> to vector<1500x256xf32>
    %mul3A_52 = arith.mulf %div3A_48, %mul3A : vector<1500x256xf32>
    %get3A_53 = arith.constant 0 : index
    %get3A_54 = vector.load %arg7[%get3A_53] : memref<256xf32, #tpu.memory_space<vmem>>, vector<256xf32>
    %broadcast_in_dim3A_55 = vector.shape_cast %get3A_54 : vector<256xf32> to vector<1x256xf32>
    %add3A_56 = vector.broadcast %broadcast_in_dim3A_55 : vector<1x256xf32> to vector<1500x256xf32>
    %add3A_57 = arith.addf %mul3A_52, %add3A_56 : vector<1500x256xf32>
    %gt3A = arith.constant 0.000000e+00 : f32
    %gt3A_58 = vector.broadcast %gt3A : f32 to vector<1500x256xf32>
    %gt3A_59 = arith.cmpf ogt, %add3A_57, %gt3A_58 : vector<1500x256xf32>
    %mul3A_60 = arith.constant 2.000000e-01 : f32
    %mul3A_61 = vector.broadcast %mul3A_60 : f32 to vector<1500x256xf32>
    %mul3A_62 = arith.mulf %mul3A_61, %add3A_57 : vector<1500x256xf32>
    %select_n3A = arith.select %gt3A_59, %add3A_57, %mul3A_62 : vector<1500x256xi1>, vector<1500x256xf32>
    %get3A_63 = arith.constant 0 : index
    %get3A_64 = arith.constant 0 : index
    %get3A_65 = vector.load %arg8[%get3A_63, %get3A_64] : memref<256x128xf32, #tpu.memory_space<vmem>>, vector<256x128xf32>
    %dot_general3A_66 = arith.constant dense<0.000000e+00> : vector<1500x128xf32>
    %dot_general3A_67 = tpu.matmul %select_n3A, %get3A_65, %dot_general3A_66 {dimension_numbers = #tpu.dot_dimension_numbers<[1], [0], [0], [1], [0, 0, 1, 1], [], []>, transpose_lhs_hint = false} : vector<1500x256xf32>, vector<256x128xf32>, vector<1500x128xf32> -> vector<1500x128xf32>
    %swap3A = arith.constant 0 : index
    %swap3A_68 = arith.constant 0 : index
    %swap3A_69 = vector.load %arg9[%swap3A, %swap3A_68] : memref<1500x128xf32, #tpu.memory_space<vmem>>, vector<1500x128xf32>
    tpu.vector_store %arg9[%swap3A, %swap3A_68], %dot_general3A_67 {strides = array<i32>} : memref<1500x128xf32, #tpu.memory_space<vmem>>, vector<1500x128xf32>,
    %slice3A_70 = vector.extract_strided_slice %select_n3A {offsets = [0, 0], sizes = [512, 256], strides = [1, 1]} : vector<1500x256xf32> to vector<512x256xf32>
    %swap3A_71 = arith.constant 0 : index
    %swap3A_72 = arith.constant 0 : index
    %swap3A_73 = vector.load %arg10[%swap3A_71, %swap3A_72] : memref<512x256xf32, #tpu.memory_space<vmem>>, vector<512x256xf32>
    tpu.vector_store %arg10[%swap3A_71, %swap3A_72], %slice3A_70 {strides = array<i32>} : memref<512x256xf32, #tpu.memory_space<vmem>>, vector<512x256xf32>,
    return
  }
}

module attributes {stable_mosaic.version = 14 : i64} {
  func.func @_tc2_body(%arg0: memref<2x640x128xf32, #tpu.memory_space<vmem>>, %arg1: memref<2x640x128xf32, #tpu.memory_space<vmem>>, %arg2: memref<512x256xf32, #tpu.memory_space<vmem>>, %arg3: memref<256x128xf32, #tpu.memory_space<vmem>>, %arg4: memref<128xf32, #tpu.memory_space<vmem>>, %arg5: memref<128xf32, #tpu.memory_space<vmem>>, %arg6: memref<128xf32, #tpu.memory_space<vmem>>, %arg7: memref<128x256xf32, #tpu.memory_space<vmem>>, %arg8: memref<256xf32, #tpu.memory_space<vmem>>, %arg9: memref<256x1xf32, #tpu.memory_space<vmem>>, %arg10: memref<1xf32, #tpu.memory_space<vmem>>, %arg11: memref<512x1xf32, #tpu.memory_space<vmem>>) attributes {dimension_semantics = [], scalar_prefetch = 0 : i64, scratch_operands = 0 : i64, tpu.core_type = #tpu.core_type<tc>} {
    %get3A = arith.constant 0 : index
    %get3A_0 = arith.constant 0 : index
    %get3A_1 = arith.constant 0 : index
    %get3A_2 = vector.load %arg0[%get3A, %get3A_0, %get3A_1] : memref<2x640x128xf32, #tpu.memory_space<vmem>>, vector<1x640x128xf32>
    %get3A_3 = vector.shape_cast %get3A_2 : vector<1x640x128xf32> to vector<640x128xf32>
    %get3A_4 = arith.constant 1 : index
    %get3A_5 = arith.constant 0 : index
    %get3A_6 = arith.constant 0 : index
    %get3A_7 = vector.load %arg0[%get3A_4, %get3A_5, %get3A_6] : memref<2x640x128xf32, #tpu.memory_space<vmem>>, vector<1x640x128xf32>
    %get3A_8 = vector.shape_cast %get3A_7 : vector<1x640x128xf32> to vector<640x128xf32>
    %add3A = arith.addf %get3A_3, %get3A_8 : vector<640x128xf32>
    %get3A_9 = arith.constant 0 : index
    %get3A_10 = arith.constant 0 : index
    %get3A_11 = arith.constant 0 : index
    %get3A_12 = vector.load %arg1[%get3A_9, %get3A_10, %get3A_11] : memref<2x640x128xf32, #tpu.memory_space<vmem>>, vector<1x640x1xf32>
    %get3A_13 = vector.shape_cast %get3A_12 : vector<1x640x1xf32> to vector<640x1xf32>
    %get3A_14 = arith.constant 1 : index
    %get3A_15 = arith.constant 0 : index
    %get3A_16 = arith.constant 0 : index
    %get3A_17 = vector.load %arg1[%get3A_14, %get3A_15, %get3A_16] : memref<2x640x128xf32, #tpu.memory_space<vmem>>, vector<1x640x1xf32>
    %get3A_18 = vector.shape_cast %get3A_17 : vector<1x640x1xf32> to vector<640x1xf32>
    %add3A_19 = arith.addf %get3A_13, %get3A_18 : vector<640x1xf32>
    %slice3A = vector.extract_strided_slice %add3A {offsets = [0, 0], sizes = [512, 128], strides = [1, 1]} : vector<640x128xf32> to vector<512x128xf32>
    %slice3A_20 = vector.extract_strided_slice %add3A_19 {offsets = [0, 0], sizes = [512, 1], strides = [1, 1]} : vector<640x1xf32> to vector<512x1xf32>
    %max3A = arith.constant 1.000000e+00 : f32
    %max3A_21 = vector.broadcast %max3A : f32 to vector<512x1xf32>
    %max3A_22 = arith.maximumf %slice3A_20, %max3A_21 : vector<512x1xf32>
    %div3A = vector.broadcast %max3A_22 : vector<512x1xf32> to vector<512x128xf32>
    %div3A_23 = arith.divf %slice3A, %div3A : vector<512x128xf32>
    %get3A_24 = arith.constant 0 : index
    %get3A_25 = arith.constant 0 : index
    %get3A_26 = vector.load %arg2[%get3A_24, %get3A_25] : memref<512x256xf32, #tpu.memory_space<vmem>>, vector<512x256xf32>
    %get3A_27 = arith.constant 0 : index
    %get3A_28 = arith.constant 0 : index
    %get3A_29 = vector.load %arg3[%get3A_27, %get3A_28] : memref<256x128xf32, #tpu.memory_space<vmem>>, vector<256x128xf32>
    %dot_general3A = arith.constant dense<0.000000e+00> : vector<512x128xf32>
    %dot_general3A_30 = tpu.matmul %get3A_26, %get3A_29, %dot_general3A {dimension_numbers = #tpu.dot_dimension_numbers<[1], [0], [0], [1], [0, 0, 1, 1], [], []>, transpose_lhs_hint = false} : vector<512x256xf32>, vector<256x128xf32>, vector<512x128xf32> -> vector<512x128xf32>
    %add3A_31 = arith.addf %div3A_23, %dot_general3A_30 : vector<512x128xf32>
    %get3A_32 = arith.constant 0 : index
    %get3A_33 = vector.load %arg4[%get3A_32] : memref<128xf32, #tpu.memory_space<vmem>>, vector<128xf32>
    %broadcast_in_dim3A = vector.shape_cast %get3A_33 : vector<128xf32> to vector<1x128xf32>
    %add3A_34 = vector.broadcast %broadcast_in_dim3A : vector<1x128xf32> to vector<512x128xf32>
    %add3A_35 = arith.addf %add3A_31, %add3A_34 : vector<512x128xf32>
    %div3A_36 = arith.constant 1.00000501 : f32
    %div3A_37 = vector.broadcast %div3A_36 : f32 to vector<512x128xf32>
    %div3A_38 = arith.divf %add3A_35, %div3A_37 : vector<512x128xf32>
    %get3A_39 = arith.constant 0 : index
    %get3A_40 = vector.load %arg5[%get3A_39] : memref<128xf32, #tpu.memory_space<vmem>>, vector<128xf32>
    %broadcast_in_dim3A_41 = vector.shape_cast %get3A_40 : vector<128xf32> to vector<1x128xf32>
    %mul3A = vector.broadcast %broadcast_in_dim3A_41 : vector<1x128xf32> to vector<512x128xf32>
    %mul3A_42 = arith.mulf %div3A_38, %mul3A : vector<512x128xf32>
    %get3A_43 = arith.constant 0 : index
    %get3A_44 = vector.load %arg6[%get3A_43] : memref<128xf32, #tpu.memory_space<vmem>>, vector<128xf32>
    %broadcast_in_dim3A_45 = vector.shape_cast %get3A_44 : vector<128xf32> to vector<1x128xf32>
    %add3A_46 = vector.broadcast %broadcast_in_dim3A_45 : vector<1x128xf32> to vector<512x128xf32>
    %add3A_47 = arith.addf %mul3A_42, %add3A_46 : vector<512x128xf32>
    %get3A_48 = arith.constant 0 : index
    %get3A_49 = arith.constant 0 : index
    %get3A_50 = vector.load %arg7[%get3A_48, %get3A_49] : memref<128x256xf32, #tpu.memory_space<vmem>>, vector<128x256xf32>
    %dot_general3A_51 = arith.constant dense<0.000000e+00> : vector<512x256xf32>
    %dot_general3A_52 = tpu.matmul %add3A_47, %get3A_50, %dot_general3A_51 {dimension_numbers = #tpu.dot_dimension_numbers<[1], [0], [0], [1], [0, 0, 1, 1], [], []>, transpose_lhs_hint = false} : vector<512x128xf32>, vector<128x256xf32>, vector<512x256xf32> -> vector<512x256xf32>
    %get3A_53 = arith.constant 0 : index
    %get3A_54 = vector.load %arg8[%get3A_53] : memref<256xf32, #tpu.memory_space<vmem>>, vector<256xf32>
    %broadcast_in_dim3A_55 = vector.shape_cast %get3A_54 : vector<256xf32> to vector<1x256xf32>
    %add3A_56 = vector.broadcast %broadcast_in_dim3A_55 : vector<1x256xf32> to vector<512x256xf32>
    %add3A_57 = arith.addf %dot_general3A_52, %add3A_56 : vector<512x256xf32>
    %gt3A = arith.constant 0.000000e+00 : f32
    %gt3A_58 = vector.broadcast %gt3A : f32 to vector<512x256xf32>
    %gt3A_59 = arith.cmpf ogt, %add3A_57, %gt3A_58 : vector<512x256xf32>
    %mul3A_60 = arith.constant 2.000000e-01 : f32
    %mul3A_61 = vector.broadcast %mul3A_60 : f32 to vector<512x256xf32>
    %mul3A_62 = arith.mulf %mul3A_61, %add3A_57 : vector<512x256xf32>
    %select_n3A = arith.select %gt3A_59, %add3A_57, %mul3A_62 : vector<512x256xi1>, vector<512x256xf32>
    %get3A_63 = arith.constant 0 : index
    %get3A_64 = arith.constant 0 : index
    %get3A_65 = vector.load %arg9[%get3A_63, %get3A_64] : memref<256x1xf32, #tpu.memory_space<vmem>>, vector<256x1xf32>
    %dot_general3A_66 = arith.constant dense<0.000000e+00> : vector<512x1xf32>
    %dot_general3A_67 = tpu.matmul %select_n3A, %get3A_65, %dot_general3A_66 {dimension_numbers = #tpu.dot_dimension_numbers<[1], [0], [0], [1], [0, 0, 1, 1], [], []>, transpose_lhs_hint = false} : vector<512x256xf32>, vector<256x1xf32>, vector<512x1xf32> -> vector<512x1xf32>
    %get3A_68 = arith.constant 0 : index
    %get3A_69 = vector.load %arg10[%get3A_68] : memref<1xf32, #tpu.memory_space<vmem>>, vector<1xf32>
    %broadcast_in_dim3A_70 = vector.shape_cast %get3A_69 : vector<1xf32> to vector<1x1xf32>
    %add3A_71 = vector.broadcast %broadcast_in_dim3A_70 : vector<1x1xf32> to vector<512x1xf32>
    %add3A_72 = arith.addf %dot_general3A_67, %add3A_71 : vector<512x1xf32>
    %swap3A = arith.constant 0 : index
    %swap3A_73 = arith.constant 0 : index
    %swap3A_74 = vector.load %arg11[%swap3A, %swap3A_73] : memref<512x1xf32, #tpu.memory_space<vmem>>, vector<512x1xf32>
    tpu.vector_store %arg11[%swap3A, %swap3A_73], %add3A_72 {strides = array<i32>} : memref<512x1xf32, #tpu.memory_space<vmem>>, vector<512x1xf32>,
    return
  }
}

</mosaic_0001>

<sc_bundles>
// kernel: kernel.11.cloned.1.call-start
scs
__scs_entry_jumppad:
0x0: {  	(pc) =	sbr.rel $0x88, $3  }
0x1: {  	(tag) =	ssettag $0x0;
	lr =	simm.s32 $0x1  }
0x2: {  	[smem:$0x3F8A] =	sst lr;
	_ =	strace $0xD0000000  }
0x3: {  	_ = 	snop  }
0x4: {  	_ = 	snop  }
0x5: {  	_ = 	snop  }
0x6: {  	_ = 	snop  }
0x7: {  	_ = 	snop  }
__scs_overlays_trampoline_lowered:
0x8: {  	[smem:$0x3F99] =	sst s0  }
0x9: {  	[smem:$0x3F9A] =	sst s1  }
0xa: {  	[smem:$0x3F9B] =	sst s2  }
0xb: {  	[smem:$0x3F9C] =	sst s3  }
0xc: {  	[smem:$0x3F9D] =	sst s4  }
0xd: {  	[smem:$0x3F9E] =	sst s5  }
0xe: {  	[smem:$0x3F9F] =	sst s6  }
0xf: {  	[smem:$0x3FA0] =	sst s7  }
0x10: {  	[smem:$0x3FA1] =	sst s8  }
0x11: {  	[smem:$0x3FA2] =	sst s9;
	s0 =	simm.s32 @!p0 $0x0  }
0x12: {  	s1 =	sld [smem:$0x3F88];
	s0 =	simm.s32 @p0 $0x1  }
0x13: {  	[smem:$0x3FA3] =	sst s0;
	s0 =	simm.s32 @!p1 $0x0  }
0x14: {  	s2 =	sld [smem:$0x3F87];
	s0 =	simm.s32 @p1 $0x1  }
0x15: {  	[smem:$0x3FA4] =	sst s0;
	s0 =	simm.s32 @!p2 $0x0  }
0x16: {  	s3 =	sld [smem:$0x3FDB];
	s0 =	simm.s32 @p2 $0x1  }
0x17: {  	s4 =	simm.s32 $0x1BF5;
	[smem:$0x3FA6] =	sst s0  }
0x18: {  	s0 =	sld [smem:$0x3F89];
	_ =	swait.ge [sflag:s4], $0x0  }
0x19: {  	s7 =	sld [smem:$0x3F8A]  }
0x1a: {  	s8 =	sadd.s32 $0xFFFFE003, lr  }
0x1b: {  	s9 =	sadd.s32 $0xFFFFFEF7, lr;
	s5 =	simm.s32 $0xFFFFFFFF;
	p2 =	slt.u32 s8, $0xFFFFF086  }
0x1c: {  	p1 =	slt.u32 s9, $0xF7A;
	s5 =	simm.s32 @!p2 $0x0  }
0x1d: {  	s5 =	simm.s32 @p1 $0x1;
	p0 =	seq.s32 s7, s2  }
0x1e: {  	s7 =	smul.u32 @!p0 $0xF7A, s2;
	p2 =	seq.s32 @!p0 s5, $0x0  }
0x1f: {  	s9 =	smul.u32 $0xF7A, s1;
	s8 =	simm.s32 @!p0 $0x1BF5;
	p2 =	por !p2, p0  }
0x20: {  	[sflag:s8] =	ssyncset.s32 @!p0 $0xFFFFF086;
	s6 =	sadd.s32 @!p0 s3, s7;
	s7 =	simm.s32 @!p0 $0x108  }
0x21: {  	s3 =	sadd.s32 s3, s9;
	s6 =	sadd.s32 @!p0 $0x88, s6;
	s7 =	simm.s32 @p2 $0x1082  }
0x22: {  	[simem:s7], [sflag:s8] =	dma.local @!p0 [hbm:s6], $0xF7A  }
0x23: {  	s9 =	sor.u32 $0xD0000000, s2;
	s6 =	simm.s32 $0x108;
	_ =	swait.ge @!p0 [sflag:s8], $0x0  }
0x24: {  	s3 =	sadd.s32 $0x88, s3;
	s6 =	simm.s32 @!p1 $0x1082;
	[sflag:s4] =	ssyncset.s32 $0xFFFFF086  }
0x25: {  	[simem:s6], [sflag:s4] =	dma.local [hbm:s3], $0xF7A  }
0x26: {  	[smem:$0x3F8A] =	sst s1;
	(tag) =	ssettag s2;
	_ =	strace s9  }
0x27: {  	s1 =	sld [smem:$0x3F9A]  }
0x28: {  	s2 =	sld [smem:$0x3F9B]  }
0x29: {  	s4 =	sld [smem:$0x3F9D]  }
0x2a: {  	p0 =	seq.s32 s5, $0x0;
	s5 =	sld [smem:$0x3F9E]  }
0x2b: {  	s6 =	sld [smem:$0x3F9F]  }
0x2c: {  	s7 =	sld [smem:$0x3FA0]  }
0x2d: {  	s3 =	simm.s32 $0x108;
	s8 =	sld [smem:$0x3FA1]  }
0x2e: {  	s3 =	simm.s32 @!p0 $0x1082;
	s9 =	sld [smem:$0x3FA2]  }
0x2f: {  	lr =	sadd.s32 s0, s3;
	s0 =	sld [smem:$0x3F99]  }
0x30: {  	s3 =	sld [smem:$0x3F9C]  }
0x31: {  	[smem:$0x3FA5] =	sst s10  }
0x32: {  	s10 =	sld [smem:$0x3FA3];
	_ =	sdelay $0x3  }
0x33: {  	p0 =	seq.s32 s10, $0x1;
	s10 =	sld [smem:$0x3FA5];
	_ =	sdelay $0x3  }
0x34: {  	[smem:$0x3FA5] =	sst s10  }
0x35: {  	s10 =	sld [smem:$0x3FA4];
	_ =	sdelay $0x3  }
0x36: {  	p1 =	seq.s32 s10, $0x1;
	s10 =	sld [smem:$0x3FA5];
	_ =	sdelay $0x3  }
0x37: {  	[smem:$0x3FA5] =	sst s10  }
0x38: {  	s10 =	sld [smem:$0x3FA6]  }
0x39: {  	_ = 	snop;
	(pc) =	sbr.ind lr, $3  }
0x3a: {  	_ = 	snop  }
0x3b: {  	_ = 	snop  }
0x3c: {  	p2 =	seq.s32 s10, $0x1;
	s10 =	sld [smem:$0x3FA5]  }
0x3d: {  	_ =	shalt  }
0x3e: {  	_ =	shalt  }
0x3f: {  	_ =	shalt  }
0x40: {  	_ =	shalt  }
0x41: {  	_ =	shalt  }
0x42: {  	_ =	shalt  }
0x43: {  	_ =	shalt  }
0x44: {  	_ =	shalt  }
0x45: {  	_ =	shalt  }
0x46: {  	_ =	shalt  }
0x47: {  	_ =	shalt  }
0x48: {  	_ =	shalt  }
0x49: {  	_ =	shalt  }
0x4a: {  	_ =	shalt  }
0x4b: {  	_ =	shalt  }
0x4c: {  	_ =	shalt  }
0x4d: {  	_ =	shalt  }
0x4e: {  	_ =	shalt  }
0x4f: {  	_ =	shalt  }
0x50: {  	_ =	shalt  }
0x51: {  	_ =	shalt  }
0x52: {  	_ =	shalt  }
0x53: {  	_ =	shalt  }
0x54: {  	_ =	shalt  }
0x55: {  	_ =	shalt  }
0x56: {  	_ =	shalt  }
0x57: {  	_ =	shalt  }
0x58: {  	_ =	shalt  }
0x59: {  	_ =	shalt  }
0x5a: {  	_ =	shalt  }
0x5b: {  	_ =	shalt  }
0x5c: {  	_ =	shalt  }
0x5d: {  	_ =	shalt  }
0x5e: {  	_ =	shalt  }
0x5f: {  	_ =	shalt  }
0x60: {  	_ =	shalt  }
0x61: {  	_ =	shalt  }
0x62: {  	_ =	shalt  }
0x63: {  	_ =	shalt  }
0x64: {  	_ =	shalt  }
0x65: {  	_ =	shalt  }
0x66: {  	_ =	shalt  }
0x67: {  	_ =	shalt  }
0x68: {  	_ =	shalt  }
0x69: {  	_ =	shalt  }
0x6a: {  	_ =	shalt  }
0x6b: {  	_ =	shalt  }
0x6c: {  	_ =	shalt  }
0x6d: {  	_ =	shalt  }
0x6e: {  	_ =	shalt  }
0x6f: {  	_ =	shalt  }
0x70: {  	_ =	shalt  }
0x71: {  	_ =	shalt  }
0x72: {  	_ =	shalt  }
0x73: {  	_ =	shalt  }
0x74: {  	_ =	shalt  }
0x75: {  	_ =	shalt  }
0x76: {  	_ =	shalt  }
0x77: {  	_ =	shalt  }
0x78: {  	_ =	shalt  }
0x79: {  	_ =	shalt  }
0x7a: {  	_ =	shalt  }
0x7b: {  	_ =	shalt  }
0x7c: {  	_ =	shalt  }
0x7d: {  	_ =	shalt  }
0x7e: {  	_ =	shalt  }
0x7f: {  	_ =	shalt  }
0x80: {  	_ =	shalt  }
0x81: {  	_ =	shalt  }
0x82: {  	_ =	shalt  }
0x83: {  	_ =	shalt  }
0x84: {  	_ =	shalt  }
0x85: {  	_ =	shalt  }
0x86: {  	_ =	shalt  }
0x87: {  	_ =	shalt  }
.Lfunc_end0:
.L_simem_size_0:
called_computation.1_lowered:
.L_overlay_start_0:
0x88: {  	s2 =	sld [smem:$0x3FD9]  }
0x89: {  	s3 =	sld [smem:$0x3FFE];
	_ =	sdelay $0x1  }
0x8a: {  	s1 =	srdreg.scid  }
0x8b: {  	s0 =	sand.u32 $0x1, s1  }
0x8c: {  	s16 =	sshll.u32 s0, $0xA;
	s2 =	sadd.s32 s3, s2  }
0x8d: {  	s2 =	sadd.s32 s2, s16  }
0x8e: {  	[smem:$0x3FB1] =	sst s2  }
0x8f: {  	_ = 	snop  }
0x90: {  	(tm) =	ssettm $0x1  }
0x91: {  	s17 =	sld [smem:$0x3FFB];
	_ =	sdelay $0x3  }
0x92: {  	_ =	strace s17  }
0x93: {  	s2 =	sld [smem:$0x3FFC];
	_ =	sdelay $0x3  }
0x94: {  	_ =	strace s2  }
0x95: {  	s2 =	sld [smem:$0x3FFD];
	_ =	sdelay $0x3  }
0x96: {  	_ =	strace s2  }
0x97: {  	_ =	strace $0x8FFFFFFF  }
0x98: {  	s18 =	sld [smem:$0x3FDB];
	_ =	sdelay $0x1  }
0x99: {  	s19 =	simm.s32 $_scs_section_size  }
0x9a: {  	s4 =	simm.s32 $_size__tile_overlayer_lowered;
	s5 =	simm.s32 $_tile_overlayer_lowered  }
0x9b: {  	s22 =	simm.s32 $0x1BFF;
	s21 =	sshll.u32 s5, $0x1;
	s2 =	sadd.s32 s19, s18  }
0x9c: {  	s6 =	simm.s32 $0x0;
	s20 =	sshll.u32 s4, $0x1;
	s4 =	sadd.s32 s21, s2  }
0x9d: {  	[timem:s6], [sflag:s22] =	dma.local [hbm:s4], s20  }
0x9e: {  	_ =	swait.ge [sflag:s22], s20  }
0x9f: {  	s3 =	ssub.s32 $0x0, s20;
	[sflag:s22] =	ssyncset.done $0x0  }
0xa0: {  	[sflag:s22] =	ssyncadd.s32 s3;
	_ =	sdelay $0x1  }
0xa1: {  	s23 =	simm.s32 $0x1B8B  }
0xa2: {  	_ =	swait.ge [sflag:s23], $0x1  }
0xa3: {  	[sflag:s23] =	ssyncset.done $0x0  }
0xa4: {  	s25 =	simm.s32 $0x1B8E;
	s24 =	sld [smem:$0x3FFE];
	[sflag:s23] =	ssyncadd.s32 $0xFFFFFFFF  }
0xa5: {  	s26 =	simm.s32 $execute0_lowered;
	[smem:$0x3FD2] =	sst s25  }
0xa6: {  	s4 =	sshll.u32 s26, $0x1;
	_ =	strace $0x80000049;
	[dreg:$0x1] =	wrdreg $0xFFFFFFFF  }
0xa7: {  	s28 =	simm.s32 $_size_execute0_lowered;
	s2 =	sadd.s32 s2, s4;
	[dreg:$0x0] =	wrdreg $0x0  }
0xa8: {  	s4 =	sshll.u32 s28, $0x1;
	[dreg:$0x2] =	wrdreg s2  }
0xa9: {  	[dreg:$0x3] =	wrdreg s4  }
0xaa: {  	[dreg:$0x4] =	wrdreg $0xC0  }
0xab: {  	_ =	task [dreg:s6], $0x5FFFF  }
0xac: {  	[dreg:$0x1] =	wrdreg $0xFFFFFFFF  }
0xad: {  	[dreg:$0x0] =	wrdreg $0x60  }
0xae: {  	[dreg:$0x2] =	wrdreg s24  }
0xaf: {  	[dreg:$0x3] =	wrdreg $0x0  }
0xb0: {  	[dreg:$0x4] =	wrdreg $0x60000  }
0xb1: {  	[dreg:$0x5] =	wrdreg $0x9  }
0xb2: {  	_ =	task.clear_ibuf [dreg:s6], $0x6FFFF;
	_ =	strace $0x90000049  }
0xb3: {  	s29 =	simm.s32 $0x9;
	_ =	strace $0x8000004B  }
0xb4: {  	_ =	swait.ge [sflag:s29], $0x1  }
0xb5: {  	[sflag:s29] =	ssyncadd.s32 $0xFFFFFFFF  }
0xb6: {  	_ =	strace $0x9000004B  }
0xb7: {  	_ =	sfence  }
0xb8: {  	s30 =	sld [smem:$0x0];
	_ =	sdelay $0x2  }
0xb9: {  	s31 =	sshll.u32 s1, $0xD;
	s1 =	sshrl.u32 s1, $0x2  }
0xba: {  	s3 =	sand.u32 $0x4000, s31;
	s1 =	sadd.s32 s1, s30  }
0xbb: {  	s0 =	sor.u32 s3, s0;
	s1 =	sshll.u32 s1, $0x11  }
0xbc: {  	s0 =	sor.u32 s1, s0  }
0xbd: {  	s0 =	sadd.s32 $0x8F2B, s0  }
0xbe: {  	[sflag:s0] =	ssyncadd.remote.s32 $0x1  }
0xbf: {  	_ =	sfence.sel $0xFFFF  }
0xc0: {  	[dreg:$0x0] =	wrdreg $0xFFFFFFFF;
	(pc) =	sbr.abs _section_cstart, $3  }
0xc1: {  	[dreg:$0x1] =	wrdreg $0xFFFFFFFF  }
0xc2: {  	_ =	task.clear_ibuf [dreg:s6], $0x2FFFF;
	_ =	strace $0x9FFFFFFF  }
0xc3: {  	(tm) =	ssettm $0x7FFFFFFF  }
tec
execute0_lowered:
.L_overlay_start_1:
0x0: {  	(tag) =	ssettag $0x1  }
0x1: {  	s0 =	rddreg [dreg:$0x0]  }
0x2: {  	s1 =	srdreg.scid;
	s2 =	rddreg [dreg:$0x1]  }
0x3: {  	s3 =	rddreg [dreg:$0x2];
	s10 =	stileid.u32;
	s4 =	simm.s32 $0x0  }
0x4: {  	s19 =	simm.s32 $0x3;
	s22 =	simm.s32 $0xDF00;
	s28 =	simm.s32 $0x40  }
0x5: {  	s29 =	simm.s32 $0xDE80;
	s30 =	simm.s32 $0x15F00;
	s31 =	simm.s32 $0x2  }
0x6: {  	s20 =	simm.s32 $0x0;
	s1 =	sand.u32 $0x1, s1;
	[smem:$0x7FF] =	sst s4  }
0x7: {  	s15 =	sadd.s32 $0x25000, s0;
	s12 =	smul.u32 $0x6000, s10;
	s5 =	sshll.u32 s1, $0x4  }
0x8: {  	s8 =	ssub.s32 $0x2, s1;
	s1 =	smul.u32 $0x60000, s1;
	s5 =	sor.u32 s10, s5  }
0x9: {  	_ =	strace $0x8000004A;
	s9 =	sshrl.u32 s8, $0x1;
	s6 =	smul.u32 $0x180, s5  }
0xa: {  	s25 =	sadd.s32 $0x4000, s12;
	s10 =	sadd.s32 s12, s3;
	s7 =	smul.u32 $0xC0, s5  }
0xb: {  	s5 =	sadd.s32 $0x5C00, s0;
	s8 =	ssub.s32 s8, s9;
	s9 =	sadd.s32 s12, s2  }
0xc: {  	s11 =	sadd.s32 s25, s2;
	s26 =	sadd.s32 s12, s1;
	s1 =	sadd.s32 s1, s25  }
0xd: {  	s12 =	sadd.s32 s25, s3;
	s25 =	simm.s32 $0x1;
	s1 =	sshrl.u32 s1, $0x3  }
0xe: {  	s17 =	smax.u32 s8, $0x1;
	s6 =	sadd.s32 s6, s0;
	s7 =	sadd.s32 s7, s0  }
0xf: {  	s0 =	sadd.s32 $0x55400, s0;
	s23 =	sadd.s32 $0x52400, s6;
	s6 =	sadd.s32 $0x4F400, s6  }
0x10: {  	s24 =	sadd.s32 $0x4DC00, s7;
	s7 =	sshrl.u32 s26, $0x3;
	[dreg:$0x4] =	wrdreg s23  }
0x11: {  	s16 =	sadd.s32 s0, s1;
	s26 =	simm.s32 $0xDE00;
	[dreg:$0x5] =	wrdreg s6  }
0x12: {  	[dreg:$0x6] =	wrdreg s24;
	s13 =	sadd.s32 s15, s7;
	s14 =	sadd.s32 s0, s7  }
0x13: {  	v0 =	vimm.f32 $0.0e+00;
	v1 =	vimm.f32 $1.000000000e+00;
	s15 =	sadd.s32 s15, s1;
	s23 =	simm.s32 $0x80;
	s24 =	simm.s32 $0x11F00  }
.LBB2_1:
0x14: {  	s0 =	simm.s32 $0x0;
	s1 =	simm.s32 $0x200  }
.LBB2_2:
0x15: {  	p0 =	sne.s32 s1, $0xFE00;
	[tilespmem:s0+$0xDF70] =	vst v0  }
0x16: {  	[tilespmem:s0+$0xDF00] =	vst v0  }
0x17: {  	[tilespmem:s0+$0xDF10] =	vst v0  }
.Ltmp0:
0x18: {  	[tilespmem:s0+$0xDF20] =	vst v0;
	(pc) =	sbr.rel @p0 .LBB2_2-.Ltmp0, $4  }
0x19: {  	[tilespmem:s0+$0xDF30] =	vst v0  }
0x1a: {  	[tilespmem:s0+$0xDF40] =	vst v0  }
0x1b: {  	[tilespmem:s0+$0xDF50] =	vst v0  }
0x1c: {  	[tilespmem:s0+$0xDF60] =	vst v0;
	s0 =	sshra.s32 s1, $0x2;
	s1 =	sadd.s32 $0x200, s1  }
0x1d: {  	[tilespmem:s0+$0xDF70] =	vst v0  }
0x1e: {  	[tilespmem:s0+$0xDF00] =	vst v0  }
0x1f: {  	[tilespmem:s0+$0xDF10] =	vst v0  }
0x20: {  	[tilespmem:s0+$0xDF20] =	vst v0  }
0x21: {  	[tilespmem:s0+$0xDF30] =	vst v0  }
0x22: {  	[tilespmem:s0+$0xDF40] =	vst v0  }
0x23: {  	[tilespmem:s0+$0xDF50] =	vst v0  }
0x24: {  	[tilespmem:s0+$0xDF60] =	vst v0;
	s0 =	simm.s32 $0x0;
	s1 =	simm.s32 $0x200  }
.LBB2_4:
0x25: {  	p0 =	sne.s32 s1, $0x7E00;
	[tilespmem:s0+$0x15F70] =	vst v1  }
0x26: {  	[tilespmem:s0+$0x15F00] =	vst v1  }
0x27: {  	[tilespmem:s0+$0x15F10] =	vst v1  }
.Ltmp1:
0x28: {  	[tilespmem:s0+$0x15F20] =	vst v1;
	(pc) =	sbr.rel @p0 .LBB2_4-.Ltmp1, $4  }
0x29: {  	[tilespmem:s0+$0x15F30] =	vst v1  }
0x2a: {  	[tilespmem:s0+$0x15F40] =	vst v1  }
0x2b: {  	[tilespmem:s0+$0x15F50] =	vst v1  }
0x2c: {  	[tilespmem:s0+$0x15F60] =	vst v1;
	s0 =	sshra.s32 s1, $0x2;
	s1 =	sadd.s32 $0x200, s1  }
0x2d: {  	[tilespmem:s0+$0x15F70] =	vst v1  }
0x2e: {  	[tilespmem:s0+$0x15F00] =	vst v1  }
0x2f: {  	[tilespmem:s0+$0x15F10] =	vst v1  }
0x30: {  	[tilespmem:s0+$0x15F20] =	vst v1  }
0x31: {  	[tilespmem:s0+$0x15F30] =	vst v1  }
0x32: {  	[tilespmem:s0+$0x15F40] =	vst v1  }
0x33: {  	[tilespmem:s0+$0x15F50] =	vst v1  }
0x34: {  	[tilespmem:s0+$0x15F60] =	vst v1;
	s18 =	rddreg [dreg:$0x4];
	s1 =	simm.s32 $0xC000  }
0x35: {  	[tilespmem:s1], [sflag:$0x3] =	stream.linear.gather [hbm4b:s18+s4], $0xC00, $0x38;
	[tilespmem:$0x17F00] =	vst v63  }
0x36: {  	_ =	swait.ge [sflag:s19], $0xC00  }
0x37: {  	[sflag:s19] =	ssyncset.done $0x0  }
0x38: {  	s6 =	simm.s32 $0xCC00;
	s21 =	rddreg [dreg:$0x5];
	[sflag:s19] =	ssyncadd.s32 $0xFFFFF400  }
0x39: {  	[tilespmem:s6], [sflag:$0x3] =	stream.linear.gather [hbm4b:s21+s4], $0xC00, $0x38;
	[tilespmem:$0x17F00] =	vst v63  }
0x3a: {  	_ =	swait.ge [sflag:s19], $0xC00  }
0x3b: {  	[sflag:s19] =	ssyncset.done $0x0  }
0x3c: {  	s7 =	simm.s32 $0xD800;
	s6 =	rddreg [dreg:$0x6];
	[sflag:s19] =	ssyncadd.s32 $0xFFFFF400  }
0x3d: {  	[tilespmem:s7], [sflag:$0x3] =	stream.linear.gather [hbm4b:s6+s4], $0x600, $0x38;
	[tilespmem:$0x17F00] =	vst v63  }
0x3e: {  	_ =	swait.ge [sflag:s19], $0x600  }
0x3f: {  	[sflag:s19] =	ssyncset.done $0x0  }
0x40: {  	[sflag:s19] =	ssyncadd.s32 $0xFFFFFA00  }
0x41: {  	[spmem:s9] =	stream.linear.scatter [tilespmem:s22], [sflag:$0x3], $0x4000, $0x38;
	[tilespmem:$0x17F00] =	vst v63  }
0x42: {  	_ =	swait.ge [sflag:s19], $0x4000  }
0x43: {  	[sflag:s19] =	ssyncset.done $0x0  }
0x44: {  	[sflag:s19] =	ssyncadd.s32 $0xFFFFC000  }
0x45: {  	[spmem:s10] =	stream.linear.scatter [tilespmem:s22], [sflag:$0x3], $0x4000, $0x38;
	[tilespmem:$0x17F00] =	vst v63  }
0x46: {  	_ =	swait.ge [sflag:s19], $0x4000  }
0x47: {  	[sflag:s19] =	ssyncset.done $0x0  }
0x48: {  	[sflag:s19] =	ssyncadd.s32 $0xFFFFC000  }
0x49: {  	[spmem:s11] =	stream.linear.scatter [tilespmem:s22], [sflag:$0x3], $0x2000, $0x38;
	[tilespmem:$0x17F00] =	vst v63  }
0x4a: {  	_ =	swait.ge [sflag:s19], $0x2000  }
0x4b: {  	[sflag:s19] =	ssyncset.done $0x0  }
0x4c: {  	[sflag:s19] =	ssyncadd.s32 $0xFFFFE000  }
0x4d: {  	[spmem:s12] =	stream.linear.scatter [tilespmem:s22], [sflag:$0x3], $0x2000, $0x38;
	[tilespmem:$0x17F00] =	vst v63  }
0x4e: {  	_ =	swait.ge [sflag:s19], $0x2000  }
0x4f: {  	[sflag:s19] =	ssyncset.done $0x0  }
0x50: {  	[sflag:s19] =	ssyncadd.s32 $0xFFFFE000  }
0x51: {  	[bflag:$0x0] =	sbarrier.arrive $0xFFFF  }
0x52: {  	[tilespmem:s22], [sflag:$0x1] =	stream.indirect.gather [hbm4b:s5+s23], $0x80, s1, s23, $0xb8;
	[tilespmem:$0x17F00] =	vst v63  }
0x53: {  	s8 =	simm.s32 $0xC080  }
0x54: {  	[tilespmem:s24], [sflag:$0x2] =	stream.indirect.gather [hbm4b:s5+s23], $0x80, s8, s23, $0xb8;
	[tilespmem:$0x17F00] =	vst v63  }
0x55: {  	_ =	swait.ge [sflag:s25], $0x4000  }
0x56: {  	[sflag:s25] =	ssyncset.done $0x0  }
0x57: {  	s21 =	simm.s32 $0xCC80;
	[sflag:s25] =	ssyncadd.s32 $0xFFFFC000  }
0x58: {  	v2 =	vld [tilespmem:s21+$0xFFFFFF80];
	_ =	sdelay $0x4  }
0x59: {  	[tilespmem:$0xDE00] =	vst v2  }
0x5a: {  	v2 =	vld [tilespmem:s21+$0xFFFFFF90];
	_ =	sdelay $0x4  }
0x5b: {  	[tilespmem:$0xDE10] =	vst v2  }
0x5c: {  	v2 =	vld [tilespmem:s21+$0xFFFFFFA0];
	_ =	sdelay $0x4  }
0x5d: {  	[tilespmem:$0xDE20] =	vst v2  }
0x5e: {  	v2 =	vld [tilespmem:s21+$0xFFFFFFB0];
	_ =	sdelay $0x4  }
0x5f: {  	[tilespmem:$0xDE30] =	vst v2  }
0x60: {  	v2 =	vld [tilespmem:s21+$0xFFFFFFC0];
	_ =	sdelay $0x4  }
0x61: {  	[tilespmem:$0xDE40] =	vst v2  }
0x62: {  	v2 =	vld [tilespmem:s21+$0xFFFFFFD0];
	_ =	sdelay $0x4  }
0x63: {  	[tilespmem:$0xDE50] =	vst v2  }
0x64: {  	v2 =	vld [tilespmem:s21+$0xFFFFFFE0];
	_ =	sdelay $0x4  }
0x65: {  	[tilespmem:$0xDE60] =	vst v2  }
0x66: {  	v2 =	vld [tilespmem:s21+$0xFFFFFFF0];
	_ =	sdelay $0x4  }
0x67: {  	s18 =	simm.s32 $0xD820;
	[tilespmem:$0xDE70] =	vst v2  }
0x68: {  	v2 =	vld [tilespmem:s18+$0xFFFFFFE0];
	_ =	sdelay $0x4  }
0x69: {  	[tilespmem:$0xDE80] =	vst v2  }
0x6a: {  	v2 =	vld [tilespmem:s18+$0xFFFFFFF0];
	_ =	sdelay $0x4  }
0x6b: {  	[tilespmem:$0xDE90] =	vst v2  }
0x6c: {  	v2 =	vld [tilespmem:s18+$0x0];
	_ =	sdelay $0x4  }
0x6d: {  	[tilespmem:$0xDEA0] =	vst v2  }
0x6e: {  	v2 =	vld [tilespmem:s18+$0x10];
	_ =	sdelay $0x4  }
0x6f: {  	[tilespmem:$0xDEB0] =	vst v2  }
0x70: {  	[spmem:s2] =	stream.indirect.scatter.add.f32 [tilespmem:s22], [sflag:$0x3], $0x80, s26, s23, $0xb8;
	[tilespmem:$0x17F00] =	vst v63  }
0x71: {  	_ =	swait.ge [sflag:s19], $0x4000  }
0x72: {  	[sflag:s19] =	ssyncset.done $0x0  }
0x73: {  	[sflag:s19] =	ssyncadd.s32 $0xFFFFC000  }
0x74: {  	[spmem:s3] =	stream.indirect.scatter.add.f32 [tilespmem:s30], [sflag:$0x3], $0x80, s29, s28, $0xb8;
	[tilespmem:$0x17F00] =	vst v63  }
0x75: {  	_ =	swait.ge [sflag:s19], $0x2000  }
0x76: {  	[sflag:s19] =	ssyncset.done $0x0  }
0x77: {  	s6 =	simm.s32 $0xC100;
	[sflag:s19] =	ssyncadd.s32 $0xFFFFE000  }
0x78: {  	[tilespmem:s22], [sflag:$0x1] =	stream.indirect.gather [hbm4b:s5+s23], $0x80, s6, s23, $0xb8;
	[tilespmem:$0x17F00] =	vst v63  }
0x79: {  	_ =	swait.ge [sflag:s31], $0x4000  }
0x7a: {  	[sflag:s31] =	ssyncset.done $0x0  }
0x7b: {  	[sflag:s31] =	ssyncadd.s32 $0xFFFFC000  }
0x7c: {  	v2 =	vld [tilespmem:s21+$0x0];
	_ =	sdelay $0x4  }
0x7d: {  	[tilespmem:$0xDE00] =	vst v2  }
0x7e: {  	v2 =	vld [tilespmem:s21+$0x10];
	_ =	sdelay $0x4  }
0x7f: {  	[tilespmem:$0xDE10] =	vst v2  }
0x80: {  	v2 =	vld [tilespmem:s21+$0x20];
	_ =	sdelay $0x4  }
0x81: {  	[tilespmem:$0xDE20] =	vst v2  }
0x82: {  	v2 =	vld [tilespmem:s21+$0x30];
	_ =	sdelay $0x4  }
0x83: {  	[tilespmem:$0xDE30] =	vst v2  }
0x84: {  	v2 =	vld [tilespmem:s21+$0x40];
	_ =	sdelay $0x4  }
0x85: {  	[tilespmem:$0xDE40] =	vst v2  }
0x86: {  	v2 =	vld [tilespmem:s21+$0x50];
	_ =	sdelay $0x4  }
0x87: {  	[tilespmem:$0xDE50] =	vst v2  }
0x88: {  	v2 =	vld [tilespmem:s21+$0x60];
	_ =	sdelay $0x4  }
0x89: {  	[tilespmem:$0xDE60] =	vst v2  }
0x8a: {  	v2 =	vld [tilespmem:s21+$0x70];
	_ =	sdelay $0x4  }
0x8b: {  	[tilespmem:$0xDE70] =	vst v2  }
0x8c: {  	v2 =	vld [tilespmem:s18+$0x20];
	_ =	sdelay $0x3  }
0x8d: {  	s7 =	simm.s32 $0x40  }
0x8e: {  	s8 =	sor.u32 $0x50, s7;
	[tilespmem:$0xDE80] =	vst v2  }
0x8f: {  	v2 =	vld [tilespmem:s8+$0xD800];
	_ =	sdelay $0x4  }
0x90: {  	s18 =	sor.u32 $0x60, s7;
	[tilespmem:$0xDE90] =	vst v2  }
0x91: {  	v2 =	vld [tilespmem:s18+$0xD800];
	_ =	sdelay $0x4  }
0x92: {  	s0 =	sor.u32 $0x70, s7;
	[tilespmem:$0xDEA0] =	vst v2  }
0x93: {  	v2 =	vld [tilespmem:s0+$0xD800];
	_ =	sdelay $0x4  }
0x94: {  	[tilespmem:$0xDEB0] =	vst v2  }
0x95: {  	[spmem:s2] =	stream.indirect.scatter.add.f32 [tilespmem:s24], [sflag:$0x3], $0x80, s26, s23, $0xb8;
	[tilespmem:$0x17F00] =	vst v63  }
0x96: {  	_ =	swait.ge [sflag:s19], $0x4000  }
0x97: {  	[sflag:s19] =	ssyncset.done $0x0  }
0x98: {  	[sflag:s19] =	ssyncadd.s32 $0xFFFFC000  }
0x99: {  	[spmem:s3] =	stream.indirect.scatter.add.f32 [tilespmem:s30], [sflag:$0x3], $0x80, s29, s28, $0xb8;
	[tilespmem:$0x17F00] =	vst v63  }
0x9a: {  	s1 =	simm.s32 $0xD8A0;
	s6 =	simm.s32 $0xC200;
	_ =	swait.ge [sflag:s19], $0x2000  }
0x9b: {  	s7 =	simm.s32 $0x140;
	s0 =	simm.s32 $0xC0;
	[sflag:s19] =	ssyncset.done $0x0  }
.LBB2_6:
0x9c: {  	s18 =	sadd.s32 $0xFFFFFF80, s6  }
0x9d: {  	[sflag:s19] =	ssyncadd.s32 $0xFFFFE000;
	s21 =	sadd.s32 $0x100, s21;
	s8 =	smov.u32 s7  }
0x9e: {  	[tilespmem:s24], [sflag:$0x2] =	stream.indirect.gather [hbm4b:s5+s23], $0x80, s18, s23, $0xb8;
	[tilespmem:$0x17F00] =	vst v63  }
0x9f: {  	p0 =	sne.s32 s7, $0x540;
	s7 =	sadd.s32 $0x80, s7;
	_ =	swait.ge [sflag:s25], $0x4000  }
0xa0: {  	[sflag:s25] =	ssyncset.done $0x0  }
0xa1: {  	[sflag:s25] =	ssyncadd.s32 $0xFFFFC000  }
0xa2: {  	v2 =	vld [tilespmem:s21+$0xFFFFFF80];
	_ =	sdelay $0x4  }
0xa3: {  	[tilespmem:$0xDE00] =	vst v2  }
0xa4: {  	v2 =	vld [tilespmem:s21+$0xFFFFFF90];
	_ =	sdelay $0x4  }
0xa5: {  	[tilespmem:$0xDE10] =	vst v2  }
0xa6: {  	v2 =	vld [tilespmem:s21+$0xFFFFFFA0];
	_ =	sdelay $0x4  }
0xa7: {  	[tilespmem:$0xDE20] =	vst v2  }
0xa8: {  	v2 =	vld [tilespmem:s21+$0xFFFFFFB0];
	_ =	sdelay $0x4  }
0xa9: {  	[tilespmem:$0xDE30] =	vst v2  }
0xaa: {  	v2 =	vld [tilespmem:s21+$0xFFFFFFC0];
	_ =	sdelay $0x4  }
0xab: {  	[tilespmem:$0xDE40] =	vst v2  }
0xac: {  	v2 =	vld [tilespmem:s21+$0xFFFFFFD0];
	_ =	sdelay $0x4  }
0xad: {  	[tilespmem:$0xDE50] =	vst v2  }
0xae: {  	v2 =	vld [tilespmem:s21+$0xFFFFFFE0];
	_ =	sdelay $0x4  }
0xaf: {  	[tilespmem:$0xDE60] =	vst v2  }
0xb0: {  	v2 =	vld [tilespmem:s21+$0xFFFFFFF0];
	_ =	sdelay $0x4  }
0xb1: {  	[tilespmem:$0xDE70] =	vst v2  }
0xb2: {  	v2 =	vld [tilespmem:s1+$0xFFFFFFE0];
	_ =	sdelay $0x4  }
0xb3: {  	[tilespmem:$0xDE80] =	vst v2  }
0xb4: {  	v2 =	vld [tilespmem:s1+$0xFFFFFFF0];
	_ =	sdelay $0x4  }
0xb5: {  	[tilespmem:$0xDE90] =	vst v2  }
0xb6: {  	v2 =	vld [tilespmem:s1+$0x0];
	_ =	sdelay $0x4  }
0xb7: {  	[tilespmem:$0xDEA0] =	vst v2  }
0xb8: {  	v2 =	vld [tilespmem:s1+$0x10];
	_ =	sdelay $0x4  }
0xb9: {  	[tilespmem:$0xDEB0] =	vst v2  }
0xba: {  	[spmem:s2] =	stream.indirect.scatter.add.f32 [tilespmem:s22], [sflag:$0x3], $0x80, s26, s23, $0xb8;
	[tilespmem:$0x17F00] =	vst v63  }
0xbb: {  	_ =	swait.ge [sflag:s19], $0x4000  }
0xbc: {  	[sflag:s19] =	ssyncset.done $0x0  }
0xbd: {  	[sflag:s19] =	ssyncadd.s32 $0xFFFFC000  }
0xbe: {  	[spmem:s3] =	stream.indirect.scatter.add.f32 [tilespmem:s30], [sflag:$0x3], $0x80, s29, s28, $0xb8;
	[tilespmem:$0x17F00] =	vst v63  }
0xbf: {  	_ =	swait.ge [sflag:s19], $0x2000  }
0xc0: {  	[sflag:s19] =	ssyncset.done $0x0  }
0xc1: {  	[sflag:s19] =	ssyncadd.s32 $0xFFFFE000  }
0xc2: {  	[tilespmem:s22], [sflag:$0x1] =	stream.indirect.gather [hbm4b:s5+s23], $0x80, s6, s23, $0xb8;
	[tilespmem:$0x17F00] =	vst v63  }
0xc3: {  	_ =	swait.ge [sflag:s31], $0x4000  }
0xc4: {  	[sflag:s31] =	ssyncset.done $0x0  }
0xc5: {  	[sflag:s31] =	ssyncadd.s32 $0xFFFFC000  }
0xc6: {  	v2 =	vld [tilespmem:s21+$0x0];
	_ =	sdelay $0x4  }
0xc7: {  	[tilespmem:$0xDE00] =	vst v2  }
0xc8: {  	v2 =	vld [tilespmem:s21+$0x10];
	_ =	sdelay $0x4  }
0xc9: {  	[tilespmem:$0xDE10] =	vst v2  }
0xca: {  	v2 =	vld [tilespmem:s21+$0x20];
	_ =	sdelay $0x4  }
0xcb: {  	[tilespmem:$0xDE20] =	vst v2  }
0xcc: {  	v2 =	vld [tilespmem:s21+$0x30];
	_ =	sdelay $0x4  }
0xcd: {  	[tilespmem:$0xDE30] =	vst v2  }
0xce: {  	v2 =	vld [tilespmem:s21+$0x40];
	_ =	sdelay $0x4  }
0xcf: {  	[tilespmem:$0xDE40] =	vst v2  }
0xd0: {  	v2 =	vld [tilespmem:s21+$0x50];
	_ =	sdelay $0x4  }
0xd1: {  	[tilespmem:$0xDE50] =	vst v2  }
0xd2: {  	v2 =	vld [tilespmem:s21+$0x60];
	_ =	sdelay $0x4  }
0xd3: {  	[tilespmem:$0xDE60] =	vst v2  }
0xd4: {  	v2 =	vld [tilespmem:s21+$0x70];
	_ =	sdelay $0x4  }
0xd5: {  	[tilespmem:$0xDE70] =	vst v2  }
0xd6: {  	v2 =	vld [tilespmem:s1+$0x20];
	_ =	sdelay $0x4  }
0xd7: {  	s18 =	sor.u32 $0x50, s0;
	[tilespmem:$0xDE80] =	vst v2  }
0xd8: {  	v2 =	vld [tilespmem:s18+$0xD800];
	_ =	sdelay $0x4  }
0xd9: {  	s18 =	sor.u32 $0x60, s0;
	[tilespmem:$0xDE90] =	vst v2  }
0xda: {  	v2 =	vld [tilespmem:s18+$0xD800];
	_ =	sdelay $0x4  }
0xdb: {  	s18 =	sor.u32 $0x70, s0;
	s0 =	smov.u32 s8;
	[tilespmem:$0xDEA0] =	vst v2  }
0xdc: {  	v2 =	vld [tilespmem:s18+$0xD800];
	_ =	sdelay $0x4  }
0xdd: {  	[tilespmem:$0xDEB0] =	vst v2  }
0xde: {  	[spmem:s2] =	stream.indirect.scatter.add.f32 [tilespmem:s24], [sflag:$0x3], $0x80, s26, s23, $0xb8;
	[tilespmem:$0x17F00] =	vst v63  }
0xdf: {  	_ =	swait.ge [sflag:s19], $0x4000  }
.Ltmp2:
0xe0: {  	[sflag:s19] =	ssyncset.done $0x0;
	(pc) =	sbr.rel @p0 .LBB2_6-.Ltmp2, $4  }
0xe1: {  	[sflag:s19] =	ssyncadd.s32 $0xFFFFC000  }
0xe2: {  	[spmem:s3] =	stream.indirect.scatter.add.f32 [tilespmem:s30], [sflag:$0x3], $0x80, s29, s28, $0xb8;
	[tilespmem:$0x17F00] =	vst v63  }
0xe3: {  	_ =	swait.ge [sflag:s19], $0x2000  }
0xe4: {  	s6 =	sadd.s32 $0x100, s6;
	s1 =	sadd.s32 $0x80, s1;
	[sflag:s19] =	ssyncset.done $0x0  }
0xe5: {  	s7 =	sadd.s32 $0xFFFFFF80, s6;
	[sflag:s19] =	ssyncadd.s32 $0xFFFFE000  }
0xe6: {  	[tilespmem:s24], [sflag:$0x2] =	stream.indirect.gather [hbm4b:s5+s23], $0x80, s7, s23, $0xb8;
	[tilespmem:$0x17F00] =	vst v63  }
0xe7: {  	_ =	swait.ge [sflag:s25], $0x4000  }
0xe8: {  	[sflag:s25] =	ssyncset.done $0x0  }
0xe9: {  	s21 =	sadd.s32 $0x100, s21;
	[sflag:s25] =	ssyncadd.s32 $0xFFFFC000  }
0xea: {  	v2 =	vld [tilespmem:s21+$0xFFFFFF80];
	_ =	sdelay $0x4  }
0xeb: {  	[tilespmem:$0xDE00] =	vst v2  }
0xec: {  	v2 =	vld [tilespmem:s21+$0xFFFFFF90];
	_ =	sdelay $0x4  }
0xed: {  	[tilespmem:$0xDE10] =	vst v2  }
0xee: {  	v2 =	vld [tilespmem:s21+$0xFFFFFFA0];
	_ =	sdelay $0x4  }
0xef: {  	[tilespmem:$0xDE20] =	vst v2  }
0xf0: {  	v2 =	vld [tilespmem:s21+$0xFFFFFFB0];
	_ =	sdelay $0x4  }
0xf1: {  	[tilespmem:$0xDE30] =	vst v2  }
0xf2: {  	v2 =	vld [tilespmem:s21+$0xFFFFFFC0];
	_ =	sdelay $0x4  }
0xf3: {  	[tilespmem:$0xDE40] =	vst v2  }
0xf4: {  	v2 =	vld [tilespmem:s21+$0xFFFFFFD0];
	_ =	sdelay $0x4  }
0xf5: {  	[tilespmem:$0xDE50] =	vst v2  }
0xf6: {  	v2 =	vld [tilespmem:s21+$0xFFFFFFE0];
	_ =	sdelay $0x4  }
0xf7: {  	[tilespmem:$0xDE60] =	vst v2  }
0xf8: {  	v2 =	vld [tilespmem:s21+$0xFFFFFFF0];
	_ =	sdelay $0x4  }
0xf9: {  	[tilespmem:$0xDE70] =	vst v2  }
0xfa: {  	v2 =	vld [tilespmem:s1+$0xFFFFFFE0];
	_ =	sdelay $0x4  }
0xfb: {  	[tilespmem:$0xDE80] =	vst v2  }
0xfc: {  	v2 =	vld [tilespmem:s1+$0xFFFFFFF0];
	_ =	sdelay $0x4  }
0xfd: {  	[tilespmem:$0xDE90] =	vst v2  }
0xfe: {  	v2 =	vld [tilespmem:s1+$0x0];
	_ =	sdelay $0x4  }
0xff: {  	[tilespmem:$0xDEA0] =	vst v2  }
0x100: {  	v2 =	vld [tilespmem:s1+$0x10];
	_ =	sdelay $0x4  }
0x101: {  	[tilespmem:$0xDEB0] =	vst v2  }
0x102: {  	[spmem:s2] =	stream.indirect.scatter.add.f32 [tilespmem:s22], [sflag:$0x3], $0x80, s26, s23, $0xb8;
	[tilespmem:$0x17F00] =	vst v63  }
0x103: {  	_ =	swait.ge [sflag:s19], $0x4000  }
0x104: {  	[sflag:s19] =	ssyncset.done $0x0  }
0x105: {  	[sflag:s19] =	ssyncadd.s32 $0xFFFFC000  }
0x106: {  	[spmem:s3] =	stream.indirect.scatter.add.f32 [tilespmem:s30], [sflag:$0x3], $0x80, s29, s28, $0xb8;
	[tilespmem:$0x17F00] =	vst v63  }
0x107: {  	_ =	swait.ge [sflag:s19], $0x2000  }
0x108: {  	[sflag:s19] =	ssyncset.done $0x0  }
0x109: {  	[sflag:s19] =	ssyncadd.s32 $0xFFFFE000  }
0x10a: {  	[tilespmem:s22], [sflag:$0x1] =	stream.indirect.gather [hbm4b:s5+s23], $0x80, s6, s23, $0xb8;
	[tilespmem:$0x17F00] =	vst v63  }
0x10b: {  	_ =	swait.ge [sflag:s31], $0x4000  }
0x10c: {  	[sflag:s31] =	ssyncset.done $0x0  }
0x10d: {  	[sflag:s31] =	ssyncadd.s32 $0xFFFFC000  }
0x10e: {  	v2 =	vld [tilespmem:s21+$0x0];
	_ =	sdelay $0x4  }
0x10f: {  	[tilespmem:$0xDE00] =	vst v2  }
0x110: {  	v2 =	vld [tilespmem:s21+$0x10];
	_ =	sdelay $0x4  }
0x111: {  	[tilespmem:$0xDE10] =	vst v2  }
0x112: {  	v2 =	vld [tilespmem:s21+$0x20];
	_ =	sdelay $0x4  }
0x113: {  	[tilespmem:$0xDE20] =	vst v2  }
0x114: {  	v2 =	vld [tilespmem:s21+$0x30];
	_ =	sdelay $0x4  }
0x115: {  	[tilespmem:$0xDE30] =	vst v2  }
0x116: {  	v2 =	vld [tilespmem:s21+$0x40];
	_ =	sdelay $0x4  }
0x117: {  	[tilespmem:$0xDE40] =	vst v2  }
0x118: {  	v2 =	vld [tilespmem:s21+$0x50];
	_ =	sdelay $0x4  }
0x119: {  	[tilespmem:$0xDE50] =	vst v2  }
0x11a: {  	v2 =	vld [tilespmem:s21+$0x60];
	_ =	sdelay $0x4  }
0x11b: {  	[tilespmem:$0xDE60] =	vst v2  }
0x11c: {  	v2 =	vld [tilespmem:s21+$0x70];
	_ =	sdelay $0x4  }
0x11d: {  	[tilespmem:$0xDE70] =	vst v2  }
0x11e: {  	v2 =	vld [tilespmem:s1+$0x20];
	_ =	sdelay $0x4  }
0x11f: {  	s8 =	sor.u32 $0x50, s0;
	[tilespmem:$0xDE80] =	vst v2  }
0x120: {  	v2 =	vld [tilespmem:s8+$0xD800];
	_ =	sdelay $0x4  }
0x121: {  	s18 =	sor.u32 $0x60, s0;
	[tilespmem:$0xDE90] =	vst v2  }
0x122: {  	v2 =	vld [tilespmem:s18+$0xD800];
	_ =	sdelay $0x4  }
0x123: {  	s21 =	sor.u32 $0x70, s0;
	[tilespmem:$0xDEA0] =	vst v2  }
0x124: {  	v2 =	vld [tilespmem:s21+$0xD800];
	_ =	sdelay $0x4  }
0x125: {  	[tilespmem:$0xDEB0] =	vst v2  }
0x126: {  	[spmem:s2] =	stream.indirect.scatter.add.f32 [tilespmem:s24], [sflag:$0x3], $0x80, s26, s23, $0xb8;
	[tilespmem:$0x17F00] =	vst v63  }
0x127: {  	_ =	swait.ge [sflag:s19], $0x4000  }
0x128: {  	[sflag:s19] =	ssyncset.done $0x0  }
0x129: {  	[sflag:s19] =	ssyncadd.s32 $0xFFFFC000  }
0x12a: {  	[spmem:s3] =	stream.indirect.scatter.add.f32 [tilespmem:s30], [sflag:$0x3], $0x80, s29, s28, $0xb8;
	[tilespmem:$0x17F00] =	vst v63  }
0x12b: {  	_ =	swait.ge [sflag:s19], $0x2000  }
0x12c: {  	[sflag:s19] =	ssyncset.done $0x0  }
0x12d: {  	s1 =	simm.s32 $0xCB80;
	[sflag:s19] =	ssyncadd.s32 $0xFFFFE000  }
0x12e: {  	[tilespmem:s24], [sflag:$0x2] =	stream.indirect.gather [hbm4b:s5+s23], $0x80, s1, s23, $0xb8;
	[tilespmem:$0x17F00] =	vst v63  }
0x12f: {  	_ =	swait.ge [sflag:s25], $0x4000  }
0x130: {  	[sflag:s25] =	ssyncset.done $0x0  }
0x131: {  	[sflag:s25] =	ssyncadd.s32 $0xFFFFC000  }
0x132: {  	v2 =	vld [tilespmem:$0xD700]  }
0x133: {  	v3 =	vld [tilespmem:$0xD710]  }
0x134: {  	v4 =	vld [tilespmem:$0xD720]  }
0x135: {  	v5 =	vld [tilespmem:$0xD730]  }
0x136: {  	v6 =	vld [tilespmem:$0xD740]  }
0x137: {  	[tilespmem:$0xDE00] =	vst v2;
	v2 =	vld [tilespmem:$0xD750]  }
0x138: {  	[tilespmem:$0xDE10] =	vst v3;
	v3 =	vld [tilespmem:$0xD760]  }
0x139: {  	v55 =	vld [tilespmem:$0xD770];
	[tilespmem:$0xDE20] =	vst v4  }
0x13a: {  	v56 =	vld [tilespmem:$0xDD80];
	[tilespmem:$0xDE30] =	vst v5  }
0x13b: {  	v57 =	vld [tilespmem:$0xDD90];
	[tilespmem:$0xDE40] =	vst v6  }
0x13c: {  	[tilespmem:$0xDE50] =	vst v2;
	v2 =	vld [tilespmem:$0xDDA0]  }
0x13d: {  	[tilespmem:$0xDE60] =	vst v3;
	v3 =	vld [tilespmem:$0xDDB0]  }
0x13e: {  	[tilespmem:$0xDE70] =	vst v55  }
0x13f: {  	[tilespmem:$0xDE80] =	vst v56  }
0x140: {  	[tilespmem:$0xDE90] =	vst v57  }
0x141: {  	[tilespmem:$0xDEA0] =	vst v2  }
0x142: {  	[tilespmem:$0xDEB0] =	vst v3  }
0x143: {  	[spmem:s2] =	stream.indirect.scatter.add.f32 [tilespmem:s22], [sflag:$0x3], $0x80, s26, s23, $0xb8;
	[tilespmem:$0x17F00] =	vst v63  }
0x144: {  	_ =	swait.ge [sflag:s19], $0x4000  }
0x145: {  	[sflag:s19] =	ssyncset.done $0x0  }
0x146: {  	[sflag:s19] =	ssyncadd.s32 $0xFFFFC000  }
0x147: {  	[spmem:s3] =	stream.indirect.scatter.add.f32 [tilespmem:s30], [sflag:$0x3], $0x80, s29, s28, $0xb8;
	[tilespmem:$0x17F00] =	vst v63  }
0x148: {  	_ =	swait.ge [sflag:s19], $0x2000  }
0x149: {  	[sflag:s19] =	ssyncset.done $0x0  }
0x14a: {  	[sflag:s19] =	ssyncadd.s32 $0xFFFFE000  }
0x14b: {  	_ =	swait.ge [sflag:s31], $0x4000  }
0x14c: {  	[sflag:s31] =	ssyncset.done $0x0  }
0x14d: {  	[sflag:s31] =	ssyncadd.s32 $0xFFFFC000  }
0x14e: {  	v2 =	vld [tilespmem:$0xD780]  }
0x14f: {  	v3 =	vld [tilespmem:$0xD790]  }
0x150: {  	v58 =	vld [tilespmem:$0xD7A0]  }
0x151: {  	v59 =	vld [tilespmem:$0xD7B0]  }
0x152: {  	v60 =	vld [tilespmem:$0xD7C0]  }
0x153: {  	[tilespmem:$0xDE00] =	vst v2;
	v2 =	vld [tilespmem:$0xD7D0]  }
0x154: {  	[tilespmem:$0xDE10] =	vst v3;
	v3 =	vld [tilespmem:$0xD7E0]  }
0x155: {  	v61 =	vld [tilespmem:$0xD7F0];
	[tilespmem:$0xDE20] =	vst v58  }
0x156: {  	v62 =	vld [tilespmem:$0xDDC0];
	[tilespmem:$0xDE30] =	vst v59  }
0x157: {  	v63 =	vld [tilespmem:$0xDDD0];
	[tilespmem:$0xDE40] =	vst v60  }
0x158: {  	[tilespmem:$0xDE50] =	vst v2;
	v2 =	vld [tilespmem:$0xDDE0]  }
0x159: {  	[tilespmem:$0xDE60] =	vst v3;
	v3 =	vld [tilespmem:$0xDDF0]  }
0x15a: {  	[tilespmem:$0xDE70] =	vst v61  }
0x15b: {  	[tilespmem:$0xDE80] =	vst v62  }
0x15c: {  	[tilespmem:$0xDE90] =	vst v63  }
0x15d: {  	[tilespmem:$0xDEA0] =	vst v2  }
0x15e: {  	[tilespmem:$0xDEB0] =	vst v3  }
0x15f: {  	[spmem:s2] =	stream.indirect.scatter.add.f32 [tilespmem:s24], [sflag:$0x3], $0x80, s26, s23, $0xb8;
	[tilespmem:$0x17F00] =	vst v63  }
0x160: {  	_ =	swait.ge [sflag:s19], $0x4000  }
0x161: {  	[sflag:s19] =	ssyncset.done $0x0  }
0x162: {  	[sflag:s19] =	ssyncadd.s32 $0xFFFFC000  }
0x163: {  	[spmem:s3] =	stream.indirect.scatter.add.f32 [tilespmem:s30], [sflag:$0x3], $0x80, s29, s28, $0xb8;
	[tilespmem:$0x17F00] =	vst v63  }
0x164: {  	_ =	swait.ge [sflag:s19], $0x2000  }
0x165: {  	s6 =	stileid.u32;
	[sflag:s19] =	ssyncset.done $0x0  }
0x166: {  	s0 =	sshll.u32 s6, $0x6;
	[sflag:s19] =	ssyncadd.s32 $0xFFFFE000  }
0x167: {  	s7 =	sshrl.u32 s9, $0x3;
	s0 =	sor.u32 $0x1C03, s0;
	[bflag:$0x0] =	sbarrier.arrive $0xFFFF  }
0x168: {  	[hbm:s13], [sflag:s0] =	dma.local [spmem:s7], $0x800  }
0x169: {  	_ =	swait.ge [sflag:s19], $0x800  }
0x16a: {  	[sflag:s19] =	ssyncset.done $0x0  }
0x16b: {  	s8 =	sshrl.u32 s10, $0x3;
	[sflag:s19] =	ssyncadd.s32 $0xFFFFF800  }
0x16c: {  	[hbm:s14], [sflag:s0] =	dma.local [spmem:s8], $0x800  }
0x16d: {  	_ =	swait.ge [sflag:s19], $0x800  }
0x16e: {  	[sflag:s19] =	ssyncset.done $0x0  }
0x16f: {  	s18 =	sshrl.u32 s11, $0x3;
	[sflag:s19] =	ssyncadd.s32 $0xFFFFF800  }
0x170: {  	[hbm:s15], [sflag:s0] =	dma.local [spmem:s18], $0x400  }
0x171: {  	s20 =	sadd.s32 $0x1, s20;
	_ =	swait.ge [sflag:s19], $0x400  }
0x172: {  	p0 =	sne.s32 s20, s17;
	[sflag:s19] =	ssyncset.done $0x0  }
.Ltmp3:
0x173: {  	s21 =	sshrl.u32 s12, $0x3;
	[sflag:s19] =	ssyncadd.s32 $0xFFFFFC00;
	(pc) =	sbr.rel @p0 .LBB2_1-.Ltmp3, $4  }
0x174: {  	[hbm:s16], [sflag:s0] =	dma.local [spmem:s21], $0x400  }
0x175: {  	_ =	swait.ge [sflag:s19], $0x400  }
0x176: {  	[sflag:s19] =	ssyncset.done $0x0  }
0x177: {  	[sflag:s19] =	ssyncadd.s32 $0xFFFFFC00  }
0x178: {  	_ =	sfence.sel $0x180000  }
0x179: {  	[bflag:$0x0] =	sbarrier.arrive $0xFFFF  }
0x17a: {  	_ =	strace $0x9000004A  }
0x17b: {  	s0 =	stileid.u32;
	[bflag:$0x2] =	sbarrier.arrive $0xFFFF  }
0x17c: {  	p0 =	sne.s32 s0, $0x0;
	s0 =	rddreg [dreg:$0x3]  }
0x17d: {  	s0 =	sadd.s32 @!p0 $0x100000, s0  }
0x17e: {  	[sflag:s0] =	ssyncadd.tile.s32 @!p0 $0x1;
	_ =	shalt  }
.Lfunc_end2:
_tile_overlayer_lowered:
.L_overlay_start_2:
0x17f: {  	(tag) =	ssettag $0x2  }
0x180: {  	s0 =	rddreg [dreg:$0x0];
	s2 =	stileid.u32  }
0x181: {  	s1 =	rddreg [dreg:$0x1];
	p0 =	sne.s32 s2, $0x0  }
0x182: {  	s3 =	rddreg [dreg:$0x2];
	[bflag:$0x3] =	sbarrier.arrive $0xFFFF;
	s2 =	simm.s32 @!p0 $0x1C03  }
0x183: {  	[timem:s3], [sflag:s2] =	dma.local @!p0 [hbm:s0], s1  }
0x184: {  	s0 =	simm.s32 @!p0 $0x3  }
0x185: {  	_ =	swait.ge @!p0 [sflag:s0], s1  }
0x186: {  	s1 =	ssub.s32 @!p0 $0x0, s1;
	[sflag:s0] =	ssyncset.done @!p0 $0x0  }
0x187: {  	[sflag:s0] =	ssyncadd.s32 @!p0 s1  }
0x188: {  	[bflag:$0x3] =	sbarrier.arrive $0xFFFF  }
0x189: {  	_ =	shalt  }

// kernel: kernel.14.cloned.1.call-start
scs
__scs_entry_jumppad:
0x0: {  	(pc) =	sbr.rel $0x88, $3  }
0x1: {  	(tag) =	ssettag $0x0;
	lr =	simm.s32 $0x1  }
0x2: {  	[smem:$0x3F8A] =	sst lr;
	_ =	strace $0xD0000000  }
0x3: {  	_ = 	snop  }
0x4: {  	_ = 	snop  }
0x5: {  	_ = 	snop  }
0x6: {  	_ = 	snop  }
0x7: {  	_ = 	snop  }
__scs_overlays_trampoline_lowered:
0x8: {  	[smem:$0x3F99] =	sst s0  }
0x9: {  	[smem:$0x3F9A] =	sst s1  }
0xa: {  	[smem:$0x3F9B] =	sst s2  }
0xb: {  	[smem:$0x3F9C] =	sst s3  }
0xc: {  	[smem:$0x3F9D] =	sst s4  }
0xd: {  	[smem:$0x3F9E] =	sst s5  }
0xe: {  	[smem:$0x3F9F] =	sst s6  }
0xf: {  	[smem:$0x3FA0] =	sst s7  }
0x10: {  	[smem:$0x3FA1] =	sst s8  }
0x11: {  	[smem:$0x3FA2] =	sst s9;
	s0 =	simm.s32 @!p0 $0x0  }
0x12: {  	s1 =	sld [smem:$0x3F88];
	s0 =	simm.s32 @p0 $0x1  }
0x13: {  	[smem:$0x3FA3] =	sst s0;
	s0 =	simm.s32 @!p1 $0x0  }
0x14: {  	s2 =	sld [smem:$0x3F87];
	s0 =	simm.s32 @p1 $0x1  }
0x15: {  	[smem:$0x3FA4] =	sst s0;
	s0 =	simm.s32 @!p2 $0x0  }
0x16: {  	s3 =	sld [smem:$0x3FDB];
	s0 =	simm.s32 @p2 $0x1  }
0x17: {  	s4 =	simm.s32 $0x1BF5;
	[smem:$0x3FA6] =	sst s0  }
0x18: {  	s0 =	sld [smem:$0x3F89];
	_ =	swait.ge [sflag:s4], $0x0  }
0x19: {  	s7 =	sld [smem:$0x3F8A]  }
0x1a: {  	s8 =	sadd.s32 $0xFFFFE003, lr  }
0x1b: {  	s9 =	sadd.s32 $0xFFFFFEF7, lr;
	s5 =	simm.s32 $0xFFFFFFFF;
	p2 =	slt.u32 s8, $0xFFFFF086  }
0x1c: {  	p1 =	slt.u32 s9, $0xF7A;
	s5 =	simm.s32 @!p2 $0x0  }
0x1d: {  	s5 =	simm.s32 @p1 $0x1;
	p0 =	seq.s32 s7, s2  }
0x1e: {  	s7 =	smul.u32 @!p0 $0xF7A, s2;
	p2 =	seq.s32 @!p0 s5, $0x0  }
0x1f: {  	s9 =	smul.u32 $0xF7A, s1;
	s8 =	simm.s32 @!p0 $0x1BF5;
	p2 =	por !p2, p0  }
0x20: {  	[sflag:s8] =	ssyncset.s32 @!p0 $0xFFFFF086;
	s6 =	sadd.s32 @!p0 s3, s7;
	s7 =	simm.s32 @!p0 $0x108  }
0x21: {  	s3 =	sadd.s32 s3, s9;
	s6 =	sadd.s32 @!p0 $0x88, s6;
	s7 =	simm.s32 @p2 $0x1082  }
0x22: {  	[simem:s7], [sflag:s8] =	dma.local @!p0 [hbm:s6], $0xF7A  }
0x23: {  	s9 =	sor.u32 $0xD0000000, s2;
	s6 =	simm.s32 $0x108;
	_ =	swait.ge @!p0 [sflag:s8], $0x0  }
0x24: {  	s3 =	sadd.s32 $0x88, s3;
	s6 =	simm.s32 @!p1 $0x1082;
	[sflag:s4] =	ssyncset.s32 $0xFFFFF086  }
0x25: {  	[simem:s6], [sflag:s4] =	dma.local [hbm:s3], $0xF7A  }
0x26: {  	[smem:$0x3F8A] =	sst s1;
	(tag) =	ssettag s2;
	_ =	strace s9  }
0x27: {  	s1 =	sld [smem:$0x3F9A]  }
0x28: {  	s2 =	sld [smem:$0x3F9B]  }
0x29: {  	s4 =	sld [smem:$0x3F9D]  }
0x2a: {  	p0 =	seq.s32 s5, $0x0;
	s5 =	sld [smem:$0x3F9E]  }
0x2b: {  	s6 =	sld [smem:$0x3F9F]  }
0x2c: {  	s7 =	sld [smem:$0x3FA0]  }
0x2d: {  	s3 =	simm.s32 $0x108;
	s8 =	sld [smem:$0x3FA1]  }
0x2e: {  	s3 =	simm.s32 @!p0 $0x1082;
	s9 =	sld [smem:$0x3FA2]  }
0x2f: {  	lr =	sadd.s32 s0, s3;
	s0 =	sld [smem:$0x3F99]  }
0x30: {  	s3 =	sld [smem:$0x3F9C]  }
0x31: {  	[smem:$0x3FA5] =	sst s10  }
0x32: {  	s10 =	sld [smem:$0x3FA3];
	_ =	sdelay $0x3  }
0x33: {  	p0 =	seq.s32 s10, $0x1;
	s10 =	sld [smem:$0x3FA5];
	_ =	sdelay $0x3  }
0x34: {  	[smem:$0x3FA5] =	sst s10  }
0x35: {  	s10 =	sld [smem:$0x3FA4];
	_ =	sdelay $0x3  }
0x36: {  	p1 =	seq.s32 s10, $0x1;
	s10 =	sld [smem:$0x3FA5];
	_ =	sdelay $0x3  }
0x37: {  	[smem:$0x3FA5] =	sst s10  }
0x38: {  	s10 =	sld [smem:$0x3FA6]  }
0x39: {  	_ = 	snop;
	(pc) =	sbr.ind lr, $3  }
0x3a: {  	_ = 	snop  }
0x3b: {  	_ = 	snop  }
0x3c: {  	p2 =	seq.s32 s10, $0x1;
	s10 =	sld [smem:$0x3FA5]  }
0x3d: {  	_ =	shalt  }
0x3e: {  	_ =	shalt  }
0x3f: {  	_ =	shalt  }
0x40: {  	_ =	shalt  }
0x41: {  	_ =	shalt  }
0x42: {  	_ =	shalt  }
0x43: {  	_ =	shalt  }
0x44: {  	_ =	shalt  }
0x45: {  	_ =	shalt  }
0x46: {  	_ =	shalt  }
0x47: {  	_ =	shalt  }
0x48: {  	_ =	shalt  }
0x49: {  	_ =	shalt  }
0x4a: {  	_ =	shalt  }
0x4b: {  	_ =	shalt  }
0x4c: {  	_ =	shalt  }
0x4d: {  	_ =	shalt  }
0x4e: {  	_ =	shalt  }
0x4f: {  	_ =	shalt  }
0x50: {  	_ =	shalt  }
0x51: {  	_ =	shalt  }
0x52: {  	_ =	shalt  }
0x53: {  	_ =	shalt  }
0x54: {  	_ =	shalt  }
0x55: {  	_ =	shalt  }
0x56: {  	_ =	shalt  }
0x57: {  	_ =	shalt  }
0x58: {  	_ =	shalt  }
0x59: {  	_ =	shalt  }
0x5a: {  	_ =	shalt  }
0x5b: {  	_ =	shalt  }
0x5c: {  	_ =	shalt  }
0x5d: {  	_ =	shalt  }
0x5e: {  	_ =	shalt  }
0x5f: {  	_ =	shalt  }
0x60: {  	_ =	shalt  }
0x61: {  	_ =	shalt  }
0x62: {  	_ =	shalt  }
0x63: {  	_ =	shalt  }
0x64: {  	_ =	shalt  }
0x65: {  	_ =	shalt  }
0x66: {  	_ =	shalt  }
0x67: {  	_ =	shalt  }
0x68: {  	_ =	shalt  }
0x69: {  	_ =	shalt  }
0x6a: {  	_ =	shalt  }
0x6b: {  	_ =	shalt  }
0x6c: {  	_ =	shalt  }
0x6d: {  	_ =	shalt  }
0x6e: {  	_ =	shalt  }
0x6f: {  	_ =	shalt  }
0x70: {  	_ =	shalt  }
0x71: {  	_ =	shalt  }
0x72: {  	_ =	shalt  }
0x73: {  	_ =	shalt  }
0x74: {  	_ =	shalt  }
0x75: {  	_ =	shalt  }
0x76: {  	_ =	shalt  }
0x77: {  	_ =	shalt  }
0x78: {  	_ =	shalt  }
0x79: {  	_ =	shalt  }
0x7a: {  	_ =	shalt  }
0x7b: {  	_ =	shalt  }
0x7c: {  	_ =	shalt  }
0x7d: {  	_ =	shalt  }
0x7e: {  	_ =	shalt  }
0x7f: {  	_ =	shalt  }
0x80: {  	_ =	shalt  }
0x81: {  	_ =	shalt  }
0x82: {  	_ =	shalt  }
0x83: {  	_ =	shalt  }
0x84: {  	_ =	shalt  }
0x85: {  	_ =	shalt  }
0x86: {  	_ =	shalt  }
0x87: {  	_ =	shalt  }
.Lfunc_end0:
.L_simem_size_0:
called_computation.2_lowered:
.L_overlay_start_0:
0x88: {  	s2 =	sld [smem:$0x3FD9]  }
0x89: {  	s3 =	sld [smem:$0x3FFE];
	_ =	sdelay $0x1  }
0x8a: {  	s1 =	srdreg.scid  }
0x8b: {  	s0 =	sand.u32 $0x1, s1  }
0x8c: {  	s16 =	sshll.u32 s0, $0xA;
	s2 =	sadd.s32 s3, s2  }
0x8d: {  	s2 =	sadd.s32 s2, s16  }
0x8e: {  	[smem:$0x3FB1] =	sst s2  }
0x8f: {  	_ = 	snop  }
0x90: {  	(tm) =	ssettm $0x1  }
0x91: {  	s17 =	sld [smem:$0x3FFB];
	_ =	sdelay $0x3  }
0x92: {  	_ =	strace s17  }
0x93: {  	s2 =	sld [smem:$0x3FFC];
	_ =	sdelay $0x3  }
0x94: {  	_ =	strace s2  }
0x95: {  	s2 =	sld [smem:$0x3FFD];
	_ =	sdelay $0x3  }
0x96: {  	_ =	strace s2  }
0x97: {  	_ =	strace $0x8FFFFFFF  }
0x98: {  	s18 =	sld [smem:$0x3FDB];
	_ =	sdelay $0x1  }
0x99: {  	s19 =	simm.s32 $_scs_section_size  }
0x9a: {  	s4 =	simm.s32 $_size__tile_overlayer_lowered;
	s5 =	simm.s32 $_tile_overlayer_lowered  }
0x9b: {  	s22 =	simm.s32 $0x1BFF;
	s21 =	sshll.u32 s5, $0x1;
	s2 =	sadd.s32 s19, s18  }
0x9c: {  	s6 =	simm.s32 $0x0;
	s20 =	sshll.u32 s4, $0x1;
	s4 =	sadd.s32 s21, s2  }
0x9d: {  	[timem:s6], [sflag:s22] =	dma.local [hbm:s4], s20  }
0x9e: {  	_ =	swait.ge [sflag:s22], s20  }
0x9f: {  	s3 =	ssub.s32 $0x0, s20;
	[sflag:s22] =	ssyncset.done $0x0  }
0xa0: {  	[sflag:s22] =	ssyncadd.s32 s3;
	_ =	sdelay $0x1  }
0xa1: {  	s23 =	simm.s32 $0x1B8B  }
0xa2: {  	_ =	swait.ge [sflag:s23], $0x1  }
0xa3: {  	[sflag:s23] =	ssyncset.done $0x0  }
0xa4: {  	s25 =	simm.s32 $0x1B8E;
	s24 =	sld [smem:$0x3FFE];
	[sflag:s23] =	ssyncadd.s32 $0xFFFFFFFF  }
0xa5: {  	s26 =	simm.s32 $execute0_lowered;
	[smem:$0x3FD2] =	sst s25  }
0xa6: {  	s4 =	sshll.u32 s26, $0x1;
	_ =	strace $0x8000004C;
	[dreg:$0x1] =	wrdreg $0xFFFFFFFF  }
0xa7: {  	s28 =	simm.s32 $_size_execute0_lowered;
	s2 =	sadd.s32 s2, s4;
	[dreg:$0x0] =	wrdreg $0x0  }
0xa8: {  	s4 =	sshll.u32 s28, $0x1;
	[dreg:$0x2] =	wrdreg s2  }
0xa9: {  	[dreg:$0x3] =	wrdreg s4  }
0xaa: {  	[dreg:$0x4] =	wrdreg $0xC0  }
0xab: {  	_ =	task [dreg:s6], $0x5FFFF  }
0xac: {  	[dreg:$0x1] =	wrdreg $0xFFFFFFFF  }
0xad: {  	[dreg:$0x0] =	wrdreg $0x60  }
0xae: {  	[dreg:$0x2] =	wrdreg s24  }
0xaf: {  	[dreg:$0x3] =	wrdreg $0x0  }
0xb0: {  	[dreg:$0x4] =	wrdreg $0x14000  }
0xb1: {  	[dreg:$0x5] =	wrdreg $0x9  }
0xb2: {  	_ =	task.clear_ibuf [dreg:s6], $0x6FFFF;
	_ =	strace $0x9000004C  }
0xb3: {  	s29 =	simm.s32 $0x9;
	_ =	strace $0x8000004E  }
0xb4: {  	_ =	swait.ge [sflag:s29], $0x1  }
0xb5: {  	[sflag:s29] =	ssyncadd.s32 $0xFFFFFFFF  }
0xb6: {  	_ =	strace $0x9000004E  }
0xb7: {  	_ =	sfence  }
0xb8: {  	s30 =	sld [smem:$0x0];
	_ =	sdelay $0x2  }
0xb9: {  	s31 =	sshll.u32 s1, $0xD;
	s1 =	sshrl.u32 s1, $0x2  }
0xba: {  	s3 =	sand.u32 $0x4000, s31;
	s1 =	sadd.s32 s1, s30  }
0xbb: {  	s0 =	sor.u32 s3, s0;
	s1 =	sshll.u32 s1, $0x11  }
0xbc: {  	s0 =	sor.u32 s1, s0  }
0xbd: {  	s0 =	sadd.s32 $0x8F2B, s0  }
0xbe: {  	[sflag:s0] =	ssyncadd.remote.s32 $0x1  }
0xbf: {  	_ =	sfence.sel $0xFFFF  }
0xc0: {  	[dreg:$0x0] =	wrdreg $0xFFFFFFFF;
	(pc) =	sbr.abs _section_cstart, $3  }
0xc1: {  	[dreg:$0x1] =	wrdreg $0xFFFFFFFF  }
0xc2: {  	_ =	task.clear_ibuf [dreg:s6], $0x2FFFF;
	_ =	strace $0x9FFFFFFF  }
0xc3: {  	(tm) =	ssettm $0x7FFFFFFF  }
tec
execute0_lowered:
.L_overlay_start_1:
0x0: {  	(tag) =	ssettag $0x1  }
0x1: {  	s7 =	rddreg [dreg:$0x0]  }
0x2: {  	s1 =	rddreg [dreg:$0x1]  }
0x3: {  	s3 =	rddreg [dreg:$0x2]  }
0x4: {  	s0 =	rddreg [dreg:$0x3];
	s4 =	simm.s32 $0x0;
	s5 =	srdreg.scid  }
0x5: {  	s2 =	stileid.u32;
	s15 =	simm.s32 $0x3;
	s16 =	simm.s32 $0x2A00  }
0x6: {  	s17 =	simm.s32 $0x2D00;
	s18 =	simm.s32 $0x80;
	s19 =	simm.s32 $0x2880  }
0x7: {  	s20 =	simm.s32 $0x6D00;
	s21 =	simm.s32 $0x1;
	s22 =	simm.s32 $0x2C00  }
0x8: {  	s23 =	simm.s32 $0x2C80;
	s24 =	simm.s32 $0xAD00;
	s25 =	simm.s32 $0x2900  }
0x9: {  	s26 =	simm.s32 $0x2;
	s28 =	simm.s32 $0x2980;
	s29 =	simm.s32 $0x0  }
0xa: {  	[smem:$0x7FF] =	sst s4;
	s8 =	sand.u32 $0x1, s5;
	s10 =	smul.u32 $0x1400, s2  }
0xb: {  	s5 =	sadd.s32 $0x5C00, s7;
	s6 =	sshll.u32 s2, $0x6;
	s9 =	smul.u32 $0x14000, s8  }
0xc: {  	_ =	strace $0x8000004D;
	s11 =	sshll.u32 s8, $0xA;
	s8 =	ssub.s32 $0x2, s8  }
0xd: {  	s11 =	sor.u32 s6, s11;
	s12 =	sshrl.u32 s8, $0x1;
	s9 =	sadd.s32 s10, s9  }
0xe: {  	s11 =	sadd.s32 s11, s7;
	s14 =	ssub.s32 s8, s12;
	s9 =	sshrl.u32 s9, $0x3  }
0xf: {  	s8 =	sadd.s32 $0x3D000, s11;
	s13 =	sadd.s32 s9, s7;
	s7 =	sadd.s32 $0x3D800, s11  }
0x10: {  	s9 =	sadd.s32 s10, s1;
	s10 =	sadd.s32 s10, s3;
	s11 =	sadd.s32 $0xBA00, s13  }
0x11: {  	v0 =	vimm.f32 $0.0e+00;
	v1 =	vimm.f32 $1.000000000e+00;
	s12 =	sadd.s32 $0x10A00, s13;
	s13 =	smax.u32 s14, $0x1;
	s14 =	simm.s32 $0x2800  }
.LBB2_1:
0x12: {  	s30 =	simm.s32 $0x0;
	s31 =	simm.s32 $0x200  }
.LBB2_2:
0x13: {  	p0 =	sne.s32 s31, $0xFE00;
	[tilespmem:s30+$0x2D70] =	vst v0  }
0x14: {  	[tilespmem:s30+$0x2D00] =	vst v0  }
0x15: {  	[tilespmem:s30+$0x2D10] =	vst v0  }
.Ltmp0:
0x16: {  	[tilespmem:s30+$0x2D20] =	vst v0;
	(pc) =	sbr.rel @p0 .LBB2_2-.Ltmp0, $4  }
0x17: {  	[tilespmem:s30+$0x2D30] =	vst v0  }
0x18: {  	[tilespmem:s30+$0x2D40] =	vst v0  }
0x19: {  	[tilespmem:s30+$0x2D50] =	vst v0  }
0x1a: {  	[tilespmem:s30+$0x2D60] =	vst v0;
	s30 =	sshra.s32 s31, $0x2;
	s31 =	sadd.s32 $0x200, s31  }
0x1b: {  	[tilespmem:s30+$0x2D70] =	vst v0  }
0x1c: {  	[tilespmem:s30+$0x2D00] =	vst v0  }
0x1d: {  	[tilespmem:s30+$0x2D10] =	vst v0  }
0x1e: {  	[tilespmem:s30+$0x2D20] =	vst v0  }
0x1f: {  	[tilespmem:s30+$0x2D30] =	vst v0  }
0x20: {  	[tilespmem:s30+$0x2D40] =	vst v0  }
0x21: {  	[tilespmem:s30+$0x2D50] =	vst v0  }
0x22: {  	[tilespmem:s30+$0x2D60] =	vst v0;
	s30 =	simm.s32 $0x0;
	s31 =	simm.s32 $0x200  }
.LBB2_4:
0x23: {  	p0 =	sne.s32 s31, $0xFE00;
	[tilespmem:s30+$0xAD70] =	vst v1  }
0x24: {  	[tilespmem:s30+$0xAD00] =	vst v1  }
0x25: {  	[tilespmem:s30+$0xAD10] =	vst v1  }
.Ltmp1:
0x26: {  	[tilespmem:s30+$0xAD20] =	vst v1;
	(pc) =	sbr.rel @p0 .LBB2_4-.Ltmp1, $4  }
0x27: {  	[tilespmem:s30+$0xAD30] =	vst v1  }
0x28: {  	[tilespmem:s30+$0xAD40] =	vst v1  }
0x29: {  	[tilespmem:s30+$0xAD50] =	vst v1  }
0x2a: {  	[tilespmem:s30+$0xAD60] =	vst v1;
	s30 =	sshra.s32 s31, $0x2;
	s31 =	sadd.s32 $0x200, s31  }
0x2b: {  	[tilespmem:s30+$0xAD70] =	vst v1  }
0x2c: {  	[tilespmem:s30+$0xAD00] =	vst v1  }
0x2d: {  	[tilespmem:s30+$0xAD10] =	vst v1  }
0x2e: {  	[tilespmem:s30+$0xAD20] =	vst v1  }
0x2f: {  	[tilespmem:s30+$0xAD30] =	vst v1  }
0x30: {  	[tilespmem:s30+$0xAD40] =	vst v1  }
0x31: {  	[tilespmem:s30+$0xAD50] =	vst v1  }
0x32: {  	[tilespmem:s30+$0xAD60] =	vst v1  }
0x33: {  	[tilespmem:s14], [sflag:$0x3] =	stream.linear.gather [hbm4b:s7+s4], $0x200, $0x38;
	[tilespmem:$0xED00] =	vst v63  }
0x34: {  	_ =	swait.ge [sflag:s15], $0x200  }
0x35: {  	[sflag:s15] =	ssyncset.done $0x0  }
0x36: {  	[sflag:s15] =	ssyncadd.s32 $0xFFFFFE00  }
0x37: {  	[tilespmem:s16], [sflag:$0x3] =	stream.linear.gather [hbm4b:s8+s4], $0x200, $0x38;
	[tilespmem:$0xED00] =	vst v63  }
0x38: {  	_ =	swait.ge [sflag:s15], $0x200  }
0x39: {  	[sflag:s15] =	ssyncset.done $0x0  }
0x3a: {  	[sflag:s15] =	ssyncadd.s32 $0xFFFFFE00  }
0x3b: {  	[spmem:s9] =	stream.linear.scatter [tilespmem:s17], [sflag:$0x3], $0x1400, $0x38;
	[tilespmem:$0xED00] =	vst v63  }
0x3c: {  	_ =	swait.ge [sflag:s15], $0x1400  }
0x3d: {  	[sflag:s15] =	ssyncset.done $0x0  }
0x3e: {  	[sflag:s15] =	ssyncadd.s32 $0xFFFFEC00  }
0x3f: {  	[spmem:s10] =	stream.linear.scatter [tilespmem:s17], [sflag:$0x3], $0x1400, $0x38;
	[tilespmem:$0xED00] =	vst v63  }
0x40: {  	_ =	swait.ge [sflag:s15], $0x1400  }
0x41: {  	[sflag:s15] =	ssyncset.done $0x0  }
0x42: {  	[sflag:s15] =	ssyncadd.s32 $0xFFFFEC00  }
0x43: {  	[bflag:$0x0] =	sbarrier.arrive $0xFFFF  }
0x44: {  	[tilespmem:s17], [sflag:$0x1] =	stream.indirect.gather [hbm4b:s5+s18], $0x80, s14, s18, $0xb8;
	[tilespmem:$0xED00] =	vst v63  }
0x45: {  	_ = 	snop  }
0x46: {  	[tilespmem:s20], [sflag:$0x2] =	stream.indirect.gather [hbm4b:s5+s18], $0x80, s19, s18, $0xb8;
	[tilespmem:$0xED00] =	vst v63  }
0x47: {  	_ =	swait.ge [sflag:s21], $0x4000  }
0x48: {  	[sflag:s21] =	ssyncset.done $0x0  }
0x49: {  	[sflag:s21] =	ssyncadd.s32 $0xFFFFC000  }
0x4a: {  	v2 =	vld [tilespmem:$0x2A00]  }
0x4b: {  	v3 =	vld [tilespmem:$0x2A10]  }
0x4c: {  	v4 =	vld [tilespmem:$0x2A20]  }
0x4d: {  	v5 =	vld [tilespmem:$0x2A30]  }
0x4e: {  	v6 =	vld [tilespmem:$0x2A40]  }
0x4f: {  	[tilespmem:$0x2C00] =	vst v2;
	v2 =	vld [tilespmem:$0x2A50]  }
0x50: {  	v31 =	vld [tilespmem:$0x2A70];
	[tilespmem:$0x2C10] =	vst v3  }
0x51: {  	v32 =	vld [tilespmem:$0x2A00];
	[tilespmem:$0x2C20] =	vst v4  }
0x52: {  	v33 =	vld [tilespmem:$0x2A10];
	[tilespmem:$0x2C30] =	vst v5  }
0x53: {  	v3 =	vld [tilespmem:$0x2A60];
	[tilespmem:$0x2C40] =	vst v6  }
0x54: {  	[tilespmem:$0x2C50] =	vst v2;
	v2 =	vld [tilespmem:$0x2A20]  }
0x55: {  	v34 =	vld [tilespmem:$0x2A40];
	[tilespmem:$0x2C70] =	vst v31  }
0x56: {  	v35 =	vld [tilespmem:$0x2A50];
	[tilespmem:$0x2C80] =	vst v32  }
0x57: {  	v36 =	vld [tilespmem:$0x2A60];
	[tilespmem:$0x2C90] =	vst v33  }
0x58: {  	[tilespmem:$0x2C60] =	vst v3;
	v3 =	vld [tilespmem:$0x2A30]  }
0x59: {  	[tilespmem:$0x2CA0] =	vst v2;
	v2 =	vld [tilespmem:$0x2A70]  }
0x5a: {  	[tilespmem:$0x2CC0] =	vst v34  }
0x5b: {  	[tilespmem:$0x2CD0] =	vst v35  }
0x5c: {  	[tilespmem:$0x2CE0] =	vst v36  }
0x5d: {  	[tilespmem:$0x2CB0] =	vst v3  }
0x5e: {  	[tilespmem:$0x2CF0] =	vst v2  }
0x5f: {  	[spmem:s1] =	stream.indirect.scatter.add.f32 [tilespmem:s17], [sflag:$0x3], $0x80, s22, s18, $0xb8;
	[tilespmem:$0xED00] =	vst v63  }
0x60: {  	_ =	swait.ge [sflag:s15], $0x4000  }
0x61: {  	[sflag:s15] =	ssyncset.done $0x0  }
0x62: {  	[sflag:s15] =	ssyncadd.s32 $0xFFFFC000  }
0x63: {  	[spmem:s3] =	stream.indirect.scatter.add.f32 [tilespmem:s24], [sflag:$0x3], $0x80, s23, s18, $0xb8;
	[tilespmem:$0xED00] =	vst v63  }
0x64: {  	_ =	swait.ge [sflag:s15], $0x4000  }
0x65: {  	[sflag:s15] =	ssyncset.done $0x0  }
0x66: {  	[sflag:s15] =	ssyncadd.s32 $0xFFFFC000  }
0x67: {  	[tilespmem:s17], [sflag:$0x1] =	stream.indirect.gather [hbm4b:s5+s18], $0x80, s25, s18, $0xb8;
	[tilespmem:$0xED00] =	vst v63  }
0x68: {  	_ =	swait.ge [sflag:s26], $0x4000  }
0x69: {  	[sflag:s26] =	ssyncset.done $0x0  }
0x6a: {  	[sflag:s26] =	ssyncadd.s32 $0xFFFFC000  }
0x6b: {  	v2 =	vld [tilespmem:$0x2A80]  }
0x6c: {  	v3 =	vld [tilespmem:$0x2A90]  }
0x6d: {  	v37 =	vld [tilespmem:$0x2AA0]  }
0x6e: {  	v38 =	vld [tilespmem:$0x2AB0]  }
0x6f: {  	v39 =	vld [tilespmem:$0x2AC0]  }
0x70: {  	[tilespmem:$0x2C00] =	vst v2;
	v2 =	vld [tilespmem:$0x2AD0]  }
0x71: {  	v40 =	vld [tilespmem:$0x2AF0];
	[tilespmem:$0x2C10] =	vst v3  }
0x72: {  	v41 =	vld [tilespmem:$0x2A80];
	[tilespmem:$0x2C20] =	vst v37  }
0x73: {  	v42 =	vld [tilespmem:$0x2A90];
	[tilespmem:$0x2C30] =	vst v38  }
0x74: {  	v3 =	vld [tilespmem:$0x2AE0];
	[tilespmem:$0x2C40] =	vst v39  }
0x75: {  	[tilespmem:$0x2C50] =	vst v2;
	v2 =	vld [tilespmem:$0x2AA0]  }
0x76: {  	v43 =	vld [tilespmem:$0x2AC0];
	[tilespmem:$0x2C70] =	vst v40  }
0x77: {  	v44 =	vld [tilespmem:$0x2AD0];
	[tilespmem:$0x2C80] =	vst v41  }
0x78: {  	v45 =	vld [tilespmem:$0x2AE0];
	[tilespmem:$0x2C90] =	vst v42  }
0x79: {  	[tilespmem:$0x2C60] =	vst v3;
	v3 =	vld [tilespmem:$0x2AB0]  }
0x7a: {  	[tilespmem:$0x2CA0] =	vst v2;
	v2 =	vld [tilespmem:$0x2AF0]  }
0x7b: {  	[tilespmem:$0x2CC0] =	vst v43  }
0x7c: {  	[tilespmem:$0x2CD0] =	vst v44  }
0x7d: {  	[tilespmem:$0x2CE0] =	vst v45  }
0x7e: {  	[tilespmem:$0x2CB0] =	vst v3  }
0x7f: {  	[tilespmem:$0x2CF0] =	vst v2  }
0x80: {  	[spmem:s1] =	stream.indirect.scatter.add.f32 [tilespmem:s20], [sflag:$0x3], $0x80, s22, s18, $0xb8;
	[tilespmem:$0xED00] =	vst v63  }
0x81: {  	_ =	swait.ge [sflag:s15], $0x4000  }
0x82: {  	[sflag:s15] =	ssyncset.done $0x0  }
0x83: {  	[sflag:s15] =	ssyncadd.s32 $0xFFFFC000  }
0x84: {  	[spmem:s3] =	stream.indirect.scatter.add.f32 [tilespmem:s24], [sflag:$0x3], $0x80, s23, s18, $0xb8;
	[tilespmem:$0xED00] =	vst v63  }
0x85: {  	_ =	swait.ge [sflag:s15], $0x4000  }
0x86: {  	[sflag:s15] =	ssyncset.done $0x0  }
0x87: {  	[sflag:s15] =	ssyncadd.s32 $0xFFFFC000  }
0x88: {  	[tilespmem:s20], [sflag:$0x2] =	stream.indirect.gather [hbm4b:s5+s18], $0x80, s28, s18, $0xb8;
	[tilespmem:$0xED00] =	vst v63  }
0x89: {  	_ =	swait.ge [sflag:s21], $0x4000  }
0x8a: {  	[sflag:s21] =	ssyncset.done $0x0  }
0x8b: {  	[sflag:s21] =	ssyncadd.s32 $0xFFFFC000  }
0x8c: {  	v2 =	vld [tilespmem:$0x2B00]  }
0x8d: {  	v3 =	vld [tilespmem:$0x2B10]  }
0x8e: {  	v46 =	vld [tilespmem:$0x2B20]  }
0x8f: {  	v47 =	vld [tilespmem:$0x2B30]  }
0x90: {  	v48 =	vld [tilespmem:$0x2B40]  }
0x91: {  	[tilespmem:$0x2C00] =	vst v2;
	v2 =	vld [tilespmem:$0x2B50]  }
0x92: {  	v49 =	vld [tilespmem:$0x2B70];
	[tilespmem:$0x2C10] =	vst v3  }
0x93: {  	v50 =	vld [tilespmem:$0x2B00];
	[tilespmem:$0x2C20] =	vst v46  }
0x94: {  	v51 =	vld [tilespmem:$0x2B10];
	[tilespmem:$0x2C30] =	vst v47  }
0x95: {  	v3 =	vld [tilespmem:$0x2B60];
	[tilespmem:$0x2C40] =	vst v48  }
0x96: {  	[tilespmem:$0x2C50] =	vst v2;
	v2 =	vld [tilespmem:$0x2B20]  }
0x97: {  	v52 =	vld [tilespmem:$0x2B40];
	[tilespmem:$0x2C70] =	vst v49  }
0x98: {  	v53 =	vld [tilespmem:$0x2B50];
	[tilespmem:$0x2C80] =	vst v50  }
0x99: {  	v54 =	vld [tilespmem:$0x2B60];
	[tilespmem:$0x2C90] =	vst v51  }
0x9a: {  	[tilespmem:$0x2C60] =	vst v3;
	v3 =	vld [tilespmem:$0x2B30]  }
0x9b: {  	[tilespmem:$0x2CA0] =	vst v2;
	v2 =	vld [tilespmem:$0x2B70]  }
0x9c: {  	[tilespmem:$0x2CC0] =	vst v52  }
0x9d: {  	[tilespmem:$0x2CD0] =	vst v53  }
0x9e: {  	[tilespmem:$0x2CE0] =	vst v54  }
0x9f: {  	[tilespmem:$0x2CB0] =	vst v3  }
0xa0: {  	[tilespmem:$0x2CF0] =	vst v2  }
0xa1: {  	[spmem:s1] =	stream.indirect.scatter.add.f32 [tilespmem:s17], [sflag:$0x3], $0x80, s22, s18, $0xb8;
	[tilespmem:$0xED00] =	vst v63  }
0xa2: {  	_ =	swait.ge [sflag:s15], $0x4000  }
0xa3: {  	[sflag:s15] =	ssyncset.done $0x0  }
0xa4: {  	[sflag:s15] =	ssyncadd.s32 $0xFFFFC000  }
0xa5: {  	[spmem:s3] =	stream.indirect.scatter.add.f32 [tilespmem:s24], [sflag:$0x3], $0x80, s23, s18, $0xb8;
	[tilespmem:$0xED00] =	vst v63  }
0xa6: {  	_ =	swait.ge [sflag:s15], $0x4000  }
0xa7: {  	[sflag:s15] =	ssyncset.done $0x0  }
0xa8: {  	[sflag:s15] =	ssyncadd.s32 $0xFFFFC000  }
0xa9: {  	_ =	swait.ge [sflag:s26], $0x4000  }
0xaa: {  	[sflag:s26] =	ssyncset.done $0x0  }
0xab: {  	[sflag:s26] =	ssyncadd.s32 $0xFFFFC000  }
0xac: {  	v2 =	vld [tilespmem:$0x2B80]  }
0xad: {  	v3 =	vld [tilespmem:$0x2B90]  }
0xae: {  	v55 =	vld [tilespmem:$0x2BA0]  }
0xaf: {  	v56 =	vld [tilespmem:$0x2BB0]  }
0xb0: {  	v57 =	vld [tilespmem:$0x2BC0]  }
0xb1: {  	[tilespmem:$0x2C00] =	vst v2;
	v2 =	vld [tilespmem:$0x2BD0]  }
0xb2: {  	v58 =	vld [tilespmem:$0x2BF0];
	[tilespmem:$0x2C10] =	vst v3  }
0xb3: {  	v59 =	vld [tilespmem:$0x2B80];
	[tilespmem:$0x2C20] =	vst v55  }
0xb4: {  	v60 =	vld [tilespmem:$0x2B90];
	[tilespmem:$0x2C30] =	vst v56  }
0xb5: {  	v3 =	vld [tilespmem:$0x2BE0];
	[tilespmem:$0x2C40] =	vst v57  }
0xb6: {  	[tilespmem:$0x2C50] =	vst v2;
	v2 =	vld [tilespmem:$0x2BA0]  }
0xb7: {  	v61 =	vld [tilespmem:$0x2BC0];
	[tilespmem:$0x2C70] =	vst v58  }
0xb8: {  	v62 =	vld [tilespmem:$0x2BD0];
	[tilespmem:$0x2C80] =	vst v59  }
0xb9: {  	v63 =	vld [tilespmem:$0x2BE0];
	[tilespmem:$0x2C90] =	vst v60  }
0xba: {  	[tilespmem:$0x2C60] =	vst v3;
	v3 =	vld [tilespmem:$0x2BB0]  }
0xbb: {  	[tilespmem:$0x2CA0] =	vst v2;
	v2 =	vld [tilespmem:$0x2BF0]  }
0xbc: {  	[tilespmem:$0x2CC0] =	vst v61  }
0xbd: {  	[tilespmem:$0x2CD0] =	vst v62  }
0xbe: {  	[tilespmem:$0x2CE0] =	vst v63  }
0xbf: {  	[tilespmem:$0x2CB0] =	vst v3  }
0xc0: {  	[tilespmem:$0x2CF0] =	vst v2  }
0xc1: {  	[spmem:s1] =	stream.indirect.scatter.add.f32 [tilespmem:s20], [sflag:$0x3], $0x80, s22, s18, $0xb8;
	[tilespmem:$0xED00] =	vst v63  }
0xc2: {  	_ =	swait.ge [sflag:s15], $0x4000  }
0xc3: {  	[sflag:s15] =	ssyncset.done $0x0  }
0xc4: {  	[sflag:s15] =	ssyncadd.s32 $0xFFFFC000  }
0xc5: {  	[spmem:s3] =	stream.indirect.scatter.add.f32 [tilespmem:s24], [sflag:$0x3], $0x80, s23, s18, $0xb8;
	[tilespmem:$0xED00] =	vst v63  }
0xc6: {  	_ =	swait.ge [sflag:s15], $0x4000  }
0xc7: {  	[sflag:s15] =	ssyncset.done $0x0  }
0xc8: {  	[sflag:s15] =	ssyncadd.s32 $0xFFFFC000  }
0xc9: {  	s30 =	sor.u32 $0x1C03, s6;
	s31 =	sshrl.u32 s9, $0x3;
	[bflag:$0x0] =	sbarrier.arrive $0xFFFF  }
0xca: {  	[hbm:s11], [sflag:s30] =	dma.local [spmem:s31], $0x280  }
0xcb: {  	s29 =	sadd.s32 $0x1, s29;
	_ =	swait.ge [sflag:s15], $0x280  }
0xcc: {  	p0 =	sne.s32 s29, s13;
	[sflag:s15] =	ssyncset.done $0x0  }
.Ltmp2:
0xcd: {  	s31 =	sshrl.u32 s10, $0x3;
	[sflag:s15] =	ssyncadd.s32 $0xFFFFFD80;
	(pc) =	sbr.rel @p0 .LBB2_1-.Ltmp2, $4  }
0xce: {  	[hbm:s12], [sflag:s30] =	dma.local [spmem:s31], $0x280  }
0xcf: {  	_ =	swait.ge [sflag:s15], $0x280  }
0xd0: {  	[sflag:s15] =	ssyncset.done $0x0  }
0xd1: {  	[sflag:s15] =	ssyncadd.s32 $0xFFFFFD80  }
0xd2: {  	_ =	sfence.sel $0x180000  }
0xd3: {  	[bflag:$0x0] =	sbarrier.arrive $0xFFFF  }
0xd4: {  	p0 =	sne.s32 s2, $0x0;
	_ =	strace $0x9000004D  }
0xd5: {  	s0 =	sadd.s32 @!p0 $0x100000, s0;
	[bflag:$0x2] =	sbarrier.arrive $0xFFFF  }
0xd6: {  	[sflag:s0] =	ssyncadd.tile.s32 @!p0 $0x1;
	_ =	shalt  }
.Lfunc_end2:
_tile_overlayer_lowered:
.L_overlay_start_2:
0xd7: {  	(tag) =	ssettag $0x2  }
0xd8: {  	s0 =	rddreg [dreg:$0x0];
	s2 =	stileid.u32  }
0xd9: {  	s1 =	rddreg [dreg:$0x1];
	p0 =	sne.s32 s2, $0x0  }
0xda: {  	s3 =	rddreg [dreg:$0x2];
	[bflag:$0x3] =	sbarrier.arrive $0xFFFF;
	s2 =	simm.s32 @!p0 $0x1C03  }
0xdb: {  	[timem:s3], [sflag:s2] =	dma.local @!p0 [hbm:s0], s1  }
0xdc: {  	s0 =	simm.s32 @!p0 $0x3  }
0xdd: {  	_ =	swait.ge @!p0 [sflag:s0], s1  }
0xde: {  	s1 =	ssub.s32 @!p0 $0x0, s1;
	[sflag:s0] =	ssyncset.done @!p0 $0x0  }
0xdf: {  	[sflag:s0] =	ssyncadd.s32 @!p0 s1  }
0xe0: {  	[bflag:$0x3] =	sbarrier.arrive $0xFFFF  }
0xe1: {  	_ =	shalt  }

// kernel: kernel.8.cloned.1.call-start
scs
__scs_entry_jumppad:
0x0: {  	(pc) =	sbr.rel $0x88, $3  }
0x1: {  	(tag) =	ssettag $0x0;
	lr =	simm.s32 $0x1  }
0x2: {  	[smem:$0x3F8A] =	sst lr;
	_ =	strace $0xD0000000  }
0x3: {  	_ = 	snop  }
0x4: {  	_ = 	snop  }
0x5: {  	_ = 	snop  }
0x6: {  	_ = 	snop  }
0x7: {  	_ = 	snop  }
__scs_overlays_trampoline_lowered:
0x8: {  	[smem:$0x3F99] =	sst s0  }
0x9: {  	[smem:$0x3F9A] =	sst s1  }
0xa: {  	[smem:$0x3F9B] =	sst s2  }
0xb: {  	[smem:$0x3F9C] =	sst s3  }
0xc: {  	[smem:$0x3F9D] =	sst s4  }
0xd: {  	[smem:$0x3F9E] =	sst s5  }
0xe: {  	[smem:$0x3F9F] =	sst s6  }
0xf: {  	[smem:$0x3FA0] =	sst s7  }
0x10: {  	[smem:$0x3FA1] =	sst s8  }
0x11: {  	[smem:$0x3FA2] =	sst s9;
	s0 =	simm.s32 @!p0 $0x0  }
0x12: {  	s1 =	sld [smem:$0x3F88];
	s0 =	simm.s32 @p0 $0x1  }
0x13: {  	[smem:$0x3FA3] =	sst s0;
	s0 =	simm.s32 @!p1 $0x0  }
0x14: {  	s2 =	sld [smem:$0x3F87];
	s0 =	simm.s32 @p1 $0x1  }
0x15: {  	[smem:$0x3FA4] =	sst s0;
	s0 =	simm.s32 @!p2 $0x0  }
0x16: {  	s3 =	sld [smem:$0x3FDB];
	s0 =	simm.s32 @p2 $0x1  }
0x17: {  	s4 =	simm.s32 $0x1BF5;
	[smem:$0x3FA6] =	sst s0  }
0x18: {  	s0 =	sld [smem:$0x3F89];
	_ =	swait.ge [sflag:s4], $0x0  }
0x19: {  	s7 =	sld [smem:$0x3F8A]  }
0x1a: {  	s8 =	sadd.s32 $0xFFFFE003, lr  }
0x1b: {  	s9 =	sadd.s32 $0xFFFFFEF7, lr;
	s5 =	simm.s32 $0xFFFFFFFF;
	p2 =	slt.u32 s8, $0xFFFFF086  }
0x1c: {  	p1 =	slt.u32 s9, $0xF7A;
	s5 =	simm.s32 @!p2 $0x0  }
0x1d: {  	s5 =	simm.s32 @p1 $0x1;
	p0 =	seq.s32 s7, s2  }
0x1e: {  	s7 =	smul.u32 @!p0 $0xF7A, s2;
	p2 =	seq.s32 @!p0 s5, $0x0  }
0x1f: {  	s9 =	smul.u32 $0xF7A, s1;
	s8 =	simm.s32 @!p0 $0x1BF5;
	p2 =	por !p2, p0  }
0x20: {  	[sflag:s8] =	ssyncset.s32 @!p0 $0xFFFFF086;
	s6 =	sadd.s32 @!p0 s3, s7;
	s7 =	simm.s32 @!p0 $0x108  }
0x21: {  	s3 =	sadd.s32 s3, s9;
	s6 =	sadd.s32 @!p0 $0x88, s6;
	s7 =	simm.s32 @p2 $0x1082  }
0x22: {  	[simem:s7], [sflag:s8] =	dma.local @!p0 [hbm:s6], $0xF7A  }
0x23: {  	s9 =	sor.u32 $0xD0000000, s2;
	s6 =	simm.s32 $0x108;
	_ =	swait.ge @!p0 [sflag:s8], $0x0  }
0x24: {  	s3 =	sadd.s32 $0x88, s3;
	s6 =	simm.s32 @!p1 $0x1082;
	[sflag:s4] =	ssyncset.s32 $0xFFFFF086  }
0x25: {  	[simem:s6], [sflag:s4] =	dma.local [hbm:s3], $0xF7A  }
0x26: {  	[smem:$0x3F8A] =	sst s1;
	(tag) =	ssettag s2;
	_ =	strace s9  }
0x27: {  	s1 =	sld [smem:$0x3F9A]  }
0x28: {  	s2 =	sld [smem:$0x3F9B]  }
0x29: {  	s4 =	sld [smem:$0x3F9D]  }
0x2a: {  	p0 =	seq.s32 s5, $0x0;
	s5 =	sld [smem:$0x3F9E]  }
0x2b: {  	s6 =	sld [smem:$0x3F9F]  }
0x2c: {  	s7 =	sld [smem:$0x3FA0]  }
0x2d: {  	s3 =	simm.s32 $0x108;
	s8 =	sld [smem:$0x3FA1]  }
0x2e: {  	s3 =	simm.s32 @!p0 $0x1082;
	s9 =	sld [smem:$0x3FA2]  }
0x2f: {  	lr =	sadd.s32 s0, s3;
	s0 =	sld [smem:$0x3F99]  }
0x30: {  	s3 =	sld [smem:$0x3F9C]  }
0x31: {  	[smem:$0x3FA5] =	sst s10  }
0x32: {  	s10 =	sld [smem:$0x3FA3];
	_ =	sdelay $0x3  }
0x33: {  	p0 =	seq.s32 s10, $0x1;
	s10 =	sld [smem:$0x3FA5];
	_ =	sdelay $0x3  }
0x34: {  	[smem:$0x3FA5] =	sst s10  }
0x35: {  	s10 =	sld [smem:$0x3FA4];
	_ =	sdelay $0x3  }
0x36: {  	p1 =	seq.s32 s10, $0x1;
	s10 =	sld [smem:$0x3FA5];
	_ =	sdelay $0x3  }
0x37: {  	[smem:$0x3FA5] =	sst s10  }
0x38: {  	s10 =	sld [smem:$0x3FA6]  }
0x39: {  	_ = 	snop;
	(pc) =	sbr.ind lr, $3  }
0x3a: {  	_ = 	snop  }
0x3b: {  	_ = 	snop  }
0x3c: {  	p2 =	seq.s32 s10, $0x1;
	s10 =	sld [smem:$0x3FA5]  }
0x3d: {  	_ =	shalt  }
0x3e: {  	_ =	shalt  }
0x3f: {  	_ =	shalt  }
0x40: {  	_ =	shalt  }
0x41: {  	_ =	shalt  }
0x42: {  	_ =	shalt  }
0x43: {  	_ =	shalt  }
0x44: {  	_ =	shalt  }
0x45: {  	_ =	shalt  }
0x46: {  	_ =	shalt  }
0x47: {  	_ =	shalt  }
0x48: {  	_ =	shalt  }
0x49: {  	_ =	shalt  }
0x4a: {  	_ =	shalt  }
0x4b: {  	_ =	shalt  }
0x4c: {  	_ =	shalt  }
0x4d: {  	_ =	shalt  }
0x4e: {  	_ =	shalt  }
0x4f: {  	_ =	shalt  }
0x50: {  	_ =	shalt  }
0x51: {  	_ =	shalt  }
0x52: {  	_ =	shalt  }
0x53: {  	_ =	shalt  }
0x54: {  	_ =	shalt  }
0x55: {  	_ =	shalt  }
0x56: {  	_ =	shalt  }
0x57: {  	_ =	shalt  }
0x58: {  	_ =	shalt  }
0x59: {  	_ =	shalt  }
0x5a: {  	_ =	shalt  }
0x5b: {  	_ =	shalt  }
0x5c: {  	_ =	shalt  }
0x5d: {  	_ =	shalt  }
0x5e: {  	_ =	shalt  }
0x5f: {  	_ =	shalt  }
0x60: {  	_ =	shalt  }
0x61: {  	_ =	shalt  }
0x62: {  	_ =	shalt  }
0x63: {  	_ =	shalt  }
0x64: {  	_ =	shalt  }
0x65: {  	_ =	shalt  }
0x66: {  	_ =	shalt  }
0x67: {  	_ =	shalt  }
0x68: {  	_ =	shalt  }
0x69: {  	_ =	shalt  }
0x6a: {  	_ =	shalt  }
0x6b: {  	_ =	shalt  }
0x6c: {  	_ =	shalt  }
0x6d: {  	_ =	shalt  }
0x6e: {  	_ =	shalt  }
0x6f: {  	_ =	shalt  }
0x70: {  	_ =	shalt  }
0x71: {  	_ =	shalt  }
0x72: {  	_ =	shalt  }
0x73: {  	_ =	shalt  }
0x74: {  	_ =	shalt  }
0x75: {  	_ =	shalt  }
0x76: {  	_ =	shalt  }
0x77: {  	_ =	shalt  }
0x78: {  	_ =	shalt  }
0x79: {  	_ =	shalt  }
0x7a: {  	_ =	shalt  }
0x7b: {  	_ =	shalt  }
0x7c: {  	_ =	shalt  }
0x7d: {  	_ =	shalt  }
0x7e: {  	_ =	shalt  }
0x7f: {  	_ =	shalt  }
0x80: {  	_ =	shalt  }
0x81: {  	_ =	shalt  }
0x82: {  	_ =	shalt  }
0x83: {  	_ =	shalt  }
0x84: {  	_ =	shalt  }
0x85: {  	_ =	shalt  }
0x86: {  	_ =	shalt  }
0x87: {  	_ =	shalt  }
.Lfunc_end0:
.L_simem_size_0:
called_computation_lowered:
.L_overlay_start_0:
0x88: {  	s2 =	sld [smem:$0x3FD9]  }
0x89: {  	s3 =	sld [smem:$0x3FFE];
	_ =	sdelay $0x1  }
0x8a: {  	s1 =	srdreg.scid  }
0x8b: {  	s0 =	sand.u32 $0x1, s1  }
0x8c: {  	s17 =	sshll.u32 s0, $0xA;
	s2 =	sadd.s32 s3, s2  }
0x8d: {  	s2 =	sadd.s32 s2, s17  }
0x8e: {  	[smem:$0x3FB1] =	sst s2  }
0x8f: {  	_ = 	snop  }
0x90: {  	s2 =	sld [smem:$0x3FC9];
	(tm) =	ssettm $0x1  }
0x91: {  	s18 =	sld [smem:$0x3FFB];
	_ =	sdelay $0x3  }
0x92: {  	_ =	strace s18  }
0x93: {  	s3 =	sld [smem:$0x3FFC];
	_ =	sdelay $0x3  }
0x94: {  	_ =	strace s3  }
0x95: {  	s3 =	sld [smem:$0x3FFD];
	_ =	sdelay $0x3  }
0x96: {  	_ =	strace s3  }
0x97: {  	_ =	strace $0x8FFFFFFF  }
0x98: {  	s19 =	sld [smem:$0x3FDB];
	_ =	sdelay $0x1  }
0x99: {  	s4 =	simm.s32 $_scs_section_size  }
0x9a: {  	s5 =	simm.s32 $_size__tile_overlayer_lowered;
	s6 =	simm.s32 $_tile_overlayer_lowered  }
0x9b: {  	s22 =	simm.s32 $0x1BFF;
	s21 =	sshll.u32 s6, $0x1;
	s3 =	sadd.s32 s4, s19  }
0x9c: {  	s7 =	simm.s32 $0x0;
	s20 =	sshll.u32 s5, $0x1;
	s5 =	sadd.s32 s21, s3  }
0x9d: {  	[timem:s7], [sflag:s22] =	dma.local [hbm:s5], s20  }
0x9e: {  	_ =	swait.ge [sflag:s22], s20  }
0x9f: {  	s4 =	ssub.s32 $0x0, s20;
	[sflag:s22] =	ssyncset.done $0x0  }
0xa0: {  	[sflag:s22] =	ssyncadd.s32 s4;
	_ =	sdelay $0x1  }
0xa1: {  	s23 =	simm.s32 $0x1B8B  }
0xa2: {  	_ =	swait.ge [sflag:s23], $0x1  }
0xa3: {  	[sflag:s23] =	ssyncset.done $0x0  }
0xa4: {  	s25 =	simm.s32 $0x1B8E;
	s24 =	sld [smem:$0x3FFE];
	[sflag:s23] =	ssyncadd.s32 $0xFFFFFFFF  }
0xa5: {  	s26 =	simm.s32 $execute0_lowered;
	[smem:$0x3FD2] =	sst s25  }
0xa6: {  	s5 =	sshll.u32 s26, $0x1;
	_ =	strace $0x80000046;
	[dreg:$0x1] =	wrdreg $0xFFFFFFFF  }
0xa7: {  	s28 =	simm.s32 $_size_execute0_lowered;
	s3 =	sadd.s32 s3, s5;
	[dreg:$0x0] =	wrdreg $0x0  }
0xa8: {  	s5 =	sshll.u32 s28, $0x1;
	[dreg:$0x2] =	wrdreg s3  }
0xa9: {  	[dreg:$0x3] =	wrdreg s5  }
0xaa: {  	[dreg:$0x4] =	wrdreg $0xC0  }
0xab: {  	_ =	task [dreg:s7], $0x5FFFF  }
0xac: {  	[dreg:$0x1] =	wrdreg $0xFFFFFFFF  }
0xad: {  	[dreg:$0x0] =	wrdreg $0x60  }
0xae: {  	[dreg:$0x2] =	wrdreg s2  }
0xaf: {  	[dreg:$0x3] =	wrdreg s24  }
0xb0: {  	[dreg:$0x4] =	wrdreg $0x0  }
0xb1: {  	[dreg:$0x5] =	wrdreg $0x80000  }
0xb2: {  	[dreg:$0x6] =	wrdreg $0x9  }
0xb3: {  	_ =	task.clear_ibuf [dreg:s7], $0x7FFFF;
	_ =	strace $0x90000046  }
0xb4: {  	s29 =	simm.s32 $0x9;
	_ =	strace $0x80000048  }
0xb5: {  	_ =	swait.ge [sflag:s29], $0x1  }
0xb6: {  	[sflag:s29] =	ssyncadd.s32 $0xFFFFFFFF  }
0xb7: {  	_ =	strace $0x90000048  }
0xb8: {  	_ =	sfence  }
0xb9: {  	s30 =	sld [smem:$0x0];
	_ =	sdelay $0x2  }
0xba: {  	s31 =	sshll.u32 s1, $0xD;
	s1 =	sshrl.u32 s1, $0x2  }
0xbb: {  	s3 =	sand.u32 $0x4000, s31;
	s1 =	sadd.s32 s1, s30  }
0xbc: {  	s0 =	sor.u32 s3, s0;
	s1 =	sshll.u32 s1, $0x11  }
0xbd: {  	s0 =	sor.u32 s1, s0  }
0xbe: {  	s0 =	sadd.s32 $0x8F2B, s0  }
0xbf: {  	[sflag:s0] =	ssyncadd.remote.s32 $0x1  }
0xc0: {  	_ =	sfence.sel $0xFFFF  }
0xc1: {  	[dreg:$0x0] =	wrdreg $0xFFFFFFFF;
	(pc) =	sbr.abs _section_cstart, $3  }
0xc2: {  	[dreg:$0x1] =	wrdreg $0xFFFFFFFF  }
0xc3: {  	_ =	task.clear_ibuf [dreg:s7], $0x2FFFF;
	_ =	strace $0x9FFFFFFF  }
0xc4: {  	(tm) =	ssettm $0x7FFFFFFF  }
0xc5: {  	_ =	shalt  }
tec
execute0_lowered:
.L_overlay_start_1:
0x0: {  	(tag) =	ssettag $0x1  }
0x1: {  	s1 =	rddreg [dreg:$0x0]  }
0x2: {  	s0 =	rddreg [dreg:$0x1]  }
0x3: {  	s3 =	rddreg [dreg:$0x2]  }
0x4: {  	s4 =	rddreg [dreg:$0x3];
	s5 =	srdreg.scid  }
0x5: {  	s2 =	stileid.u32;
	s18 =	simm.s32 $0x3;
	s20 =	simm.s32 $0x12100  }
0x6: {  	s21 =	simm.s32 $0x80;
	s22 =	simm.s32 $0x16100;
	s23 =	simm.s32 $0x1  }
0x7: {  	s24 =	simm.s32 $0x12000;
	s25 =	simm.s32 $0x12080;
	s26 =	simm.s32 $0x1A100  }
0x8: {  	s28 =	simm.s32 $0x2;
	s9 =	sand.u32 $0x1, s5;
	s5 =	simm.s32 $0x0  }
0x9: {  	s7 =	sshll.u32 s2, $0x9;
	s14 =	sadd.s32 $0xDC00, s0;
	s11 =	sshll.u32 s2, $0xF  }
0xa: {  	s6 =	sshll.u32 s9, $0xD;
	[smem:$0x7FF] =	sst s5;
	s29 =	ssub.s32 $0x2, s9  }
0xb: {  	s12 =	sor.u32 $0x4000, s11;
	s13 =	sshll.u32 s9, $0x13;
	s9 =	sadd.s32 s11, s4  }
0xc: {  	s6 =	sor.u32 s7, s6;
	_ =	strace $0x80000047;
	s30 =	sshrl.u32 s29, $0x1  }
0xd: {  	s10 =	sadd.s32 s12, s3;
	s15 =	sor.u32 s11, s13;
	s17 =	sor.u32 s13, s12  }
0xe: {  	s8 =	sadd.s32 s6, s0;
	s0 =	sadd.s32 $0x2DC00, s0;
	s16 =	ssub.s32 s29, s30  }
0xf: {  	s15 =	sshrl.u32 s15, $0x3;
	s31 =	sshrl.u32 s17, $0x3;
	s17 =	simm.s32 $0x10000  }
0x10: {  	s6 =	sadd.s32 $0x5C00, s8;
	s7 =	sadd.s32 $0x9C00, s8;
	s8 =	sadd.s32 s11, s3  }
0x11: {  	s11 =	sadd.s32 s12, s4;
	s12 =	sadd.s32 s14, s15;
	s13 =	sadd.s32 s0, s15  }
0x12: {  	v0 =	vimm.f32 $0.0e+00;
	v1 =	vimm.f32 $1.000000000e+00;
	s14 =	sadd.s32 s14, s31;
	s15 =	sadd.s32 s0, s31;
	s16 =	smax.u32 s16, $0x1  }
.LBB2_1:
0x13: {  	s0 =	simm.s32 $0x0;
	s30 =	simm.s32 $0x200  }
.LBB2_2:
0x14: {  	p0 =	sne.s32 s30, $0xFE00;
	[tilespmem:s0+$0x12170] =	vst v0  }
0x15: {  	[tilespmem:s0+$0x12100] =	vst v0  }
0x16: {  	[tilespmem:s0+$0x12110] =	vst v0  }
.Ltmp0:
0x17: {  	[tilespmem:s0+$0x12120] =	vst v0;
	(pc) =	sbr.rel @p0 .LBB2_2-.Ltmp0, $4  }
0x18: {  	[tilespmem:s0+$0x12130] =	vst v0  }
0x19: {  	[tilespmem:s0+$0x12140] =	vst v0  }
0x1a: {  	[tilespmem:s0+$0x12150] =	vst v0  }
0x1b: {  	[tilespmem:s0+$0x12160] =	vst v0;
	s0 =	sshra.s32 s30, $0x2;
	s30 =	sadd.s32 $0x200, s30  }
0x1c: {  	[tilespmem:s0+$0x12170] =	vst v0  }
0x1d: {  	[tilespmem:s0+$0x12100] =	vst v0  }
0x1e: {  	[tilespmem:s0+$0x12110] =	vst v0  }
0x1f: {  	[tilespmem:s0+$0x12120] =	vst v0  }
0x20: {  	[tilespmem:s0+$0x12130] =	vst v0  }
0x21: {  	[tilespmem:s0+$0x12140] =	vst v0  }
0x22: {  	[tilespmem:s0+$0x12150] =	vst v0  }
0x23: {  	[tilespmem:s0+$0x12160] =	vst v0;
	s0 =	simm.s32 $0x0;
	s30 =	simm.s32 $0x200  }
.LBB2_4:
0x24: {  	p0 =	sne.s32 s30, $0xFE00;
	[tilespmem:s0+$0x1A170] =	vst v1  }
0x25: {  	[tilespmem:s0+$0x1A100] =	vst v1  }
0x26: {  	[tilespmem:s0+$0x1A110] =	vst v1  }
.Ltmp1:
0x27: {  	[tilespmem:s0+$0x1A120] =	vst v1;
	(pc) =	sbr.rel @p0 .LBB2_4-.Ltmp1, $4  }
0x28: {  	[tilespmem:s0+$0x1A130] =	vst v1  }
0x29: {  	[tilespmem:s0+$0x1A140] =	vst v1  }
0x2a: {  	[tilespmem:s0+$0x1A150] =	vst v1  }
0x2b: {  	[tilespmem:s0+$0x1A160] =	vst v1;
	s0 =	sshra.s32 s30, $0x2;
	s30 =	sadd.s32 $0x200, s30  }
0x2c: {  	[tilespmem:s0+$0x1A170] =	vst v1  }
0x2d: {  	[tilespmem:s0+$0x1A100] =	vst v1  }
0x2e: {  	[tilespmem:s0+$0x1A110] =	vst v1  }
0x2f: {  	[tilespmem:s0+$0x1A120] =	vst v1  }
0x30: {  	[tilespmem:s0+$0x1A130] =	vst v1  }
0x31: {  	[tilespmem:s0+$0x1A140] =	vst v1  }
0x32: {  	[tilespmem:s0+$0x1A150] =	vst v1  }
0x33: {  	[tilespmem:s0+$0x1A160] =	vst v1;
	s29 =	simm.s32 $0x0  }
0x34: {  	[tilespmem:s17], [sflag:$0x3] =	stream.linear.gather [hbm4b:s6+s29], $0x1000, $0x38;
	[tilespmem:$0x1E100] =	vst v63  }
0x35: {  	_ =	swait.ge [sflag:s18], $0x1000  }
0x36: {  	[sflag:s18] =	ssyncset.done $0x0  }
0x37: {  	s19 =	simm.s32 $0x11000;
	[sflag:s18] =	ssyncadd.s32 $0xFFFFF000  }
0x38: {  	[tilespmem:s19], [sflag:$0x3] =	stream.linear.gather [hbm4b:s7+s29], $0x1000, $0x38;
	[tilespmem:$0x1E100] =	vst v63  }
0x39: {  	_ =	swait.ge [sflag:s18], $0x1000  }
0x3a: {  	[sflag:s18] =	ssyncset.done $0x0  }
0x3b: {  	[sflag:s18] =	ssyncadd.s32 $0xFFFFF000  }
0x3c: {  	[spmem:s8] =	stream.linear.scatter [tilespmem:s20], [sflag:$0x3], $0x4000, $0x38;
	[tilespmem:$0x1E100] =	vst v63  }
0x3d: {  	_ =	swait.ge [sflag:s18], $0x4000  }
0x3e: {  	[sflag:s18] =	ssyncset.done $0x0  }
0x3f: {  	[sflag:s18] =	ssyncadd.s32 $0xFFFFC000  }
0x40: {  	[spmem:s9] =	stream.linear.scatter [tilespmem:s20], [sflag:$0x3], $0x4000, $0x38;
	[tilespmem:$0x1E100] =	vst v63  }
0x41: {  	_ =	swait.ge [sflag:s18], $0x4000  }
0x42: {  	[sflag:s18] =	ssyncset.done $0x0  }
0x43: {  	[sflag:s18] =	ssyncadd.s32 $0xFFFFC000  }
0x44: {  	[spmem:s10] =	stream.linear.scatter [tilespmem:s20], [sflag:$0x3], $0x4000, $0x38;
	[tilespmem:$0x1E100] =	vst v63  }
0x45: {  	_ =	swait.ge [sflag:s18], $0x4000  }
0x46: {  	[sflag:s18] =	ssyncset.done $0x0  }
0x47: {  	[sflag:s18] =	ssyncadd.s32 $0xFFFFC000  }
0x48: {  	[spmem:s11] =	stream.linear.scatter [tilespmem:s20], [sflag:$0x3], $0x4000, $0x38;
	[tilespmem:$0x1E100] =	vst v63  }
0x49: {  	_ =	swait.ge [sflag:s18], $0x4000  }
0x4a: {  	[sflag:s18] =	ssyncset.done $0x0  }
0x4b: {  	[sflag:s18] =	ssyncadd.s32 $0xFFFFC000  }
0x4c: {  	[bflag:$0x0] =	sbarrier.arrive $0xFFFF  }
0x4d: {  	[tilespmem:s20], [sflag:$0x1] =	stream.indirect.gather [hbm4b:s1+s21], $0x80, s17, s21, $0xb8;
	[tilespmem:$0x1E100] =	vst v63  }
0x4e: {  	s19 =	simm.s32 $0x10080  }
0x4f: {  	[tilespmem:s22], [sflag:$0x2] =	stream.indirect.gather [hbm4b:s1+s21], $0x80, s19, s21, $0xb8;
	[tilespmem:$0x1E100] =	vst v63  }
0x50: {  	_ =	swait.ge [sflag:s23], $0x4000  }
0x51: {  	[sflag:s23] =	ssyncset.done $0x0  }
0x52: {  	s0 =	simm.s32 $0x0;
	[sflag:s23] =	ssyncadd.s32 $0xFFFFC000  }
0x53: {  	v2 =	vld [tilespmem:s0+$0x11000];
	_ =	sdelay $0x4  }
0x54: {  	[tilespmem:$0x12000] =	vst v2  }
0x55: {  	v2 =	vld [tilespmem:s0+$0x11010];
	_ =	sdelay $0x4  }
0x56: {  	[tilespmem:$0x12010] =	vst v2  }
0x57: {  	v2 =	vld [tilespmem:s0+$0x11020];
	_ =	sdelay $0x4  }
0x58: {  	[tilespmem:$0x12020] =	vst v2  }
0x59: {  	v2 =	vld [tilespmem:s0+$0x11030];
	_ =	sdelay $0x4  }
0x5a: {  	[tilespmem:$0x12030] =	vst v2  }
0x5b: {  	v2 =	vld [tilespmem:s0+$0x11040];
	_ =	sdelay $0x4  }
0x5c: {  	[tilespmem:$0x12040] =	vst v2  }
0x5d: {  	v2 =	vld [tilespmem:s0+$0x11050];
	_ =	sdelay $0x4  }
0x5e: {  	[tilespmem:$0x12050] =	vst v2  }
0x5f: {  	v2 =	vld [tilespmem:s0+$0x11060];
	_ =	sdelay $0x4  }
0x60: {  	[tilespmem:$0x12060] =	vst v2  }
0x61: {  	v2 =	vld [tilespmem:s0+$0x11070];
	_ =	sdelay $0x4  }
0x62: {  	[tilespmem:$0x12070] =	vst v2  }
0x63: {  	v2 =	vld [tilespmem:s0+$0x11000];
	_ =	sdelay $0x4  }
0x64: {  	[tilespmem:$0x12080] =	vst v2  }
0x65: {  	v2 =	vld [tilespmem:s0+$0x11010];
	_ =	sdelay $0x4  }
0x66: {  	[tilespmem:$0x12090] =	vst v2  }
0x67: {  	v2 =	vld [tilespmem:s0+$0x11020];
	_ =	sdelay $0x4  }
0x68: {  	[tilespmem:$0x120A0] =	vst v2  }
0x69: {  	v2 =	vld [tilespmem:s0+$0x11030];
	_ =	sdelay $0x4  }
0x6a: {  	[tilespmem:$0x120B0] =	vst v2  }
0x6b: {  	v2 =	vld [tilespmem:s0+$0x11040];
	_ =	sdelay $0x4  }
0x6c: {  	[tilespmem:$0x120C0] =	vst v2  }
0x6d: {  	v2 =	vld [tilespmem:s0+$0x11050];
	_ =	sdelay $0x4  }
0x6e: {  	[tilespmem:$0x120D0] =	vst v2  }
0x6f: {  	v2 =	vld [tilespmem:s0+$0x11060];
	_ =	sdelay $0x4  }
0x70: {  	[tilespmem:$0x120E0] =	vst v2  }
0x71: {  	v2 =	vld [tilespmem:s0+$0x11070];
	_ =	sdelay $0x4  }
0x72: {  	[tilespmem:$0x120F0] =	vst v2  }
0x73: {  	[spmem:s3] =	stream.indirect.scatter.add.f32 [tilespmem:s20], [sflag:$0x3], $0x80, s24, s21, $0xb8;
	[tilespmem:$0x1E100] =	vst v63  }
0x74: {  	_ =	swait.ge [sflag:s18], $0x4000  }
0x75: {  	[sflag:s18] =	ssyncset.done $0x0  }
0x76: {  	[sflag:s18] =	ssyncadd.s32 $0xFFFFC000  }
0x77: {  	[spmem:s4] =	stream.indirect.scatter.add.f32 [tilespmem:s26], [sflag:$0x3], $0x80, s25, s21, $0xb8;
	[tilespmem:$0x1E100] =	vst v63  }
0x78: {  	_ =	swait.ge [sflag:s18], $0x4000  }
0x79: {  	[sflag:s18] =	ssyncset.done $0x0  }
0x7a: {  	s29 =	simm.s32 $0x10100;
	[sflag:s18] =	ssyncadd.s32 $0xFFFFC000  }
0x7b: {  	[tilespmem:s20], [sflag:$0x1] =	stream.indirect.gather [hbm4b:s1+s21], $0x80, s29, s21, $0xb8;
	[tilespmem:$0x1E100] =	vst v63  }
0x7c: {  	_ =	swait.ge [sflag:s28], $0x4000  }
0x7d: {  	[sflag:s28] =	ssyncset.done $0x0  }
0x7e: {  	[sflag:s28] =	ssyncadd.s32 $0xFFFFC000  }
0x7f: {  	v2 =	vld [tilespmem:s0+$0x11080];
	_ =	sdelay $0x4  }
0x80: {  	[tilespmem:$0x12000] =	vst v2  }
0x81: {  	v2 =	vld [tilespmem:s0+$0x11090];
	_ =	sdelay $0x4  }
0x82: {  	[tilespmem:$0x12010] =	vst v2  }
0x83: {  	v2 =	vld [tilespmem:s0+$0x110A0];
	_ =	sdelay $0x4  }
0x84: {  	[tilespmem:$0x12020] =	vst v2  }
0x85: {  	v2 =	vld [tilespmem:s0+$0x110B0];
	_ =	sdelay $0x4  }
0x86: {  	[tilespmem:$0x12030] =	vst v2  }
0x87: {  	v2 =	vld [tilespmem:s0+$0x110C0];
	_ =	sdelay $0x4  }
0x88: {  	[tilespmem:$0x12040] =	vst v2  }
0x89: {  	v2 =	vld [tilespmem:s0+$0x110D0];
	_ =	sdelay $0x4  }
0x8a: {  	[tilespmem:$0x12050] =	vst v2  }
0x8b: {  	v2 =	vld [tilespmem:s0+$0x110E0];
	_ =	sdelay $0x4  }
0x8c: {  	[tilespmem:$0x12060] =	vst v2  }
0x8d: {  	v2 =	vld [tilespmem:s0+$0x110F0];
	_ =	sdelay $0x4  }
0x8e: {  	[tilespmem:$0x12070] =	vst v2  }
0x8f: {  	v2 =	vld [tilespmem:s0+$0x11080];
	_ =	sdelay $0x4  }
0x90: {  	[tilespmem:$0x12080] =	vst v2  }
0x91: {  	v2 =	vld [tilespmem:s0+$0x11090];
	_ =	sdelay $0x4  }
0x92: {  	[tilespmem:$0x12090] =	vst v2  }
0x93: {  	v2 =	vld [tilespmem:s0+$0x110A0];
	_ =	sdelay $0x4  }
0x94: {  	[tilespmem:$0x120A0] =	vst v2  }
0x95: {  	v2 =	vld [tilespmem:s0+$0x110B0];
	_ =	sdelay $0x4  }
0x96: {  	[tilespmem:$0x120B0] =	vst v2  }
0x97: {  	v2 =	vld [tilespmem:s0+$0x110C0];
	_ =	sdelay $0x4  }
0x98: {  	[tilespmem:$0x120C0] =	vst v2  }
0x99: {  	v2 =	vld [tilespmem:s0+$0x110D0];
	_ =	sdelay $0x4  }
0x9a: {  	[tilespmem:$0x120D0] =	vst v2  }
0x9b: {  	v2 =	vld [tilespmem:s0+$0x110E0];
	_ =	sdelay $0x4  }
0x9c: {  	[tilespmem:$0x120E0] =	vst v2  }
0x9d: {  	v2 =	vld [tilespmem:s0+$0x110F0];
	_ =	sdelay $0x4  }
0x9e: {  	[tilespmem:$0x120F0] =	vst v2  }
0x9f: {  	[spmem:s3] =	stream.indirect.scatter.add.f32 [tilespmem:s22], [sflag:$0x3], $0x80, s24, s21, $0xb8;
	[tilespmem:$0x1E100] =	vst v63  }
0xa0: {  	_ =	swait.ge [sflag:s18], $0x4000  }
0xa1: {  	[sflag:s18] =	ssyncset.done $0x0  }
0xa2: {  	[sflag:s18] =	ssyncadd.s32 $0xFFFFC000  }
0xa3: {  	[spmem:s4] =	stream.indirect.scatter.add.f32 [tilespmem:s26], [sflag:$0x3], $0x80, s25, s21, $0xb8;
	[tilespmem:$0x1E100] =	vst v63  }
0xa4: {  	_ =	swait.ge [sflag:s18], $0x4000  }
0xa5: {  	s31 =	simm.s32 $0x800;
	s30 =	simm.s32 $0x100;
	[sflag:s18] =	ssyncset.done $0x0  }
.LBB2_6:
0xa6: {  	s29 =	sadd.s32 $0x10080, s30  }
0xa7: {  	[sflag:s18] =	ssyncadd.s32 $0xFFFFC000;
	s0 =	smov.u32 s31;
	s19 =	sadd.s32 $0x400, s31  }
0xa8: {  	[tilespmem:s22], [sflag:$0x2] =	stream.indirect.gather [hbm4b:s1+s21], $0x80, s29, s21, $0xb8;
	[tilespmem:$0x1E100] =	vst v63  }
0xa9: {  	p0 =	sne.s32 s31, $0x3800;
	_ =	swait.ge [sflag:s23], $0x4000  }
0xaa: {  	[sflag:s23] =	ssyncset.done $0x0  }
0xab: {  	[sflag:s23] =	ssyncadd.s32 $0xFFFFC000  }
0xac: {  	v2 =	vld [tilespmem:s30+$0x11000];
	_ =	sdelay $0x4  }
0xad: {  	[tilespmem:$0x12000] =	vst v2  }
0xae: {  	v2 =	vld [tilespmem:s30+$0x11010];
	_ =	sdelay $0x4  }
0xaf: {  	[tilespmem:$0x12010] =	vst v2  }
0xb0: {  	v2 =	vld [tilespmem:s30+$0x11020];
	_ =	sdelay $0x4  }
0xb1: {  	[tilespmem:$0x12020] =	vst v2  }
0xb2: {  	v2 =	vld [tilespmem:s30+$0x11030];
	_ =	sdelay $0x4  }
0xb3: {  	[tilespmem:$0x12030] =	vst v2  }
0xb4: {  	v2 =	vld [tilespmem:s30+$0x11040];
	_ =	sdelay $0x4  }
0xb5: {  	[tilespmem:$0x12040] =	vst v2  }
0xb6: {  	v2 =	vld [tilespmem:s30+$0x11050];
	_ =	sdelay $0x4  }
0xb7: {  	[tilespmem:$0x12050] =	vst v2  }
0xb8: {  	v2 =	vld [tilespmem:s30+$0x11060];
	_ =	sdelay $0x4  }
0xb9: {  	[tilespmem:$0x12060] =	vst v2  }
0xba: {  	v2 =	vld [tilespmem:s30+$0x11070];
	_ =	sdelay $0x4  }
0xbb: {  	[tilespmem:$0x12070] =	vst v2  }
0xbc: {  	v2 =	vld [tilespmem:s30+$0x11000];
	_ =	sdelay $0x4  }
0xbd: {  	[tilespmem:$0x12080] =	vst v2  }
0xbe: {  	v2 =	vld [tilespmem:s30+$0x11010];
	_ =	sdelay $0x4  }
0xbf: {  	[tilespmem:$0x12090] =	vst v2  }
0xc0: {  	v2 =	vld [tilespmem:s30+$0x11020];
	_ =	sdelay $0x4  }
0xc1: {  	[tilespmem:$0x120A0] =	vst v2  }
0xc2: {  	v2 =	vld [tilespmem:s30+$0x11030];
	_ =	sdelay $0x4  }
0xc3: {  	[tilespmem:$0x120B0] =	vst v2  }
0xc4: {  	v2 =	vld [tilespmem:s30+$0x11040];
	_ =	sdelay $0x4  }
0xc5: {  	[tilespmem:$0x120C0] =	vst v2  }
0xc6: {  	v2 =	vld [tilespmem:s30+$0x11050];
	_ =	sdelay $0x4  }
0xc7: {  	[tilespmem:$0x120D0] =	vst v2  }
0xc8: {  	v2 =	vld [tilespmem:s30+$0x11060];
	_ =	sdelay $0x4  }
0xc9: {  	[tilespmem:$0x120E0] =	vst v2  }
0xca: {  	v2 =	vld [tilespmem:s30+$0x11070];
	_ =	sdelay $0x4  }
0xcb: {  	[tilespmem:$0x120F0] =	vst v2  }
0xcc: {  	[spmem:s3] =	stream.indirect.scatter.add.f32 [tilespmem:s20], [sflag:$0x3], $0x80, s24, s21, $0xb8;
	[tilespmem:$0x1E100] =	vst v63  }
0xcd: {  	_ =	swait.ge [sflag:s18], $0x4000  }
0xce: {  	[sflag:s18] =	ssyncset.done $0x0  }
0xcf: {  	[sflag:s18] =	ssyncadd.s32 $0xFFFFC000  }
0xd0: {  	[spmem:s4] =	stream.indirect.scatter.add.f32 [tilespmem:s26], [sflag:$0x3], $0x80, s25, s21, $0xb8;
	[tilespmem:$0x1E100] =	vst v63  }
0xd1: {  	_ =	swait.ge [sflag:s18], $0x4000  }
0xd2: {  	[sflag:s18] =	ssyncset.done $0x0  }
0xd3: {  	s29 =	sadd.s32 $0x10100, s30;
	[sflag:s18] =	ssyncadd.s32 $0xFFFFC000  }
0xd4: {  	[tilespmem:s20], [sflag:$0x1] =	stream.indirect.gather [hbm4b:s1+s21], $0x80, s29, s21, $0xb8;
	[tilespmem:$0x1E100] =	vst v63  }
0xd5: {  	_ =	swait.ge [sflag:s28], $0x4000  }
0xd6: {  	[sflag:s28] =	ssyncset.done $0x0  }
0xd7: {  	[sflag:s28] =	ssyncadd.s32 $0xFFFFC000  }
0xd8: {  	v2 =	vld [tilespmem:s30+$0x11080];
	_ =	sdelay $0x4  }
0xd9: {  	[tilespmem:$0x12000] =	vst v2  }
0xda: {  	v2 =	vld [tilespmem:s30+$0x11090];
	_ =	sdelay $0x4  }
0xdb: {  	[tilespmem:$0x12010] =	vst v2  }
0xdc: {  	v2 =	vld [tilespmem:s30+$0x110A0];
	_ =	sdelay $0x4  }
0xdd: {  	[tilespmem:$0x12020] =	vst v2  }
0xde: {  	v2 =	vld [tilespmem:s30+$0x110B0];
	_ =	sdelay $0x4  }
0xdf: {  	[tilespmem:$0x12030] =	vst v2  }
0xe0: {  	v2 =	vld [tilespmem:s30+$0x110C0];
	_ =	sdelay $0x4  }
0xe1: {  	[tilespmem:$0x12040] =	vst v2  }
0xe2: {  	v2 =	vld [tilespmem:s30+$0x110D0];
	_ =	sdelay $0x4  }
0xe3: {  	[tilespmem:$0x12050] =	vst v2  }
0xe4: {  	v2 =	vld [tilespmem:s30+$0x110E0];
	_ =	sdelay $0x4  }
0xe5: {  	[tilespmem:$0x12060] =	vst v2  }
0xe6: {  	v2 =	vld [tilespmem:s30+$0x110F0];
	_ =	sdelay $0x4  }
0xe7: {  	[tilespmem:$0x12070] =	vst v2  }
0xe8: {  	v2 =	vld [tilespmem:s30+$0x11080];
	_ =	sdelay $0x4  }
0xe9: {  	[tilespmem:$0x12080] =	vst v2  }
0xea: {  	v2 =	vld [tilespmem:s30+$0x11090];
	_ =	sdelay $0x4  }
0xeb: {  	[tilespmem:$0x12090] =	vst v2  }
0xec: {  	v2 =	vld [tilespmem:s30+$0x110A0];
	_ =	sdelay $0x4  }
0xed: {  	[tilespmem:$0x120A0] =	vst v2  }
0xee: {  	v2 =	vld [tilespmem:s30+$0x110B0];
	_ =	sdelay $0x4  }
0xef: {  	[tilespmem:$0x120B0] =	vst v2  }
0xf0: {  	v2 =	vld [tilespmem:s30+$0x110C0];
	_ =	sdelay $0x4  }
0xf1: {  	[tilespmem:$0x120C0] =	vst v2  }
0xf2: {  	v2 =	vld [tilespmem:s30+$0x110D0];
	_ =	sdelay $0x4  }
0xf3: {  	[tilespmem:$0x120D0] =	vst v2  }
0xf4: {  	v2 =	vld [tilespmem:s30+$0x110E0];
	_ =	sdelay $0x4  }
0xf5: {  	[tilespmem:$0x120E0] =	vst v2  }
0xf6: {  	v2 =	vld [tilespmem:s30+$0x110F0];
	_ =	sdelay $0x4  }
0xf7: {  	[tilespmem:$0x120F0] =	vst v2  }
0xf8: {  	[spmem:s3] =	stream.indirect.scatter.add.f32 [tilespmem:s22], [sflag:$0x3], $0x80, s24, s21, $0xb8;
	[tilespmem:$0x1E100] =	vst v63  }
0xf9: {  	_ =	swait.ge [sflag:s18], $0x4000  }
.Ltmp2:
0xfa: {  	[sflag:s18] =	ssyncset.done $0x0;
	(pc) =	sbr.rel @p0 .LBB2_6-.Ltmp2, $4  }
0xfb: {  	[sflag:s18] =	ssyncadd.s32 $0xFFFFC000  }
0xfc: {  	[spmem:s4] =	stream.indirect.scatter.add.f32 [tilespmem:s26], [sflag:$0x3], $0x80, s25, s21, $0xb8;
	[tilespmem:$0x1E100] =	vst v63  }
0xfd: {  	_ =	swait.ge [sflag:s18], $0x4000  }
0xfe: {  	s31 =	smov.u32 s19;
	s30 =	sshra.s32 s0, $0x2;
	[sflag:s18] =	ssyncset.done $0x0  }
0xff: {  	s0 =	sadd.s32 $0x10080, s30;
	[sflag:s18] =	ssyncadd.s32 $0xFFFFC000  }
0x100: {  	[tilespmem:s22], [sflag:$0x2] =	stream.indirect.gather [hbm4b:s1+s21], $0x80, s0, s21, $0xb8;
	[tilespmem:$0x1E100] =	vst v63  }
0x101: {  	_ =	swait.ge [sflag:s23], $0x4000  }
0x102: {  	[sflag:s23] =	ssyncset.done $0x0  }
0x103: {  	[sflag:s23] =	ssyncadd.s32 $0xFFFFC000  }
0x104: {  	v2 =	vld [tilespmem:s30+$0x11000];
	_ =	sdelay $0x4  }
0x105: {  	[tilespmem:$0x12000] =	vst v2  }
0x106: {  	v2 =	vld [tilespmem:s30+$0x11010];
	_ =	sdelay $0x4  }
0x107: {  	[tilespmem:$0x12010] =	vst v2  }
0x108: {  	v2 =	vld [tilespmem:s30+$0x11020];
	_ =	sdelay $0x4  }
0x109: {  	[tilespmem:$0x12020] =	vst v2  }
0x10a: {  	v2 =	vld [tilespmem:s30+$0x11030];
	_ =	sdelay $0x4  }
0x10b: {  	[tilespmem:$0x12030] =	vst v2  }
0x10c: {  	v2 =	vld [tilespmem:s30+$0x11040];
	_ =	sdelay $0x4  }
0x10d: {  	[tilespmem:$0x12040] =	vst v2  }
0x10e: {  	v2 =	vld [tilespmem:s30+$0x11050];
	_ =	sdelay $0x4  }
0x10f: {  	[tilespmem:$0x12050] =	vst v2  }
0x110: {  	v2 =	vld [tilespmem:s30+$0x11060];
	_ =	sdelay $0x4  }
0x111: {  	[tilespmem:$0x12060] =	vst v2  }
0x112: {  	v2 =	vld [tilespmem:s30+$0x11070];
	_ =	sdelay $0x4  }
0x113: {  	[tilespmem:$0x12070] =	vst v2  }
0x114: {  	v2 =	vld [tilespmem:s30+$0x11000];
	_ =	sdelay $0x4  }
0x115: {  	[tilespmem:$0x12080] =	vst v2  }
0x116: {  	v2 =	vld [tilespmem:s30+$0x11010];
	_ =	sdelay $0x4  }
0x117: {  	[tilespmem:$0x12090] =	vst v2  }
0x118: {  	v2 =	vld [tilespmem:s30+$0x11020];
	_ =	sdelay $0x4  }
0x119: {  	[tilespmem:$0x120A0] =	vst v2  }
0x11a: {  	v2 =	vld [tilespmem:s30+$0x11030];
	_ =	sdelay $0x4  }
0x11b: {  	[tilespmem:$0x120B0] =	vst v2  }
0x11c: {  	v2 =	vld [tilespmem:s30+$0x11040];
	_ =	sdelay $0x4  }
0x11d: {  	[tilespmem:$0x120C0] =	vst v2  }
0x11e: {  	v2 =	vld [tilespmem:s30+$0x11050];
	_ =	sdelay $0x4  }
0x11f: {  	[tilespmem:$0x120D0] =	vst v2  }
0x120: {  	v2 =	vld [tilespmem:s30+$0x11060];
	_ =	sdelay $0x4  }
0x121: {  	[tilespmem:$0x120E0] =	vst v2  }
0x122: {  	v2 =	vld [tilespmem:s30+$0x11070];
	_ =	sdelay $0x4  }
0x123: {  	[tilespmem:$0x120F0] =	vst v2  }
0x124: {  	[spmem:s3] =	stream.indirect.scatter.add.f32 [tilespmem:s20], [sflag:$0x3], $0x80, s24, s21, $0xb8;
	[tilespmem:$0x1E100] =	vst v63  }
0x125: {  	_ =	swait.ge [sflag:s18], $0x4000  }
0x126: {  	[sflag:s18] =	ssyncset.done $0x0  }
0x127: {  	[sflag:s18] =	ssyncadd.s32 $0xFFFFC000  }
0x128: {  	[spmem:s4] =	stream.indirect.scatter.add.f32 [tilespmem:s26], [sflag:$0x3], $0x80, s25, s21, $0xb8;
	[tilespmem:$0x1E100] =	vst v63  }
0x129: {  	_ =	swait.ge [sflag:s18], $0x4000  }
0x12a: {  	[sflag:s18] =	ssyncset.done $0x0  }
0x12b: {  	s29 =	sadd.s32 $0x10100, s30;
	[sflag:s18] =	ssyncadd.s32 $0xFFFFC000  }
0x12c: {  	[tilespmem:s20], [sflag:$0x1] =	stream.indirect.gather [hbm4b:s1+s21], $0x80, s29, s21, $0xb8;
	[tilespmem:$0x1E100] =	vst v63  }
0x12d: {  	_ =	swait.ge [sflag:s28], $0x4000  }
0x12e: {  	[sflag:s28] =	ssyncset.done $0x0  }
0x12f: {  	[sflag:s28] =	ssyncadd.s32 $0xFFFFC000  }
0x130: {  	v2 =	vld [tilespmem:s30+$0x11080];
	_ =	sdelay $0x4  }
0x131: {  	[tilespmem:$0x12000] =	vst v2  }
0x132: {  	v2 =	vld [tilespmem:s30+$0x11090];
	_ =	sdelay $0x4  }
0x133: {  	[tilespmem:$0x12010] =	vst v2  }
0x134: {  	v2 =	vld [tilespmem:s30+$0x110A0];
	_ =	sdelay $0x4  }
0x135: {  	[tilespmem:$0x12020] =	vst v2  }
0x136: {  	v2 =	vld [tilespmem:s30+$0x110B0];
	_ =	sdelay $0x4  }
0x137: {  	[tilespmem:$0x12030] =	vst v2  }
0x138: {  	v2 =	vld [tilespmem:s30+$0x110C0];
	_ =	sdelay $0x4  }
0x139: {  	[tilespmem:$0x12040] =	vst v2  }
0x13a: {  	v2 =	vld [tilespmem:s30+$0x110D0];
	_ =	sdelay $0x4  }
0x13b: {  	[tilespmem:$0x12050] =	vst v2  }
0x13c: {  	v2 =	vld [tilespmem:s30+$0x110E0];
	_ =	sdelay $0x4  }
0x13d: {  	[tilespmem:$0x12060] =	vst v2  }
0x13e: {  	v2 =	vld [tilespmem:s30+$0x110F0];
	_ =	sdelay $0x4  }
0x13f: {  	[tilespmem:$0x12070] =	vst v2  }
0x140: {  	v2 =	vld [tilespmem:s30+$0x11080];
	_ =	sdelay $0x4  }
0x141: {  	[tilespmem:$0x12080] =	vst v2  }
0x142: {  	v2 =	vld [tilespmem:s30+$0x11090];
	_ =	sdelay $0x4  }
0x143: {  	[tilespmem:$0x12090] =	vst v2  }
0x144: {  	v2 =	vld [tilespmem:s30+$0x110A0];
	_ =	sdelay $0x4  }
0x145: {  	[tilespmem:$0x120A0] =	vst v2  }
0x146: {  	v2 =	vld [tilespmem:s30+$0x110B0];
	_ =	sdelay $0x4  }
0x147: {  	[tilespmem:$0x120B0] =	vst v2  }
0x148: {  	v2 =	vld [tilespmem:s30+$0x110C0];
	_ =	sdelay $0x4  }
0x149: {  	[tilespmem:$0x120C0] =	vst v2  }
0x14a: {  	v2 =	vld [tilespmem:s30+$0x110D0];
	_ =	sdelay $0x4  }
0x14b: {  	[tilespmem:$0x120D0] =	vst v2  }
0x14c: {  	v2 =	vld [tilespmem:s30+$0x110E0];
	_ =	sdelay $0x4  }
0x14d: {  	[tilespmem:$0x120E0] =	vst v2  }
0x14e: {  	v2 =	vld [tilespmem:s30+$0x110F0];
	_ =	sdelay $0x4  }
0x14f: {  	[tilespmem:$0x120F0] =	vst v2  }
0x150: {  	[spmem:s3] =	stream.indirect.scatter.add.f32 [tilespmem:s22], [sflag:$0x3], $0x80, s24, s21, $0xb8;
	[tilespmem:$0x1E100] =	vst v63  }
0x151: {  	_ =	swait.ge [sflag:s18], $0x4000  }
0x152: {  	[sflag:s18] =	ssyncset.done $0x0  }
0x153: {  	[sflag:s18] =	ssyncadd.s32 $0xFFFFC000  }
0x154: {  	[spmem:s4] =	stream.indirect.scatter.add.f32 [tilespmem:s26], [sflag:$0x3], $0x80, s25, s21, $0xb8;
	[tilespmem:$0x1E100] =	vst v63  }
0x155: {  	_ =	swait.ge [sflag:s18], $0x4000  }
0x156: {  	[sflag:s18] =	ssyncset.done $0x0  }
0x157: {  	s31 =	simm.s32 $0x10F80;
	[sflag:s18] =	ssyncadd.s32 $0xFFFFC000  }
0x158: {  	[tilespmem:s22], [sflag:$0x2] =	stream.indirect.gather [hbm4b:s1+s21], $0x80, s31, s21, $0xb8;
	[tilespmem:$0x1E100] =	vst v63  }
0x159: {  	_ =	swait.ge [sflag:s23], $0x4000  }
0x15a: {  	[sflag:s23] =	ssyncset.done $0x0  }
0x15b: {  	[sflag:s23] =	ssyncadd.s32 $0xFFFFC000  }
0x15c: {  	v2 =	vld [tilespmem:$0x11F00]  }
0x15d: {  	v3 =	vld [tilespmem:$0x11F10]  }
0x15e: {  	v4 =	vld [tilespmem:$0x11F20]  }
0x15f: {  	v5 =	vld [tilespmem:$0x11F30]  }
0x160: {  	v6 =	vld [tilespmem:$0x11F40]  }
0x161: {  	[tilespmem:$0x12000] =	vst v2;
	v2 =	vld [tilespmem:$0x11F50]  }
0x162: {  	v49 =	vld [tilespmem:$0x11F70];
	[tilespmem:$0x12010] =	vst v3  }
0x163: {  	v50 =	vld [tilespmem:$0x11F00];
	[tilespmem:$0x12020] =	vst v4  }
0x164: {  	v51 =	vld [tilespmem:$0x11F10];
	[tilespmem:$0x12030] =	vst v5  }
0x165: {  	v3 =	vld [tilespmem:$0x11F60];
	[tilespmem:$0x12040] =	vst v6  }
0x166: {  	[tilespmem:$0x12050] =	vst v2;
	v2 =	vld [tilespmem:$0x11F20]  }
0x167: {  	v52 =	vld [tilespmem:$0x11F40];
	[tilespmem:$0x12070] =	vst v49  }
0x168: {  	v53 =	vld [tilespmem:$0x11F50];
	[tilespmem:$0x12080] =	vst v50  }
0x169: {  	v54 =	vld [tilespmem:$0x11F60];
	[tilespmem:$0x12090] =	vst v51  }
0x16a: {  	[tilespmem:$0x12060] =	vst v3;
	v3 =	vld [tilespmem:$0x11F30]  }
0x16b: {  	[tilespmem:$0x120A0] =	vst v2;
	v2 =	vld [tilespmem:$0x11F70]  }
0x16c: {  	[tilespmem:$0x120C0] =	vst v52  }
0x16d: {  	[tilespmem:$0x120D0] =	vst v53  }
0x16e: {  	[tilespmem:$0x120E0] =	vst v54  }
0x16f: {  	[tilespmem:$0x120B0] =	vst v3  }
0x170: {  	[tilespmem:$0x120F0] =	vst v2  }
0x171: {  	[spmem:s3] =	stream.indirect.scatter.add.f32 [tilespmem:s20], [sflag:$0x3], $0x80, s24, s21, $0xb8;
	[tilespmem:$0x1E100] =	vst v63  }
0x172: {  	_ =	swait.ge [sflag:s18], $0x4000  }
0x173: {  	[sflag:s18] =	ssyncset.done $0x0  }
0x174: {  	[sflag:s18] =	ssyncadd.s32 $0xFFFFC000  }
0x175: {  	[spmem:s4] =	stream.indirect.scatter.add.f32 [tilespmem:s26], [sflag:$0x3], $0x80, s25, s21, $0xb8;
	[tilespmem:$0x1E100] =	vst v63  }
0x176: {  	_ =	swait.ge [sflag:s18], $0x4000  }
0x177: {  	[sflag:s18] =	ssyncset.done $0x0  }
0x178: {  	[sflag:s18] =	ssyncadd.s32 $0xFFFFC000  }
0x179: {  	_ =	swait.ge [sflag:s28], $0x4000  }
0x17a: {  	[sflag:s28] =	ssyncset.done $0x0  }
0x17b: {  	[sflag:s28] =	ssyncadd.s32 $0xFFFFC000  }
0x17c: {  	v2 =	vld [tilespmem:$0x11F80]  }
0x17d: {  	v3 =	vld [tilespmem:$0x11F90]  }
0x17e: {  	v55 =	vld [tilespmem:$0x11FA0]  }
0x17f: {  	v56 =	vld [tilespmem:$0x11FB0]  }
0x180: {  	v57 =	vld [tilespmem:$0x11FC0]  }
0x181: {  	[tilespmem:$0x12000] =	vst v2;
	v2 =	vld [tilespmem:$0x11FD0]  }
0x182: {  	v58 =	vld [tilespmem:$0x11FF0];
	[tilespmem:$0x12010] =	vst v3  }
0x183: {  	v59 =	vld [tilespmem:$0x11F80];
	[tilespmem:$0x12020] =	vst v55  }
0x184: {  	v60 =	vld [tilespmem:$0x11F90];
	[tilespmem:$0x12030] =	vst v56  }
0x185: {  	v3 =	vld [tilespmem:$0x11FE0];
	[tilespmem:$0x12040] =	vst v57  }
0x186: {  	[tilespmem:$0x12050] =	vst v2;
	v2 =	vld [tilespmem:$0x11FA0]  }
0x187: {  	v61 =	vld [tilespmem:$0x11FC0];
	[tilespmem:$0x12070] =	vst v58  }
0x188: {  	v62 =	vld [tilespmem:$0x11FD0];
	[tilespmem:$0x12080] =	vst v59  }
0x189: {  	v63 =	vld [tilespmem:$0x11FE0];
	[tilespmem:$0x12090] =	vst v60  }
0x18a: {  	[tilespmem:$0x12060] =	vst v3;
	v3 =	vld [tilespmem:$0x11FB0]  }
0x18b: {  	[tilespmem:$0x120A0] =	vst v2;
	v2 =	vld [tilespmem:$0x11FF0]  }
0x18c: {  	[tilespmem:$0x120C0] =	vst v61  }
0x18d: {  	[tilespmem:$0x120D0] =	vst v62  }
0x18e: {  	[tilespmem:$0x120E0] =	vst v63  }
0x18f: {  	[tilespmem:$0x120B0] =	vst v3  }
0x190: {  	[tilespmem:$0x120F0] =	vst v2  }
0x191: {  	[spmem:s3] =	stream.indirect.scatter.add.f32 [tilespmem:s22], [sflag:$0x3], $0x80, s24, s21, $0xb8;
	[tilespmem:$0x1E100] =	vst v63  }
0x192: {  	_ =	swait.ge [sflag:s18], $0x4000  }
0x193: {  	[sflag:s18] =	ssyncset.done $0x0  }
0x194: {  	[sflag:s18] =	ssyncadd.s32 $0xFFFFC000  }
0x195: {  	[spmem:s4] =	stream.indirect.scatter.add.f32 [tilespmem:s26], [sflag:$0x3], $0x80, s25, s21, $0xb8;
	[tilespmem:$0x1E100] =	vst v63  }
0x196: {  	_ =	swait.ge [sflag:s18], $0x4000  }
0x197: {  	[sflag:s18] =	ssyncset.done $0x0  }
0x198: {  	s19 =	sshll.u32 s2, $0x6;
	[sflag:s18] =	ssyncadd.s32 $0xFFFFC000  }
0x199: {  	s0 =	sor.u32 $0x1C03, s19;
	s19 =	sshrl.u32 s8, $0x3;
	[bflag:$0x0] =	sbarrier.arrive $0xFFFF  }
0x19a: {  	[hbm:s12], [sflag:s0] =	dma.local [spmem:s19], $0x800  }
0x19b: {  	_ =	swait.ge [sflag:s18], $0x800  }
0x19c: {  	[sflag:s18] =	ssyncset.done $0x0  }
0x19d: {  	s29 =	sshrl.u32 s9, $0x3;
	[sflag:s18] =	ssyncadd.s32 $0xFFFFF800  }
0x19e: {  	[hbm:s13], [sflag:s0] =	dma.local [spmem:s29], $0x800  }
0x19f: {  	_ =	swait.ge [sflag:s18], $0x800  }
0x1a0: {  	[sflag:s18] =	ssyncset.done $0x0  }
0x1a1: {  	s30 =	sshrl.u32 s10, $0x3;
	[sflag:s18] =	ssyncadd.s32 $0xFFFFF800  }
0x1a2: {  	[hbm:s14], [sflag:s0] =	dma.local [spmem:s30], $0x800  }
0x1a3: {  	s5 =	sadd.s32 $0x1, s5;
	_ =	swait.ge [sflag:s18], $0x800  }
0x1a4: {  	p0 =	sne.s32 s5, s16;
	[sflag:s18] =	ssyncset.done $0x0  }
.Ltmp3:
0x1a5: {  	s31 =	sshrl.u32 s11, $0x3;
	[sflag:s18] =	ssyncadd.s32 $0xFFFFF800;
	(pc) =	sbr.rel @p0 .LBB2_1-.Ltmp3, $4  }
0x1a6: {  	[hbm:s15], [sflag:s0] =	dma.local [spmem:s31], $0x800  }
0x1a7: {  	_ =	swait.ge [sflag:s18], $0x800  }
0x1a8: {  	[sflag:s18] =	ssyncset.done $0x0  }
0x1a9: {  	[sflag:s18] =	ssyncadd.s32 $0xFFFFF800  }
0x1aa: {  	_ =	sfence.sel $0x180000  }
0x1ab: {  	[bflag:$0x0] =	sbarrier.arrive $0xFFFF  }
0x1ac: {  	_ =	strace $0x90000047  }
0x1ad: {  	[bflag:$0x2] =	sbarrier.arrive $0xFFFF  }
0x1ae: {  	p0 =	sne.s32 s2, $0x0;
	s0 =	rddreg [dreg:$0x4]  }
0x1af: {  	s0 =	sadd.s32 @!p0 $0x100000, s0  }
0x1b0: {  	[sflag:s0] =	ssyncadd.tile.s32 @!p0 $0x1;
	_ =	shalt  }
.Lfunc_end2:
_tile_overlayer_lowered:
.L_overlay_start_2:
0x1b1: {  	(tag) =	ssettag $0x2  }
0x1b2: {  	s0 =	rddreg [dreg:$0x0];
	s2 =	stileid.u32  }
0x1b3: {  	s1 =	rddreg [dreg:$0x1];
	p0 =	sne.s32 s2, $0x0  }
0x1b4: {  	s3 =	rddreg [dreg:$0x2];
	[bflag:$0x3] =	sbarrier.arrive $0xFFFF;
	s2 =	simm.s32 @!p0 $0x1C03  }
0x1b5: {  	[timem:s3], [sflag:s2] =	dma.local @!p0 [hbm:s0], s1  }
0x1b6: {  	s0 =	simm.s32 @!p0 $0x3  }
0x1b7: {  	_ =	swait.ge @!p0 [sflag:s0], s1  }
0x1b8: {  	s1 =	ssub.s32 @!p0 $0x0, s1;
	[sflag:s0] =	ssyncset.done @!p0 $0x0  }
0x1b9: {  	[sflag:s0] =	ssyncadd.s32 @!p0 s1  }
0x1ba: {  	[bflag:$0x3] =	sbarrier.arrive $0xFFFF  }
0x1bb: {  	_ =	shalt  }

</sc_bundles>
